<compile_context>
chip_gen: v7x
topology: tpu7x:2x2x1
jax: 0.10.2.dev20260603
libtpu: 0.0.44.dev20260713+nightly
codegen_flags: <defaults>
</compile_context>

<pallas_src>
import functools

import jax
import jax.numpy as jnp
from jax import lax
from jax.experimental import pallas as pl
from jax.experimental.pallas import tpu as pltpu
from jax.experimental.pallas import tpu_sc as plsc

N = 10000
E = 160000
DIN = 256
DH = 256
DOUT = 128
DC = 128

NB = 1000
NBLK = N // NB
EC = 125
EROWS = E // EC

RMAIN = 624
RTAIL = N - 16 * RMAIN
ZR = 104

_MESH = plsc.VectorSubcoreMesh(core_axis_name="c", subcore_axis_name="s")


@functools.partial(
    pl.kernel,
    mesh=_MESH,
    out_type=jax.ShapeDtypeStruct((2, N), jnp.float32),
    scratch_types=[
        pltpu.VMEM((EROWS // 32, EC), jnp.int32),
        pltpu.VMEM((640,), jnp.float32),
        pltpu.VMEM((128,), jnp.float32),
        pltpu.VMEM_SHARED((N,), jnp.float32),
    ],
)
def _deg_kernel(dst_hbm, out_hbm, idx_v, zv, ones_v, acc):
    c = lax.axis_index("c")
    s = lax.axis_index("s")

    @pl.loop(0, 640, step=16)
    def _(i):
        zv[pl.ds(i, 16)] = jnp.zeros((16,), jnp.float32)

    @pl.loop(0, 128, step=16)
    def _(i):
        ones_v[pl.ds(i, 16)] = jnp.full((16,), 1.0, jnp.float32)

    @pl.when(s == 0)
    def _():
        for k in range(15):
            pltpu.sync_copy(zv, acc.at[pl.ds(k * 640, 640)])
        pltpu.sync_copy(zv.at[pl.ds(0, 400)], acc.at[pl.ds(9600, 400)])

    plsc.subcore_barrier()
    nrows = EROWS // 32
    pltpu.sync_copy(dst_hbm.at[pl.ds(c * (EROWS // 2) + s * nrows, nrows)],
                    idx_v)

    @pl.loop(0, nrows)
    def _(j):
        pltpu.sync_copy(ones_v.at[pl.ds(0, EC)], acc.at[idx_v.at[j]],
                        add=True)

    plsc.subcore_barrier()

    @pl.when(s == 0)
    def _():
        pltpu.sync_copy(acc, out_hbm.at[c])


def _make_agg(feature_split):
    nrows = (EROWS // 16) if feature_split else (EROWS // 32)
    table_shape = (2, N, DC) if feature_split else (N, DC)
    PH = 40
    nphase = nrows // PH

    @functools.partial(
        pl.kernel,
        mesh=_MESH,
        out_type=jax.ShapeDtypeStruct((2, N, DC), jnp.float32),
        scratch_types=[
            pltpu.VMEM((PH, EC), jnp.int32),
            pltpu.VMEM((PH, EC), jnp.int32),
            pltpu.VMEM((EC, DC), jnp.float32),
            pltpu.VMEM((EC, DC), jnp.float32),
            pltpu.VMEM_SHARED((N, DC), jnp.float32),
            pltpu.SemaphoreType.DMA,
            pltpu.SemaphoreType.DMA,
            pltpu.SemaphoreType.DMA,
            pltpu.SemaphoreType.DMA,
        ],
    )
    def agg(h_hbm, src_hbm, dst_hbm, out_hbm, isrc, idst, rowbuf, rowbuf2,
            acc, sem, sem2, ssem, ssem2):
        c = lax.axis_index("c")
        s = lax.axis_index("s")

        @pl.loop(0, EC)
        def _(i):
            @pl.loop(0, DC, step=16)
            def _(j):
                rowbuf[i, pl.ds(j, 16)] = jnp.zeros((16,), jnp.float32)

        for k in range(RMAIN // ZR):
            pltpu.sync_copy(rowbuf.at[pl.ds(0, ZR)],
                            acc.at[pl.ds(s * RMAIN + k * ZR, ZR)])

        @pl.when(s == 0)
        def _():
            pltpu.sync_copy(rowbuf.at[pl.ds(0, RTAIL)],
                            acc.at[pl.ds(16 * RMAIN, RTAIL)])

        plsc.subcore_barrier()

        row0 = s * nrows if feature_split else (c * (EROWS // 2) + s * nrows)
        table = h_hbm.at[c] if feature_split else h_hbm

        for p in range(nphase):
            pltpu.sync_copy(src_hbm.at[pl.ds(row0 + p * PH, PH)], isrc)
            pltpu.sync_copy(dst_hbm.at[pl.ds(row0 + p * PH, PH)], idst)

            pltpu.async_copy(table.at[isrc.at[0]], rowbuf, sem)
            pltpu.async_copy(table.at[isrc.at[1]], rowbuf2, sem2)

            @pl.loop(0, PH, step=2)
            def _(j):
                pltpu.make_async_copy(table.at[isrc.at[j]], rowbuf,
                                      sem).wait()
                pltpu.sync_copy(rowbuf, acc.at[idst.at[j]], add=True)

                @pl.when(j + 2 < PH)
                def _():
                    pltpu.async_copy(table.at[isrc.at[j + 2]], rowbuf, sem)

                pltpu.make_async_copy(table.at[isrc.at[j + 1]], rowbuf2,
                                      sem2).wait()
                pltpu.sync_copy(rowbuf2, acc.at[idst.at[j + 1]], add=True)

                @pl.when(j + 3 < PH)
                def _():
                    pltpu.async_copy(table.at[isrc.at[j + 3]], rowbuf2, sem2)

        plsc.subcore_barrier()
        for k in range(RMAIN // ZR):
            r0 = s * RMAIN + k * ZR
            pltpu.sync_copy(acc.at[pl.ds(r0, ZR)], rowbuf.at[pl.ds(0, ZR)])
            pltpu.sync_copy(rowbuf.at[pl.ds(0, ZR)],
                            out_hbm.at[c].at[pl.ds(r0, ZR)])

        @pl.when(s == 0)
        def _():
            pltpu.sync_copy(acc.at[pl.ds(16 * RMAIN, RTAIL)],
                            rowbuf.at[pl.ds(0, RTAIL)])
            pltpu.sync_copy(rowbuf.at[pl.ds(0, RTAIL)],
                            out_hbm.at[c].at[pl.ds(16 * RMAIN, RTAIL)])

    def wrapped(h, src2, dst2):
        assert h.shape == table_shape
        return agg(h, src2, dst2)

    return wrapped


_agg_l1 = _make_agg(feature_split=True)
_agg_l2 = _make_agg(feature_split=False)


def _mm1_body(x_ref, w_ref, d_ref, out_ref):
    h = jnp.dot(x_ref[...], w_ref[...], preferred_element_type=jnp.float32)
    out_ref[0] = h * lax.rsqrt(d_ref[0] + d_ref[1] + 1.0)


def _mm1(x, w1, draw2):
    return pl.pallas_call(
        _mm1_body,
        grid=(2, NBLK),
        in_specs=[
            pl.BlockSpec((NB, DIN), lambda j, i: (i, 0)),
            pl.BlockSpec((DIN, DH // 2), lambda j, i: (0, j)),
            pl.BlockSpec((2, NB, 1), lambda j, i: (0, i, 0)),
        ],
        out_specs=pl.BlockSpec((1, NB, DH // 2), lambda j, i: (j, i, 0)),
        out_shape=jax.ShapeDtypeStruct((2, N, DH // 2), jnp.float32),
    )(x, w1, draw2)


def _mid_body(g_ref, hs_ref, d_ref, b_ref, w_ref, out_ref):
    scale = lax.rsqrt(d_ref[0] + d_ref[1] + 1.0)
    a = jax.nn.relu((g_ref[...] + hs_ref[...]) * scale[None]
                    + b_ref[...].reshape(2, 1, DH // 2))
    h2 = (jnp.dot(a[0], w_ref[0], preferred_element_type=jnp.float32)
          + jnp.dot(a[1], w_ref[1], preferred_element_type=jnp.float32))
    out_ref[...] = h2 * scale


def _mid(g1, hs1, draw2, b1r, w2r):
    return pl.pallas_call(
        _mid_body,
        grid=(NBLK,),
        in_specs=[
            pl.BlockSpec((2, NB, DH // 2), lambda i: (0, i, 0)),
            pl.BlockSpec((2, NB, DH // 2), lambda i: (0, i, 0)),
            pl.BlockSpec((2, NB, 1), lambda i: (0, i, 0)),
            pl.BlockSpec((2, DH // 2), lambda i: (0, 0)),
            pl.BlockSpec((2, DH // 2, DOUT), lambda i: (0, 0, 0)),
        ],
        out_specs=pl.BlockSpec((NB, DOUT), lambda i: (i, 0)),
        out_shape=jax.ShapeDtypeStruct((N, DOUT), jnp.float32),
    )(g1, hs1, draw2, b1r, w2r)


def _out_body(g_ref, hs_ref, d_ref, b_ref, out_ref):
    scale = lax.rsqrt(d_ref[0] + d_ref[1] + 1.0)
    zf = (g_ref[0] + g_ref[1] + hs_ref[...]) * scale + b_ref[...]
    m = jnp.max(zf, axis=-1, keepdims=True)
    lse = jnp.log(jnp.sum(jnp.exp(zf - m), axis=-1, keepdims=True)) + m
    out_ref[...] = zf - lse


def _outk(g2, hs2, draw2, b2r):
    return pl.pallas_call(
        _out_body,
        grid=(NBLK,),
        in_specs=[
            pl.BlockSpec((2, NB, DOUT), lambda i: (0, i, 0)),
            pl.BlockSpec((NB, DOUT), lambda i: (i, 0)),
            pl.BlockSpec((2, NB, 1), lambda i: (0, i, 0)),
            pl.BlockSpec((1, DOUT), lambda i: (0, 0)),
        ],
        out_specs=pl.BlockSpec((NB, DOUT), lambda i: (i, 0)),
        out_shape=jax.ShapeDtypeStruct((N, DOUT), jnp.float32),
    )(g2, hs2, draw2, b2r)


def kernel(x, edge_index, W1, b1, W2, b2):
    src2 = edge_index[0].reshape(EROWS, EC)
    dst2 = edge_index[1].reshape(EROWS, EC)

    draw = _deg_kernel(dst2)
    draw2 = draw.reshape(2, N, 1)

    hs1 = _mm1(x, W1, draw2)
    g1 = _agg_l1(hs1, src2, dst2)
    hs2 = _mid(g1, hs1, draw2, b1.reshape(2, DH // 2),
               W2.reshape(2, DH // 2, DOUT))
    g2 = _agg_l2(hs2, src2, dst2)
    return _outk(g2, hs2, draw2, b2.reshape(1, DOUT))

# --- scband reference (transcript-rebuilt; emitter-appended) ---
"""Pipeline reference for scband-gcn-13915694039613 (READ-ONLY COPY).

The authoritative reference and input builder live on the scoring server;
editing this copy changes nothing except your own understanding.
"""

import jax, jax.numpy as jnp
import numpy as np

N = 10000
E = 160000
DIN = 256
DH = 256
DOUT = 128


def setup_inputs(seed: int = 0) -> dict:
    key = jax.random.key(seed)
    k1, k2, k3, k4, k5, k6 = jax.random.split(key, 6)
    x = jax.random.normal(k1, (N, DIN), dtype=jnp.float32)
    edge_index = jax.random.randint(k2, (2, E), 0, N, dtype=jnp.int32)
    # GCNConv layer 1 params (glorot-ish init)
    W1 = jax.random.normal(k3, (DIN, DH), dtype=jnp.float32) * (1.0 / np.sqrt(DIN))
    b1 = jnp.zeros((DH,), dtype=jnp.float32)
    # GCNConv layer 2 params
    W2 = jax.random.normal(k4, (DH, DOUT), dtype=jnp.float32) * (1.0 / np.sqrt(DH))
    b2 = jnp.zeros((DOUT,), dtype=jnp.float32)
    return {"x": x, "edge_index": edge_index, "W1": W1, "b1": b1, "W2": W2, "b2": b2}


def _gcn_conv(x, edge_index, W, b):
    # Faithful GCNConv: add self-loops, symmetric deg^{-1/2} normalization,
    # linear transform, scatter-add aggregation, bias.
    n = x.shape[0]
    loop = jnp.arange(n, dtype=edge_index.dtype)
    src = jnp.concatenate([edge_index[0], loop])
    dst = jnp.concatenate([edge_index[1], loop])
    deg = jnp.zeros((n,), dtype=x.dtype).at[dst].add(1.0)
    dinv = jax.lax.rsqrt(deg)  # deg >= 1 because of self-loops
    norm = dinv[src] * dinv[dst]
    h = x @ W
    msg = h[src] * norm[:, None]
    out = jnp.zeros((n, W.shape[1]), dtype=x.dtype).at[dst].add(msg)
    return out + b


def reference(x, edge_index, W1, b1, W2, b2):
    h = jax.nn.relu(_gcn_conv(x, edge_index, W1, b1))
    # F.dropout with training=False (eval mode) is identity
    out = _gcn_conv(h, edge_index, W2, b2)
    return jax.nn.log_softmax(out, axis=1)

if __name__ == "__main__":
    import jax
    _d = setup_inputs()
    print(jax.jit(kernel)(*tuple(_d.values())))

</pallas_src>

<mosaic_0001>
#map = affine_map<(d0, d1) -> (0, 0, 0)>
#map1 = affine_map<(d0, d1) -> (0, 0)>
module attributes {stable_mosaic.version = 14 : i64} {
  func.func @agg(%arg0: i32, %arg1: i32, %arg2: memref<2x10000x128xf32, #tpu.memory_space<hbm>>, %arg3: memref<1280x125xi32, #tpu.memory_space<hbm>>, %arg4: memref<1280x125xi32, #tpu.memory_space<hbm>>, %arg5: memref<2x10000x128xf32, #tpu.memory_space<hbm>>, %arg6: memref<40x125xi32, #tpu.memory_space<vmem>>, %arg7: memref<40x125xi32, #tpu.memory_space<vmem>>, %arg8: memref<125x128xf32, #tpu.memory_space<vmem>>, %arg9: memref<125x128xf32, #tpu.memory_space<vmem>>, %arg10: memref<10000x128xf32, #tpu.memory_space<vmem_shared>>, %arg11: memref<!tpu.dma_semaphore, #tpu.memory_space<semaphore_mem>>, %arg12: memref<!tpu.dma_semaphore, #tpu.memory_space<semaphore_mem>>, %arg13: memref<!tpu.dma_semaphore, #tpu.memory_space<semaphore_mem>>, %arg14: memref<!tpu.dma_semaphore, #tpu.memory_space<semaphore_mem>>) attributes {dimension_semantics = [#tpu.dimension_semantics<core_parallel>, #tpu.dimension_semantics<subcore_parallel>], iteration_bounds = array<i64: 2, 16>, scalar_prefetch = 0 : i64, scratch_operands = 9 : i64, tpu.core_type = #tpu.core_type<sc_vector_subcore>, window_params = [{transform_indices = #map}, {transform_indices = #map1}, {transform_indices = #map1}, {transform_indices = #map}]} {
    %scan3A = arith.constant 0 : i32
    %scan3A_0 = arith.constant 125 : i32
    %scan3A_1 = arith.addi %scan3A, %scan3A_0 : i32
    %scan3A_2 = arith.constant 1 : i32
    scf.for %scan3A_121 = %scan3A to %scan3A_1 step %scan3A_2  : i32 {
      %mul3A_122 = arith.constant 1 : i32
      %mul3A_123 = arith.muli %scan3A_121, %mul3A_122 : i32
      %add3A_124 = arith.constant 0 : i32
      %add3A_125 = arith.addi %add3A_124, %mul3A_123 : i32
      %scan3A_126 = arith.constant 0 : i32
      %scan3A_127 = arith.constant 8 : i32
      %scan3A_128 = arith.addi %scan3A_126, %scan3A_127 : i32
      %scan3A_129 = arith.constant 1 : i32
      scf.for %scan3A_131 = %scan3A_126 to %scan3A_128 step %scan3A_129  : i32 {
        %mul3A_132 = arith.constant 16 : i32
        %mul3A_133 = arith.muli %scan3A_131, %mul3A_132 : i32
        %add3A_134 = arith.constant 0 : i32
        %add3A_135 = arith.addi %add3A_134, %mul3A_133 : i32
        %broadcast_in_dim3A = arith.constant 0.000000e+00 : f32
        %broadcast_in_dim3A_136 = vector.broadcast %broadcast_in_dim3A : f32 to vector<16xf32>
        %swap3A = arith.index_cast %add3A_125 : i32 to index
        %swap3A_137 = arith.index_cast %add3A_135 : i32 to index
        %swap3A_138 = tpu.vector_load %arg8[%swap3A, %swap3A_137] {strides = array<i32>} : memref<125x128xf32, #tpu.memory_space<vmem>>, vector<1x16xf32>,
        %swap3A_139 = vector.shape_cast %swap3A_138 : vector<1x16xf32> to vector<16xf32>
        %swap3A_140 = vector.shape_cast %broadcast_in_dim3A_136 : vector<16xf32> to vector<1x16xf32>
        tpu.vector_store %arg8[%swap3A, %swap3A_137], %swap3A_140 {strides = array<i32>} : memref<125x128xf32, #tpu.memory_space<vmem>>, vector<1x16xf32>,
      }
      %scan3A_130 = arith.constant 8 : i32
    }
    %scan3A_3 = arith.constant 125 : i32
    %mul3A = arith.constant 624 : i32
    %mul3A_4 = arith.muli %arg1, %mul3A : i32
    %add3A = arith.constant 0 : i32
    %add3A_5 = arith.addi %mul3A_4, %add3A : i32
    "tpu.region"() ({
      %run_scoped3A = tpu.sem_alloc : memref<!tpu.dma_semaphore, #tpu.memory_space<semaphore_mem>>
      %dma_start3A_121 = arith.constant 0 : i32
      %dma_start3A_122 = arith.constant 0 : i32
      %dma_start3A_123 = tpu.memref_slice %arg8[%dma_start3A_121, %dma_start3A_122] : memref<125x128xf32, #tpu.memory_space<vmem>> -> memref<104x128xf32, #tpu.memory_space<vmem>>
      %dma_start3A_124 = arith.constant 0 : i32
      %dma_start3A_125 = tpu.memref_slice %arg10[%add3A_5, %dma_start3A_124] : memref<10000x128xf32, #tpu.memory_space<vmem_shared>> -> memref<104x128xf32, #tpu.memory_space<vmem_shared>>
      %dma_start3A_126 = arith.constant 0 : i32
      %dma_start3A_127 = tpu.memref_slice %arg10[%add3A_5, %dma_start3A_126] : memref<10000x128xf32, #tpu.memory_space<vmem_shared>> -> memref<104x128xf32, #tpu.memory_space<vmem_shared>>
      %dma_start3A_128 = arith.constant 0 : i32
      %dma_start3A_129 = arith.constant 0 : i32
      %dma_start3A_130 = tpu.memref_slice %arg8[%dma_start3A_128, %dma_start3A_129] : memref<125x128xf32, #tpu.memory_space<vmem>> -> memref<104x128xf32, #tpu.memory_space<vmem>>
      tpu.enqueue_dma source(%dma_start3A_130 : memref<104x128xf32, #tpu.memory_space<vmem>>) target(%dma_start3A_127 : memref<104x128xf32, #tpu.memory_space<vmem_shared>>) target_semaphore(%run_scoped3A : memref<!tpu.dma_semaphore, #tpu.memory_space<semaphore_mem>>)
      %dma_wait3A = arith.constant 0 : i32
      %dma_wait3A_131 = arith.constant 0 : i32
      %dma_wait3A_132 = tpu.memref_slice %arg8[%dma_wait3A, %dma_wait3A_131] : memref<125x128xf32, #tpu.memory_space<vmem>> -> memref<104x128xf32, #tpu.memory_space<vmem>>
      %dma_wait3A_133 = arith.constant 0 : i32
      %dma_wait3A_134 = tpu.memref_slice %arg10[%add3A_5, %dma_wait3A_133] : memref<10000x128xf32, #tpu.memory_space<vmem_shared>> -> memref<104x128xf32, #tpu.memory_space<vmem_shared>>
      %dma_wait3A_135 = arith.constant 0 : i32
      %dma_wait3A_136 = tpu.memref_slice %arg10[%add3A_5, %dma_wait3A_135] : memref<10000x128xf32, #tpu.memory_space<vmem_shared>> -> memref<104x128xf32, #tpu.memory_space<vmem_shared>>
      %dma_wait3A_137 = arith.constant 0 : i32
      %dma_wait3A_138 = arith.constant 0 : i32
      %dma_wait3A_139 = tpu.memref_slice %arg8[%dma_wait3A_137, %dma_wait3A_138] : memref<125x128xf32, #tpu.memory_space<vmem>> -> memref<104x128xf32, #tpu.memory_space<vmem>>
      tpu.wait_dma2 semaphore(%run_scoped3A : memref<!tpu.dma_semaphore, #tpu.memory_space<semaphore_mem>>) src(%dma_wait3A_139 : memref<104x128xf32, #tpu.memory_space<vmem>>) dst(%dma_wait3A_136 : memref<104x128xf32, #tpu.memory_space<vmem_shared>>)
      tpu.yield
    }) : () -> ()
    %mul3A_6 = arith.constant 624 : i32
    %mul3A_7 = arith.muli %arg1, %mul3A_6 : i32
    %add3A_8 = arith.constant 104 : i32
    %add3A_9 = arith.addi %mul3A_7, %add3A_8 : i32
    "tpu.region"() ({
      %run_scoped3A = tpu.sem_alloc : memref<!tpu.dma_semaphore, #tpu.memory_space<semaphore_mem>>
      %dma_start3A_121 = arith.constant 0 : i32
      %dma_start3A_122 = arith.constant 0 : i32
      %dma_start3A_123 = tpu.memref_slice %arg8[%dma_start3A_121, %dma_start3A_122] : memref<125x128xf32, #tpu.memory_space<vmem>> -> memref<104x128xf32, #tpu.memory_space<vmem>>
      %dma_start3A_124 = arith.constant 0 : i32
      %dma_start3A_125 = tpu.memref_slice %arg10[%add3A_9, %dma_start3A_124] : memref<10000x128xf32, #tpu.memory_space<vmem_shared>> -> memref<104x128xf32, #tpu.memory_space<vmem_shared>>
      %dma_start3A_126 = arith.constant 0 : i32
      %dma_start3A_127 = tpu.memref_slice %arg10[%add3A_9, %dma_start3A_126] : memref<10000x128xf32, #tpu.memory_space<vmem_shared>> -> memref<104x128xf32, #tpu.memory_space<vmem_shared>>
      %dma_start3A_128 = arith.constant 0 : i32
      %dma_start3A_129 = arith.constant 0 : i32
      %dma_start3A_130 = tpu.memref_slice %arg8[%dma_start3A_128, %dma_start3A_129] : memref<125x128xf32, #tpu.memory_space<vmem>> -> memref<104x128xf32, #tpu.memory_space<vmem>>
      tpu.enqueue_dma source(%dma_start3A_130 : memref<104x128xf32, #tpu.memory_space<vmem>>) target(%dma_start3A_127 : memref<104x128xf32, #tpu.memory_space<vmem_shared>>) target_semaphore(%run_scoped3A : memref<!tpu.dma_semaphore, #tpu.memory_space<semaphore_mem>>)
      %dma_wait3A = arith.constant 0 : i32
      %dma_wait3A_131 = arith.constant 0 : i32
      %dma_wait3A_132 = tpu.memref_slice %arg8[%dma_wait3A, %dma_wait3A_131] : memref<125x128xf32, #tpu.memory_space<vmem>> -> memref<104x128xf32, #tpu.memory_space<vmem>>
      %dma_wait3A_133 = arith.constant 0 : i32
      %dma_wait3A_134 = tpu.memref_slice %arg10[%add3A_9, %dma_wait3A_133] : memref<10000x128xf32, #tpu.memory_space<vmem_shared>> -> memref<104x128xf32, #tpu.memory_space<vmem_shared>>
      %dma_wait3A_135 = arith.constant 0 : i32
      %dma_wait3A_136 = tpu.memref_slice %arg10[%add3A_9, %dma_wait3A_135] : memref<10000x128xf32, #tpu.memory_space<vmem_shared>> -> memref<104x128xf32, #tpu.memory_space<vmem_shared>>
      %dma_wait3A_137 = arith.constant 0 : i32
      %dma_wait3A_138 = arith.constant 0 : i32
      %dma_wait3A_139 = tpu.memref_slice %arg8[%dma_wait3A_137, %dma_wait3A_138] : memref<125x128xf32, #tpu.memory_space<vmem>> -> memref<104x128xf32, #tpu.memory_space<vmem>>
      tpu.wait_dma2 semaphore(%run_scoped3A : memref<!tpu.dma_semaphore, #tpu.memory_space<semaphore_mem>>) src(%dma_wait3A_139 : memref<104x128xf32, #tpu.memory_space<vmem>>) dst(%dma_wait3A_136 : memref<104x128xf32, #tpu.memory_space<vmem_shared>>)
      tpu.yield
    }) : () -> ()
    %mul3A_10 = arith.constant 624 : i32
    %mul3A_11 = arith.muli %arg1, %mul3A_10 : i32
    %add3A_12 = arith.constant 208 : i32
    %add3A_13 = arith.addi %mul3A_11, %add3A_12 : i32
    "tpu.region"() ({
      %run_scoped3A = tpu.sem_alloc : memref<!tpu.dma_semaphore, #tpu.memory_space<semaphore_mem>>
      %dma_start3A_121 = arith.constant 0 : i32
      %dma_start3A_122 = arith.constant 0 : i32
      %dma_start3A_123 = tpu.memref_slice %arg8[%dma_start3A_121, %dma_start3A_122] : memref<125x128xf32, #tpu.memory_space<vmem>> -> memref<104x128xf32, #tpu.memory_space<vmem>>
      %dma_start3A_124 = arith.constant 0 : i32
      %dma_start3A_125 = tpu.memref_slice %arg10[%add3A_13, %dma_start3A_124] : memref<10000x128xf32, #tpu.memory_space<vmem_shared>> -> memref<104x128xf32, #tpu.memory_space<vmem_shared>>
      %dma_start3A_126 = arith.constant 0 : i32
      %dma_start3A_127 = tpu.memref_slice %arg10[%add3A_13, %dma_start3A_126] : memref<10000x128xf32, #tpu.memory_space<vmem_shared>> -> memref<104x128xf32, #tpu.memory_space<vmem_shared>>
      %dma_start3A_128 = arith.constant 0 : i32
      %dma_start3A_129 = arith.constant 0 : i32
      %dma_start3A_130 = tpu.memref_slice %arg8[%dma_start3A_128, %dma_start3A_129] : memref<125x128xf32, #tpu.memory_space<vmem>> -> memref<104x128xf32, #tpu.memory_space<vmem>>
      tpu.enqueue_dma source(%dma_start3A_130 : memref<104x128xf32, #tpu.memory_space<vmem>>) target(%dma_start3A_127 : memref<104x128xf32, #tpu.memory_space<vmem_shared>>) target_semaphore(%run_scoped3A : memref<!tpu.dma_semaphore, #tpu.memory_space<semaphore_mem>>)
      %dma_wait3A = arith.constant 0 : i32
      %dma_wait3A_131 = arith.constant 0 : i32
      %dma_wait3A_132 = tpu.memref_slice %arg8[%dma_wait3A, %dma_wait3A_131] : memref<125x128xf32, #tpu.memory_space<vmem>> -> memref<104x128xf32, #tpu.memory_space<vmem>>
      %dma_wait3A_133 = arith.constant 0 : i32
      %dma_wait3A_134 = tpu.memref_slice %arg10[%add3A_13, %dma_wait3A_133] : memref<10000x128xf32, #tpu.memory_space<vmem_shared>> -> memref<104x128xf32, #tpu.memory_space<vmem_shared>>
      %dma_wait3A_135 = arith.constant 0 : i32
      %dma_wait3A_136 = tpu.memref_slice %arg10[%add3A_13, %dma_wait3A_135] : memref<10000x128xf32, #tpu.memory_space<vmem_shared>> -> memref<104x128xf32, #tpu.memory_space<vmem_shared>>
      %dma_wait3A_137 = arith.constant 0 : i32
      %dma_wait3A_138 = arith.constant 0 : i32
      %dma_wait3A_139 = tpu.memref_slice %arg8[%dma_wait3A_137, %dma_wait3A_138] : memref<125x128xf32, #tpu.memory_space<vmem>> -> memref<104x128xf32, #tpu.memory_space<vmem>>
      tpu.wait_dma2 semaphore(%run_scoped3A : memref<!tpu.dma_semaphore, #tpu.memory_space<semaphore_mem>>) src(%dma_wait3A_139 : memref<104x128xf32, #tpu.memory_space<vmem>>) dst(%dma_wait3A_136 : memref<104x128xf32, #tpu.memory_space<vmem_shared>>)
      tpu.yield
    }) : () -> ()
    %mul3A_14 = arith.constant 624 : i32
    %mul3A_15 = arith.muli %arg1, %mul3A_14 : i32
    %add3A_16 = arith.constant 312 : i32
    %add3A_17 = arith.addi %mul3A_15, %add3A_16 : i32
    "tpu.region"() ({
      %run_scoped3A = tpu.sem_alloc : memref<!tpu.dma_semaphore, #tpu.memory_space<semaphore_mem>>
      %dma_start3A_121 = arith.constant 0 : i32
      %dma_start3A_122 = arith.constant 0 : i32
      %dma_start3A_123 = tpu.memref_slice %arg8[%dma_start3A_121, %dma_start3A_122] : memref<125x128xf32, #tpu.memory_space<vmem>> -> memref<104x128xf32, #tpu.memory_space<vmem>>
      %dma_start3A_124 = arith.constant 0 : i32
      %dma_start3A_125 = tpu.memref_slice %arg10[%add3A_17, %dma_start3A_124] : memref<10000x128xf32, #tpu.memory_space<vmem_shared>> -> memref<104x128xf32, #tpu.memory_space<vmem_shared>>
      %dma_start3A_126 = arith.constant 0 : i32
      %dma_start3A_127 = tpu.memref_slice %arg10[%add3A_17, %dma_start3A_126] : memref<10000x128xf32, #tpu.memory_space<vmem_shared>> -> memref<104x128xf32, #tpu.memory_space<vmem_shared>>
      %dma_start3A_128 = arith.constant 0 : i32
      %dma_start3A_129 = arith.constant 0 : i32
      %dma_start3A_130 = tpu.memref_slice %arg8[%dma_start3A_128, %dma_start3A_129] : memref<125x128xf32, #tpu.memory_space<vmem>> -> memref<104x128xf32, #tpu.memory_space<vmem>>
      tpu.enqueue_dma source(%dma_start3A_130 : memref<104x128xf32, #tpu.memory_space<vmem>>) target(%dma_start3A_127 : memref<104x128xf32, #tpu.memory_space<vmem_shared>>) target_semaphore(%run_scoped3A : memref<!tpu.dma_semaphore, #tpu.memory_space<semaphore_mem>>)
      %dma_wait3A = arith.constant 0 : i32
      %dma_wait3A_131 = arith.constant 0 : i32
      %dma_wait3A_132 = tpu.memref_slice %arg8[%dma_wait3A, %dma_wait3A_131] : memref<125x128xf32, #tpu.memory_space<vmem>> -> memref<104x128xf32, #tpu.memory_space<vmem>>
      %dma_wait3A_133 = arith.constant 0 : i32
      %dma_wait3A_134 = tpu.memref_slice %arg10[%add3A_17, %dma_wait3A_133] : memref<10000x128xf32, #tpu.memory_space<vmem_shared>> -> memref<104x128xf32, #tpu.memory_space<vmem_shared>>
      %dma_wait3A_135 = arith.constant 0 : i32
      %dma_wait3A_136 = tpu.memref_slice %arg10[%add3A_17, %dma_wait3A_135] : memref<10000x128xf32, #tpu.memory_space<vmem_shared>> -> memref<104x128xf32, #tpu.memory_space<vmem_shared>>
      %dma_wait3A_137 = arith.constant 0 : i32
      %dma_wait3A_138 = arith.constant 0 : i32
      %dma_wait3A_139 = tpu.memref_slice %arg8[%dma_wait3A_137, %dma_wait3A_138] : memref<125x128xf32, #tpu.memory_space<vmem>> -> memref<104x128xf32, #tpu.memory_space<vmem>>
      tpu.wait_dma2 semaphore(%run_scoped3A : memref<!tpu.dma_semaphore, #tpu.memory_space<semaphore_mem>>) src(%dma_wait3A_139 : memref<104x128xf32, #tpu.memory_space<vmem>>) dst(%dma_wait3A_136 : memref<104x128xf32, #tpu.memory_space<vmem_shared>>)
      tpu.yield
    }) : () -> ()
    %mul3A_18 = arith.constant 624 : i32
    %mul3A_19 = arith.muli %arg1, %mul3A_18 : i32
    %add3A_20 = arith.constant 416 : i32
    %add3A_21 = arith.addi %mul3A_19, %add3A_20 : i32
    "tpu.region"() ({
      %run_scoped3A = tpu.sem_alloc : memref<!tpu.dma_semaphore, #tpu.memory_space<semaphore_mem>>
      %dma_start3A_121 = arith.constant 0 : i32
      %dma_start3A_122 = arith.constant 0 : i32
      %dma_start3A_123 = tpu.memref_slice %arg8[%dma_start3A_121, %dma_start3A_122] : memref<125x128xf32, #tpu.memory_space<vmem>> -> memref<104x128xf32, #tpu.memory_space<vmem>>
      %dma_start3A_124 = arith.constant 0 : i32
      %dma_start3A_125 = tpu.memref_slice %arg10[%add3A_21, %dma_start3A_124] : memref<10000x128xf32, #tpu.memory_space<vmem_shared>> -> memref<104x128xf32, #tpu.memory_space<vmem_shared>>
      %dma_start3A_126 = arith.constant 0 : i32
      %dma_start3A_127 = tpu.memref_slice %arg10[%add3A_21, %dma_start3A_126] : memref<10000x128xf32, #tpu.memory_space<vmem_shared>> -> memref<104x128xf32, #tpu.memory_space<vmem_shared>>
      %dma_start3A_128 = arith.constant 0 : i32
      %dma_start3A_129 = arith.constant 0 : i32
      %dma_start3A_130 = tpu.memref_slice %arg8[%dma_start3A_128, %dma_start3A_129] : memref<125x128xf32, #tpu.memory_space<vmem>> -> memref<104x128xf32, #tpu.memory_space<vmem>>
      tpu.enqueue_dma source(%dma_start3A_130 : memref<104x128xf32, #tpu.memory_space<vmem>>) target(%dma_start3A_127 : memref<104x128xf32, #tpu.memory_space<vmem_shared>>) target_semaphore(%run_scoped3A : memref<!tpu.dma_semaphore, #tpu.memory_space<semaphore_mem>>)
      %dma_wait3A = arith.constant 0 : i32
      %dma_wait3A_131 = arith.constant 0 : i32
      %dma_wait3A_132 = tpu.memref_slice %arg8[%dma_wait3A, %dma_wait3A_131] : memref<125x128xf32, #tpu.memory_space<vmem>> -> memref<104x128xf32, #tpu.memory_space<vmem>>
      %dma_wait3A_133 = arith.constant 0 : i32
      %dma_wait3A_134 = tpu.memref_slice %arg10[%add3A_21, %dma_wait3A_133] : memref<10000x128xf32, #tpu.memory_space<vmem_shared>> -> memref<104x128xf32, #tpu.memory_space<vmem_shared>>
      %dma_wait3A_135 = arith.constant 0 : i32
      %dma_wait3A_136 = tpu.memref_slice %arg10[%add3A_21, %dma_wait3A_135] : memref<10000x128xf32, #tpu.memory_space<vmem_shared>> -> memref<104x128xf32, #tpu.memory_space<vmem_shared>>
      %dma_wait3A_137 = arith.constant 0 : i32
      %dma_wait3A_138 = arith.constant 0 : i32
      %dma_wait3A_139 = tpu.memref_slice %arg8[%dma_wait3A_137, %dma_wait3A_138] : memref<125x128xf32, #tpu.memory_space<vmem>> -> memref<104x128xf32, #tpu.memory_space<vmem>>
      tpu.wait_dma2 semaphore(%run_scoped3A : memref<!tpu.dma_semaphore, #tpu.memory_space<semaphore_mem>>) src(%dma_wait3A_139 : memref<104x128xf32, #tpu.memory_space<vmem>>) dst(%dma_wait3A_136 : memref<104x128xf32, #tpu.memory_space<vmem_shared>>)
      tpu.yield
    }) : () -> ()
    %mul3A_22 = arith.constant 624 : i32
    %mul3A_23 = arith.muli %arg1, %mul3A_22 : i32
    %add3A_24 = arith.constant 520 : i32
    %add3A_25 = arith.addi %mul3A_23, %add3A_24 : i32
    "tpu.region"() ({
      %run_scoped3A = tpu.sem_alloc : memref<!tpu.dma_semaphore, #tpu.memory_space<semaphore_mem>>
      %dma_start3A_121 = arith.constant 0 : i32
      %dma_start3A_122 = arith.constant 0 : i32
      %dma_start3A_123 = tpu.memref_slice %arg8[%dma_start3A_121, %dma_start3A_122] : memref<125x128xf32, #tpu.memory_space<vmem>> -> memref<104x128xf32, #tpu.memory_space<vmem>>
      %dma_start3A_124 = arith.constant 0 : i32
      %dma_start3A_125 = tpu.memref_slice %arg10[%add3A_25, %dma_start3A_124] : memref<10000x128xf32, #tpu.memory_space<vmem_shared>> -> memref<104x128xf32, #tpu.memory_space<vmem_shared>>
      %dma_start3A_126 = arith.constant 0 : i32
      %dma_start3A_127 = tpu.memref_slice %arg10[%add3A_25, %dma_start3A_126] : memref<10000x128xf32, #tpu.memory_space<vmem_shared>> -> memref<104x128xf32, #tpu.memory_space<vmem_shared>>
      %dma_start3A_128 = arith.constant 0 : i32
      %dma_start3A_129 = arith.constant 0 : i32
      %dma_start3A_130 = tpu.memref_slice %arg8[%dma_start3A_128, %dma_start3A_129] : memref<125x128xf32, #tpu.memory_space<vmem>> -> memref<104x128xf32, #tpu.memory_space<vmem>>
      tpu.enqueue_dma source(%dma_start3A_130 : memref<104x128xf32, #tpu.memory_space<vmem>>) target(%dma_start3A_127 : memref<104x128xf32, #tpu.memory_space<vmem_shared>>) target_semaphore(%run_scoped3A : memref<!tpu.dma_semaphore, #tpu.memory_space<semaphore_mem>>)
      %dma_wait3A = arith.constant 0 : i32
      %dma_wait3A_131 = arith.constant 0 : i32
      %dma_wait3A_132 = tpu.memref_slice %arg8[%dma_wait3A, %dma_wait3A_131] : memref<125x128xf32, #tpu.memory_space<vmem>> -> memref<104x128xf32, #tpu.memory_space<vmem>>
      %dma_wait3A_133 = arith.constant 0 : i32
      %dma_wait3A_134 = tpu.memref_slice %arg10[%add3A_25, %dma_wait3A_133] : memref<10000x128xf32, #tpu.memory_space<vmem_shared>> -> memref<104x128xf32, #tpu.memory_space<vmem_shared>>
      %dma_wait3A_135 = arith.constant 0 : i32
      %dma_wait3A_136 = tpu.memref_slice %arg10[%add3A_25, %dma_wait3A_135] : memref<10000x128xf32, #tpu.memory_space<vmem_shared>> -> memref<104x128xf32, #tpu.memory_space<vmem_shared>>
      %dma_wait3A_137 = arith.constant 0 : i32
      %dma_wait3A_138 = arith.constant 0 : i32
      %dma_wait3A_139 = tpu.memref_slice %arg8[%dma_wait3A_137, %dma_wait3A_138] : memref<125x128xf32, #tpu.memory_space<vmem>> -> memref<104x128xf32, #tpu.memory_space<vmem>>
      tpu.wait_dma2 semaphore(%run_scoped3A : memref<!tpu.dma_semaphore, #tpu.memory_space<semaphore_mem>>) src(%dma_wait3A_139 : memref<104x128xf32, #tpu.memory_space<vmem>>) dst(%dma_wait3A_136 : memref<104x128xf32, #tpu.memory_space<vmem_shared>>)
      tpu.yield
    }) : () -> ()
    %eq3A = arith.constant 0 : i32
    %eq3A_26 = arith.cmpi eq, %arg1, %eq3A : i32
    %convert_element_type3A = arith.extui %eq3A_26 : i1 to i32
    %cond3A = arith.constant 0 : i32
    %cond3A_27 = arith.cmpi ne, %convert_element_type3A, %cond3A : i32
    scf.if %cond3A_27 {
      "tpu.region"() ({
        %run_scoped3A = tpu.sem_alloc : memref<!tpu.dma_semaphore, #tpu.memory_space<semaphore_mem>>
        %dma_start3A_121 = arith.constant 0 : i32
        %dma_start3A_122 = arith.constant 0 : i32
        %dma_start3A_123 = tpu.memref_slice %arg8[%dma_start3A_121, %dma_start3A_122] : memref<125x128xf32, #tpu.memory_space<vmem>> -> memref<16x128xf32, #tpu.memory_space<vmem>>
        %dma_start3A_124 = arith.constant 9984 : i32
        %dma_start3A_125 = arith.constant 0 : i32
        %dma_start3A_126 = tpu.memref_slice %arg10[%dma_start3A_124, %dma_start3A_125] : memref<10000x128xf32, #tpu.memory_space<vmem_shared>> -> memref<16x128xf32, #tpu.memory_space<vmem_shared>>
        %dma_start3A_127 = arith.constant 9984 : i32
        %dma_start3A_128 = arith.constant 0 : i32
        %dma_start3A_129 = tpu.memref_slice %arg10[%dma_start3A_127, %dma_start3A_128] : memref<10000x128xf32, #tpu.memory_space<vmem_shared>> -> memref<16x128xf32, #tpu.memory_space<vmem_shared>>
        %dma_start3A_130 = arith.constant 0 : i32
        %dma_start3A_131 = arith.constant 0 : i32
        %dma_start3A_132 = tpu.memref_slice %arg8[%dma_start3A_130, %dma_start3A_131] : memref<125x128xf32, #tpu.memory_space<vmem>> -> memref<16x128xf32, #tpu.memory_space<vmem>>
        tpu.enqueue_dma source(%dma_start3A_132 : memref<16x128xf32, #tpu.memory_space<vmem>>) target(%dma_start3A_129 : memref<16x128xf32, #tpu.memory_space<vmem_shared>>) target_semaphore(%run_scoped3A : memref<!tpu.dma_semaphore, #tpu.memory_space<semaphore_mem>>)
        %dma_wait3A = arith.constant 0 : i32
        %dma_wait3A_133 = arith.constant 0 : i32
        %dma_wait3A_134 = tpu.memref_slice %arg8[%dma_wait3A, %dma_wait3A_133] : memref<125x128xf32, #tpu.memory_space<vmem>> -> memref<16x128xf32, #tpu.memory_space<vmem>>
        %dma_wait3A_135 = arith.constant 9984 : i32
        %dma_wait3A_136 = arith.constant 0 : i32
        %dma_wait3A_137 = tpu.memref_slice %arg10[%dma_wait3A_135, %dma_wait3A_136] : memref<10000x128xf32, #tpu.memory_space<vmem_shared>> -> memref<16x128xf32, #tpu.memory_space<vmem_shared>>
        %dma_wait3A_138 = arith.constant 9984 : i32
        %dma_wait3A_139 = arith.constant 0 : i32
        %dma_wait3A_140 = tpu.memref_slice %arg10[%dma_wait3A_138, %dma_wait3A_139] : memref<10000x128xf32, #tpu.memory_space<vmem_shared>> -> memref<16x128xf32, #tpu.memory_space<vmem_shared>>
        %dma_wait3A_141 = arith.constant 0 : i32
        %dma_wait3A_142 = arith.constant 0 : i32
        %dma_wait3A_143 = tpu.memref_slice %arg8[%dma_wait3A_141, %dma_wait3A_142] : memref<125x128xf32, #tpu.memory_space<vmem>> -> memref<16x128xf32, #tpu.memory_space<vmem>>
        tpu.wait_dma2 semaphore(%run_scoped3A : memref<!tpu.dma_semaphore, #tpu.memory_space<semaphore_mem>>) src(%dma_wait3A_143 : memref<16x128xf32, #tpu.memory_space<vmem>>) dst(%dma_wait3A_140 : memref<16x128xf32, #tpu.memory_space<vmem_shared>>)
        tpu.yield
      }) : () -> ()
    } else {
    }
    %barrier3A = arith.constant 0 : index
    tpu.barrier barrier_id(%barrier3A)
    %mul3A_28 = arith.constant 80 : i32
    %mul3A_29 = arith.muli %arg1, %mul3A_28 : i32
    %add3A_30 = arith.constant 0 : i32
    %add3A_31 = arith.addi %mul3A_29, %add3A_30 : i32
    "tpu.region"() ({
      %run_scoped3A = tpu.sem_alloc : memref<!tpu.dma_semaphore, #tpu.memory_space<semaphore_mem>>
      %dma_start3A_121 = arith.constant 0 : i32
      %dma_start3A_122 = tpu.memref_slice %arg3[%add3A_31, %dma_start3A_121] : memref<1280x125xi32, #tpu.memory_space<hbm>> -> memref<40x125xi32, #tpu.memory_space<hbm>>
      %dma_start3A_123 = arith.constant 0 : i32
      %dma_start3A_124 = tpu.memref_slice %arg3[%add3A_31, %dma_start3A_123] : memref<1280x125xi32, #tpu.memory_space<hbm>> -> memref<40x125xi32, #tpu.memory_space<hbm>>
      tpu.enqueue_dma source(%dma_start3A_124 : memref<40x125xi32, #tpu.memory_space<hbm>>) target(%arg6 : memref<40x125xi32, #tpu.memory_space<vmem>>) target_semaphore(%run_scoped3A : memref<!tpu.dma_semaphore, #tpu.memory_space<semaphore_mem>>)
      %dma_wait3A = arith.constant 0 : i32
      %dma_wait3A_125 = tpu.memref_slice %arg3[%add3A_31, %dma_wait3A] : memref<1280x125xi32, #tpu.memory_space<hbm>> -> memref<40x125xi32, #tpu.memory_space<hbm>>
      %dma_wait3A_126 = arith.constant 0 : i32
      %dma_wait3A_127 = tpu.memref_slice %arg3[%add3A_31, %dma_wait3A_126] : memref<1280x125xi32, #tpu.memory_space<hbm>> -> memref<40x125xi32, #tpu.memory_space<hbm>>
      tpu.wait_dma2 semaphore(%run_scoped3A : memref<!tpu.dma_semaphore, #tpu.memory_space<semaphore_mem>>) src(%dma_wait3A_127 : memref<40x125xi32, #tpu.memory_space<hbm>>) dst(%arg6 : memref<40x125xi32, #tpu.memory_space<vmem>>)
      tpu.yield
    }) : () -> ()
    %add3A_32 = arith.constant 0 : i32
    %add3A_33 = arith.addi %mul3A_29, %add3A_32 : i32
    "tpu.region"() ({
      %run_scoped3A = tpu.sem_alloc : memref<!tpu.dma_semaphore, #tpu.memory_space<semaphore_mem>>
      %dma_start3A_121 = arith.constant 0 : i32
      %dma_start3A_122 = tpu.memref_slice %arg4[%add3A_33, %dma_start3A_121] : memref<1280x125xi32, #tpu.memory_space<hbm>> -> memref<40x125xi32, #tpu.memory_space<hbm>>
      %dma_start3A_123 = arith.constant 0 : i32
      %dma_start3A_124 = tpu.memref_slice %arg4[%add3A_33, %dma_start3A_123] : memref<1280x125xi32, #tpu.memory_space<hbm>> -> memref<40x125xi32, #tpu.memory_space<hbm>>
      tpu.enqueue_dma source(%dma_start3A_124 : memref<40x125xi32, #tpu.memory_space<hbm>>) target(%arg7 : memref<40x125xi32, #tpu.memory_space<vmem>>) target_semaphore(%run_scoped3A : memref<!tpu.dma_semaphore, #tpu.memory_space<semaphore_mem>>)
      %dma_wait3A = arith.constant 0 : i32
      %dma_wait3A_125 = tpu.memref_slice %arg4[%add3A_33, %dma_wait3A] : memref<1280x125xi32, #tpu.memory_space<hbm>> -> memref<40x125xi32, #tpu.memory_space<hbm>>
      %dma_wait3A_126 = arith.constant 0 : i32
      %dma_wait3A_127 = tpu.memref_slice %arg4[%add3A_33, %dma_wait3A_126] : memref<1280x125xi32, #tpu.memory_space<hbm>> -> memref<40x125xi32, #tpu.memory_space<hbm>>
      tpu.wait_dma2 semaphore(%run_scoped3A : memref<!tpu.dma_semaphore, #tpu.memory_space<semaphore_mem>>) src(%dma_wait3A_127 : memref<40x125xi32, #tpu.memory_space<hbm>>) dst(%arg7 : memref<40x125xi32, #tpu.memory_space<vmem>>)
      tpu.yield
    }) : () -> ()
    %dma_start3A = arith.constant 0 : i32
    %dma_start3A_34 = arith.constant 0 : i32
    %dma_start3A_35 = tpu.memref_slice %arg6[%dma_start3A, %dma_start3A_34] : memref<40x125xi32, #tpu.memory_space<vmem>> -> memref<1x125xi32, #tpu.memory_space<vmem>>
    %dma_start3A_36 = tpu.memref_squeeze %dma_start3A_35 : memref<1x125xi32, #tpu.memory_space<vmem>> -> memref<125xi32, #tpu.memory_space<vmem>>
    %dma_start3A_37 = arith.constant 0 : i32
    %dma_start3A_38 = arith.constant 0 : i32
    %dma_start3A_39 = tpu.memref_slice %arg2[%arg0, %dma_start3A_37, %dma_start3A_38] : memref<2x10000x128xf32, #tpu.memory_space<hbm>> -> memref<1x10000x128xf32, #tpu.memory_space<hbm>>
    %dma_start3A_40 = tpu.memref_squeeze %dma_start3A_39 : memref<1x10000x128xf32, #tpu.memory_space<hbm>> -> memref<10000x128xf32, #tpu.memory_space<hbm>>
    %dma_start3A_41 = arith.constant 0 : i32
    %dma_start3A_42 = arith.constant 0 : i32
    %dma_start3A_43 = tpu.memref_slice %dma_start3A_40[%dma_start3A_41, %dma_start3A_42] : memref<10000x128xf32, #tpu.memory_space<hbm>> -> memref<10000x128xf32, #tpu.memory_space<hbm>>
    tpu.enqueue_indirect_dma source(%dma_start3A_43 : memref<10000x128xf32, #tpu.memory_space<hbm>>) target(%arg8 : memref<125x128xf32, #tpu.memory_space<vmem>>) offsets(%dma_start3A_36 : memref<125xi32, #tpu.memory_space<vmem>>) semaphore(%arg11 : memref<!tpu.dma_semaphore, #tpu.memory_space<semaphore_mem>>)
    %dma_start3A_44 = arith.constant 1 : i32
    %dma_start3A_45 = arith.constant 0 : i32
    %dma_start3A_46 = tpu.memref_slice %arg6[%dma_start3A_44, %dma_start3A_45] : memref<40x125xi32, #tpu.memory_space<vmem>> -> memref<1x125xi32, #tpu.memory_space<vmem>>
    %dma_start3A_47 = tpu.memref_squeeze %dma_start3A_46 : memref<1x125xi32, #tpu.memory_space<vmem>> -> memref<125xi32, #tpu.memory_space<vmem>>
    %dma_start3A_48 = arith.constant 0 : i32
    %dma_start3A_49 = arith.constant 0 : i32
    %dma_start3A_50 = tpu.memref_slice %arg2[%arg0, %dma_start3A_48, %dma_start3A_49] : memref<2x10000x128xf32, #tpu.memory_space<hbm>> -> memref<1x10000x128xf32, #tpu.memory_space<hbm>>
    %dma_start3A_51 = tpu.memref_squeeze %dma_start3A_50 : memref<1x10000x128xf32, #tpu.memory_space<hbm>> -> memref<10000x128xf32, #tpu.memory_space<hbm>>
    %dma_start3A_52 = arith.constant 0 : i32
    %dma_start3A_53 = arith.constant 0 : i32
    %dma_start3A_54 = tpu.memref_slice %dma_start3A_51[%dma_start3A_52, %dma_start3A_53] : memref<10000x128xf32, #tpu.memory_space<hbm>> -> memref<10000x128xf32, #tpu.memory_space<hbm>>
    tpu.enqueue_indirect_dma source(%dma_start3A_54 : memref<10000x128xf32, #tpu.memory_space<hbm>>) target(%arg9 : memref<125x128xf32, #tpu.memory_space<vmem>>) offsets(%dma_start3A_47 : memref<125xi32, #tpu.memory_space<vmem>>) semaphore(%arg12 : memref<!tpu.dma_semaphore, #tpu.memory_space<semaphore_mem>>)
    %scan3A_55 = arith.constant 0 : i32
    %scan3A_56 = arith.constant 20 : i32
    %scan3A_57 = arith.addi %scan3A_55, %scan3A_56 : i32
    %scan3A_58 = arith.constant 1 : i32
    scf.for %scan3A_121 = %scan3A_55 to %scan3A_57 step %scan3A_58  : i32 {
      %mul3A_122 = arith.constant 2 : i32
      %mul3A_123 = arith.muli %scan3A_121, %mul3A_122 : i32
      %add3A_124 = arith.constant 0 : i32
      %add3A_125 = arith.addi %add3A_124, %mul3A_123 : i32
      %dma_wait3A = arith.constant 0 : i32
      %dma_wait3A_126 = tpu.memref_slice %arg6[%add3A_125, %dma_wait3A] : memref<40x125xi32, #tpu.memory_space<vmem>> -> memref<1x125xi32, #tpu.memory_space<vmem>>
      %dma_wait3A_127 = tpu.memref_squeeze %dma_wait3A_126 : memref<1x125xi32, #tpu.memory_space<vmem>> -> memref<125xi32, #tpu.memory_space<vmem>>
      %dma_wait3A_128 = arith.constant 0 : i32
      %dma_wait3A_129 = arith.constant 0 : i32
      %dma_wait3A_130 = tpu.memref_slice %arg2[%arg0, %dma_wait3A_128, %dma_wait3A_129] : memref<2x10000x128xf32, #tpu.memory_space<hbm>> -> memref<1x10000x128xf32, #tpu.memory_space<hbm>>
      %dma_wait3A_131 = tpu.memref_squeeze %dma_wait3A_130 : memref<1x10000x128xf32, #tpu.memory_space<hbm>> -> memref<10000x128xf32, #tpu.memory_space<hbm>>
      %dma_wait3A_132 = arith.constant 0 : i32
      %dma_wait3A_133 = arith.constant 0 : i32
      %dma_wait3A_134 = tpu.memref_slice %dma_wait3A_131[%dma_wait3A_132, %dma_wait3A_133] : memref<10000x128xf32, #tpu.memory_space<hbm>> -> memref<10000x128xf32, #tpu.memory_space<hbm>>
      tpu.wait_indirect_dma semaphore(%arg11 : memref<!tpu.dma_semaphore, #tpu.memory_space<semaphore_mem>>) src(%dma_wait3A_134 : memref<10000x128xf32, #tpu.memory_space<hbm>>) dst(%arg8 : memref<125x128xf32, #tpu.memory_space<vmem>>)
      "tpu.region"() ({
        %run_scoped3A = tpu.sem_alloc : memref<!tpu.dma_semaphore, #tpu.memory_space<semaphore_mem>>
        %dma_start3A_162 = arith.constant 0 : i32
        %dma_start3A_163 = tpu.memref_slice %arg7[%add3A_125, %dma_start3A_162] : memref<40x125xi32, #tpu.memory_space<vmem>> -> memref<1x125xi32, #tpu.memory_space<vmem>>
        %dma_start3A_164 = tpu.memref_squeeze %dma_start3A_163 : memref<1x125xi32, #tpu.memory_space<vmem>> -> memref<125xi32, #tpu.memory_space<vmem>>
        %dma_start3A_165 = arith.constant 0 : i32
        %dma_start3A_166 = arith.constant 0 : i32
        %dma_start3A_167 = tpu.memref_slice %arg10[%dma_start3A_165, %dma_start3A_166] : memref<10000x128xf32, #tpu.memory_space<vmem_shared>> -> memref<10000x128xf32, #tpu.memory_space<vmem_shared>>
        tpu.enqueue_indirect_dma source(%arg8 : memref<125x128xf32, #tpu.memory_space<vmem>>) target(%dma_start3A_167 : memref<10000x128xf32, #tpu.memory_space<vmem_shared>>) offsets(%dma_start3A_164 : memref<125xi32, #tpu.memory_space<vmem>>) semaphore(%run_scoped3A : memref<!tpu.dma_semaphore, #tpu.memory_space<semaphore_mem>>) {add = true}
        %dma_wait3A_168 = arith.constant 0 : i32
        %dma_wait3A_169 = tpu.memref_slice %arg7[%add3A_125, %dma_wait3A_168] : memref<40x125xi32, #tpu.memory_space<vmem>> -> memref<1x125xi32, #tpu.memory_space<vmem>>
        %dma_wait3A_170 = tpu.memref_squeeze %dma_wait3A_169 : memref<1x125xi32, #tpu.memory_space<vmem>> -> memref<125xi32, #tpu.memory_space<vmem>>
        %dma_wait3A_171 = arith.constant 0 : i32
        %dma_wait3A_172 = arith.constant 0 : i32
        %dma_wait3A_173 = tpu.memref_slice %arg10[%dma_wait3A_171, %dma_wait3A_172] : memref<10000x128xf32, #tpu.memory_space<vmem_shared>> -> memref<10000x128xf32, #tpu.memory_space<vmem_shared>>
        tpu.wait_indirect_dma semaphore(%run_scoped3A : memref<!tpu.dma_semaphore, #tpu.memory_space<semaphore_mem>>) src(%arg8 : memref<125x128xf32, #tpu.memory_space<vmem>>) dst(%dma_wait3A_173 : memref<10000x128xf32, #tpu.memory_space<vmem_shared>>)
        tpu.yield
      }) : () -> ()
      %add3A_135 = arith.constant 2 : i32
      %add3A_136 = arith.addi %add3A_125, %add3A_135 : i32
      %lt3A = arith.constant 40 : i32
      %lt3A_137 = arith.cmpi slt, %add3A_136, %lt3A : i32
      %convert_element_type3A_138 = arith.extui %lt3A_137 : i1 to i32
      %cond3A_139 = arith.constant 0 : i32
      %cond3A_140 = arith.cmpi ne, %convert_element_type3A_138, %cond3A_139 : i32
      scf.if %cond3A_140 {
        %add3A_162 = arith.constant 2 : i32
        %add3A_163 = arith.addi %add3A_125, %add3A_162 : i32
        %dma_start3A_164 = arith.constant 0 : i32
        %dma_start3A_165 = tpu.memref_slice %arg6[%add3A_163, %dma_start3A_164] : memref<40x125xi32, #tpu.memory_space<vmem>> -> memref<1x125xi32, #tpu.memory_space<vmem>>
        %dma_start3A_166 = tpu.memref_squeeze %dma_start3A_165 : memref<1x125xi32, #tpu.memory_space<vmem>> -> memref<125xi32, #tpu.memory_space<vmem>>
        %dma_start3A_167 = arith.constant 0 : i32
        %dma_start3A_168 = arith.constant 0 : i32
        %dma_start3A_169 = tpu.memref_slice %arg2[%arg0, %dma_start3A_167, %dma_start3A_168] : memref<2x10000x128xf32, #tpu.memory_space<hbm>> -> memref<1x10000x128xf32, #tpu.memory_space<hbm>>
        %dma_start3A_170 = tpu.memref_squeeze %dma_start3A_169 : memref<1x10000x128xf32, #tpu.memory_space<hbm>> -> memref<10000x128xf32, #tpu.memory_space<hbm>>
        %dma_start3A_171 = arith.constant 0 : i32
        %dma_start3A_172 = arith.constant 0 : i32
        %dma_start3A_173 = tpu.memref_slice %dma_start3A_170[%dma_start3A_171, %dma_start3A_172] : memref<10000x128xf32, #tpu.memory_space<hbm>> -> memref<10000x128xf32, #tpu.memory_space<hbm>>
        tpu.enqueue_indirect_dma source(%dma_start3A_173 : memref<10000x128xf32, #tpu.memory_space<hbm>>) target(%arg8 : memref<125x128xf32, #tpu.memory_space<vmem>>) offsets(%dma_start3A_166 : memref<125xi32, #tpu.memory_space<vmem>>) semaphore(%arg11 : memref<!tpu.dma_semaphore, #tpu.memory_space<semaphore_mem>>)
      } else {
      }
      %add3A_141 = arith.constant 1 : i32
      %add3A_142 = arith.addi %add3A_125, %add3A_141 : i32
      %dma_wait3A_143 = arith.constant 0 : i32
      %dma_wait3A_144 = tpu.memref_slice %arg6[%add3A_142, %dma_wait3A_143] : memref<40x125xi32, #tpu.memory_space<vmem>> -> memref<1x125xi32, #tpu.memory_space<vmem>>
      %dma_wait3A_145 = tpu.memref_squeeze %dma_wait3A_144 : memref<1x125xi32, #tpu.memory_space<vmem>> -> memref<125xi32, #tpu.memory_space<vmem>>
      %dma_wait3A_146 = arith.constant 0 : i32
      %dma_wait3A_147 = arith.constant 0 : i32
      %dma_wait3A_148 = tpu.memref_slice %arg2[%arg0, %dma_wait3A_146, %dma_wait3A_147] : memref<2x10000x128xf32, #tpu.memory_space<hbm>> -> memref<1x10000x128xf32, #tpu.memory_space<hbm>>
      %dma_wait3A_149 = tpu.memref_squeeze %dma_wait3A_148 : memref<1x10000x128xf32, #tpu.memory_space<hbm>> -> memref<10000x128xf32, #tpu.memory_space<hbm>>
      %dma_wait3A_150 = arith.constant 0 : i32
      %dma_wait3A_151 = arith.constant 0 : i32
      %dma_wait3A_152 = tpu.memref_slice %dma_wait3A_149[%dma_wait3A_150, %dma_wait3A_151] : memref<10000x128xf32, #tpu.memory_space<hbm>> -> memref<10000x128xf32, #tpu.memory_space<hbm>>
      tpu.wait_indirect_dma semaphore(%arg12 : memref<!tpu.dma_semaphore, #tpu.memory_space<semaphore_mem>>) src(%dma_wait3A_152 : memref<10000x128xf32, #tpu.memory_space<hbm>>) dst(%arg9 : memref<125x128xf32, #tpu.memory_space<vmem>>)
      %add3A_153 = arith.constant 1 : i32
      %add3A_154 = arith.addi %add3A_125, %add3A_153 : i32
      "tpu.region"() ({
        %run_scoped3A = tpu.sem_alloc : memref<!tpu.dma_semaphore, #tpu.memory_space<semaphore_mem>>
        %dma_start3A_162 = arith.constant 0 : i32
        %dma_start3A_163 = tpu.memref_slice %arg7[%add3A_154, %dma_start3A_162] : memref<40x125xi32, #tpu.memory_space<vmem>> -> memref<1x125xi32, #tpu.memory_space<vmem>>
        %dma_start3A_164 = tpu.memref_squeeze %dma_start3A_163 : memref<1x125xi32, #tpu.memory_space<vmem>> -> memref<125xi32, #tpu.memory_space<vmem>>
        %dma_start3A_165 = arith.constant 0 : i32
        %dma_start3A_166 = arith.constant 0 : i32
        %dma_start3A_167 = tpu.memref_slice %arg10[%dma_start3A_165, %dma_start3A_166] : memref<10000x128xf32, #tpu.memory_space<vmem_shared>> -> memref<10000x128xf32, #tpu.memory_space<vmem_shared>>
        tpu.enqueue_indirect_dma source(%arg9 : memref<125x128xf32, #tpu.memory_space<vmem>>) target(%dma_start3A_167 : memref<10000x128xf32, #tpu.memory_space<vmem_shared>>) offsets(%dma_start3A_164 : memref<125xi32, #tpu.memory_space<vmem>>) semaphore(%run_scoped3A : memref<!tpu.dma_semaphore, #tpu.memory_space<semaphore_mem>>) {add = true}
        %dma_wait3A_168 = arith.constant 0 : i32
        %dma_wait3A_169 = tpu.memref_slice %arg7[%add3A_154, %dma_wait3A_168] : memref<40x125xi32, #tpu.memory_space<vmem>> -> memref<1x125xi32, #tpu.memory_space<vmem>>
        %dma_wait3A_170 = tpu.memref_squeeze %dma_wait3A_169 : memref<1x125xi32, #tpu.memory_space<vmem>> -> memref<125xi32, #tpu.memory_space<vmem>>
        %dma_wait3A_171 = arith.constant 0 : i32
        %dma_wait3A_172 = arith.constant 0 : i32
        %dma_wait3A_173 = tpu.memref_slice %arg10[%dma_wait3A_171, %dma_wait3A_172] : memref<10000x128xf32, #tpu.memory_space<vmem_shared>> -> memref<10000x128xf32, #tpu.memory_space<vmem_shared>>
        tpu.wait_indirect_dma semaphore(%run_scoped3A : memref<!tpu.dma_semaphore, #tpu.memory_space<semaphore_mem>>) src(%arg9 : memref<125x128xf32, #tpu.memory_space<vmem>>) dst(%dma_wait3A_173 : memref<10000x128xf32, #tpu.memory_space<vmem_shared>>)
        tpu.yield
      }) : () -> ()
      %add3A_155 = arith.constant 3 : i32
      %add3A_156 = arith.addi %add3A_125, %add3A_155 : i32
      %lt3A_157 = arith.constant 40 : i32
      %lt3A_158 = arith.cmpi slt, %add3A_156, %lt3A_157 : i32
      %convert_element_type3A_159 = arith.extui %lt3A_158 : i1 to i32
      %cond3A_160 = arith.constant 0 : i32
      %cond3A_161 = arith.cmpi ne, %convert_element_type3A_159, %cond3A_160 : i32
      scf.if %cond3A_161 {
        %add3A_162 = arith.constant 3 : i32
        %add3A_163 = arith.addi %add3A_125, %add3A_162 : i32
        %dma_start3A_164 = arith.constant 0 : i32
        %dma_start3A_165 = tpu.memref_slice %arg6[%add3A_163, %dma_start3A_164] : memref<40x125xi32, #tpu.memory_space<vmem>> -> memref<1x125xi32, #tpu.memory_space<vmem>>
        %dma_start3A_166 = tpu.memref_squeeze %dma_start3A_165 : memref<1x125xi32, #tpu.memory_space<vmem>> -> memref<125xi32, #tpu.memory_space<vmem>>
        %dma_start3A_167 = arith.constant 0 : i32
        %dma_start3A_168 = arith.constant 0 : i32
        %dma_start3A_169 = tpu.memref_slice %arg2[%arg0, %dma_start3A_167, %dma_start3A_168] : memref<2x10000x128xf32, #tpu.memory_space<hbm>> -> memref<1x10000x128xf32, #tpu.memory_space<hbm>>
        %dma_start3A_170 = tpu.memref_squeeze %dma_start3A_169 : memref<1x10000x128xf32, #tpu.memory_space<hbm>> -> memref<10000x128xf32, #tpu.memory_space<hbm>>
        %dma_start3A_171 = arith.constant 0 : i32
        %dma_start3A_172 = arith.constant 0 : i32
        %dma_start3A_173 = tpu.memref_slice %dma_start3A_170[%dma_start3A_171, %dma_start3A_172] : memref<10000x128xf32, #tpu.memory_space<hbm>> -> memref<10000x128xf32, #tpu.memory_space<hbm>>
        tpu.enqueue_indirect_dma source(%dma_start3A_173 : memref<10000x128xf32, #tpu.memory_space<hbm>>) target(%arg9 : memref<125x128xf32, #tpu.memory_space<vmem>>) offsets(%dma_start3A_166 : memref<125xi32, #tpu.memory_space<vmem>>) semaphore(%arg12 : memref<!tpu.dma_semaphore, #tpu.memory_space<semaphore_mem>>)
      } else {
      }
    }
    %scan3A_59 = arith.constant 20 : i32
    %add3A_60 = arith.constant 40 : i32
    %add3A_61 = arith.addi %mul3A_29, %add3A_60 : i32
    "tpu.region"() ({
      %run_scoped3A = tpu.sem_alloc : memref<!tpu.dma_semaphore, #tpu.memory_space<semaphore_mem>>
      %dma_start3A_121 = arith.constant 0 : i32
      %dma_start3A_122 = tpu.memref_slice %arg3[%add3A_61, %dma_start3A_121] : memref<1280x125xi32, #tpu.memory_space<hbm>> -> memref<40x125xi32, #tpu.memory_space<hbm>>
      %dma_start3A_123 = arith.constant 0 : i32
      %dma_start3A_124 = tpu.memref_slice %arg3[%add3A_61, %dma_start3A_123] : memref<1280x125xi32, #tpu.memory_space<hbm>> -> memref<40x125xi32, #tpu.memory_space<hbm>>
      tpu.enqueue_dma source(%dma_start3A_124 : memref<40x125xi32, #tpu.memory_space<hbm>>) target(%arg6 : memref<40x125xi32, #tpu.memory_space<vmem>>) target_semaphore(%run_scoped3A : memref<!tpu.dma_semaphore, #tpu.memory_space<semaphore_mem>>)
      %dma_wait3A = arith.constant 0 : i32
      %dma_wait3A_125 = tpu.memref_slice %arg3[%add3A_61, %dma_wait3A] : memref<1280x125xi32, #tpu.memory_space<hbm>> -> memref<40x125xi32, #tpu.memory_space<hbm>>
      %dma_wait3A_126 = arith.constant 0 : i32
      %dma_wait3A_127 = tpu.memref_slice %arg3[%add3A_61, %dma_wait3A_126] : memref<1280x125xi32, #tpu.memory_space<hbm>> -> memref<40x125xi32, #tpu.memory_space<hbm>>
      tpu.wait_dma2 semaphore(%run_scoped3A : memref<!tpu.dma_semaphore, #tpu.memory_space<semaphore_mem>>) src(%dma_wait3A_127 : memref<40x125xi32, #tpu.memory_space<hbm>>) dst(%arg6 : memref<40x125xi32, #tpu.memory_space<vmem>>)
      tpu.yield
    }) : () -> ()
    %add3A_62 = arith.constant 40 : i32
    %add3A_63 = arith.addi %mul3A_29, %add3A_62 : i32
    "tpu.region"() ({
      %run_scoped3A = tpu.sem_alloc : memref<!tpu.dma_semaphore, #tpu.memory_space<semaphore_mem>>
      %dma_start3A_121 = arith.constant 0 : i32
      %dma_start3A_122 = tpu.memref_slice %arg4[%add3A_63, %dma_start3A_121] : memref<1280x125xi32, #tpu.memory_space<hbm>> -> memref<40x125xi32, #tpu.memory_space<hbm>>
      %dma_start3A_123 = arith.constant 0 : i32
      %dma_start3A_124 = tpu.memref_slice %arg4[%add3A_63, %dma_start3A_123] : memref<1280x125xi32, #tpu.memory_space<hbm>> -> memref<40x125xi32, #tpu.memory_space<hbm>>
      tpu.enqueue_dma source(%dma_start3A_124 : memref<40x125xi32, #tpu.memory_space<hbm>>) target(%arg7 : memref<40x125xi32, #tpu.memory_space<vmem>>) target_semaphore(%run_scoped3A : memref<!tpu.dma_semaphore, #tpu.memory_space<semaphore_mem>>)
      %dma_wait3A = arith.constant 0 : i32
      %dma_wait3A_125 = tpu.memref_slice %arg4[%add3A_63, %dma_wait3A] : memref<1280x125xi32, #tpu.memory_space<hbm>> -> memref<40x125xi32, #tpu.memory_space<hbm>>
      %dma_wait3A_126 = arith.constant 0 : i32
      %dma_wait3A_127 = tpu.memref_slice %arg4[%add3A_63, %dma_wait3A_126] : memref<1280x125xi32, #tpu.memory_space<hbm>> -> memref<40x125xi32, #tpu.memory_space<hbm>>
      tpu.wait_dma2 semaphore(%run_scoped3A : memref<!tpu.dma_semaphore, #tpu.memory_space<semaphore_mem>>) src(%dma_wait3A_127 : memref<40x125xi32, #tpu.memory_space<hbm>>) dst(%arg7 : memref<40x125xi32, #tpu.memory_space<vmem>>)
      tpu.yield
    }) : () -> ()
    %dma_start3A_64 = arith.constant 0 : i32
    %dma_start3A_65 = arith.constant 0 : i32
    %dma_start3A_66 = tpu.memref_slice %arg6[%dma_start3A_64, %dma_start3A_65] : memref<40x125xi32, #tpu.memory_space<vmem>> -> memref<1x125xi32, #tpu.memory_space<vmem>>
    %dma_start3A_67 = tpu.memref_squeeze %dma_start3A_66 : memref<1x125xi32, #tpu.memory_space<vmem>> -> memref<125xi32, #tpu.memory_space<vmem>>
    %dma_start3A_68 = arith.constant 0 : i32
    %dma_start3A_69 = arith.constant 0 : i32
    %dma_start3A_70 = tpu.memref_slice %arg2[%arg0, %dma_start3A_68, %dma_start3A_69] : memref<2x10000x128xf32, #tpu.memory_space<hbm>> -> memref<1x10000x128xf32, #tpu.memory_space<hbm>>
    %dma_start3A_71 = tpu.memref_squeeze %dma_start3A_70 : memref<1x10000x128xf32, #tpu.memory_space<hbm>> -> memref<10000x128xf32, #tpu.memory_space<hbm>>
    %dma_start3A_72 = arith.constant 0 : i32
    %dma_start3A_73 = arith.constant 0 : i32
    %dma_start3A_74 = tpu.memref_slice %dma_start3A_71[%dma_start3A_72, %dma_start3A_73] : memref<10000x128xf32, #tpu.memory_space<hbm>> -> memref<10000x128xf32, #tpu.memory_space<hbm>>
    tpu.enqueue_indirect_dma source(%dma_start3A_74 : memref<10000x128xf32, #tpu.memory_space<hbm>>) target(%arg8 : memref<125x128xf32, #tpu.memory_space<vmem>>) offsets(%dma_start3A_67 : memref<125xi32, #tpu.memory_space<vmem>>) semaphore(%arg11 : memref<!tpu.dma_semaphore, #tpu.memory_space<semaphore_mem>>)
    %dma_start3A_75 = arith.constant 1 : i32
    %dma_start3A_76 = arith.constant 0 : i32
    %dma_start3A_77 = tpu.memref_slice %arg6[%dma_start3A_75, %dma_start3A_76] : memref<40x125xi32, #tpu.memory_space<vmem>> -> memref<1x125xi32, #tpu.memory_space<vmem>>
    %dma_start3A_78 = tpu.memref_squeeze %dma_start3A_77 : memref<1x125xi32, #tpu.memory_space<vmem>> -> memref<125xi32, #tpu.memory_space<vmem>>
    %dma_start3A_79 = arith.constant 0 : i32
    %dma_start3A_80 = arith.constant 0 : i32
    %dma_start3A_81 = tpu.memref_slice %arg2[%arg0, %dma_start3A_79, %dma_start3A_80] : memref<2x10000x128xf32, #tpu.memory_space<hbm>> -> memref<1x10000x128xf32, #tpu.memory_space<hbm>>
    %dma_start3A_82 = tpu.memref_squeeze %dma_start3A_81 : memref<1x10000x128xf32, #tpu.memory_space<hbm>> -> memref<10000x128xf32, #tpu.memory_space<hbm>>
    %dma_start3A_83 = arith.constant 0 : i32
    %dma_start3A_84 = arith.constant 0 : i32
    %dma_start3A_85 = tpu.memref_slice %dma_start3A_82[%dma_start3A_83, %dma_start3A_84] : memref<10000x128xf32, #tpu.memory_space<hbm>> -> memref<10000x128xf32, #tpu.memory_space<hbm>>
    tpu.enqueue_indirect_dma source(%dma_start3A_85 : memref<10000x128xf32, #tpu.memory_space<hbm>>) target(%arg9 : memref<125x128xf32, #tpu.memory_space<vmem>>) offsets(%dma_start3A_78 : memref<125xi32, #tpu.memory_space<vmem>>) semaphore(%arg12 : memref<!tpu.dma_semaphore, #tpu.memory_space<semaphore_mem>>)
    %scan3A_86 = arith.constant 0 : i32
    %scan3A_87 = arith.constant 20 : i32
    %scan3A_88 = arith.addi %scan3A_86, %scan3A_87 : i32
    %scan3A_89 = arith.constant 1 : i32
    scf.for %scan3A_121 = %scan3A_86 to %scan3A_88 step %scan3A_89  : i32 {
      %mul3A_122 = arith.constant 2 : i32
      %mul3A_123 = arith.muli %scan3A_121, %mul3A_122 : i32
      %add3A_124 = arith.constant 0 : i32
      %add3A_125 = arith.addi %add3A_124, %mul3A_123 : i32
      %dma_wait3A = arith.constant 0 : i32
      %dma_wait3A_126 = tpu.memref_slice %arg6[%add3A_125, %dma_wait3A] : memref<40x125xi32, #tpu.memory_space<vmem>> -> memref<1x125xi32, #tpu.memory_space<vmem>>
      %dma_wait3A_127 = tpu.memref_squeeze %dma_wait3A_126 : memref<1x125xi32, #tpu.memory_space<vmem>> -> memref<125xi32, #tpu.memory_space<vmem>>
      %dma_wait3A_128 = arith.constant 0 : i32
      %dma_wait3A_129 = arith.constant 0 : i32
      %dma_wait3A_130 = tpu.memref_slice %arg2[%arg0, %dma_wait3A_128, %dma_wait3A_129] : memref<2x10000x128xf32, #tpu.memory_space<hbm>> -> memref<1x10000x128xf32, #tpu.memory_space<hbm>>
      %dma_wait3A_131 = tpu.memref_squeeze %dma_wait3A_130 : memref<1x10000x128xf32, #tpu.memory_space<hbm>> -> memref<10000x128xf32, #tpu.memory_space<hbm>>
      %dma_wait3A_132 = arith.constant 0 : i32
      %dma_wait3A_133 = arith.constant 0 : i32
      %dma_wait3A_134 = tpu.memref_slice %dma_wait3A_131[%dma_wait3A_132, %dma_wait3A_133] : memref<10000x128xf32, #tpu.memory_space<hbm>> -> memref<10000x128xf32, #tpu.memory_space<hbm>>
      tpu.wait_indirect_dma semaphore(%arg11 : memref<!tpu.dma_semaphore, #tpu.memory_space<semaphore_mem>>) src(%dma_wait3A_134 : memref<10000x128xf32, #tpu.memory_space<hbm>>) dst(%arg8 : memref<125x128xf32, #tpu.memory_space<vmem>>)
      "tpu.region"() ({
        %run_scoped3A = tpu.sem_alloc : memref<!tpu.dma_semaphore, #tpu.memory_space<semaphore_mem>>
        %dma_start3A_162 = arith.constant 0 : i32
        %dma_start3A_163 = tpu.memref_slice %arg7[%add3A_125, %dma_start3A_162] : memref<40x125xi32, #tpu.memory_space<vmem>> -> memref<1x125xi32, #tpu.memory_space<vmem>>
        %dma_start3A_164 = tpu.memref_squeeze %dma_start3A_163 : memref<1x125xi32, #tpu.memory_space<vmem>> -> memref<125xi32, #tpu.memory_space<vmem>>
        %dma_start3A_165 = arith.constant 0 : i32
        %dma_start3A_166 = arith.constant 0 : i32
        %dma_start3A_167 = tpu.memref_slice %arg10[%dma_start3A_165, %dma_start3A_166] : memref<10000x128xf32, #tpu.memory_space<vmem_shared>> -> memref<10000x128xf32, #tpu.memory_space<vmem_shared>>
        tpu.enqueue_indirect_dma source(%arg8 : memref<125x128xf32, #tpu.memory_space<vmem>>) target(%dma_start3A_167 : memref<10000x128xf32, #tpu.memory_space<vmem_shared>>) offsets(%dma_start3A_164 : memref<125xi32, #tpu.memory_space<vmem>>) semaphore(%run_scoped3A : memref<!tpu.dma_semaphore, #tpu.memory_space<semaphore_mem>>) {add = true}
        %dma_wait3A_168 = arith.constant 0 : i32
        %dma_wait3A_169 = tpu.memref_slice %arg7[%add3A_125, %dma_wait3A_168] : memref<40x125xi32, #tpu.memory_space<vmem>> -> memref<1x125xi32, #tpu.memory_space<vmem>>
        %dma_wait3A_170 = tpu.memref_squeeze %dma_wait3A_169 : memref<1x125xi32, #tpu.memory_space<vmem>> -> memref<125xi32, #tpu.memory_space<vmem>>
        %dma_wait3A_171 = arith.constant 0 : i32
        %dma_wait3A_172 = arith.constant 0 : i32
        %dma_wait3A_173 = tpu.memref_slice %arg10[%dma_wait3A_171, %dma_wait3A_172] : memref<10000x128xf32, #tpu.memory_space<vmem_shared>> -> memref<10000x128xf32, #tpu.memory_space<vmem_shared>>
        tpu.wait_indirect_dma semaphore(%run_scoped3A : memref<!tpu.dma_semaphore, #tpu.memory_space<semaphore_mem>>) src(%arg8 : memref<125x128xf32, #tpu.memory_space<vmem>>) dst(%dma_wait3A_173 : memref<10000x128xf32, #tpu.memory_space<vmem_shared>>)
        tpu.yield
      }) : () -> ()
      %add3A_135 = arith.constant 2 : i32
      %add3A_136 = arith.addi %add3A_125, %add3A_135 : i32
      %lt3A = arith.constant 40 : i32
      %lt3A_137 = arith.cmpi slt, %add3A_136, %lt3A : i32
      %convert_element_type3A_138 = arith.extui %lt3A_137 : i1 to i32
      %cond3A_139 = arith.constant 0 : i32
      %cond3A_140 = arith.cmpi ne, %convert_element_type3A_138, %cond3A_139 : i32
      scf.if %cond3A_140 {
        %add3A_162 = arith.constant 2 : i32
        %add3A_163 = arith.addi %add3A_125, %add3A_162 : i32
        %dma_start3A_164 = arith.constant 0 : i32
        %dma_start3A_165 = tpu.memref_slice %arg6[%add3A_163, %dma_start3A_164] : memref<40x125xi32, #tpu.memory_space<vmem>> -> memref<1x125xi32, #tpu.memory_space<vmem>>
        %dma_start3A_166 = tpu.memref_squeeze %dma_start3A_165 : memref<1x125xi32, #tpu.memory_space<vmem>> -> memref<125xi32, #tpu.memory_space<vmem>>
        %dma_start3A_167 = arith.constant 0 : i32
        %dma_start3A_168 = arith.constant 0 : i32
        %dma_start3A_169 = tpu.memref_slice %arg2[%arg0, %dma_start3A_167, %dma_start3A_168] : memref<2x10000x128xf32, #tpu.memory_space<hbm>> -> memref<1x10000x128xf32, #tpu.memory_space<hbm>>
        %dma_start3A_170 = tpu.memref_squeeze %dma_start3A_169 : memref<1x10000x128xf32, #tpu.memory_space<hbm>> -> memref<10000x128xf32, #tpu.memory_space<hbm>>
        %dma_start3A_171 = arith.constant 0 : i32
        %dma_start3A_172 = arith.constant 0 : i32
        %dma_start3A_173 = tpu.memref_slice %dma_start3A_170[%dma_start3A_171, %dma_start3A_172] : memref<10000x128xf32, #tpu.memory_space<hbm>> -> memref<10000x128xf32, #tpu.memory_space<hbm>>
        tpu.enqueue_indirect_dma source(%dma_start3A_173 : memref<10000x128xf32, #tpu.memory_space<hbm>>) target(%arg8 : memref<125x128xf32, #tpu.memory_space<vmem>>) offsets(%dma_start3A_166 : memref<125xi32, #tpu.memory_space<vmem>>) semaphore(%arg11 : memref<!tpu.dma_semaphore, #tpu.memory_space<semaphore_mem>>)
      } else {
      }
      %add3A_141 = arith.constant 1 : i32
      %add3A_142 = arith.addi %add3A_125, %add3A_141 : i32
      %dma_wait3A_143 = arith.constant 0 : i32
      %dma_wait3A_144 = tpu.memref_slice %arg6[%add3A_142, %dma_wait3A_143] : memref<40x125xi32, #tpu.memory_space<vmem>> -> memref<1x125xi32, #tpu.memory_space<vmem>>
      %dma_wait3A_145 = tpu.memref_squeeze %dma_wait3A_144 : memref<1x125xi32, #tpu.memory_space<vmem>> -> memref<125xi32, #tpu.memory_space<vmem>>
      %dma_wait3A_146 = arith.constant 0 : i32
      %dma_wait3A_147 = arith.constant 0 : i32
      %dma_wait3A_148 = tpu.memref_slice %arg2[%arg0, %dma_wait3A_146, %dma_wait3A_147] : memref<2x10000x128xf32, #tpu.memory_space<hbm>> -> memref<1x10000x128xf32, #tpu.memory_space<hbm>>
      %dma_wait3A_149 = tpu.memref_squeeze %dma_wait3A_148 : memref<1x10000x128xf32, #tpu.memory_space<hbm>> -> memref<10000x128xf32, #tpu.memory_space<hbm>>
      %dma_wait3A_150 = arith.constant 0 : i32
      %dma_wait3A_151 = arith.constant 0 : i32
      %dma_wait3A_152 = tpu.memref_slice %dma_wait3A_149[%dma_wait3A_150, %dma_wait3A_151] : memref<10000x128xf32, #tpu.memory_space<hbm>> -> memref<10000x128xf32, #tpu.memory_space<hbm>>
      tpu.wait_indirect_dma semaphore(%arg12 : memref<!tpu.dma_semaphore, #tpu.memory_space<semaphore_mem>>) src(%dma_wait3A_152 : memref<10000x128xf32, #tpu.memory_space<hbm>>) dst(%arg9 : memref<125x128xf32, #tpu.memory_space<vmem>>)
      %add3A_153 = arith.constant 1 : i32
      %add3A_154 = arith.addi %add3A_125, %add3A_153 : i32
      "tpu.region"() ({
        %run_scoped3A = tpu.sem_alloc : memref<!tpu.dma_semaphore, #tpu.memory_space<semaphore_mem>>
        %dma_start3A_162 = arith.constant 0 : i32
        %dma_start3A_163 = tpu.memref_slice %arg7[%add3A_154, %dma_start3A_162] : memref<40x125xi32, #tpu.memory_space<vmem>> -> memref<1x125xi32, #tpu.memory_space<vmem>>
        %dma_start3A_164 = tpu.memref_squeeze %dma_start3A_163 : memref<1x125xi32, #tpu.memory_space<vmem>> -> memref<125xi32, #tpu.memory_space<vmem>>
        %dma_start3A_165 = arith.constant 0 : i32
        %dma_start3A_166 = arith.constant 0 : i32
        %dma_start3A_167 = tpu.memref_slice %arg10[%dma_start3A_165, %dma_start3A_166] : memref<10000x128xf32, #tpu.memory_space<vmem_shared>> -> memref<10000x128xf32, #tpu.memory_space<vmem_shared>>
        tpu.enqueue_indirect_dma source(%arg9 : memref<125x128xf32, #tpu.memory_space<vmem>>) target(%dma_start3A_167 : memref<10000x128xf32, #tpu.memory_space<vmem_shared>>) offsets(%dma_start3A_164 : memref<125xi32, #tpu.memory_space<vmem>>) semaphore(%run_scoped3A : memref<!tpu.dma_semaphore, #tpu.memory_space<semaphore_mem>>) {add = true}
        %dma_wait3A_168 = arith.constant 0 : i32
        %dma_wait3A_169 = tpu.memref_slice %arg7[%add3A_154, %dma_wait3A_168] : memref<40x125xi32, #tpu.memory_space<vmem>> -> memref<1x125xi32, #tpu.memory_space<vmem>>
        %dma_wait3A_170 = tpu.memref_squeeze %dma_wait3A_169 : memref<1x125xi32, #tpu.memory_space<vmem>> -> memref<125xi32, #tpu.memory_space<vmem>>
        %dma_wait3A_171 = arith.constant 0 : i32
        %dma_wait3A_172 = arith.constant 0 : i32
        %dma_wait3A_173 = tpu.memref_slice %arg10[%dma_wait3A_171, %dma_wait3A_172] : memref<10000x128xf32, #tpu.memory_space<vmem_shared>> -> memref<10000x128xf32, #tpu.memory_space<vmem_shared>>
        tpu.wait_indirect_dma semaphore(%run_scoped3A : memref<!tpu.dma_semaphore, #tpu.memory_space<semaphore_mem>>) src(%arg9 : memref<125x128xf32, #tpu.memory_space<vmem>>) dst(%dma_wait3A_173 : memref<10000x128xf32, #tpu.memory_space<vmem_shared>>)
        tpu.yield
      }) : () -> ()
      %add3A_155 = arith.constant 3 : i32
      %add3A_156 = arith.addi %add3A_125, %add3A_155 : i32
      %lt3A_157 = arith.constant 40 : i32
      %lt3A_158 = arith.cmpi slt, %add3A_156, %lt3A_157 : i32
      %convert_element_type3A_159 = arith.extui %lt3A_158 : i1 to i32
      %cond3A_160 = arith.constant 0 : i32
      %cond3A_161 = arith.cmpi ne, %convert_element_type3A_159, %cond3A_160 : i32
      scf.if %cond3A_161 {
        %add3A_162 = arith.constant 3 : i32
        %add3A_163 = arith.addi %add3A_125, %add3A_162 : i32
        %dma_start3A_164 = arith.constant 0 : i32
        %dma_start3A_165 = tpu.memref_slice %arg6[%add3A_163, %dma_start3A_164] : memref<40x125xi32, #tpu.memory_space<vmem>> -> memref<1x125xi32, #tpu.memory_space<vmem>>
        %dma_start3A_166 = tpu.memref_squeeze %dma_start3A_165 : memref<1x125xi32, #tpu.memory_space<vmem>> -> memref<125xi32, #tpu.memory_space<vmem>>
        %dma_start3A_167 = arith.constant 0 : i32
        %dma_start3A_168 = arith.constant 0 : i32
        %dma_start3A_169 = tpu.memref_slice %arg2[%arg0, %dma_start3A_167, %dma_start3A_168] : memref<2x10000x128xf32, #tpu.memory_space<hbm>> -> memref<1x10000x128xf32, #tpu.memory_space<hbm>>
        %dma_start3A_170 = tpu.memref_squeeze %dma_start3A_169 : memref<1x10000x128xf32, #tpu.memory_space<hbm>> -> memref<10000x128xf32, #tpu.memory_space<hbm>>
        %dma_start3A_171 = arith.constant 0 : i32
        %dma_start3A_172 = arith.constant 0 : i32
        %dma_start3A_173 = tpu.memref_slice %dma_start3A_170[%dma_start3A_171, %dma_start3A_172] : memref<10000x128xf32, #tpu.memory_space<hbm>> -> memref<10000x128xf32, #tpu.memory_space<hbm>>
        tpu.enqueue_indirect_dma source(%dma_start3A_173 : memref<10000x128xf32, #tpu.memory_space<hbm>>) target(%arg9 : memref<125x128xf32, #tpu.memory_space<vmem>>) offsets(%dma_start3A_166 : memref<125xi32, #tpu.memory_space<vmem>>) semaphore(%arg12 : memref<!tpu.dma_semaphore, #tpu.memory_space<semaphore_mem>>)
      } else {
      }
    }
    %scan3A_90 = arith.constant 20 : i32
    %barrier3A_91 = arith.constant 0 : index
    tpu.barrier barrier_id(%barrier3A_91)
    %mul3A_92 = arith.constant 624 : i32
    %mul3A_93 = arith.muli %arg1, %mul3A_92 : i32
    %add3A_94 = arith.constant 0 : i32
    %add3A_95 = arith.addi %mul3A_93, %add3A_94 : i32
    "tpu.region"() ({
      %run_scoped3A = tpu.sem_alloc : memref<!tpu.dma_semaphore, #tpu.memory_space<semaphore_mem>>
      %dma_start3A_121 = arith.constant 0 : i32
      %dma_start3A_122 = arith.constant 0 : i32
      %dma_start3A_123 = tpu.memref_slice %arg8[%dma_start3A_121, %dma_start3A_122] : memref<125x128xf32, #tpu.memory_space<vmem>> -> memref<104x128xf32, #tpu.memory_space<vmem>>
      %dma_start3A_124 = arith.constant 0 : i32
      %dma_start3A_125 = tpu.memref_slice %arg10[%add3A_95, %dma_start3A_124] : memref<10000x128xf32, #tpu.memory_space<vmem_shared>> -> memref<104x128xf32, #tpu.memory_space<vmem_shared>>
      %dma_start3A_126 = arith.constant 0 : i32
      %dma_start3A_127 = arith.constant 0 : i32
      %dma_start3A_128 = tpu.memref_slice %arg8[%dma_start3A_126, %dma_start3A_127] : memref<125x128xf32, #tpu.memory_space<vmem>> -> memref<104x128xf32, #tpu.memory_space<vmem>>
      %dma_start3A_129 = arith.constant 0 : i32
      %dma_start3A_130 = tpu.memref_slice %arg10[%add3A_95, %dma_start3A_129] : memref<10000x128xf32, #tpu.memory_space<vmem_shared>> -> memref<104x128xf32, #tpu.memory_space<vmem_shared>>
      tpu.enqueue_dma source(%dma_start3A_130 : memref<104x128xf32, #tpu.memory_space<vmem_shared>>) target(%dma_start3A_128 : memref<104x128xf32, #tpu.memory_space<vmem>>) target_semaphore(%run_scoped3A : memref<!tpu.dma_semaphore, #tpu.memory_space<semaphore_mem>>)
      %dma_wait3A = arith.constant 0 : i32
      %dma_wait3A_131 = arith.constant 0 : i32
      %dma_wait3A_132 = tpu.memref_slice %arg8[%dma_wait3A, %dma_wait3A_131] : memref<125x128xf32, #tpu.memory_space<vmem>> -> memref<104x128xf32, #tpu.memory_space<vmem>>
      %dma_wait3A_133 = arith.constant 0 : i32
      %dma_wait3A_134 = tpu.memref_slice %arg10[%add3A_95, %dma_wait3A_133] : memref<10000x128xf32, #tpu.memory_space<vmem_shared>> -> memref<104x128xf32, #tpu.memory_space<vmem_shared>>
      %dma_wait3A_135 = arith.constant 0 : i32
      %dma_wait3A_136 = arith.constant 0 : i32
      %dma_wait3A_137 = tpu.memref_slice %arg8[%dma_wait3A_135, %dma_wait3A_136] : memref<125x128xf32, #tpu.memory_space<vmem>> -> memref<104x128xf32, #tpu.memory_space<vmem>>
      %dma_wait3A_138 = arith.constant 0 : i32
      %dma_wait3A_139 = tpu.memref_slice %arg10[%add3A_95, %dma_wait3A_138] : memref<10000x128xf32, #tpu.memory_space<vmem_shared>> -> memref<104x128xf32, #tpu.memory_space<vmem_shared>>
      tpu.wait_dma2 semaphore(%run_scoped3A : memref<!tpu.dma_semaphore, #tpu.memory_space<semaphore_mem>>) src(%dma_wait3A_139 : memref<104x128xf32, #tpu.memory_space<vmem_shared>>) dst(%dma_wait3A_137 : memref<104x128xf32, #tpu.memory_space<vmem>>)
      tpu.yield
    }) : () -> ()
    "tpu.region"() ({
      %run_scoped3A = tpu.sem_alloc : memref<!tpu.dma_semaphore, #tpu.memory_space<semaphore_mem>>
      %dma_start3A_121 = arith.constant 0 : i32
      %dma_start3A_122 = arith.constant 0 : i32
      %dma_start3A_123 = tpu.memref_slice %arg8[%dma_start3A_121, %dma_start3A_122] : memref<125x128xf32, #tpu.memory_space<vmem>> -> memref<104x128xf32, #tpu.memory_space<vmem>>
      %dma_start3A_124 = arith.constant 0 : i32
      %dma_start3A_125 = arith.constant 0 : i32
      %dma_start3A_126 = tpu.memref_slice %arg5[%arg0, %dma_start3A_124, %dma_start3A_125] : memref<2x10000x128xf32, #tpu.memory_space<hbm>> -> memref<1x10000x128xf32, #tpu.memory_space<hbm>>
      %dma_start3A_127 = tpu.memref_squeeze %dma_start3A_126 : memref<1x10000x128xf32, #tpu.memory_space<hbm>> -> memref<10000x128xf32, #tpu.memory_space<hbm>>
      %dma_start3A_128 = arith.constant 0 : i32
      %dma_start3A_129 = tpu.memref_slice %dma_start3A_127[%add3A_95, %dma_start3A_128] : memref<10000x128xf32, #tpu.memory_space<hbm>> -> memref<104x128xf32, #tpu.memory_space<hbm>>
      %dma_start3A_130 = arith.constant 0 : i32
      %dma_start3A_131 = arith.constant 0 : i32
      %dma_start3A_132 = tpu.memref_slice %arg5[%arg0, %dma_start3A_130, %dma_start3A_131] : memref<2x10000x128xf32, #tpu.memory_space<hbm>> -> memref<1x10000x128xf32, #tpu.memory_space<hbm>>
      %dma_start3A_133 = tpu.memref_squeeze %dma_start3A_132 : memref<1x10000x128xf32, #tpu.memory_space<hbm>> -> memref<10000x128xf32, #tpu.memory_space<hbm>>
      %dma_start3A_134 = arith.constant 0 : i32
      %dma_start3A_135 = tpu.memref_slice %dma_start3A_133[%add3A_95, %dma_start3A_134] : memref<10000x128xf32, #tpu.memory_space<hbm>> -> memref<104x128xf32, #tpu.memory_space<hbm>>
      %dma_start3A_136 = arith.constant 0 : i32
      %dma_start3A_137 = arith.constant 0 : i32
      %dma_start3A_138 = tpu.memref_slice %arg8[%dma_start3A_136, %dma_start3A_137] : memref<125x128xf32, #tpu.memory_space<vmem>> -> memref<104x128xf32, #tpu.memory_space<vmem>>
      tpu.enqueue_dma source(%dma_start3A_138 : memref<104x128xf32, #tpu.memory_space<vmem>>) target(%dma_start3A_135 : memref<104x128xf32, #tpu.memory_space<hbm>>) target_semaphore(%run_scoped3A : memref<!tpu.dma_semaphore, #tpu.memory_space<semaphore_mem>>)
      %dma_wait3A = arith.constant 0 : i32
      %dma_wait3A_139 = arith.constant 0 : i32
      %dma_wait3A_140 = tpu.memref_slice %arg8[%dma_wait3A, %dma_wait3A_139] : memref<125x128xf32, #tpu.memory_space<vmem>> -> memref<104x128xf32, #tpu.memory_space<vmem>>
      %dma_wait3A_141 = arith.constant 0 : i32
      %dma_wait3A_142 = arith.constant 0 : i32
      %dma_wait3A_143 = tpu.memref_slice %arg5[%arg0, %dma_wait3A_141, %dma_wait3A_142] : memref<2x10000x128xf32, #tpu.memory_space<hbm>> -> memref<1x10000x128xf32, #tpu.memory_space<hbm>>
      %dma_wait3A_144 = tpu.memref_squeeze %dma_wait3A_143 : memref<1x10000x128xf32, #tpu.memory_space<hbm>> -> memref<10000x128xf32, #tpu.memory_space<hbm>>
      %dma_wait3A_145 = arith.constant 0 : i32
      %dma_wait3A_146 = tpu.memref_slice %dma_wait3A_144[%add3A_95, %dma_wait3A_145] : memref<10000x128xf32, #tpu.memory_space<hbm>> -> memref<104x128xf32, #tpu.memory_space<hbm>>
      %dma_wait3A_147 = arith.constant 0 : i32
      %dma_wait3A_148 = arith.constant 0 : i32
      %dma_wait3A_149 = tpu.memref_slice %arg5[%arg0, %dma_wait3A_147, %dma_wait3A_148] : memref<2x10000x128xf32, #tpu.memory_space<hbm>> -> memref<1x10000x128xf32, #tpu.memory_space<hbm>>
      %dma_wait3A_150 = tpu.memref_squeeze %dma_wait3A_149 : memref<1x10000x128xf32, #tpu.memory_space<hbm>> -> memref<10000x128xf32, #tpu.memory_space<hbm>>
      %dma_wait3A_151 = arith.constant 0 : i32
      %dma_wait3A_152 = tpu.memref_slice %dma_wait3A_150[%add3A_95, %dma_wait3A_151] : memref<10000x128xf32, #tpu.memory_space<hbm>> -> memref<104x128xf32, #tpu.memory_space<hbm>>
      %dma_wait3A_153 = arith.constant 0 : i32
      %dma_wait3A_154 = arith.constant 0 : i32
      %dma_wait3A_155 = tpu.memref_slice %arg8[%dma_wait3A_153, %dma_wait3A_154] : memref<125x128xf32, #tpu.memory_space<vmem>> -> memref<104x128xf32, #tpu.memory_space<vmem>>
      tpu.wait_dma2 semaphore(%run_scoped3A : memref<!tpu.dma_semaphore, #tpu.memory_space<semaphore_mem>>) src(%dma_wait3A_155 : memref<104x128xf32, #tpu.memory_space<vmem>>) dst(%dma_wait3A_152 : memref<104x128xf32, #tpu.memory_space<hbm>>)
      tpu.yield
    }) : () -> ()
    %mul3A_96 = arith.constant 624 : i32
    %mul3A_97 = arith.muli %arg1, %mul3A_96 : i32
    %add3A_98 = arith.constant 104 : i32
    %add3A_99 = arith.addi %mul3A_97, %add3A_98 : i32
    "tpu.region"() ({
      %run_scoped3A = tpu.sem_alloc : memref<!tpu.dma_semaphore, #tpu.memory_space<semaphore_mem>>
      %dma_start3A_121 = arith.constant 0 : i32
      %dma_start3A_122 = arith.constant 0 : i32
      %dma_start3A_123 = tpu.memref_slice %arg8[%dma_start3A_121, %dma_start3A_122] : memref<125x128xf32, #tpu.memory_space<vmem>> -> memref<104x128xf32, #tpu.memory_space<vmem>>
      %dma_start3A_124 = arith.constant 0 : i32
      %dma_start3A_125 = tpu.memref_slice %arg10[%add3A_99, %dma_start3A_124] : memref<10000x128xf32, #tpu.memory_space<vmem_shared>> -> memref<104x128xf32, #tpu.memory_space<vmem_shared>>
      %dma_start3A_126 = arith.constant 0 : i32
      %dma_start3A_127 = arith.constant 0 : i32
      %dma_start3A_128 = tpu.memref_slice %arg8[%dma_start3A_126, %dma_start3A_127] : memref<125x128xf32, #tpu.memory_space<vmem>> -> memref<104x128xf32, #tpu.memory_space<vmem>>
      %dma_start3A_129 = arith.constant 0 : i32
      %dma_start3A_130 = tpu.memref_slice %arg10[%add3A_99, %dma_start3A_129] : memref<10000x128xf32, #tpu.memory_space<vmem_shared>> -> memref<104x128xf32, #tpu.memory_space<vmem_shared>>
      tpu.enqueue_dma source(%dma_start3A_130 : memref<104x128xf32, #tpu.memory_space<vmem_shared>>) target(%dma_start3A_128 : memref<104x128xf32, #tpu.memory_space<vmem>>) target_semaphore(%run_scoped3A : memref<!tpu.dma_semaphore, #tpu.memory_space<semaphore_mem>>)
      %dma_wait3A = arith.constant 0 : i32
      %dma_wait3A_131 = arith.constant 0 : i32
      %dma_wait3A_132 = tpu.memref_slice %arg8[%dma_wait3A, %dma_wait3A_131] : memref<125x128xf32, #tpu.memory_space<vmem>> -> memref<104x128xf32, #tpu.memory_space<vmem>>
      %dma_wait3A_133 = arith.constant 0 : i32
      %dma_wait3A_134 = tpu.memref_slice %arg10[%add3A_99, %dma_wait3A_133] : memref<10000x128xf32, #tpu.memory_space<vmem_shared>> -> memref<104x128xf32, #tpu.memory_space<vmem_shared>>
      %dma_wait3A_135 = arith.constant 0 : i32
      %dma_wait3A_136 = arith.constant 0 : i32
      %dma_wait3A_137 = tpu.memref_slice %arg8[%dma_wait3A_135, %dma_wait3A_136] : memref<125x128xf32, #tpu.memory_space<vmem>> -> memref<104x128xf32, #tpu.memory_space<vmem>>
      %dma_wait3A_138 = arith.constant 0 : i32
      %dma_wait3A_139 = tpu.memref_slice %arg10[%add3A_99, %dma_wait3A_138] : memref<10000x128xf32, #tpu.memory_space<vmem_shared>> -> memref<104x128xf32, #tpu.memory_space<vmem_shared>>
      tpu.wait_dma2 semaphore(%run_scoped3A : memref<!tpu.dma_semaphore, #tpu.memory_space<semaphore_mem>>) src(%dma_wait3A_139 : memref<104x128xf32, #tpu.memory_space<vmem_shared>>) dst(%dma_wait3A_137 : memref<104x128xf32, #tpu.memory_space<vmem>>)
      tpu.yield
    }) : () -> ()
    "tpu.region"() ({
      %run_scoped3A = tpu.sem_alloc : memref<!tpu.dma_semaphore, #tpu.memory_space<semaphore_mem>>
      %dma_start3A_121 = arith.constant 0 : i32
      %dma_start3A_122 = arith.constant 0 : i32
      %dma_start3A_123 = tpu.memref_slice %arg8[%dma_start3A_121, %dma_start3A_122] : memref<125x128xf32, #tpu.memory_space<vmem>> -> memref<104x128xf32, #tpu.memory_space<vmem>>
      %dma_start3A_124 = arith.constant 0 : i32
      %dma_start3A_125 = arith.constant 0 : i32
      %dma_start3A_126 = tpu.memref_slice %arg5[%arg0, %dma_start3A_124, %dma_start3A_125] : memref<2x10000x128xf32, #tpu.memory_space<hbm>> -> memref<1x10000x128xf32, #tpu.memory_space<hbm>>
      %dma_start3A_127 = tpu.memref_squeeze %dma_start3A_126 : memref<1x10000x128xf32, #tpu.memory_space<hbm>> -> memref<10000x128xf32, #tpu.memory_space<hbm>>
      %dma_start3A_128 = arith.constant 0 : i32
      %dma_start3A_129 = tpu.memref_slice %dma_start3A_127[%add3A_99, %dma_start3A_128] : memref<10000x128xf32, #tpu.memory_space<hbm>> -> memref<104x128xf32, #tpu.memory_space<hbm>>
      %dma_start3A_130 = arith.constant 0 : i32
      %dma_start3A_131 = arith.constant 0 : i32
      %dma_start3A_132 = tpu.memref_slice %arg5[%arg0, %dma_start3A_130, %dma_start3A_131] : memref<2x10000x128xf32, #tpu.memory_space<hbm>> -> memref<1x10000x128xf32, #tpu.memory_space<hbm>>
      %dma_start3A_133 = tpu.memref_squeeze %dma_start3A_132 : memref<1x10000x128xf32, #tpu.memory_space<hbm>> -> memref<10000x128xf32, #tpu.memory_space<hbm>>
      %dma_start3A_134 = arith.constant 0 : i32
      %dma_start3A_135 = tpu.memref_slice %dma_start3A_133[%add3A_99, %dma_start3A_134] : memref<10000x128xf32, #tpu.memory_space<hbm>> -> memref<104x128xf32, #tpu.memory_space<hbm>>
      %dma_start3A_136 = arith.constant 0 : i32
      %dma_start3A_137 = arith.constant 0 : i32
      %dma_start3A_138 = tpu.memref_slice %arg8[%dma_start3A_136, %dma_start3A_137] : memref<125x128xf32, #tpu.memory_space<vmem>> -> memref<104x128xf32, #tpu.memory_space<vmem>>
      tpu.enqueue_dma source(%dma_start3A_138 : memref<104x128xf32, #tpu.memory_space<vmem>>) target(%dma_start3A_135 : memref<104x128xf32, #tpu.memory_space<hbm>>) target_semaphore(%run_scoped3A : memref<!tpu.dma_semaphore, #tpu.memory_space<semaphore_mem>>)
      %dma_wait3A = arith.constant 0 : i32
      %dma_wait3A_139 = arith.constant 0 : i32
      %dma_wait3A_140 = tpu.memref_slice %arg8[%dma_wait3A, %dma_wait3A_139] : memref<125x128xf32, #tpu.memory_space<vmem>> -> memref<104x128xf32, #tpu.memory_space<vmem>>
      %dma_wait3A_141 = arith.constant 0 : i32
      %dma_wait3A_142 = arith.constant 0 : i32
      %dma_wait3A_143 = tpu.memref_slice %arg5[%arg0, %dma_wait3A_141, %dma_wait3A_142] : memref<2x10000x128xf32, #tpu.memory_space<hbm>> -> memref<1x10000x128xf32, #tpu.memory_space<hbm>>
      %dma_wait3A_144 = tpu.memref_squeeze %dma_wait3A_143 : memref<1x10000x128xf32, #tpu.memory_space<hbm>> -> memref<10000x128xf32, #tpu.memory_space<hbm>>
      %dma_wait3A_145 = arith.constant 0 : i32
      %dma_wait3A_146 = tpu.memref_slice %dma_wait3A_144[%add3A_99, %dma_wait3A_145] : memref<10000x128xf32, #tpu.memory_space<hbm>> -> memref<104x128xf32, #tpu.memory_space<hbm>>
      %dma_wait3A_147 = arith.constant 0 : i32
      %dma_wait3A_148 = arith.constant 0 : i32
      %dma_wait3A_149 = tpu.memref_slice %arg5[%arg0, %dma_wait3A_147, %dma_wait3A_148] : memref<2x10000x128xf32, #tpu.memory_space<hbm>> -> memref<1x10000x128xf32, #tpu.memory_space<hbm>>
      %dma_wait3A_150 = tpu.memref_squeeze %dma_wait3A_149 : memref<1x10000x128xf32, #tpu.memory_space<hbm>> -> memref<10000x128xf32, #tpu.memory_space<hbm>>
      %dma_wait3A_151 = arith.constant 0 : i32
      %dma_wait3A_152 = tpu.memref_slice %dma_wait3A_150[%add3A_99, %dma_wait3A_151] : memref<10000x128xf32, #tpu.memory_space<hbm>> -> memref<104x128xf32, #tpu.memory_space<hbm>>
      %dma_wait3A_153 = arith.constant 0 : i32
      %dma_wait3A_154 = arith.constant 0 : i32
      %dma_wait3A_155 = tpu.memref_slice %arg8[%dma_wait3A_153, %dma_wait3A_154] : memref<125x128xf32, #tpu.memory_space<vmem>> -> memref<104x128xf32, #tpu.memory_space<vmem>>
      tpu.wait_dma2 semaphore(%run_scoped3A : memref<!tpu.dma_semaphore, #tpu.memory_space<semaphore_mem>>) src(%dma_wait3A_155 : memref<104x128xf32, #tpu.memory_space<vmem>>) dst(%dma_wait3A_152 : memref<104x128xf32, #tpu.memory_space<hbm>>)
      tpu.yield
    }) : () -> ()
    %mul3A_100 = arith.constant 624 : i32
    %mul3A_101 = arith.muli %arg1, %mul3A_100 : i32
    %add3A_102 = arith.constant 208 : i32
    %add3A_103 = arith.addi %mul3A_101, %add3A_102 : i32
    "tpu.region"() ({
      %run_scoped3A = tpu.sem_alloc : memref<!tpu.dma_semaphore, #tpu.memory_space<semaphore_mem>>
      %dma_start3A_121 = arith.constant 0 : i32
      %dma_start3A_122 = arith.constant 0 : i32
      %dma_start3A_123 = tpu.memref_slice %arg8[%dma_start3A_121, %dma_start3A_122] : memref<125x128xf32, #tpu.memory_space<vmem>> -> memref<104x128xf32, #tpu.memory_space<vmem>>
      %dma_start3A_124 = arith.constant 0 : i32
      %dma_start3A_125 = tpu.memref_slice %arg10[%add3A_103, %dma_start3A_124] : memref<10000x128xf32, #tpu.memory_space<vmem_shared>> -> memref<104x128xf32, #tpu.memory_space<vmem_shared>>
      %dma_start3A_126 = arith.constant 0 : i32
      %dma_start3A_127 = arith.constant 0 : i32
      %dma_start3A_128 = tpu.memref_slice %arg8[%dma_start3A_126, %dma_start3A_127] : memref<125x128xf32, #tpu.memory_space<vmem>> -> memref<104x128xf32, #tpu.memory_space<vmem>>
      %dma_start3A_129 = arith.constant 0 : i32
      %dma_start3A_130 = tpu.memref_slice %arg10[%add3A_103, %dma_start3A_129] : memref<10000x128xf32, #tpu.memory_space<vmem_shared>> -> memref<104x128xf32, #tpu.memory_space<vmem_shared>>
      tpu.enqueue_dma source(%dma_start3A_130 : memref<104x128xf32, #tpu.memory_space<vmem_shared>>) target(%dma_start3A_128 : memref<104x128xf32, #tpu.memory_space<vmem>>) target_semaphore(%run_scoped3A : memref<!tpu.dma_semaphore, #tpu.memory_space<semaphore_mem>>)
      %dma_wait3A = arith.constant 0 : i32
      %dma_wait3A_131 = arith.constant 0 : i32
      %dma_wait3A_132 = tpu.memref_slice %arg8[%dma_wait3A, %dma_wait3A_131] : memref<125x128xf32, #tpu.memory_space<vmem>> -> memref<104x128xf32, #tpu.memory_space<vmem>>
      %dma_wait3A_133 = arith.constant 0 : i32
      %dma_wait3A_134 = tpu.memref_slice %arg10[%add3A_103, %dma_wait3A_133] : memref<10000x128xf32, #tpu.memory_space<vmem_shared>> -> memref<104x128xf32, #tpu.memory_space<vmem_shared>>
      %dma_wait3A_135 = arith.constant 0 : i32
      %dma_wait3A_136 = arith.constant 0 : i32
      %dma_wait3A_137 = tpu.memref_slice %arg8[%dma_wait3A_135, %dma_wait3A_136] : memref<125x128xf32, #tpu.memory_space<vmem>> -> memref<104x128xf32, #tpu.memory_space<vmem>>
      %dma_wait3A_138 = arith.constant 0 : i32
      %dma_wait3A_139 = tpu.memref_slice %arg10[%add3A_103, %dma_wait3A_138] : memref<10000x128xf32, #tpu.memory_space<vmem_shared>> -> memref<104x128xf32, #tpu.memory_space<vmem_shared>>
      tpu.wait_dma2 semaphore(%run_scoped3A : memref<!tpu.dma_semaphore, #tpu.memory_space<semaphore_mem>>) src(%dma_wait3A_139 : memref<104x128xf32, #tpu.memory_space<vmem_shared>>) dst(%dma_wait3A_137 : memref<104x128xf32, #tpu.memory_space<vmem>>)
      tpu.yield
    }) : () -> ()
    "tpu.region"() ({
      %run_scoped3A = tpu.sem_alloc : memref<!tpu.dma_semaphore, #tpu.memory_space<semaphore_mem>>
      %dma_start3A_121 = arith.constant 0 : i32
      %dma_start3A_122 = arith.constant 0 : i32
      %dma_start3A_123 = tpu.memref_slice %arg8[%dma_start3A_121, %dma_start3A_122] : memref<125x128xf32, #tpu.memory_space<vmem>> -> memref<104x128xf32, #tpu.memory_space<vmem>>
      %dma_start3A_124 = arith.constant 0 : i32
      %dma_start3A_125 = arith.constant 0 : i32
      %dma_start3A_126 = tpu.memref_slice %arg5[%arg0, %dma_start3A_124, %dma_start3A_125] : memref<2x10000x128xf32, #tpu.memory_space<hbm>> -> memref<1x10000x128xf32, #tpu.memory_space<hbm>>
      %dma_start3A_127 = tpu.memref_squeeze %dma_start3A_126 : memref<1x10000x128xf32, #tpu.memory_space<hbm>> -> memref<10000x128xf32, #tpu.memory_space<hbm>>
      %dma_start3A_128 = arith.constant 0 : i32
      %dma_start3A_129 = tpu.memref_slice %dma_start3A_127[%add3A_103, %dma_start3A_128] : memref<10000x128xf32, #tpu.memory_space<hbm>> -> memref<104x128xf32, #tpu.memory_space<hbm>>
      %dma_start3A_130 = arith.constant 0 : i32
      %dma_start3A_131 = arith.constant 0 : i32
      %dma_start3A_132 = tpu.memref_slice %arg5[%arg0, %dma_start3A_130, %dma_start3A_131] : memref<2x10000x128xf32, #tpu.memory_space<hbm>> -> memref<1x10000x128xf32, #tpu.memory_space<hbm>>
      %dma_start3A_133 = tpu.memref_squeeze %dma_start3A_132 : memref<1x10000x128xf32, #tpu.memory_space<hbm>> -> memref<10000x128xf32, #tpu.memory_space<hbm>>
      %dma_start3A_134 = arith.constant 0 : i32
      %dma_start3A_135 = tpu.memref_slice %dma_start3A_133[%add3A_103, %dma_start3A_134] : memref<10000x128xf32, #tpu.memory_space<hbm>> -> memref<104x128xf32, #tpu.memory_space<hbm>>
      %dma_start3A_136 = arith.constant 0 : i32
      %dma_start3A_137 = arith.constant 0 : i32
      %dma_start3A_138 = tpu.memref_slice %arg8[%dma_start3A_136, %dma_start3A_137] : memref<125x128xf32, #tpu.memory_space<vmem>> -> memref<104x128xf32, #tpu.memory_space<vmem>>
      tpu.enqueue_dma source(%dma_start3A_138 : memref<104x128xf32, #tpu.memory_space<vmem>>) target(%dma_start3A_135 : memref<104x128xf32, #tpu.memory_space<hbm>>) target_semaphore(%run_scoped3A : memref<!tpu.dma_semaphore, #tpu.memory_space<semaphore_mem>>)
      %dma_wait3A = arith.constant 0 : i32
      %dma_wait3A_139 = arith.constant 0 : i32
      %dma_wait3A_140 = tpu.memref_slice %arg8[%dma_wait3A, %dma_wait3A_139] : memref<125x128xf32, #tpu.memory_space<vmem>> -> memref<104x128xf32, #tpu.memory_space<vmem>>
      %dma_wait3A_141 = arith.constant 0 : i32
      %dma_wait3A_142 = arith.constant 0 : i32
      %dma_wait3A_143 = tpu.memref_slice %arg5[%arg0, %dma_wait3A_141, %dma_wait3A_142] : memref<2x10000x128xf32, #tpu.memory_space<hbm>> -> memref<1x10000x128xf32, #tpu.memory_space<hbm>>
      %dma_wait3A_144 = tpu.memref_squeeze %dma_wait3A_143 : memref<1x10000x128xf32, #tpu.memory_space<hbm>> -> memref<10000x128xf32, #tpu.memory_space<hbm>>
      %dma_wait3A_145 = arith.constant 0 : i32
      %dma_wait3A_146 = tpu.memref_slice %dma_wait3A_144[%add3A_103, %dma_wait3A_145] : memref<10000x128xf32, #tpu.memory_space<hbm>> -> memref<104x128xf32, #tpu.memory_space<hbm>>
      %dma_wait3A_147 = arith.constant 0 : i32
      %dma_wait3A_148 = arith.constant 0 : i32
      %dma_wait3A_149 = tpu.memref_slice %arg5[%arg0, %dma_wait3A_147, %dma_wait3A_148] : memref<2x10000x128xf32, #tpu.memory_space<hbm>> -> memref<1x10000x128xf32, #tpu.memory_space<hbm>>
      %dma_wait3A_150 = tpu.memref_squeeze %dma_wait3A_149 : memref<1x10000x128xf32, #tpu.memory_space<hbm>> -> memref<10000x128xf32, #tpu.memory_space<hbm>>
      %dma_wait3A_151 = arith.constant 0 : i32
      %dma_wait3A_152 = tpu.memref_slice %dma_wait3A_150[%add3A_103, %dma_wait3A_151] : memref<10000x128xf32, #tpu.memory_space<hbm>> -> memref<104x128xf32, #tpu.memory_space<hbm>>
      %dma_wait3A_153 = arith.constant 0 : i32
      %dma_wait3A_154 = arith.constant 0 : i32
      %dma_wait3A_155 = tpu.memref_slice %arg8[%dma_wait3A_153, %dma_wait3A_154] : memref<125x128xf32, #tpu.memory_space<vmem>> -> memref<104x128xf32, #tpu.memory_space<vmem>>
      tpu.wait_dma2 semaphore(%run_scoped3A : memref<!tpu.dma_semaphore, #tpu.memory_space<semaphore_mem>>) src(%dma_wait3A_155 : memref<104x128xf32, #tpu.memory_space<vmem>>) dst(%dma_wait3A_152 : memref<104x128xf32, #tpu.memory_space<hbm>>)
      tpu.yield
    }) : () -> ()
    %mul3A_104 = arith.constant 624 : i32
    %mul3A_105 = arith.muli %arg1, %mul3A_104 : i32
    %add3A_106 = arith.constant 312 : i32
    %add3A_107 = arith.addi %mul3A_105, %add3A_106 : i32
    "tpu.region"() ({
      %run_scoped3A = tpu.sem_alloc : memref<!tpu.dma_semaphore, #tpu.memory_space<semaphore_mem>>
      %dma_start3A_121 = arith.constant 0 : i32
      %dma_start3A_122 = arith.constant 0 : i32
      %dma_start3A_123 = tpu.memref_slice %arg8[%dma_start3A_121, %dma_start3A_122] : memref<125x128xf32, #tpu.memory_space<vmem>> -> memref<104x128xf32, #tpu.memory_space<vmem>>
      %dma_start3A_124 = arith.constant 0 : i32
      %dma_start3A_125 = tpu.memref_slice %arg10[%add3A_107, %dma_start3A_124] : memref<10000x128xf32, #tpu.memory_space<vmem_shared>> -> memref<104x128xf32, #tpu.memory_space<vmem_shared>>
      %dma_start3A_126 = arith.constant 0 : i32
      %dma_start3A_127 = arith.constant 0 : i32
      %dma_start3A_128 = tpu.memref_slice %arg8[%dma_start3A_126, %dma_start3A_127] : memref<125x128xf32, #tpu.memory_space<vmem>> -> memref<104x128xf32, #tpu.memory_space<vmem>>
      %dma_start3A_129 = arith.constant 0 : i32
      %dma_start3A_130 = tpu.memref_slice %arg10[%add3A_107, %dma_start3A_129] : memref<10000x128xf32, #tpu.memory_space<vmem_shared>> -> memref<104x128xf32, #tpu.memory_space<vmem_shared>>
      tpu.enqueue_dma source(%dma_start3A_130 : memref<104x128xf32, #tpu.memory_space<vmem_shared>>) target(%dma_start3A_128 : memref<104x128xf32, #tpu.memory_space<vmem>>) target_semaphore(%run_scoped3A : memref<!tpu.dma_semaphore, #tpu.memory_space<semaphore_mem>>)
      %dma_wait3A = arith.constant 0 : i32
      %dma_wait3A_131 = arith.constant 0 : i32
      %dma_wait3A_132 = tpu.memref_slice %arg8[%dma_wait3A, %dma_wait3A_131] : memref<125x128xf32, #tpu.memory_space<vmem>> -> memref<104x128xf32, #tpu.memory_space<vmem>>
      %dma_wait3A_133 = arith.constant 0 : i32
      %dma_wait3A_134 = tpu.memref_slice %arg10[%add3A_107, %dma_wait3A_133] : memref<10000x128xf32, #tpu.memory_space<vmem_shared>> -> memref<104x128xf32, #tpu.memory_space<vmem_shared>>
      %dma_wait3A_135 = arith.constant 0 : i32
      %dma_wait3A_136 = arith.constant 0 : i32
      %dma_wait3A_137 = tpu.memref_slice %arg8[%dma_wait3A_135, %dma_wait3A_136] : memref<125x128xf32, #tpu.memory_space<vmem>> -> memref<104x128xf32, #tpu.memory_space<vmem>>
      %dma_wait3A_138 = arith.constant 0 : i32
      %dma_wait3A_139 = tpu.memref_slice %arg10[%add3A_107, %dma_wait3A_138] : memref<10000x128xf32, #tpu.memory_space<vmem_shared>> -> memref<104x128xf32, #tpu.memory_space<vmem_shared>>
      tpu.wait_dma2 semaphore(%run_scoped3A : memref<!tpu.dma_semaphore, #tpu.memory_space<semaphore_mem>>) src(%dma_wait3A_139 : memref<104x128xf32, #tpu.memory_space<vmem_shared>>) dst(%dma_wait3A_137 : memref<104x128xf32, #tpu.memory_space<vmem>>)
      tpu.yield
    }) : () -> ()
    "tpu.region"() ({
      %run_scoped3A = tpu.sem_alloc : memref<!tpu.dma_semaphore, #tpu.memory_space<semaphore_mem>>
      %dma_start3A_121 = arith.constant 0 : i32
      %dma_start3A_122 = arith.constant 0 : i32
      %dma_start3A_123 = tpu.memref_slice %arg8[%dma_start3A_121, %dma_start3A_122] : memref<125x128xf32, #tpu.memory_space<vmem>> -> memref<104x128xf32, #tpu.memory_space<vmem>>
      %dma_start3A_124 = arith.constant 0 : i32
      %dma_start3A_125 = arith.constant 0 : i32
      %dma_start3A_126 = tpu.memref_slice %arg5[%arg0, %dma_start3A_124, %dma_start3A_125] : memref<2x10000x128xf32, #tpu.memory_space<hbm>> -> memref<1x10000x128xf32, #tpu.memory_space<hbm>>
      %dma_start3A_127 = tpu.memref_squeeze %dma_start3A_126 : memref<1x10000x128xf32, #tpu.memory_space<hbm>> -> memref<10000x128xf32, #tpu.memory_space<hbm>>
      %dma_start3A_128 = arith.constant 0 : i32
      %dma_start3A_129 = tpu.memref_slice %dma_start3A_127[%add3A_107, %dma_start3A_128] : memref<10000x128xf32, #tpu.memory_space<hbm>> -> memref<104x128xf32, #tpu.memory_space<hbm>>
      %dma_start3A_130 = arith.constant 0 : i32
      %dma_start3A_131 = arith.constant 0 : i32
      %dma_start3A_132 = tpu.memref_slice %arg5[%arg0, %dma_start3A_130, %dma_start3A_131] : memref<2x10000x128xf32, #tpu.memory_space<hbm>> -> memref<1x10000x128xf32, #tpu.memory_space<hbm>>
      %dma_start3A_133 = tpu.memref_squeeze %dma_start3A_132 : memref<1x10000x128xf32, #tpu.memory_space<hbm>> -> memref<10000x128xf32, #tpu.memory_space<hbm>>
      %dma_start3A_134 = arith.constant 0 : i32
      %dma_start3A_135 = tpu.memref_slice %dma_start3A_133[%add3A_107, %dma_start3A_134] : memref<10000x128xf32, #tpu.memory_space<hbm>> -> memref<104x128xf32, #tpu.memory_space<hbm>>
      %dma_start3A_136 = arith.constant 0 : i32
      %dma_start3A_137 = arith.constant 0 : i32
      %dma_start3A_138 = tpu.memref_slice %arg8[%dma_start3A_136, %dma_start3A_137] : memref<125x128xf32, #tpu.memory_space<vmem>> -> memref<104x128xf32, #tpu.memory_space<vmem>>
      tpu.enqueue_dma source(%dma_start3A_138 : memref<104x128xf32, #tpu.memory_space<vmem>>) target(%dma_start3A_135 : memref<104x128xf32, #tpu.memory_space<hbm>>) target_semaphore(%run_scoped3A : memref<!tpu.dma_semaphore, #tpu.memory_space<semaphore_mem>>)
      %dma_wait3A = arith.constant 0 : i32
      %dma_wait3A_139 = arith.constant 0 : i32
      %dma_wait3A_140 = tpu.memref_slice %arg8[%dma_wait3A, %dma_wait3A_139] : memref<125x128xf32, #tpu.memory_space<vmem>> -> memref<104x128xf32, #tpu.memory_space<vmem>>
      %dma_wait3A_141 = arith.constant 0 : i32
      %dma_wait3A_142 = arith.constant 0 : i32
      %dma_wait3A_143 = tpu.memref_slice %arg5[%arg0, %dma_wait3A_141, %dma_wait3A_142] : memref<2x10000x128xf32, #tpu.memory_space<hbm>> -> memref<1x10000x128xf32, #tpu.memory_space<hbm>>
      %dma_wait3A_144 = tpu.memref_squeeze %dma_wait3A_143 : memref<1x10000x128xf32, #tpu.memory_space<hbm>> -> memref<10000x128xf32, #tpu.memory_space<hbm>>
      %dma_wait3A_145 = arith.constant 0 : i32
      %dma_wait3A_146 = tpu.memref_slice %dma_wait3A_144[%add3A_107, %dma_wait3A_145] : memref<10000x128xf32, #tpu.memory_space<hbm>> -> memref<104x128xf32, #tpu.memory_space<hbm>>
      %dma_wait3A_147 = arith.constant 0 : i32
      %dma_wait3A_148 = arith.constant 0 : i32
      %dma_wait3A_149 = tpu.memref_slice %arg5[%arg0, %dma_wait3A_147, %dma_wait3A_148] : memref<2x10000x128xf32, #tpu.memory_space<hbm>> -> memref<1x10000x128xf32, #tpu.memory_space<hbm>>
      %dma_wait3A_150 = tpu.memref_squeeze %dma_wait3A_149 : memref<1x10000x128xf32, #tpu.memory_space<hbm>> -> memref<10000x128xf32, #tpu.memory_space<hbm>>
      %dma_wait3A_151 = arith.constant 0 : i32
      %dma_wait3A_152 = tpu.memref_slice %dma_wait3A_150[%add3A_107, %dma_wait3A_151] : memref<10000x128xf32, #tpu.memory_space<hbm>> -> memref<104x128xf32, #tpu.memory_space<hbm>>
      %dma_wait3A_153 = arith.constant 0 : i32
      %dma_wait3A_154 = arith.constant 0 : i32
      %dma_wait3A_155 = tpu.memref_slice %arg8[%dma_wait3A_153, %dma_wait3A_154] : memref<125x128xf32, #tpu.memory_space<vmem>> -> memref<104x128xf32, #tpu.memory_space<vmem>>
      tpu.wait_dma2 semaphore(%run_scoped3A : memref<!tpu.dma_semaphore, #tpu.memory_space<semaphore_mem>>) src(%dma_wait3A_155 : memref<104x128xf32, #tpu.memory_space<vmem>>) dst(%dma_wait3A_152 : memref<104x128xf32, #tpu.memory_space<hbm>>)
      tpu.yield
    }) : () -> ()
    %mul3A_108 = arith.constant 624 : i32
    %mul3A_109 = arith.muli %arg1, %mul3A_108 : i32
    %add3A_110 = arith.constant 416 : i32
    %add3A_111 = arith.addi %mul3A_109, %add3A_110 : i32
    "tpu.region"() ({
      %run_scoped3A = tpu.sem_alloc : memref<!tpu.dma_semaphore, #tpu.memory_space<semaphore_mem>>
      %dma_start3A_121 = arith.constant 0 : i32
      %dma_start3A_122 = arith.constant 0 : i32
      %dma_start3A_123 = tpu.memref_slice %arg8[%dma_start3A_121, %dma_start3A_122] : memref<125x128xf32, #tpu.memory_space<vmem>> -> memref<104x128xf32, #tpu.memory_space<vmem>>
      %dma_start3A_124 = arith.constant 0 : i32
      %dma_start3A_125 = tpu.memref_slice %arg10[%add3A_111, %dma_start3A_124] : memref<10000x128xf32, #tpu.memory_space<vmem_shared>> -> memref<104x128xf32, #tpu.memory_space<vmem_shared>>
      %dma_start3A_126 = arith.constant 0 : i32
      %dma_start3A_127 = arith.constant 0 : i32
      %dma_start3A_128 = tpu.memref_slice %arg8[%dma_start3A_126, %dma_start3A_127] : memref<125x128xf32, #tpu.memory_space<vmem>> -> memref<104x128xf32, #tpu.memory_space<vmem>>
      %dma_start3A_129 = arith.constant 0 : i32
      %dma_start3A_130 = tpu.memref_slice %arg10[%add3A_111, %dma_start3A_129] : memref<10000x128xf32, #tpu.memory_space<vmem_shared>> -> memref<104x128xf32, #tpu.memory_space<vmem_shared>>
      tpu.enqueue_dma source(%dma_start3A_130 : memref<104x128xf32, #tpu.memory_space<vmem_shared>>) target(%dma_start3A_128 : memref<104x128xf32, #tpu.memory_space<vmem>>) target_semaphore(%run_scoped3A : memref<!tpu.dma_semaphore, #tpu.memory_space<semaphore_mem>>)
      %dma_wait3A = arith.constant 0 : i32
      %dma_wait3A_131 = arith.constant 0 : i32
      %dma_wait3A_132 = tpu.memref_slice %arg8[%dma_wait3A, %dma_wait3A_131] : memref<125x128xf32, #tpu.memory_space<vmem>> -> memref<104x128xf32, #tpu.memory_space<vmem>>
      %dma_wait3A_133 = arith.constant 0 : i32
      %dma_wait3A_134 = tpu.memref_slice %arg10[%add3A_111, %dma_wait3A_133] : memref<10000x128xf32, #tpu.memory_space<vmem_shared>> -> memref<104x128xf32, #tpu.memory_space<vmem_shared>>
      %dma_wait3A_135 = arith.constant 0 : i32
      %dma_wait3A_136 = arith.constant 0 : i32
      %dma_wait3A_137 = tpu.memref_slice %arg8[%dma_wait3A_135, %dma_wait3A_136] : memref<125x128xf32, #tpu.memory_space<vmem>> -> memref<104x128xf32, #tpu.memory_space<vmem>>
      %dma_wait3A_138 = arith.constant 0 : i32
      %dma_wait3A_139 = tpu.memref_slice %arg10[%add3A_111, %dma_wait3A_138] : memref<10000x128xf32, #tpu.memory_space<vmem_shared>> -> memref<104x128xf32, #tpu.memory_space<vmem_shared>>
      tpu.wait_dma2 semaphore(%run_scoped3A : memref<!tpu.dma_semaphore, #tpu.memory_space<semaphore_mem>>) src(%dma_wait3A_139 : memref<104x128xf32, #tpu.memory_space<vmem_shared>>) dst(%dma_wait3A_137 : memref<104x128xf32, #tpu.memory_space<vmem>>)
      tpu.yield
    }) : () -> ()
    "tpu.region"() ({
      %run_scoped3A = tpu.sem_alloc : memref<!tpu.dma_semaphore, #tpu.memory_space<semaphore_mem>>
      %dma_start3A_121 = arith.constant 0 : i32
      %dma_start3A_122 = arith.constant 0 : i32
      %dma_start3A_123 = tpu.memref_slice %arg8[%dma_start3A_121, %dma_start3A_122] : memref<125x128xf32, #tpu.memory_space<vmem>> -> memref<104x128xf32, #tpu.memory_space<vmem>>
      %dma_start3A_124 = arith.constant 0 : i32
      %dma_start3A_125 = arith.constant 0 : i32
      %dma_start3A_126 = tpu.memref_slice %arg5[%arg0, %dma_start3A_124, %dma_start3A_125] : memref<2x10000x128xf32, #tpu.memory_space<hbm>> -> memref<1x10000x128xf32, #tpu.memory_space<hbm>>
      %dma_start3A_127 = tpu.memref_squeeze %dma_start3A_126 : memref<1x10000x128xf32, #tpu.memory_space<hbm>> -> memref<10000x128xf32, #tpu.memory_space<hbm>>
      %dma_start3A_128 = arith.constant 0 : i32
      %dma_start3A_129 = tpu.memref_slice %dma_start3A_127[%add3A_111, %dma_start3A_128] : memref<10000x128xf32, #tpu.memory_space<hbm>> -> memref<104x128xf32, #tpu.memory_space<hbm>>
      %dma_start3A_130 = arith.constant 0 : i32
      %dma_start3A_131 = arith.constant 0 : i32
      %dma_start3A_132 = tpu.memref_slice %arg5[%arg0, %dma_start3A_130, %dma_start3A_131] : memref<2x10000x128xf32, #tpu.memory_space<hbm>> -> memref<1x10000x128xf32, #tpu.memory_space<hbm>>
      %dma_start3A_133 = tpu.memref_squeeze %dma_start3A_132 : memref<1x10000x128xf32, #tpu.memory_space<hbm>> -> memref<10000x128xf32, #tpu.memory_space<hbm>>
      %dma_start3A_134 = arith.constant 0 : i32
      %dma_start3A_135 = tpu.memref_slice %dma_start3A_133[%add3A_111, %dma_start3A_134] : memref<10000x128xf32, #tpu.memory_space<hbm>> -> memref<104x128xf32, #tpu.memory_space<hbm>>
      %dma_start3A_136 = arith.constant 0 : i32
      %dma_start3A_137 = arith.constant 0 : i32
      %dma_start3A_138 = tpu.memref_slice %arg8[%dma_start3A_136, %dma_start3A_137] : memref<125x128xf32, #tpu.memory_space<vmem>> -> memref<104x128xf32, #tpu.memory_space<vmem>>
      tpu.enqueue_dma source(%dma_start3A_138 : memref<104x128xf32, #tpu.memory_space<vmem>>) target(%dma_start3A_135 : memref<104x128xf32, #tpu.memory_space<hbm>>) target_semaphore(%run_scoped3A : memref<!tpu.dma_semaphore, #tpu.memory_space<semaphore_mem>>)
      %dma_wait3A = arith.constant 0 : i32
      %dma_wait3A_139 = arith.constant 0 : i32
      %dma_wait3A_140 = tpu.memref_slice %arg8[%dma_wait3A, %dma_wait3A_139] : memref<125x128xf32, #tpu.memory_space<vmem>> -> memref<104x128xf32, #tpu.memory_space<vmem>>
      %dma_wait3A_141 = arith.constant 0 : i32
      %dma_wait3A_142 = arith.constant 0 : i32
      %dma_wait3A_143 = tpu.memref_slice %arg5[%arg0, %dma_wait3A_141, %dma_wait3A_142] : memref<2x10000x128xf32, #tpu.memory_space<hbm>> -> memref<1x10000x128xf32, #tpu.memory_space<hbm>>
      %dma_wait3A_144 = tpu.memref_squeeze %dma_wait3A_143 : memref<1x10000x128xf32, #tpu.memory_space<hbm>> -> memref<10000x128xf32, #tpu.memory_space<hbm>>
      %dma_wait3A_145 = arith.constant 0 : i32
      %dma_wait3A_146 = tpu.memref_slice %dma_wait3A_144[%add3A_111, %dma_wait3A_145] : memref<10000x128xf32, #tpu.memory_space<hbm>> -> memref<104x128xf32, #tpu.memory_space<hbm>>
      %dma_wait3A_147 = arith.constant 0 : i32
      %dma_wait3A_148 = arith.constant 0 : i32
      %dma_wait3A_149 = tpu.memref_slice %arg5[%arg0, %dma_wait3A_147, %dma_wait3A_148] : memref<2x10000x128xf32, #tpu.memory_space<hbm>> -> memref<1x10000x128xf32, #tpu.memory_space<hbm>>
      %dma_wait3A_150 = tpu.memref_squeeze %dma_wait3A_149 : memref<1x10000x128xf32, #tpu.memory_space<hbm>> -> memref<10000x128xf32, #tpu.memory_space<hbm>>
      %dma_wait3A_151 = arith.constant 0 : i32
      %dma_wait3A_152 = tpu.memref_slice %dma_wait3A_150[%add3A_111, %dma_wait3A_151] : memref<10000x128xf32, #tpu.memory_space<hbm>> -> memref<104x128xf32, #tpu.memory_space<hbm>>
      %dma_wait3A_153 = arith.constant 0 : i32
      %dma_wait3A_154 = arith.constant 0 : i32
      %dma_wait3A_155 = tpu.memref_slice %arg8[%dma_wait3A_153, %dma_wait3A_154] : memref<125x128xf32, #tpu.memory_space<vmem>> -> memref<104x128xf32, #tpu.memory_space<vmem>>
      tpu.wait_dma2 semaphore(%run_scoped3A : memref<!tpu.dma_semaphore, #tpu.memory_space<semaphore_mem>>) src(%dma_wait3A_155 : memref<104x128xf32, #tpu.memory_space<vmem>>) dst(%dma_wait3A_152 : memref<104x128xf32, #tpu.memory_space<hbm>>)
      tpu.yield
    }) : () -> ()
    %mul3A_112 = arith.constant 624 : i32
    %mul3A_113 = arith.muli %arg1, %mul3A_112 : i32
    %add3A_114 = arith.constant 520 : i32
    %add3A_115 = arith.addi %mul3A_113, %add3A_114 : i32
    "tpu.region"() ({
      %run_scoped3A = tpu.sem_alloc : memref<!tpu.dma_semaphore, #tpu.memory_space<semaphore_mem>>
      %dma_start3A_121 = arith.constant 0 : i32
      %dma_start3A_122 = arith.constant 0 : i32
      %dma_start3A_123 = tpu.memref_slice %arg8[%dma_start3A_121, %dma_start3A_122] : memref<125x128xf32, #tpu.memory_space<vmem>> -> memref<104x128xf32, #tpu.memory_space<vmem>>
      %dma_start3A_124 = arith.constant 0 : i32
      %dma_start3A_125 = tpu.memref_slice %arg10[%add3A_115, %dma_start3A_124] : memref<10000x128xf32, #tpu.memory_space<vmem_shared>> -> memref<104x128xf32, #tpu.memory_space<vmem_shared>>
      %dma_start3A_126 = arith.constant 0 : i32
      %dma_start3A_127 = arith.constant 0 : i32
      %dma_start3A_128 = tpu.memref_slice %arg8[%dma_start3A_126, %dma_start3A_127] : memref<125x128xf32, #tpu.memory_space<vmem>> -> memref<104x128xf32, #tpu.memory_space<vmem>>
      %dma_start3A_129 = arith.constant 0 : i32
      %dma_start3A_130 = tpu.memref_slice %arg10[%add3A_115, %dma_start3A_129] : memref<10000x128xf32, #tpu.memory_space<vmem_shared>> -> memref<104x128xf32, #tpu.memory_space<vmem_shared>>
      tpu.enqueue_dma source(%dma_start3A_130 : memref<104x128xf32, #tpu.memory_space<vmem_shared>>) target(%dma_start3A_128 : memref<104x128xf32, #tpu.memory_space<vmem>>) target_semaphore(%run_scoped3A : memref<!tpu.dma_semaphore, #tpu.memory_space<semaphore_mem>>)
      %dma_wait3A = arith.constant 0 : i32
      %dma_wait3A_131 = arith.constant 0 : i32
      %dma_wait3A_132 = tpu.memref_slice %arg8[%dma_wait3A, %dma_wait3A_131] : memref<125x128xf32, #tpu.memory_space<vmem>> -> memref<104x128xf32, #tpu.memory_space<vmem>>
      %dma_wait3A_133 = arith.constant 0 : i32
      %dma_wait3A_134 = tpu.memref_slice %arg10[%add3A_115, %dma_wait3A_133] : memref<10000x128xf32, #tpu.memory_space<vmem_shared>> -> memref<104x128xf32, #tpu.memory_space<vmem_shared>>
      %dma_wait3A_135 = arith.constant 0 : i32
      %dma_wait3A_136 = arith.constant 0 : i32
      %dma_wait3A_137 = tpu.memref_slice %arg8[%dma_wait3A_135, %dma_wait3A_136] : memref<125x128xf32, #tpu.memory_space<vmem>> -> memref<104x128xf32, #tpu.memory_space<vmem>>
      %dma_wait3A_138 = arith.constant 0 : i32
      %dma_wait3A_139 = tpu.memref_slice %arg10[%add3A_115, %dma_wait3A_138] : memref<10000x128xf32, #tpu.memory_space<vmem_shared>> -> memref<104x128xf32, #tpu.memory_space<vmem_shared>>
      tpu.wait_dma2 semaphore(%run_scoped3A : memref<!tpu.dma_semaphore, #tpu.memory_space<semaphore_mem>>) src(%dma_wait3A_139 : memref<104x128xf32, #tpu.memory_space<vmem_shared>>) dst(%dma_wait3A_137 : memref<104x128xf32, #tpu.memory_space<vmem>>)
      tpu.yield
    }) : () -> ()
    "tpu.region"() ({
      %run_scoped3A = tpu.sem_alloc : memref<!tpu.dma_semaphore, #tpu.memory_space<semaphore_mem>>
      %dma_start3A_121 = arith.constant 0 : i32
      %dma_start3A_122 = arith.constant 0 : i32
      %dma_start3A_123 = tpu.memref_slice %arg8[%dma_start3A_121, %dma_start3A_122] : memref<125x128xf32, #tpu.memory_space<vmem>> -> memref<104x128xf32, #tpu.memory_space<vmem>>
      %dma_start3A_124 = arith.constant 0 : i32
      %dma_start3A_125 = arith.constant 0 : i32
      %dma_start3A_126 = tpu.memref_slice %arg5[%arg0, %dma_start3A_124, %dma_start3A_125] : memref<2x10000x128xf32, #tpu.memory_space<hbm>> -> memref<1x10000x128xf32, #tpu.memory_space<hbm>>
      %dma_start3A_127 = tpu.memref_squeeze %dma_start3A_126 : memref<1x10000x128xf32, #tpu.memory_space<hbm>> -> memref<10000x128xf32, #tpu.memory_space<hbm>>
      %dma_start3A_128 = arith.constant 0 : i32
      %dma_start3A_129 = tpu.memref_slice %dma_start3A_127[%add3A_115, %dma_start3A_128] : memref<10000x128xf32, #tpu.memory_space<hbm>> -> memref<104x128xf32, #tpu.memory_space<hbm>>
      %dma_start3A_130 = arith.constant 0 : i32
      %dma_start3A_131 = arith.constant 0 : i32
      %dma_start3A_132 = tpu.memref_slice %arg5[%arg0, %dma_start3A_130, %dma_start3A_131] : memref<2x10000x128xf32, #tpu.memory_space<hbm>> -> memref<1x10000x128xf32, #tpu.memory_space<hbm>>
      %dma_start3A_133 = tpu.memref_squeeze %dma_start3A_132 : memref<1x10000x128xf32, #tpu.memory_space<hbm>> -> memref<10000x128xf32, #tpu.memory_space<hbm>>
      %dma_start3A_134 = arith.constant 0 : i32
      %dma_start3A_135 = tpu.memref_slice %dma_start3A_133[%add3A_115, %dma_start3A_134] : memref<10000x128xf32, #tpu.memory_space<hbm>> -> memref<104x128xf32, #tpu.memory_space<hbm>>
      %dma_start3A_136 = arith.constant 0 : i32
      %dma_start3A_137 = arith.constant 0 : i32
      %dma_start3A_138 = tpu.memref_slice %arg8[%dma_start3A_136, %dma_start3A_137] : memref<125x128xf32, #tpu.memory_space<vmem>> -> memref<104x128xf32, #tpu.memory_space<vmem>>
      tpu.enqueue_dma source(%dma_start3A_138 : memref<104x128xf32, #tpu.memory_space<vmem>>) target(%dma_start3A_135 : memref<104x128xf32, #tpu.memory_space<hbm>>) target_semaphore(%run_scoped3A : memref<!tpu.dma_semaphore, #tpu.memory_space<semaphore_mem>>)
      %dma_wait3A = arith.constant 0 : i32
      %dma_wait3A_139 = arith.constant 0 : i32
      %dma_wait3A_140 = tpu.memref_slice %arg8[%dma_wait3A, %dma_wait3A_139] : memref<125x128xf32, #tpu.memory_space<vmem>> -> memref<104x128xf32, #tpu.memory_space<vmem>>
      %dma_wait3A_141 = arith.constant 0 : i32
      %dma_wait3A_142 = arith.constant 0 : i32
      %dma_wait3A_143 = tpu.memref_slice %arg5[%arg0, %dma_wait3A_141, %dma_wait3A_142] : memref<2x10000x128xf32, #tpu.memory_space<hbm>> -> memref<1x10000x128xf32, #tpu.memory_space<hbm>>
      %dma_wait3A_144 = tpu.memref_squeeze %dma_wait3A_143 : memref<1x10000x128xf32, #tpu.memory_space<hbm>> -> memref<10000x128xf32, #tpu.memory_space<hbm>>
      %dma_wait3A_145 = arith.constant 0 : i32
      %dma_wait3A_146 = tpu.memref_slice %dma_wait3A_144[%add3A_115, %dma_wait3A_145] : memref<10000x128xf32, #tpu.memory_space<hbm>> -> memref<104x128xf32, #tpu.memory_space<hbm>>
      %dma_wait3A_147 = arith.constant 0 : i32
      %dma_wait3A_148 = arith.constant 0 : i32
      %dma_wait3A_149 = tpu.memref_slice %arg5[%arg0, %dma_wait3A_147, %dma_wait3A_148] : memref<2x10000x128xf32, #tpu.memory_space<hbm>> -> memref<1x10000x128xf32, #tpu.memory_space<hbm>>
      %dma_wait3A_150 = tpu.memref_squeeze %dma_wait3A_149 : memref<1x10000x128xf32, #tpu.memory_space<hbm>> -> memref<10000x128xf32, #tpu.memory_space<hbm>>
      %dma_wait3A_151 = arith.constant 0 : i32
      %dma_wait3A_152 = tpu.memref_slice %dma_wait3A_150[%add3A_115, %dma_wait3A_151] : memref<10000x128xf32, #tpu.memory_space<hbm>> -> memref<104x128xf32, #tpu.memory_space<hbm>>
      %dma_wait3A_153 = arith.constant 0 : i32
      %dma_wait3A_154 = arith.constant 0 : i32
      %dma_wait3A_155 = tpu.memref_slice %arg8[%dma_wait3A_153, %dma_wait3A_154] : memref<125x128xf32, #tpu.memory_space<vmem>> -> memref<104x128xf32, #tpu.memory_space<vmem>>
      tpu.wait_dma2 semaphore(%run_scoped3A : memref<!tpu.dma_semaphore, #tpu.memory_space<semaphore_mem>>) src(%dma_wait3A_155 : memref<104x128xf32, #tpu.memory_space<vmem>>) dst(%dma_wait3A_152 : memref<104x128xf32, #tpu.memory_space<hbm>>)
      tpu.yield
    }) : () -> ()
    %eq3A_116 = arith.constant 0 : i32
    %eq3A_117 = arith.cmpi eq, %arg1, %eq3A_116 : i32
    %convert_element_type3A_118 = arith.extui %eq3A_117 : i1 to i32
    %cond3A_119 = arith.constant 0 : i32
    %cond3A_120 = arith.cmpi ne, %convert_element_type3A_118, %cond3A_119 : i32
    scf.if %cond3A_120 {
      "tpu.region"() ({
        %run_scoped3A = tpu.sem_alloc : memref<!tpu.dma_semaphore, #tpu.memory_space<semaphore_mem>>
        %dma_start3A_121 = arith.constant 0 : i32
        %dma_start3A_122 = arith.constant 0 : i32
        %dma_start3A_123 = tpu.memref_slice %arg8[%dma_start3A_121, %dma_start3A_122] : memref<125x128xf32, #tpu.memory_space<vmem>> -> memref<16x128xf32, #tpu.memory_space<vmem>>
        %dma_start3A_124 = arith.constant 9984 : i32
        %dma_start3A_125 = arith.constant 0 : i32
        %dma_start3A_126 = tpu.memref_slice %arg10[%dma_start3A_124, %dma_start3A_125] : memref<10000x128xf32, #tpu.memory_space<vmem_shared>> -> memref<16x128xf32, #tpu.memory_space<vmem_shared>>
        %dma_start3A_127 = arith.constant 0 : i32
        %dma_start3A_128 = arith.constant 0 : i32
        %dma_start3A_129 = tpu.memref_slice %arg8[%dma_start3A_127, %dma_start3A_128] : memref<125x128xf32, #tpu.memory_space<vmem>> -> memref<16x128xf32, #tpu.memory_space<vmem>>
        %dma_start3A_130 = arith.constant 9984 : i32
        %dma_start3A_131 = arith.constant 0 : i32
        %dma_start3A_132 = tpu.memref_slice %arg10[%dma_start3A_130, %dma_start3A_131] : memref<10000x128xf32, #tpu.memory_space<vmem_shared>> -> memref<16x128xf32, #tpu.memory_space<vmem_shared>>
        tpu.enqueue_dma source(%dma_start3A_132 : memref<16x128xf32, #tpu.memory_space<vmem_shared>>) target(%dma_start3A_129 : memref<16x128xf32, #tpu.memory_space<vmem>>) target_semaphore(%run_scoped3A : memref<!tpu.dma_semaphore, #tpu.memory_space<semaphore_mem>>)
        %dma_wait3A = arith.constant 0 : i32
        %dma_wait3A_133 = arith.constant 0 : i32
        %dma_wait3A_134 = tpu.memref_slice %arg8[%dma_wait3A, %dma_wait3A_133] : memref<125x128xf32, #tpu.memory_space<vmem>> -> memref<16x128xf32, #tpu.memory_space<vmem>>
        %dma_wait3A_135 = arith.constant 9984 : i32
        %dma_wait3A_136 = arith.constant 0 : i32
        %dma_wait3A_137 = tpu.memref_slice %arg10[%dma_wait3A_135, %dma_wait3A_136] : memref<10000x128xf32, #tpu.memory_space<vmem_shared>> -> memref<16x128xf32, #tpu.memory_space<vmem_shared>>
        %dma_wait3A_138 = arith.constant 0 : i32
        %dma_wait3A_139 = arith.constant 0 : i32
        %dma_wait3A_140 = tpu.memref_slice %arg8[%dma_wait3A_138, %dma_wait3A_139] : memref<125x128xf32, #tpu.memory_space<vmem>> -> memref<16x128xf32, #tpu.memory_space<vmem>>
        %dma_wait3A_141 = arith.constant 9984 : i32
        %dma_wait3A_142 = arith.constant 0 : i32
        %dma_wait3A_143 = tpu.memref_slice %arg10[%dma_wait3A_141, %dma_wait3A_142] : memref<10000x128xf32, #tpu.memory_space<vmem_shared>> -> memref<16x128xf32, #tpu.memory_space<vmem_shared>>
        tpu.wait_dma2 semaphore(%run_scoped3A : memref<!tpu.dma_semaphore, #tpu.memory_space<semaphore_mem>>) src(%dma_wait3A_143 : memref<16x128xf32, #tpu.memory_space<vmem_shared>>) dst(%dma_wait3A_140 : memref<16x128xf32, #tpu.memory_space<vmem>>)
        tpu.yield
      }) : () -> ()
      "tpu.region"() ({
        %run_scoped3A = tpu.sem_alloc : memref<!tpu.dma_semaphore, #tpu.memory_space<semaphore_mem>>
        %dma_start3A_121 = arith.constant 0 : i32
        %dma_start3A_122 = arith.constant 0 : i32
        %dma_start3A_123 = tpu.memref_slice %arg8[%dma_start3A_121, %dma_start3A_122] : memref<125x128xf32, #tpu.memory_space<vmem>> -> memref<16x128xf32, #tpu.memory_space<vmem>>
        %dma_start3A_124 = arith.constant 0 : i32
        %dma_start3A_125 = arith.constant 0 : i32
        %dma_start3A_126 = tpu.memref_slice %arg5[%arg0, %dma_start3A_124, %dma_start3A_125] : memref<2x10000x128xf32, #tpu.memory_space<hbm>> -> memref<1x10000x128xf32, #tpu.memory_space<hbm>>
        %dma_start3A_127 = tpu.memref_squeeze %dma_start3A_126 : memref<1x10000x128xf32, #tpu.memory_space<hbm>> -> memref<10000x128xf32, #tpu.memory_space<hbm>>
        %dma_start3A_128 = arith.constant 9984 : i32
        %dma_start3A_129 = arith.constant 0 : i32
        %dma_start3A_130 = tpu.memref_slice %dma_start3A_127[%dma_start3A_128, %dma_start3A_129] : memref<10000x128xf32, #tpu.memory_space<hbm>> -> memref<16x128xf32, #tpu.memory_space<hbm>>
        %dma_start3A_131 = arith.constant 0 : i32
        %dma_start3A_132 = arith.constant 0 : i32
        %dma_start3A_133 = tpu.memref_slice %arg5[%arg0, %dma_start3A_131, %dma_start3A_132] : memref<2x10000x128xf32, #tpu.memory_space<hbm>> -> memref<1x10000x128xf32, #tpu.memory_space<hbm>>
        %dma_start3A_134 = tpu.memref_squeeze %dma_start3A_133 : memref<1x10000x128xf32, #tpu.memory_space<hbm>> -> memref<10000x128xf32, #tpu.memory_space<hbm>>
        %dma_start3A_135 = arith.constant 9984 : i32
        %dma_start3A_136 = arith.constant 0 : i32
        %dma_start3A_137 = tpu.memref_slice %dma_start3A_134[%dma_start3A_135, %dma_start3A_136] : memref<10000x128xf32, #tpu.memory_space<hbm>> -> memref<16x128xf32, #tpu.memory_space<hbm>>
        %dma_start3A_138 = arith.constant 0 : i32
        %dma_start3A_139 = arith.constant 0 : i32
        %dma_start3A_140 = tpu.memref_slice %arg8[%dma_start3A_138, %dma_start3A_139] : memref<125x128xf32, #tpu.memory_space<vmem>> -> memref<16x128xf32, #tpu.memory_space<vmem>>
        tpu.enqueue_dma source(%dma_start3A_140 : memref<16x128xf32, #tpu.memory_space<vmem>>) target(%dma_start3A_137 : memref<16x128xf32, #tpu.memory_space<hbm>>) target_semaphore(%run_scoped3A : memref<!tpu.dma_semaphore, #tpu.memory_space<semaphore_mem>>)
        %dma_wait3A = arith.constant 0 : i32
        %dma_wait3A_141 = arith.constant 0 : i32
        %dma_wait3A_142 = tpu.memref_slice %arg8[%dma_wait3A, %dma_wait3A_141] : memref<125x128xf32, #tpu.memory_space<vmem>> -> memref<16x128xf32, #tpu.memory_space<vmem>>
        %dma_wait3A_143 = arith.constant 0 : i32
        %dma_wait3A_144 = arith.constant 0 : i32
        %dma_wait3A_145 = tpu.memref_slice %arg5[%arg0, %dma_wait3A_143, %dma_wait3A_144] : memref<2x10000x128xf32, #tpu.memory_space<hbm>> -> memref<1x10000x128xf32, #tpu.memory_space<hbm>>
        %dma_wait3A_146 = tpu.memref_squeeze %dma_wait3A_145 : memref<1x10000x128xf32, #tpu.memory_space<hbm>> -> memref<10000x128xf32, #tpu.memory_space<hbm>>
        %dma_wait3A_147 = arith.constant 9984 : i32
        %dma_wait3A_148 = arith.constant 0 : i32
        %dma_wait3A_149 = tpu.memref_slice %dma_wait3A_146[%dma_wait3A_147, %dma_wait3A_148] : memref<10000x128xf32, #tpu.memory_space<hbm>> -> memref<16x128xf32, #tpu.memory_space<hbm>>
        %dma_wait3A_150 = arith.constant 0 : i32
        %dma_wait3A_151 = arith.constant 0 : i32
        %dma_wait3A_152 = tpu.memref_slice %arg5[%arg0, %dma_wait3A_150, %dma_wait3A_151] : memref<2x10000x128xf32, #tpu.memory_space<hbm>> -> memref<1x10000x128xf32, #tpu.memory_space<hbm>>
        %dma_wait3A_153 = tpu.memref_squeeze %dma_wait3A_152 : memref<1x10000x128xf32, #tpu.memory_space<hbm>> -> memref<10000x128xf32, #tpu.memory_space<hbm>>
        %dma_wait3A_154 = arith.constant 9984 : i32
        %dma_wait3A_155 = arith.constant 0 : i32
        %dma_wait3A_156 = tpu.memref_slice %dma_wait3A_153[%dma_wait3A_154, %dma_wait3A_155] : memref<10000x128xf32, #tpu.memory_space<hbm>> -> memref<16x128xf32, #tpu.memory_space<hbm>>
        %dma_wait3A_157 = arith.constant 0 : i32
        %dma_wait3A_158 = arith.constant 0 : i32
        %dma_wait3A_159 = tpu.memref_slice %arg8[%dma_wait3A_157, %dma_wait3A_158] : memref<125x128xf32, #tpu.memory_space<vmem>> -> memref<16x128xf32, #tpu.memory_space<vmem>>
        tpu.wait_dma2 semaphore(%run_scoped3A : memref<!tpu.dma_semaphore, #tpu.memory_space<semaphore_mem>>) src(%dma_wait3A_159 : memref<16x128xf32, #tpu.memory_space<vmem>>) dst(%dma_wait3A_156 : memref<16x128xf32, #tpu.memory_space<hbm>>)
        tpu.yield
      }) : () -> ()
    } else {
    }
    return
  }
}

#map = affine_map<(d0, d1) -> (0, 0)>
#map1 = affine_map<(d0, d1) -> (0, 0, 0)>
module attributes {stable_mosaic.version = 14 : i64} {
  func.func @agg(%arg0: i32, %arg1: i32, %arg2: memref<10000x128xf32, #tpu.memory_space<hbm>>, %arg3: memref<1280x125xi32, #tpu.memory_space<hbm>>, %arg4: memref<1280x125xi32, #tpu.memory_space<hbm>>, %arg5: memref<2x10000x128xf32, #tpu.memory_space<hbm>>, %arg6: memref<40x125xi32, #tpu.memory_space<vmem>>, %arg7: memref<40x125xi32, #tpu.memory_space<vmem>>, %arg8: memref<125x128xf32, #tpu.memory_space<vmem>>, %arg9: memref<125x128xf32, #tpu.memory_space<vmem>>, %arg10: memref<10000x128xf32, #tpu.memory_space<vmem_shared>>, %arg11: memref<!tpu.dma_semaphore, #tpu.memory_space<semaphore_mem>>, %arg12: memref<!tpu.dma_semaphore, #tpu.memory_space<semaphore_mem>>, %arg13: memref<!tpu.dma_semaphore, #tpu.memory_space<semaphore_mem>>, %arg14: memref<!tpu.dma_semaphore, #tpu.memory_space<semaphore_mem>>) attributes {dimension_semantics = [#tpu.dimension_semantics<core_parallel>, #tpu.dimension_semantics<subcore_parallel>], iteration_bounds = array<i64: 2, 16>, scalar_prefetch = 0 : i64, scratch_operands = 9 : i64, tpu.core_type = #tpu.core_type<sc_vector_subcore>, window_params = [{transform_indices = #map}, {transform_indices = #map}, {transform_indices = #map}, {transform_indices = #map1}]} {
    %scan3A = arith.constant 0 : i32
    %scan3A_0 = arith.constant 125 : i32
    %scan3A_1 = arith.addi %scan3A, %scan3A_0 : i32
    %scan3A_2 = arith.constant 1 : i32
    scf.for %scan3A_85 = %scan3A to %scan3A_1 step %scan3A_2  : i32 {
      %mul3A_86 = arith.constant 1 : i32
      %mul3A_87 = arith.muli %scan3A_85, %mul3A_86 : i32
      %add3A_88 = arith.constant 0 : i32
      %add3A_89 = arith.addi %add3A_88, %mul3A_87 : i32
      %scan3A_90 = arith.constant 0 : i32
      %scan3A_91 = arith.constant 8 : i32
      %scan3A_92 = arith.addi %scan3A_90, %scan3A_91 : i32
      %scan3A_93 = arith.constant 1 : i32
      scf.for %scan3A_95 = %scan3A_90 to %scan3A_92 step %scan3A_93  : i32 {
        %mul3A_96 = arith.constant 16 : i32
        %mul3A_97 = arith.muli %scan3A_95, %mul3A_96 : i32
        %add3A_98 = arith.constant 0 : i32
        %add3A_99 = arith.addi %add3A_98, %mul3A_97 : i32
        %broadcast_in_dim3A = arith.constant 0.000000e+00 : f32
        %broadcast_in_dim3A_100 = vector.broadcast %broadcast_in_dim3A : f32 to vector<16xf32>
        %swap3A = arith.index_cast %add3A_89 : i32 to index
        %swap3A_101 = arith.index_cast %add3A_99 : i32 to index
        %swap3A_102 = tpu.vector_load %arg8[%swap3A, %swap3A_101] {strides = array<i32>} : memref<125x128xf32, #tpu.memory_space<vmem>>, vector<1x16xf32>,
        %swap3A_103 = vector.shape_cast %swap3A_102 : vector<1x16xf32> to vector<16xf32>
        %swap3A_104 = vector.shape_cast %broadcast_in_dim3A_100 : vector<16xf32> to vector<1x16xf32>
        tpu.vector_store %arg8[%swap3A, %swap3A_101], %swap3A_104 {strides = array<i32>} : memref<125x128xf32, #tpu.memory_space<vmem>>, vector<1x16xf32>,
      }
      %scan3A_94 = arith.constant 8 : i32
    }
    %scan3A_3 = arith.constant 125 : i32
    %mul3A = arith.constant 624 : i32
    %mul3A_4 = arith.muli %arg1, %mul3A : i32
    %add3A = arith.constant 0 : i32
    %add3A_5 = arith.addi %mul3A_4, %add3A : i32
    "tpu.region"() ({
      %run_scoped3A = tpu.sem_alloc : memref<!tpu.dma_semaphore, #tpu.memory_space<semaphore_mem>>
      %dma_start3A_85 = arith.constant 0 : i32
      %dma_start3A_86 = arith.constant 0 : i32
      %dma_start3A_87 = tpu.memref_slice %arg8[%dma_start3A_85, %dma_start3A_86] : memref<125x128xf32, #tpu.memory_space<vmem>> -> memref<104x128xf32, #tpu.memory_space<vmem>>
      %dma_start3A_88 = arith.constant 0 : i32
      %dma_start3A_89 = tpu.memref_slice %arg10[%add3A_5, %dma_start3A_88] : memref<10000x128xf32, #tpu.memory_space<vmem_shared>> -> memref<104x128xf32, #tpu.memory_space<vmem_shared>>
      %dma_start3A_90 = arith.constant 0 : i32
      %dma_start3A_91 = tpu.memref_slice %arg10[%add3A_5, %dma_start3A_90] : memref<10000x128xf32, #tpu.memory_space<vmem_shared>> -> memref<104x128xf32, #tpu.memory_space<vmem_shared>>
      %dma_start3A_92 = arith.constant 0 : i32
      %dma_start3A_93 = arith.constant 0 : i32
      %dma_start3A_94 = tpu.memref_slice %arg8[%dma_start3A_92, %dma_start3A_93] : memref<125x128xf32, #tpu.memory_space<vmem>> -> memref<104x128xf32, #tpu.memory_space<vmem>>
      tpu.enqueue_dma source(%dma_start3A_94 : memref<104x128xf32, #tpu.memory_space<vmem>>) target(%dma_start3A_91 : memref<104x128xf32, #tpu.memory_space<vmem_shared>>) target_semaphore(%run_scoped3A : memref<!tpu.dma_semaphore, #tpu.memory_space<semaphore_mem>>)
      %dma_wait3A = arith.constant 0 : i32
      %dma_wait3A_95 = arith.constant 0 : i32
      %dma_wait3A_96 = tpu.memref_slice %arg8[%dma_wait3A, %dma_wait3A_95] : memref<125x128xf32, #tpu.memory_space<vmem>> -> memref<104x128xf32, #tpu.memory_space<vmem>>
      %dma_wait3A_97 = arith.constant 0 : i32
      %dma_wait3A_98 = tpu.memref_slice %arg10[%add3A_5, %dma_wait3A_97] : memref<10000x128xf32, #tpu.memory_space<vmem_shared>> -> memref<104x128xf32, #tpu.memory_space<vmem_shared>>
      %dma_wait3A_99 = arith.constant 0 : i32
      %dma_wait3A_100 = tpu.memref_slice %arg10[%add3A_5, %dma_wait3A_99] : memref<10000x128xf32, #tpu.memory_space<vmem_shared>> -> memref<104x128xf32, #tpu.memory_space<vmem_shared>>
      %dma_wait3A_101 = arith.constant 0 : i32
      %dma_wait3A_102 = arith.constant 0 : i32
      %dma_wait3A_103 = tpu.memref_slice %arg8[%dma_wait3A_101, %dma_wait3A_102] : memref<125x128xf32, #tpu.memory_space<vmem>> -> memref<104x128xf32, #tpu.memory_space<vmem>>
      tpu.wait_dma2 semaphore(%run_scoped3A : memref<!tpu.dma_semaphore, #tpu.memory_space<semaphore_mem>>) src(%dma_wait3A_103 : memref<104x128xf32, #tpu.memory_space<vmem>>) dst(%dma_wait3A_100 : memref<104x128xf32, #tpu.memory_space<vmem_shared>>)
      tpu.yield
    }) : () -> ()
    %mul3A_6 = arith.constant 624 : i32
    %mul3A_7 = arith.muli %arg1, %mul3A_6 : i32
    %add3A_8 = arith.constant 104 : i32
    %add3A_9 = arith.addi %mul3A_7, %add3A_8 : i32
    "tpu.region"() ({
      %run_scoped3A = tpu.sem_alloc : memref<!tpu.dma_semaphore, #tpu.memory_space<semaphore_mem>>
      %dma_start3A_85 = arith.constant 0 : i32
      %dma_start3A_86 = arith.constant 0 : i32
      %dma_start3A_87 = tpu.memref_slice %arg8[%dma_start3A_85, %dma_start3A_86] : memref<125x128xf32, #tpu.memory_space<vmem>> -> memref<104x128xf32, #tpu.memory_space<vmem>>
      %dma_start3A_88 = arith.constant 0 : i32
      %dma_start3A_89 = tpu.memref_slice %arg10[%add3A_9, %dma_start3A_88] : memref<10000x128xf32, #tpu.memory_space<vmem_shared>> -> memref<104x128xf32, #tpu.memory_space<vmem_shared>>
      %dma_start3A_90 = arith.constant 0 : i32
      %dma_start3A_91 = tpu.memref_slice %arg10[%add3A_9, %dma_start3A_90] : memref<10000x128xf32, #tpu.memory_space<vmem_shared>> -> memref<104x128xf32, #tpu.memory_space<vmem_shared>>
      %dma_start3A_92 = arith.constant 0 : i32
      %dma_start3A_93 = arith.constant 0 : i32
      %dma_start3A_94 = tpu.memref_slice %arg8[%dma_start3A_92, %dma_start3A_93] : memref<125x128xf32, #tpu.memory_space<vmem>> -> memref<104x128xf32, #tpu.memory_space<vmem>>
      tpu.enqueue_dma source(%dma_start3A_94 : memref<104x128xf32, #tpu.memory_space<vmem>>) target(%dma_start3A_91 : memref<104x128xf32, #tpu.memory_space<vmem_shared>>) target_semaphore(%run_scoped3A : memref<!tpu.dma_semaphore, #tpu.memory_space<semaphore_mem>>)
      %dma_wait3A = arith.constant 0 : i32
      %dma_wait3A_95 = arith.constant 0 : i32
      %dma_wait3A_96 = tpu.memref_slice %arg8[%dma_wait3A, %dma_wait3A_95] : memref<125x128xf32, #tpu.memory_space<vmem>> -> memref<104x128xf32, #tpu.memory_space<vmem>>
      %dma_wait3A_97 = arith.constant 0 : i32
      %dma_wait3A_98 = tpu.memref_slice %arg10[%add3A_9, %dma_wait3A_97] : memref<10000x128xf32, #tpu.memory_space<vmem_shared>> -> memref<104x128xf32, #tpu.memory_space<vmem_shared>>
      %dma_wait3A_99 = arith.constant 0 : i32
      %dma_wait3A_100 = tpu.memref_slice %arg10[%add3A_9, %dma_wait3A_99] : memref<10000x128xf32, #tpu.memory_space<vmem_shared>> -> memref<104x128xf32, #tpu.memory_space<vmem_shared>>
      %dma_wait3A_101 = arith.constant 0 : i32
      %dma_wait3A_102 = arith.constant 0 : i32
      %dma_wait3A_103 = tpu.memref_slice %arg8[%dma_wait3A_101, %dma_wait3A_102] : memref<125x128xf32, #tpu.memory_space<vmem>> -> memref<104x128xf32, #tpu.memory_space<vmem>>
      tpu.wait_dma2 semaphore(%run_scoped3A : memref<!tpu.dma_semaphore, #tpu.memory_space<semaphore_mem>>) src(%dma_wait3A_103 : memref<104x128xf32, #tpu.memory_space<vmem>>) dst(%dma_wait3A_100 : memref<104x128xf32, #tpu.memory_space<vmem_shared>>)
      tpu.yield
    }) : () -> ()
    %mul3A_10 = arith.constant 624 : i32
    %mul3A_11 = arith.muli %arg1, %mul3A_10 : i32
    %add3A_12 = arith.constant 208 : i32
    %add3A_13 = arith.addi %mul3A_11, %add3A_12 : i32
    "tpu.region"() ({
      %run_scoped3A = tpu.sem_alloc : memref<!tpu.dma_semaphore, #tpu.memory_space<semaphore_mem>>
      %dma_start3A_85 = arith.constant 0 : i32
      %dma_start3A_86 = arith.constant 0 : i32
      %dma_start3A_87 = tpu.memref_slice %arg8[%dma_start3A_85, %dma_start3A_86] : memref<125x128xf32, #tpu.memory_space<vmem>> -> memref<104x128xf32, #tpu.memory_space<vmem>>
      %dma_start3A_88 = arith.constant 0 : i32
      %dma_start3A_89 = tpu.memref_slice %arg10[%add3A_13, %dma_start3A_88] : memref<10000x128xf32, #tpu.memory_space<vmem_shared>> -> memref<104x128xf32, #tpu.memory_space<vmem_shared>>
      %dma_start3A_90 = arith.constant 0 : i32
      %dma_start3A_91 = tpu.memref_slice %arg10[%add3A_13, %dma_start3A_90] : memref<10000x128xf32, #tpu.memory_space<vmem_shared>> -> memref<104x128xf32, #tpu.memory_space<vmem_shared>>
      %dma_start3A_92 = arith.constant 0 : i32
      %dma_start3A_93 = arith.constant 0 : i32
      %dma_start3A_94 = tpu.memref_slice %arg8[%dma_start3A_92, %dma_start3A_93] : memref<125x128xf32, #tpu.memory_space<vmem>> -> memref<104x128xf32, #tpu.memory_space<vmem>>
      tpu.enqueue_dma source(%dma_start3A_94 : memref<104x128xf32, #tpu.memory_space<vmem>>) target(%dma_start3A_91 : memref<104x128xf32, #tpu.memory_space<vmem_shared>>) target_semaphore(%run_scoped3A : memref<!tpu.dma_semaphore, #tpu.memory_space<semaphore_mem>>)
      %dma_wait3A = arith.constant 0 : i32
      %dma_wait3A_95 = arith.constant 0 : i32
      %dma_wait3A_96 = tpu.memref_slice %arg8[%dma_wait3A, %dma_wait3A_95] : memref<125x128xf32, #tpu.memory_space<vmem>> -> memref<104x128xf32, #tpu.memory_space<vmem>>
      %dma_wait3A_97 = arith.constant 0 : i32
      %dma_wait3A_98 = tpu.memref_slice %arg10[%add3A_13, %dma_wait3A_97] : memref<10000x128xf32, #tpu.memory_space<vmem_shared>> -> memref<104x128xf32, #tpu.memory_space<vmem_shared>>
      %dma_wait3A_99 = arith.constant 0 : i32
      %dma_wait3A_100 = tpu.memref_slice %arg10[%add3A_13, %dma_wait3A_99] : memref<10000x128xf32, #tpu.memory_space<vmem_shared>> -> memref<104x128xf32, #tpu.memory_space<vmem_shared>>
      %dma_wait3A_101 = arith.constant 0 : i32
      %dma_wait3A_102 = arith.constant 0 : i32
      %dma_wait3A_103 = tpu.memref_slice %arg8[%dma_wait3A_101, %dma_wait3A_102] : memref<125x128xf32, #tpu.memory_space<vmem>> -> memref<104x128xf32, #tpu.memory_space<vmem>>
      tpu.wait_dma2 semaphore(%run_scoped3A : memref<!tpu.dma_semaphore, #tpu.memory_space<semaphore_mem>>) src(%dma_wait3A_103 : memref<104x128xf32, #tpu.memory_space<vmem>>) dst(%dma_wait3A_100 : memref<104x128xf32, #tpu.memory_space<vmem_shared>>)
      tpu.yield
    }) : () -> ()
    %mul3A_14 = arith.constant 624 : i32
    %mul3A_15 = arith.muli %arg1, %mul3A_14 : i32
    %add3A_16 = arith.constant 312 : i32
    %add3A_17 = arith.addi %mul3A_15, %add3A_16 : i32
    "tpu.region"() ({
      %run_scoped3A = tpu.sem_alloc : memref<!tpu.dma_semaphore, #tpu.memory_space<semaphore_mem>>
      %dma_start3A_85 = arith.constant 0 : i32
      %dma_start3A_86 = arith.constant 0 : i32
      %dma_start3A_87 = tpu.memref_slice %arg8[%dma_start3A_85, %dma_start3A_86] : memref<125x128xf32, #tpu.memory_space<vmem>> -> memref<104x128xf32, #tpu.memory_space<vmem>>
      %dma_start3A_88 = arith.constant 0 : i32
      %dma_start3A_89 = tpu.memref_slice %arg10[%add3A_17, %dma_start3A_88] : memref<10000x128xf32, #tpu.memory_space<vmem_shared>> -> memref<104x128xf32, #tpu.memory_space<vmem_shared>>
      %dma_start3A_90 = arith.constant 0 : i32
      %dma_start3A_91 = tpu.memref_slice %arg10[%add3A_17, %dma_start3A_90] : memref<10000x128xf32, #tpu.memory_space<vmem_shared>> -> memref<104x128xf32, #tpu.memory_space<vmem_shared>>
      %dma_start3A_92 = arith.constant 0 : i32
      %dma_start3A_93 = arith.constant 0 : i32
      %dma_start3A_94 = tpu.memref_slice %arg8[%dma_start3A_92, %dma_start3A_93] : memref<125x128xf32, #tpu.memory_space<vmem>> -> memref<104x128xf32, #tpu.memory_space<vmem>>
      tpu.enqueue_dma source(%dma_start3A_94 : memref<104x128xf32, #tpu.memory_space<vmem>>) target(%dma_start3A_91 : memref<104x128xf32, #tpu.memory_space<vmem_shared>>) target_semaphore(%run_scoped3A : memref<!tpu.dma_semaphore, #tpu.memory_space<semaphore_mem>>)
      %dma_wait3A = arith.constant 0 : i32
      %dma_wait3A_95 = arith.constant 0 : i32
      %dma_wait3A_96 = tpu.memref_slice %arg8[%dma_wait3A, %dma_wait3A_95] : memref<125x128xf32, #tpu.memory_space<vmem>> -> memref<104x128xf32, #tpu.memory_space<vmem>>
      %dma_wait3A_97 = arith.constant 0 : i32
      %dma_wait3A_98 = tpu.memref_slice %arg10[%add3A_17, %dma_wait3A_97] : memref<10000x128xf32, #tpu.memory_space<vmem_shared>> -> memref<104x128xf32, #tpu.memory_space<vmem_shared>>
      %dma_wait3A_99 = arith.constant 0 : i32
      %dma_wait3A_100 = tpu.memref_slice %arg10[%add3A_17, %dma_wait3A_99] : memref<10000x128xf32, #tpu.memory_space<vmem_shared>> -> memref<104x128xf32, #tpu.memory_space<vmem_shared>>
      %dma_wait3A_101 = arith.constant 0 : i32
      %dma_wait3A_102 = arith.constant 0 : i32
      %dma_wait3A_103 = tpu.memref_slice %arg8[%dma_wait3A_101, %dma_wait3A_102] : memref<125x128xf32, #tpu.memory_space<vmem>> -> memref<104x128xf32, #tpu.memory_space<vmem>>
      tpu.wait_dma2 semaphore(%run_scoped3A : memref<!tpu.dma_semaphore, #tpu.memory_space<semaphore_mem>>) src(%dma_wait3A_103 : memref<104x128xf32, #tpu.memory_space<vmem>>) dst(%dma_wait3A_100 : memref<104x128xf32, #tpu.memory_space<vmem_shared>>)
      tpu.yield
    }) : () -> ()
    %mul3A_18 = arith.constant 624 : i32
    %mul3A_19 = arith.muli %arg1, %mul3A_18 : i32
    %add3A_20 = arith.constant 416 : i32
    %add3A_21 = arith.addi %mul3A_19, %add3A_20 : i32
    "tpu.region"() ({
      %run_scoped3A = tpu.sem_alloc : memref<!tpu.dma_semaphore, #tpu.memory_space<semaphore_mem>>
      %dma_start3A_85 = arith.constant 0 : i32
      %dma_start3A_86 = arith.constant 0 : i32
      %dma_start3A_87 = tpu.memref_slice %arg8[%dma_start3A_85, %dma_start3A_86] : memref<125x128xf32, #tpu.memory_space<vmem>> -> memref<104x128xf32, #tpu.memory_space<vmem>>
      %dma_start3A_88 = arith.constant 0 : i32
      %dma_start3A_89 = tpu.memref_slice %arg10[%add3A_21, %dma_start3A_88] : memref<10000x128xf32, #tpu.memory_space<vmem_shared>> -> memref<104x128xf32, #tpu.memory_space<vmem_shared>>
      %dma_start3A_90 = arith.constant 0 : i32
      %dma_start3A_91 = tpu.memref_slice %arg10[%add3A_21, %dma_start3A_90] : memref<10000x128xf32, #tpu.memory_space<vmem_shared>> -> memref<104x128xf32, #tpu.memory_space<vmem_shared>>
      %dma_start3A_92 = arith.constant 0 : i32
      %dma_start3A_93 = arith.constant 0 : i32
      %dma_start3A_94 = tpu.memref_slice %arg8[%dma_start3A_92, %dma_start3A_93] : memref<125x128xf32, #tpu.memory_space<vmem>> -> memref<104x128xf32, #tpu.memory_space<vmem>>
      tpu.enqueue_dma source(%dma_start3A_94 : memref<104x128xf32, #tpu.memory_space<vmem>>) target(%dma_start3A_91 : memref<104x128xf32, #tpu.memory_space<vmem_shared>>) target_semaphore(%run_scoped3A : memref<!tpu.dma_semaphore, #tpu.memory_space<semaphore_mem>>)
      %dma_wait3A = arith.constant 0 : i32
      %dma_wait3A_95 = arith.constant 0 : i32
      %dma_wait3A_96 = tpu.memref_slice %arg8[%dma_wait3A, %dma_wait3A_95] : memref<125x128xf32, #tpu.memory_space<vmem>> -> memref<104x128xf32, #tpu.memory_space<vmem>>
      %dma_wait3A_97 = arith.constant 0 : i32
      %dma_wait3A_98 = tpu.memref_slice %arg10[%add3A_21, %dma_wait3A_97] : memref<10000x128xf32, #tpu.memory_space<vmem_shared>> -> memref<104x128xf32, #tpu.memory_space<vmem_shared>>
      %dma_wait3A_99 = arith.constant 0 : i32
      %dma_wait3A_100 = tpu.memref_slice %arg10[%add3A_21, %dma_wait3A_99] : memref<10000x128xf32, #tpu.memory_space<vmem_shared>> -> memref<104x128xf32, #tpu.memory_space<vmem_shared>>
      %dma_wait3A_101 = arith.constant 0 : i32
      %dma_wait3A_102 = arith.constant 0 : i32
      %dma_wait3A_103 = tpu.memref_slice %arg8[%dma_wait3A_101, %dma_wait3A_102] : memref<125x128xf32, #tpu.memory_space<vmem>> -> memref<104x128xf32, #tpu.memory_space<vmem>>
      tpu.wait_dma2 semaphore(%run_scoped3A : memref<!tpu.dma_semaphore, #tpu.memory_space<semaphore_mem>>) src(%dma_wait3A_103 : memref<104x128xf32, #tpu.memory_space<vmem>>) dst(%dma_wait3A_100 : memref<104x128xf32, #tpu.memory_space<vmem_shared>>)
      tpu.yield
    }) : () -> ()
    %mul3A_22 = arith.constant 624 : i32
    %mul3A_23 = arith.muli %arg1, %mul3A_22 : i32
    %add3A_24 = arith.constant 520 : i32
    %add3A_25 = arith.addi %mul3A_23, %add3A_24 : i32
    "tpu.region"() ({
      %run_scoped3A = tpu.sem_alloc : memref<!tpu.dma_semaphore, #tpu.memory_space<semaphore_mem>>
      %dma_start3A_85 = arith.constant 0 : i32
      %dma_start3A_86 = arith.constant 0 : i32
      %dma_start3A_87 = tpu.memref_slice %arg8[%dma_start3A_85, %dma_start3A_86] : memref<125x128xf32, #tpu.memory_space<vmem>> -> memref<104x128xf32, #tpu.memory_space<vmem>>
      %dma_start3A_88 = arith.constant 0 : i32
      %dma_start3A_89 = tpu.memref_slice %arg10[%add3A_25, %dma_start3A_88] : memref<10000x128xf32, #tpu.memory_space<vmem_shared>> -> memref<104x128xf32, #tpu.memory_space<vmem_shared>>
      %dma_start3A_90 = arith.constant 0 : i32
      %dma_start3A_91 = tpu.memref_slice %arg10[%add3A_25, %dma_start3A_90] : memref<10000x128xf32, #tpu.memory_space<vmem_shared>> -> memref<104x128xf32, #tpu.memory_space<vmem_shared>>
      %dma_start3A_92 = arith.constant 0 : i32
      %dma_start3A_93 = arith.constant 0 : i32
      %dma_start3A_94 = tpu.memref_slice %arg8[%dma_start3A_92, %dma_start3A_93] : memref<125x128xf32, #tpu.memory_space<vmem>> -> memref<104x128xf32, #tpu.memory_space<vmem>>
      tpu.enqueue_dma source(%dma_start3A_94 : memref<104x128xf32, #tpu.memory_space<vmem>>) target(%dma_start3A_91 : memref<104x128xf32, #tpu.memory_space<vmem_shared>>) target_semaphore(%run_scoped3A : memref<!tpu.dma_semaphore, #tpu.memory_space<semaphore_mem>>)
      %dma_wait3A = arith.constant 0 : i32
      %dma_wait3A_95 = arith.constant 0 : i32
      %dma_wait3A_96 = tpu.memref_slice %arg8[%dma_wait3A, %dma_wait3A_95] : memref<125x128xf32, #tpu.memory_space<vmem>> -> memref<104x128xf32, #tpu.memory_space<vmem>>
      %dma_wait3A_97 = arith.constant 0 : i32
      %dma_wait3A_98 = tpu.memref_slice %arg10[%add3A_25, %dma_wait3A_97] : memref<10000x128xf32, #tpu.memory_space<vmem_shared>> -> memref<104x128xf32, #tpu.memory_space<vmem_shared>>
      %dma_wait3A_99 = arith.constant 0 : i32
      %dma_wait3A_100 = tpu.memref_slice %arg10[%add3A_25, %dma_wait3A_99] : memref<10000x128xf32, #tpu.memory_space<vmem_shared>> -> memref<104x128xf32, #tpu.memory_space<vmem_shared>>
      %dma_wait3A_101 = arith.constant 0 : i32
      %dma_wait3A_102 = arith.constant 0 : i32
      %dma_wait3A_103 = tpu.memref_slice %arg8[%dma_wait3A_101, %dma_wait3A_102] : memref<125x128xf32, #tpu.memory_space<vmem>> -> memref<104x128xf32, #tpu.memory_space<vmem>>
      tpu.wait_dma2 semaphore(%run_scoped3A : memref<!tpu.dma_semaphore, #tpu.memory_space<semaphore_mem>>) src(%dma_wait3A_103 : memref<104x128xf32, #tpu.memory_space<vmem>>) dst(%dma_wait3A_100 : memref<104x128xf32, #tpu.memory_space<vmem_shared>>)
      tpu.yield
    }) : () -> ()
    %eq3A = arith.constant 0 : i32
    %eq3A_26 = arith.cmpi eq, %arg1, %eq3A : i32
    %convert_element_type3A = arith.extui %eq3A_26 : i1 to i32
    %cond3A = arith.constant 0 : i32
    %cond3A_27 = arith.cmpi ne, %convert_element_type3A, %cond3A : i32
    scf.if %cond3A_27 {
      "tpu.region"() ({
        %run_scoped3A = tpu.sem_alloc : memref<!tpu.dma_semaphore, #tpu.memory_space<semaphore_mem>>
        %dma_start3A_85 = arith.constant 0 : i32
        %dma_start3A_86 = arith.constant 0 : i32
        %dma_start3A_87 = tpu.memref_slice %arg8[%dma_start3A_85, %dma_start3A_86] : memref<125x128xf32, #tpu.memory_space<vmem>> -> memref<16x128xf32, #tpu.memory_space<vmem>>
        %dma_start3A_88 = arith.constant 9984 : i32
        %dma_start3A_89 = arith.constant 0 : i32
        %dma_start3A_90 = tpu.memref_slice %arg10[%dma_start3A_88, %dma_start3A_89] : memref<10000x128xf32, #tpu.memory_space<vmem_shared>> -> memref<16x128xf32, #tpu.memory_space<vmem_shared>>
        %dma_start3A_91 = arith.constant 9984 : i32
        %dma_start3A_92 = arith.constant 0 : i32
        %dma_start3A_93 = tpu.memref_slice %arg10[%dma_start3A_91, %dma_start3A_92] : memref<10000x128xf32, #tpu.memory_space<vmem_shared>> -> memref<16x128xf32, #tpu.memory_space<vmem_shared>>
        %dma_start3A_94 = arith.constant 0 : i32
        %dma_start3A_95 = arith.constant 0 : i32
        %dma_start3A_96 = tpu.memref_slice %arg8[%dma_start3A_94, %dma_start3A_95] : memref<125x128xf32, #tpu.memory_space<vmem>> -> memref<16x128xf32, #tpu.memory_space<vmem>>
        tpu.enqueue_dma source(%dma_start3A_96 : memref<16x128xf32, #tpu.memory_space<vmem>>) target(%dma_start3A_93 : memref<16x128xf32, #tpu.memory_space<vmem_shared>>) target_semaphore(%run_scoped3A : memref<!tpu.dma_semaphore, #tpu.memory_space<semaphore_mem>>)
        %dma_wait3A = arith.constant 0 : i32
        %dma_wait3A_97 = arith.constant 0 : i32
        %dma_wait3A_98 = tpu.memref_slice %arg8[%dma_wait3A, %dma_wait3A_97] : memref<125x128xf32, #tpu.memory_space<vmem>> -> memref<16x128xf32, #tpu.memory_space<vmem>>
        %dma_wait3A_99 = arith.constant 9984 : i32
        %dma_wait3A_100 = arith.constant 0 : i32
        %dma_wait3A_101 = tpu.memref_slice %arg10[%dma_wait3A_99, %dma_wait3A_100] : memref<10000x128xf32, #tpu.memory_space<vmem_shared>> -> memref<16x128xf32, #tpu.memory_space<vmem_shared>>
        %dma_wait3A_102 = arith.constant 9984 : i32
        %dma_wait3A_103 = arith.constant 0 : i32
        %dma_wait3A_104 = tpu.memref_slice %arg10[%dma_wait3A_102, %dma_wait3A_103] : memref<10000x128xf32, #tpu.memory_space<vmem_shared>> -> memref<16x128xf32, #tpu.memory_space<vmem_shared>>
        %dma_wait3A_105 = arith.constant 0 : i32
        %dma_wait3A_106 = arith.constant 0 : i32
        %dma_wait3A_107 = tpu.memref_slice %arg8[%dma_wait3A_105, %dma_wait3A_106] : memref<125x128xf32, #tpu.memory_space<vmem>> -> memref<16x128xf32, #tpu.memory_space<vmem>>
        tpu.wait_dma2 semaphore(%run_scoped3A : memref<!tpu.dma_semaphore, #tpu.memory_space<semaphore_mem>>) src(%dma_wait3A_107 : memref<16x128xf32, #tpu.memory_space<vmem>>) dst(%dma_wait3A_104 : memref<16x128xf32, #tpu.memory_space<vmem_shared>>)
        tpu.yield
      }) : () -> ()
    } else {
    }
    %barrier3A = arith.constant 0 : index
    tpu.barrier barrier_id(%barrier3A)
    %mul3A_28 = arith.constant 640 : i32
    %mul3A_29 = arith.muli %arg0, %mul3A_28 : i32
    %mul3A_30 = arith.constant 40 : i32
    %mul3A_31 = arith.muli %arg1, %mul3A_30 : i32
    %add3A_32 = arith.addi %mul3A_29, %mul3A_31 : i32
    %add3A_33 = arith.constant 0 : i32
    %add3A_34 = arith.addi %add3A_32, %add3A_33 : i32
    "tpu.region"() ({
      %run_scoped3A = tpu.sem_alloc : memref<!tpu.dma_semaphore, #tpu.memory_space<semaphore_mem>>
      %dma_start3A_85 = arith.constant 0 : i32
      %dma_start3A_86 = tpu.memref_slice %arg3[%add3A_34, %dma_start3A_85] : memref<1280x125xi32, #tpu.memory_space<hbm>> -> memref<40x125xi32, #tpu.memory_space<hbm>>
      %dma_start3A_87 = arith.constant 0 : i32
      %dma_start3A_88 = tpu.memref_slice %arg3[%add3A_34, %dma_start3A_87] : memref<1280x125xi32, #tpu.memory_space<hbm>> -> memref<40x125xi32, #tpu.memory_space<hbm>>
      tpu.enqueue_dma source(%dma_start3A_88 : memref<40x125xi32, #tpu.memory_space<hbm>>) target(%arg6 : memref<40x125xi32, #tpu.memory_space<vmem>>) target_semaphore(%run_scoped3A : memref<!tpu.dma_semaphore, #tpu.memory_space<semaphore_mem>>)
      %dma_wait3A = arith.constant 0 : i32
      %dma_wait3A_89 = tpu.memref_slice %arg3[%add3A_34, %dma_wait3A] : memref<1280x125xi32, #tpu.memory_space<hbm>> -> memref<40x125xi32, #tpu.memory_space<hbm>>
      %dma_wait3A_90 = arith.constant 0 : i32
      %dma_wait3A_91 = tpu.memref_slice %arg3[%add3A_34, %dma_wait3A_90] : memref<1280x125xi32, #tpu.memory_space<hbm>> -> memref<40x125xi32, #tpu.memory_space<hbm>>
      tpu.wait_dma2 semaphore(%run_scoped3A : memref<!tpu.dma_semaphore, #tpu.memory_space<semaphore_mem>>) src(%dma_wait3A_91 : memref<40x125xi32, #tpu.memory_space<hbm>>) dst(%arg6 : memref<40x125xi32, #tpu.memory_space<vmem>>)
      tpu.yield
    }) : () -> ()
    %add3A_35 = arith.constant 0 : i32
    %add3A_36 = arith.addi %add3A_32, %add3A_35 : i32
    "tpu.region"() ({
      %run_scoped3A = tpu.sem_alloc : memref<!tpu.dma_semaphore, #tpu.memory_space<semaphore_mem>>
      %dma_start3A_85 = arith.constant 0 : i32
      %dma_start3A_86 = tpu.memref_slice %arg4[%add3A_36, %dma_start3A_85] : memref<1280x125xi32, #tpu.memory_space<hbm>> -> memref<40x125xi32, #tpu.memory_space<hbm>>
      %dma_start3A_87 = arith.constant 0 : i32
      %dma_start3A_88 = tpu.memref_slice %arg4[%add3A_36, %dma_start3A_87] : memref<1280x125xi32, #tpu.memory_space<hbm>> -> memref<40x125xi32, #tpu.memory_space<hbm>>
      tpu.enqueue_dma source(%dma_start3A_88 : memref<40x125xi32, #tpu.memory_space<hbm>>) target(%arg7 : memref<40x125xi32, #tpu.memory_space<vmem>>) target_semaphore(%run_scoped3A : memref<!tpu.dma_semaphore, #tpu.memory_space<semaphore_mem>>)
      %dma_wait3A = arith.constant 0 : i32
      %dma_wait3A_89 = tpu.memref_slice %arg4[%add3A_36, %dma_wait3A] : memref<1280x125xi32, #tpu.memory_space<hbm>> -> memref<40x125xi32, #tpu.memory_space<hbm>>
      %dma_wait3A_90 = arith.constant 0 : i32
      %dma_wait3A_91 = tpu.memref_slice %arg4[%add3A_36, %dma_wait3A_90] : memref<1280x125xi32, #tpu.memory_space<hbm>> -> memref<40x125xi32, #tpu.memory_space<hbm>>
      tpu.wait_dma2 semaphore(%run_scoped3A : memref<!tpu.dma_semaphore, #tpu.memory_space<semaphore_mem>>) src(%dma_wait3A_91 : memref<40x125xi32, #tpu.memory_space<hbm>>) dst(%arg7 : memref<40x125xi32, #tpu.memory_space<vmem>>)
      tpu.yield
    }) : () -> ()
    %dma_start3A = arith.constant 0 : i32
    %dma_start3A_37 = arith.constant 0 : i32
    %dma_start3A_38 = tpu.memref_slice %arg6[%dma_start3A, %dma_start3A_37] : memref<40x125xi32, #tpu.memory_space<vmem>> -> memref<1x125xi32, #tpu.memory_space<vmem>>
    %dma_start3A_39 = tpu.memref_squeeze %dma_start3A_38 : memref<1x125xi32, #tpu.memory_space<vmem>> -> memref<125xi32, #tpu.memory_space<vmem>>
    %dma_start3A_40 = arith.constant 0 : i32
    %dma_start3A_41 = arith.constant 0 : i32
    %dma_start3A_42 = tpu.memref_slice %arg2[%dma_start3A_40, %dma_start3A_41] : memref<10000x128xf32, #tpu.memory_space<hbm>> -> memref<10000x128xf32, #tpu.memory_space<hbm>>
    tpu.enqueue_indirect_dma source(%dma_start3A_42 : memref<10000x128xf32, #tpu.memory_space<hbm>>) target(%arg8 : memref<125x128xf32, #tpu.memory_space<vmem>>) offsets(%dma_start3A_39 : memref<125xi32, #tpu.memory_space<vmem>>) semaphore(%arg11 : memref<!tpu.dma_semaphore, #tpu.memory_space<semaphore_mem>>)
    %dma_start3A_43 = arith.constant 1 : i32
    %dma_start3A_44 = arith.constant 0 : i32
    %dma_start3A_45 = tpu.memref_slice %arg6[%dma_start3A_43, %dma_start3A_44] : memref<40x125xi32, #tpu.memory_space<vmem>> -> memref<1x125xi32, #tpu.memory_space<vmem>>
    %dma_start3A_46 = tpu.memref_squeeze %dma_start3A_45 : memref<1x125xi32, #tpu.memory_space<vmem>> -> memref<125xi32, #tpu.memory_space<vmem>>
    %dma_start3A_47 = arith.constant 0 : i32
    %dma_start3A_48 = arith.constant 0 : i32
    %dma_start3A_49 = tpu.memref_slice %arg2[%dma_start3A_47, %dma_start3A_48] : memref<10000x128xf32, #tpu.memory_space<hbm>> -> memref<10000x128xf32, #tpu.memory_space<hbm>>
    tpu.enqueue_indirect_dma source(%dma_start3A_49 : memref<10000x128xf32, #tpu.memory_space<hbm>>) target(%arg9 : memref<125x128xf32, #tpu.memory_space<vmem>>) offsets(%dma_start3A_46 : memref<125xi32, #tpu.memory_space<vmem>>) semaphore(%arg12 : memref<!tpu.dma_semaphore, #tpu.memory_space<semaphore_mem>>)
    %scan3A_50 = arith.constant 0 : i32
    %scan3A_51 = arith.constant 20 : i32
    %scan3A_52 = arith.addi %scan3A_50, %scan3A_51 : i32
    %scan3A_53 = arith.constant 1 : i32
    scf.for %scan3A_85 = %scan3A_50 to %scan3A_52 step %scan3A_53  : i32 {
      %mul3A_86 = arith.constant 2 : i32
      %mul3A_87 = arith.muli %scan3A_85, %mul3A_86 : i32
      %add3A_88 = arith.constant 0 : i32
      %add3A_89 = arith.addi %add3A_88, %mul3A_87 : i32
      %dma_wait3A = arith.constant 0 : i32
      %dma_wait3A_90 = tpu.memref_slice %arg6[%add3A_89, %dma_wait3A] : memref<40x125xi32, #tpu.memory_space<vmem>> -> memref<1x125xi32, #tpu.memory_space<vmem>>
      %dma_wait3A_91 = tpu.memref_squeeze %dma_wait3A_90 : memref<1x125xi32, #tpu.memory_space<vmem>> -> memref<125xi32, #tpu.memory_space<vmem>>
      %dma_wait3A_92 = arith.constant 0 : i32
      %dma_wait3A_93 = arith.constant 0 : i32
      %dma_wait3A_94 = tpu.memref_slice %arg2[%dma_wait3A_92, %dma_wait3A_93] : memref<10000x128xf32, #tpu.memory_space<hbm>> -> memref<10000x128xf32, #tpu.memory_space<hbm>>
      tpu.wait_indirect_dma semaphore(%arg11 : memref<!tpu.dma_semaphore, #tpu.memory_space<semaphore_mem>>) src(%dma_wait3A_94 : memref<10000x128xf32, #tpu.memory_space<hbm>>) dst(%arg8 : memref<125x128xf32, #tpu.memory_space<vmem>>)
      "tpu.region"() ({
        %run_scoped3A = tpu.sem_alloc : memref<!tpu.dma_semaphore, #tpu.memory_space<semaphore_mem>>
        %dma_start3A_118 = arith.constant 0 : i32
        %dma_start3A_119 = tpu.memref_slice %arg7[%add3A_89, %dma_start3A_118] : memref<40x125xi32, #tpu.memory_space<vmem>> -> memref<1x125xi32, #tpu.memory_space<vmem>>
        %dma_start3A_120 = tpu.memref_squeeze %dma_start3A_119 : memref<1x125xi32, #tpu.memory_space<vmem>> -> memref<125xi32, #tpu.memory_space<vmem>>
        %dma_start3A_121 = arith.constant 0 : i32
        %dma_start3A_122 = arith.constant 0 : i32
        %dma_start3A_123 = tpu.memref_slice %arg10[%dma_start3A_121, %dma_start3A_122] : memref<10000x128xf32, #tpu.memory_space<vmem_shared>> -> memref<10000x128xf32, #tpu.memory_space<vmem_shared>>
        tpu.enqueue_indirect_dma source(%arg8 : memref<125x128xf32, #tpu.memory_space<vmem>>) target(%dma_start3A_123 : memref<10000x128xf32, #tpu.memory_space<vmem_shared>>) offsets(%dma_start3A_120 : memref<125xi32, #tpu.memory_space<vmem>>) semaphore(%run_scoped3A : memref<!tpu.dma_semaphore, #tpu.memory_space<semaphore_mem>>) {add = true}
        %dma_wait3A_124 = arith.constant 0 : i32
        %dma_wait3A_125 = tpu.memref_slice %arg7[%add3A_89, %dma_wait3A_124] : memref<40x125xi32, #tpu.memory_space<vmem>> -> memref<1x125xi32, #tpu.memory_space<vmem>>
        %dma_wait3A_126 = tpu.memref_squeeze %dma_wait3A_125 : memref<1x125xi32, #tpu.memory_space<vmem>> -> memref<125xi32, #tpu.memory_space<vmem>>
        %dma_wait3A_127 = arith.constant 0 : i32
        %dma_wait3A_128 = arith.constant 0 : i32
        %dma_wait3A_129 = tpu.memref_slice %arg10[%dma_wait3A_127, %dma_wait3A_128] : memref<10000x128xf32, #tpu.memory_space<vmem_shared>> -> memref<10000x128xf32, #tpu.memory_space<vmem_shared>>
        tpu.wait_indirect_dma semaphore(%run_scoped3A : memref<!tpu.dma_semaphore, #tpu.memory_space<semaphore_mem>>) src(%arg8 : memref<125x128xf32, #tpu.memory_space<vmem>>) dst(%dma_wait3A_129 : memref<10000x128xf32, #tpu.memory_space<vmem_shared>>)
        tpu.yield
      }) : () -> ()
      %add3A_95 = arith.constant 2 : i32
      %add3A_96 = arith.addi %add3A_89, %add3A_95 : i32
      %lt3A = arith.constant 40 : i32
      %lt3A_97 = arith.cmpi slt, %add3A_96, %lt3A : i32
      %convert_element_type3A_98 = arith.extui %lt3A_97 : i1 to i32
      %cond3A_99 = arith.constant 0 : i32
      %cond3A_100 = arith.cmpi ne, %convert_element_type3A_98, %cond3A_99 : i32
      scf.if %cond3A_100 {
        %add3A_118 = arith.constant 2 : i32
        %add3A_119 = arith.addi %add3A_89, %add3A_118 : i32
        %dma_start3A_120 = arith.constant 0 : i32
        %dma_start3A_121 = tpu.memref_slice %arg6[%add3A_119, %dma_start3A_120] : memref<40x125xi32, #tpu.memory_space<vmem>> -> memref<1x125xi32, #tpu.memory_space<vmem>>
        %dma_start3A_122 = tpu.memref_squeeze %dma_start3A_121 : memref<1x125xi32, #tpu.memory_space<vmem>> -> memref<125xi32, #tpu.memory_space<vmem>>
        %dma_start3A_123 = arith.constant 0 : i32
        %dma_start3A_124 = arith.constant 0 : i32
        %dma_start3A_125 = tpu.memref_slice %arg2[%dma_start3A_123, %dma_start3A_124] : memref<10000x128xf32, #tpu.memory_space<hbm>> -> memref<10000x128xf32, #tpu.memory_space<hbm>>
        tpu.enqueue_indirect_dma source(%dma_start3A_125 : memref<10000x128xf32, #tpu.memory_space<hbm>>) target(%arg8 : memref<125x128xf32, #tpu.memory_space<vmem>>) offsets(%dma_start3A_122 : memref<125xi32, #tpu.memory_space<vmem>>) semaphore(%arg11 : memref<!tpu.dma_semaphore, #tpu.memory_space<semaphore_mem>>)
      } else {
      }
      %add3A_101 = arith.constant 1 : i32
      %add3A_102 = arith.addi %add3A_89, %add3A_101 : i32
      %dma_wait3A_103 = arith.constant 0 : i32
      %dma_wait3A_104 = tpu.memref_slice %arg6[%add3A_102, %dma_wait3A_103] : memref<40x125xi32, #tpu.memory_space<vmem>> -> memref<1x125xi32, #tpu.memory_space<vmem>>
      %dma_wait3A_105 = tpu.memref_squeeze %dma_wait3A_104 : memref<1x125xi32, #tpu.memory_space<vmem>> -> memref<125xi32, #tpu.memory_space<vmem>>
      %dma_wait3A_106 = arith.constant 0 : i32
      %dma_wait3A_107 = arith.constant 0 : i32
      %dma_wait3A_108 = tpu.memref_slice %arg2[%dma_wait3A_106, %dma_wait3A_107] : memref<10000x128xf32, #tpu.memory_space<hbm>> -> memref<10000x128xf32, #tpu.memory_space<hbm>>
      tpu.wait_indirect_dma semaphore(%arg12 : memref<!tpu.dma_semaphore, #tpu.memory_space<semaphore_mem>>) src(%dma_wait3A_108 : memref<10000x128xf32, #tpu.memory_space<hbm>>) dst(%arg9 : memref<125x128xf32, #tpu.memory_space<vmem>>)
      %add3A_109 = arith.constant 1 : i32
      %add3A_110 = arith.addi %add3A_89, %add3A_109 : i32
      "tpu.region"() ({
        %run_scoped3A = tpu.sem_alloc : memref<!tpu.dma_semaphore, #tpu.memory_space<semaphore_mem>>
        %dma_start3A_118 = arith.constant 0 : i32
        %dma_start3A_119 = tpu.memref_slice %arg7[%add3A_110, %dma_start3A_118] : memref<40x125xi32, #tpu.memory_space<vmem>> -> memref<1x125xi32, #tpu.memory_space<vmem>>
        %dma_start3A_120 = tpu.memref_squeeze %dma_start3A_119 : memref<1x125xi32, #tpu.memory_space<vmem>> -> memref<125xi32, #tpu.memory_space<vmem>>
        %dma_start3A_121 = arith.constant 0 : i32
        %dma_start3A_122 = arith.constant 0 : i32
        %dma_start3A_123 = tpu.memref_slice %arg10[%dma_start3A_121, %dma_start3A_122] : memref<10000x128xf32, #tpu.memory_space<vmem_shared>> -> memref<10000x128xf32, #tpu.memory_space<vmem_shared>>
        tpu.enqueue_indirect_dma source(%arg9 : memref<125x128xf32, #tpu.memory_space<vmem>>) target(%dma_start3A_123 : memref<10000x128xf32, #tpu.memory_space<vmem_shared>>) offsets(%dma_start3A_120 : memref<125xi32, #tpu.memory_space<vmem>>) semaphore(%run_scoped3A : memref<!tpu.dma_semaphore, #tpu.memory_space<semaphore_mem>>) {add = true}
        %dma_wait3A_124 = arith.constant 0 : i32
        %dma_wait3A_125 = tpu.memref_slice %arg7[%add3A_110, %dma_wait3A_124] : memref<40x125xi32, #tpu.memory_space<vmem>> -> memref<1x125xi32, #tpu.memory_space<vmem>>
        %dma_wait3A_126 = tpu.memref_squeeze %dma_wait3A_125 : memref<1x125xi32, #tpu.memory_space<vmem>> -> memref<125xi32, #tpu.memory_space<vmem>>
        %dma_wait3A_127 = arith.constant 0 : i32
        %dma_wait3A_128 = arith.constant 0 : i32
        %dma_wait3A_129 = tpu.memref_slice %arg10[%dma_wait3A_127, %dma_wait3A_128] : memref<10000x128xf32, #tpu.memory_space<vmem_shared>> -> memref<10000x128xf32, #tpu.memory_space<vmem_shared>>
        tpu.wait_indirect_dma semaphore(%run_scoped3A : memref<!tpu.dma_semaphore, #tpu.memory_space<semaphore_mem>>) src(%arg9 : memref<125x128xf32, #tpu.memory_space<vmem>>) dst(%dma_wait3A_129 : memref<10000x128xf32, #tpu.memory_space<vmem_shared>>)
        tpu.yield
      }) : () -> ()
      %add3A_111 = arith.constant 3 : i32
      %add3A_112 = arith.addi %add3A_89, %add3A_111 : i32
      %lt3A_113 = arith.constant 40 : i32
      %lt3A_114 = arith.cmpi slt, %add3A_112, %lt3A_113 : i32
      %convert_element_type3A_115 = arith.extui %lt3A_114 : i1 to i32
      %cond3A_116 = arith.constant 0 : i32
      %cond3A_117 = arith.cmpi ne, %convert_element_type3A_115, %cond3A_116 : i32
      scf.if %cond3A_117 {
        %add3A_118 = arith.constant 3 : i32
        %add3A_119 = arith.addi %add3A_89, %add3A_118 : i32
        %dma_start3A_120 = arith.constant 0 : i32
        %dma_start3A_121 = tpu.memref_slice %arg6[%add3A_119, %dma_start3A_120] : memref<40x125xi32, #tpu.memory_space<vmem>> -> memref<1x125xi32, #tpu.memory_space<vmem>>
        %dma_start3A_122 = tpu.memref_squeeze %dma_start3A_121 : memref<1x125xi32, #tpu.memory_space<vmem>> -> memref<125xi32, #tpu.memory_space<vmem>>
        %dma_start3A_123 = arith.constant 0 : i32
        %dma_start3A_124 = arith.constant 0 : i32
        %dma_start3A_125 = tpu.memref_slice %arg2[%dma_start3A_123, %dma_start3A_124] : memref<10000x128xf32, #tpu.memory_space<hbm>> -> memref<10000x128xf32, #tpu.memory_space<hbm>>
        tpu.enqueue_indirect_dma source(%dma_start3A_125 : memref<10000x128xf32, #tpu.memory_space<hbm>>) target(%arg9 : memref<125x128xf32, #tpu.memory_space<vmem>>) offsets(%dma_start3A_122 : memref<125xi32, #tpu.memory_space<vmem>>) semaphore(%arg12 : memref<!tpu.dma_semaphore, #tpu.memory_space<semaphore_mem>>)
      } else {
      }
    }
    %scan3A_54 = arith.constant 20 : i32
    %barrier3A_55 = arith.constant 0 : index
    tpu.barrier barrier_id(%barrier3A_55)
    %mul3A_56 = arith.constant 624 : i32
    %mul3A_57 = arith.muli %arg1, %mul3A_56 : i32
    %add3A_58 = arith.constant 0 : i32
    %add3A_59 = arith.addi %mul3A_57, %add3A_58 : i32
    "tpu.region"() ({
      %run_scoped3A = tpu.sem_alloc : memref<!tpu.dma_semaphore, #tpu.memory_space<semaphore_mem>>
      %dma_start3A_85 = arith.constant 0 : i32
      %dma_start3A_86 = arith.constant 0 : i32
      %dma_start3A_87 = tpu.memref_slice %arg8[%dma_start3A_85, %dma_start3A_86] : memref<125x128xf32, #tpu.memory_space<vmem>> -> memref<104x128xf32, #tpu.memory_space<vmem>>
      %dma_start3A_88 = arith.constant 0 : i32
      %dma_start3A_89 = tpu.memref_slice %arg10[%add3A_59, %dma_start3A_88] : memref<10000x128xf32, #tpu.memory_space<vmem_shared>> -> memref<104x128xf32, #tpu.memory_space<vmem_shared>>
      %dma_start3A_90 = arith.constant 0 : i32
      %dma_start3A_91 = arith.constant 0 : i32
      %dma_start3A_92 = tpu.memref_slice %arg8[%dma_start3A_90, %dma_start3A_91] : memref<125x128xf32, #tpu.memory_space<vmem>> -> memref<104x128xf32, #tpu.memory_space<vmem>>
      %dma_start3A_93 = arith.constant 0 : i32
      %dma_start3A_94 = tpu.memref_slice %arg10[%add3A_59, %dma_start3A_93] : memref<10000x128xf32, #tpu.memory_space<vmem_shared>> -> memref<104x128xf32, #tpu.memory_space<vmem_shared>>
      tpu.enqueue_dma source(%dma_start3A_94 : memref<104x128xf32, #tpu.memory_space<vmem_shared>>) target(%dma_start3A_92 : memref<104x128xf32, #tpu.memory_space<vmem>>) target_semaphore(%run_scoped3A : memref<!tpu.dma_semaphore, #tpu.memory_space<semaphore_mem>>)
      %dma_wait3A = arith.constant 0 : i32
      %dma_wait3A_95 = arith.constant 0 : i32
      %dma_wait3A_96 = tpu.memref_slice %arg8[%dma_wait3A, %dma_wait3A_95] : memref<125x128xf32, #tpu.memory_space<vmem>> -> memref<104x128xf32, #tpu.memory_space<vmem>>
      %dma_wait3A_97 = arith.constant 0 : i32
      %dma_wait3A_98 = tpu.memref_slice %arg10[%add3A_59, %dma_wait3A_97] : memref<10000x128xf32, #tpu.memory_space<vmem_shared>> -> memref<104x128xf32, #tpu.memory_space<vmem_shared>>
      %dma_wait3A_99 = arith.constant 0 : i32
      %dma_wait3A_100 = arith.constant 0 : i32
      %dma_wait3A_101 = tpu.memref_slice %arg8[%dma_wait3A_99, %dma_wait3A_100] : memref<125x128xf32, #tpu.memory_space<vmem>> -> memref<104x128xf32, #tpu.memory_space<vmem>>
      %dma_wait3A_102 = arith.constant 0 : i32
      %dma_wait3A_103 = tpu.memref_slice %arg10[%add3A_59, %dma_wait3A_102] : memref<10000x128xf32, #tpu.memory_space<vmem_shared>> -> memref<104x128xf32, #tpu.memory_space<vmem_shared>>
      tpu.wait_dma2 semaphore(%run_scoped3A : memref<!tpu.dma_semaphore, #tpu.memory_space<semaphore_mem>>) src(%dma_wait3A_103 : memref<104x128xf32, #tpu.memory_space<vmem_shared>>) dst(%dma_wait3A_101 : memref<104x128xf32, #tpu.memory_space<vmem>>)
      tpu.yield
    }) : () -> ()
    "tpu.region"() ({
      %run_scoped3A = tpu.sem_alloc : memref<!tpu.dma_semaphore, #tpu.memory_space<semaphore_mem>>
      %dma_start3A_85 = arith.constant 0 : i32
      %dma_start3A_86 = arith.constant 0 : i32
      %dma_start3A_87 = tpu.memref_slice %arg8[%dma_start3A_85, %dma_start3A_86] : memref<125x128xf32, #tpu.memory_space<vmem>> -> memref<104x128xf32, #tpu.memory_space<vmem>>
      %dma_start3A_88 = arith.constant 0 : i32
      %dma_start3A_89 = arith.constant 0 : i32
      %dma_start3A_90 = tpu.memref_slice %arg5[%arg0, %dma_start3A_88, %dma_start3A_89] : memref<2x10000x128xf32, #tpu.memory_space<hbm>> -> memref<1x10000x128xf32, #tpu.memory_space<hbm>>
      %dma_start3A_91 = tpu.memref_squeeze %dma_start3A_90 : memref<1x10000x128xf32, #tpu.memory_space<hbm>> -> memref<10000x128xf32, #tpu.memory_space<hbm>>
      %dma_start3A_92 = arith.constant 0 : i32
      %dma_start3A_93 = tpu.memref_slice %dma_start3A_91[%add3A_59, %dma_start3A_92] : memref<10000x128xf32, #tpu.memory_space<hbm>> -> memref<104x128xf32, #tpu.memory_space<hbm>>
      %dma_start3A_94 = arith.constant 0 : i32
      %dma_start3A_95 = arith.constant 0 : i32
      %dma_start3A_96 = tpu.memref_slice %arg5[%arg0, %dma_start3A_94, %dma_start3A_95] : memref<2x10000x128xf32, #tpu.memory_space<hbm>> -> memref<1x10000x128xf32, #tpu.memory_space<hbm>>
      %dma_start3A_97 = tpu.memref_squeeze %dma_start3A_96 : memref<1x10000x128xf32, #tpu.memory_space<hbm>> -> memref<10000x128xf32, #tpu.memory_space<hbm>>
      %dma_start3A_98 = arith.constant 0 : i32
      %dma_start3A_99 = tpu.memref_slice %dma_start3A_97[%add3A_59, %dma_start3A_98] : memref<10000x128xf32, #tpu.memory_space<hbm>> -> memref<104x128xf32, #tpu.memory_space<hbm>>
      %dma_start3A_100 = arith.constant 0 : i32
      %dma_start3A_101 = arith.constant 0 : i32
      %dma_start3A_102 = tpu.memref_slice %arg8[%dma_start3A_100, %dma_start3A_101] : memref<125x128xf32, #tpu.memory_space<vmem>> -> memref<104x128xf32, #tpu.memory_space<vmem>>
      tpu.enqueue_dma source(%dma_start3A_102 : memref<104x128xf32, #tpu.memory_space<vmem>>) target(%dma_start3A_99 : memref<104x128xf32, #tpu.memory_space<hbm>>) target_semaphore(%run_scoped3A : memref<!tpu.dma_semaphore, #tpu.memory_space<semaphore_mem>>)
      %dma_wait3A = arith.constant 0 : i32
      %dma_wait3A_103 = arith.constant 0 : i32
      %dma_wait3A_104 = tpu.memref_slice %arg8[%dma_wait3A, %dma_wait3A_103] : memref<125x128xf32, #tpu.memory_space<vmem>> -> memref<104x128xf32, #tpu.memory_space<vmem>>
      %dma_wait3A_105 = arith.constant 0 : i32
      %dma_wait3A_106 = arith.constant 0 : i32
      %dma_wait3A_107 = tpu.memref_slice %arg5[%arg0, %dma_wait3A_105, %dma_wait3A_106] : memref<2x10000x128xf32, #tpu.memory_space<hbm>> -> memref<1x10000x128xf32, #tpu.memory_space<hbm>>
      %dma_wait3A_108 = tpu.memref_squeeze %dma_wait3A_107 : memref<1x10000x128xf32, #tpu.memory_space<hbm>> -> memref<10000x128xf32, #tpu.memory_space<hbm>>
      %dma_wait3A_109 = arith.constant 0 : i32
      %dma_wait3A_110 = tpu.memref_slice %dma_wait3A_108[%add3A_59, %dma_wait3A_109] : memref<10000x128xf32, #tpu.memory_space<hbm>> -> memref<104x128xf32, #tpu.memory_space<hbm>>
      %dma_wait3A_111 = arith.constant 0 : i32
      %dma_wait3A_112 = arith.constant 0 : i32
      %dma_wait3A_113 = tpu.memref_slice %arg5[%arg0, %dma_wait3A_111, %dma_wait3A_112] : memref<2x10000x128xf32, #tpu.memory_space<hbm>> -> memref<1x10000x128xf32, #tpu.memory_space<hbm>>
      %dma_wait3A_114 = tpu.memref_squeeze %dma_wait3A_113 : memref<1x10000x128xf32, #tpu.memory_space<hbm>> -> memref<10000x128xf32, #tpu.memory_space<hbm>>
      %dma_wait3A_115 = arith.constant 0 : i32
      %dma_wait3A_116 = tpu.memref_slice %dma_wait3A_114[%add3A_59, %dma_wait3A_115] : memref<10000x128xf32, #tpu.memory_space<hbm>> -> memref<104x128xf32, #tpu.memory_space<hbm>>
      %dma_wait3A_117 = arith.constant 0 : i32
      %dma_wait3A_118 = arith.constant 0 : i32
      %dma_wait3A_119 = tpu.memref_slice %arg8[%dma_wait3A_117, %dma_wait3A_118] : memref<125x128xf32, #tpu.memory_space<vmem>> -> memref<104x128xf32, #tpu.memory_space<vmem>>
      tpu.wait_dma2 semaphore(%run_scoped3A : memref<!tpu.dma_semaphore, #tpu.memory_space<semaphore_mem>>) src(%dma_wait3A_119 : memref<104x128xf32, #tpu.memory_space<vmem>>) dst(%dma_wait3A_116 : memref<104x128xf32, #tpu.memory_space<hbm>>)
      tpu.yield
    }) : () -> ()
    %mul3A_60 = arith.constant 624 : i32
    %mul3A_61 = arith.muli %arg1, %mul3A_60 : i32
    %add3A_62 = arith.constant 104 : i32
    %add3A_63 = arith.addi %mul3A_61, %add3A_62 : i32
    "tpu.region"() ({
      %run_scoped3A = tpu.sem_alloc : memref<!tpu.dma_semaphore, #tpu.memory_space<semaphore_mem>>
      %dma_start3A_85 = arith.constant 0 : i32
      %dma_start3A_86 = arith.constant 0 : i32
      %dma_start3A_87 = tpu.memref_slice %arg8[%dma_start3A_85, %dma_start3A_86] : memref<125x128xf32, #tpu.memory_space<vmem>> -> memref<104x128xf32, #tpu.memory_space<vmem>>
      %dma_start3A_88 = arith.constant 0 : i32
      %dma_start3A_89 = tpu.memref_slice %arg10[%add3A_63, %dma_start3A_88] : memref<10000x128xf32, #tpu.memory_space<vmem_shared>> -> memref<104x128xf32, #tpu.memory_space<vmem_shared>>
      %dma_start3A_90 = arith.constant 0 : i32
      %dma_start3A_91 = arith.constant 0 : i32
      %dma_start3A_92 = tpu.memref_slice %arg8[%dma_start3A_90, %dma_start3A_91] : memref<125x128xf32, #tpu.memory_space<vmem>> -> memref<104x128xf32, #tpu.memory_space<vmem>>
      %dma_start3A_93 = arith.constant 0 : i32
      %dma_start3A_94 = tpu.memref_slice %arg10[%add3A_63, %dma_start3A_93] : memref<10000x128xf32, #tpu.memory_space<vmem_shared>> -> memref<104x128xf32, #tpu.memory_space<vmem_shared>>
      tpu.enqueue_dma source(%dma_start3A_94 : memref<104x128xf32, #tpu.memory_space<vmem_shared>>) target(%dma_start3A_92 : memref<104x128xf32, #tpu.memory_space<vmem>>) target_semaphore(%run_scoped3A : memref<!tpu.dma_semaphore, #tpu.memory_space<semaphore_mem>>)
      %dma_wait3A = arith.constant 0 : i32
      %dma_wait3A_95 = arith.constant 0 : i32
      %dma_wait3A_96 = tpu.memref_slice %arg8[%dma_wait3A, %dma_wait3A_95] : memref<125x128xf32, #tpu.memory_space<vmem>> -> memref<104x128xf32, #tpu.memory_space<vmem>>
      %dma_wait3A_97 = arith.constant 0 : i32
      %dma_wait3A_98 = tpu.memref_slice %arg10[%add3A_63, %dma_wait3A_97] : memref<10000x128xf32, #tpu.memory_space<vmem_shared>> -> memref<104x128xf32, #tpu.memory_space<vmem_shared>>
      %dma_wait3A_99 = arith.constant 0 : i32
      %dma_wait3A_100 = arith.constant 0 : i32
      %dma_wait3A_101 = tpu.memref_slice %arg8[%dma_wait3A_99, %dma_wait3A_100] : memref<125x128xf32, #tpu.memory_space<vmem>> -> memref<104x128xf32, #tpu.memory_space<vmem>>
      %dma_wait3A_102 = arith.constant 0 : i32
      %dma_wait3A_103 = tpu.memref_slice %arg10[%add3A_63, %dma_wait3A_102] : memref<10000x128xf32, #tpu.memory_space<vmem_shared>> -> memref<104x128xf32, #tpu.memory_space<vmem_shared>>
      tpu.wait_dma2 semaphore(%run_scoped3A : memref<!tpu.dma_semaphore, #tpu.memory_space<semaphore_mem>>) src(%dma_wait3A_103 : memref<104x128xf32, #tpu.memory_space<vmem_shared>>) dst(%dma_wait3A_101 : memref<104x128xf32, #tpu.memory_space<vmem>>)
      tpu.yield
    }) : () -> ()
    "tpu.region"() ({
      %run_scoped3A = tpu.sem_alloc : memref<!tpu.dma_semaphore, #tpu.memory_space<semaphore_mem>>
      %dma_start3A_85 = arith.constant 0 : i32
      %dma_start3A_86 = arith.constant 0 : i32
      %dma_start3A_87 = tpu.memref_slice %arg8[%dma_start3A_85, %dma_start3A_86] : memref<125x128xf32, #tpu.memory_space<vmem>> -> memref<104x128xf32, #tpu.memory_space<vmem>>
      %dma_start3A_88 = arith.constant 0 : i32
      %dma_start3A_89 = arith.constant 0 : i32
      %dma_start3A_90 = tpu.memref_slice %arg5[%arg0, %dma_start3A_88, %dma_start3A_89] : memref<2x10000x128xf32, #tpu.memory_space<hbm>> -> memref<1x10000x128xf32, #tpu.memory_space<hbm>>
      %dma_start3A_91 = tpu.memref_squeeze %dma_start3A_90 : memref<1x10000x128xf32, #tpu.memory_space<hbm>> -> memref<10000x128xf32, #tpu.memory_space<hbm>>
      %dma_start3A_92 = arith.constant 0 : i32
      %dma_start3A_93 = tpu.memref_slice %dma_start3A_91[%add3A_63, %dma_start3A_92] : memref<10000x128xf32, #tpu.memory_space<hbm>> -> memref<104x128xf32, #tpu.memory_space<hbm>>
      %dma_start3A_94 = arith.constant 0 : i32
      %dma_start3A_95 = arith.constant 0 : i32
      %dma_start3A_96 = tpu.memref_slice %arg5[%arg0, %dma_start3A_94, %dma_start3A_95] : memref<2x10000x128xf32, #tpu.memory_space<hbm>> -> memref<1x10000x128xf32, #tpu.memory_space<hbm>>
      %dma_start3A_97 = tpu.memref_squeeze %dma_start3A_96 : memref<1x10000x128xf32, #tpu.memory_space<hbm>> -> memref<10000x128xf32, #tpu.memory_space<hbm>>
      %dma_start3A_98 = arith.constant 0 : i32
      %dma_start3A_99 = tpu.memref_slice %dma_start3A_97[%add3A_63, %dma_start3A_98] : memref<10000x128xf32, #tpu.memory_space<hbm>> -> memref<104x128xf32, #tpu.memory_space<hbm>>
      %dma_start3A_100 = arith.constant 0 : i32
      %dma_start3A_101 = arith.constant 0 : i32
      %dma_start3A_102 = tpu.memref_slice %arg8[%dma_start3A_100, %dma_start3A_101] : memref<125x128xf32, #tpu.memory_space<vmem>> -> memref<104x128xf32, #tpu.memory_space<vmem>>
      tpu.enqueue_dma source(%dma_start3A_102 : memref<104x128xf32, #tpu.memory_space<vmem>>) target(%dma_start3A_99 : memref<104x128xf32, #tpu.memory_space<hbm>>) target_semaphore(%run_scoped3A : memref<!tpu.dma_semaphore, #tpu.memory_space<semaphore_mem>>)
      %dma_wait3A = arith.constant 0 : i32
      %dma_wait3A_103 = arith.constant 0 : i32
      %dma_wait3A_104 = tpu.memref_slice %arg8[%dma_wait3A, %dma_wait3A_103] : memref<125x128xf32, #tpu.memory_space<vmem>> -> memref<104x128xf32, #tpu.memory_space<vmem>>
      %dma_wait3A_105 = arith.constant 0 : i32
      %dma_wait3A_106 = arith.constant 0 : i32
      %dma_wait3A_107 = tpu.memref_slice %arg5[%arg0, %dma_wait3A_105, %dma_wait3A_106] : memref<2x10000x128xf32, #tpu.memory_space<hbm>> -> memref<1x10000x128xf32, #tpu.memory_space<hbm>>
      %dma_wait3A_108 = tpu.memref_squeeze %dma_wait3A_107 : memref<1x10000x128xf32, #tpu.memory_space<hbm>> -> memref<10000x128xf32, #tpu.memory_space<hbm>>
      %dma_wait3A_109 = arith.constant 0 : i32
      %dma_wait3A_110 = tpu.memref_slice %dma_wait3A_108[%add3A_63, %dma_wait3A_109] : memref<10000x128xf32, #tpu.memory_space<hbm>> -> memref<104x128xf32, #tpu.memory_space<hbm>>
      %dma_wait3A_111 = arith.constant 0 : i32
      %dma_wait3A_112 = arith.constant 0 : i32
      %dma_wait3A_113 = tpu.memref_slice %arg5[%arg0, %dma_wait3A_111, %dma_wait3A_112] : memref<2x10000x128xf32, #tpu.memory_space<hbm>> -> memref<1x10000x128xf32, #tpu.memory_space<hbm>>
      %dma_wait3A_114 = tpu.memref_squeeze %dma_wait3A_113 : memref<1x10000x128xf32, #tpu.memory_space<hbm>> -> memref<10000x128xf32, #tpu.memory_space<hbm>>
      %dma_wait3A_115 = arith.constant 0 : i32
      %dma_wait3A_116 = tpu.memref_slice %dma_wait3A_114[%add3A_63, %dma_wait3A_115] : memref<10000x128xf32, #tpu.memory_space<hbm>> -> memref<104x128xf32, #tpu.memory_space<hbm>>
      %dma_wait3A_117 = arith.constant 0 : i32
      %dma_wait3A_118 = arith.constant 0 : i32
      %dma_wait3A_119 = tpu.memref_slice %arg8[%dma_wait3A_117, %dma_wait3A_118] : memref<125x128xf32, #tpu.memory_space<vmem>> -> memref<104x128xf32, #tpu.memory_space<vmem>>
      tpu.wait_dma2 semaphore(%run_scoped3A : memref<!tpu.dma_semaphore, #tpu.memory_space<semaphore_mem>>) src(%dma_wait3A_119 : memref<104x128xf32, #tpu.memory_space<vmem>>) dst(%dma_wait3A_116 : memref<104x128xf32, #tpu.memory_space<hbm>>)
      tpu.yield
    }) : () -> ()
    %mul3A_64 = arith.constant 624 : i32
    %mul3A_65 = arith.muli %arg1, %mul3A_64 : i32
    %add3A_66 = arith.constant 208 : i32
    %add3A_67 = arith.addi %mul3A_65, %add3A_66 : i32
    "tpu.region"() ({
      %run_scoped3A = tpu.sem_alloc : memref<!tpu.dma_semaphore, #tpu.memory_space<semaphore_mem>>
      %dma_start3A_85 = arith.constant 0 : i32
      %dma_start3A_86 = arith.constant 0 : i32
      %dma_start3A_87 = tpu.memref_slice %arg8[%dma_start3A_85, %dma_start3A_86] : memref<125x128xf32, #tpu.memory_space<vmem>> -> memref<104x128xf32, #tpu.memory_space<vmem>>
      %dma_start3A_88 = arith.constant 0 : i32
      %dma_start3A_89 = tpu.memref_slice %arg10[%add3A_67, %dma_start3A_88] : memref<10000x128xf32, #tpu.memory_space<vmem_shared>> -> memref<104x128xf32, #tpu.memory_space<vmem_shared>>
      %dma_start3A_90 = arith.constant 0 : i32
      %dma_start3A_91 = arith.constant 0 : i32
      %dma_start3A_92 = tpu.memref_slice %arg8[%dma_start3A_90, %dma_start3A_91] : memref<125x128xf32, #tpu.memory_space<vmem>> -> memref<104x128xf32, #tpu.memory_space<vmem>>
      %dma_start3A_93 = arith.constant 0 : i32
      %dma_start3A_94 = tpu.memref_slice %arg10[%add3A_67, %dma_start3A_93] : memref<10000x128xf32, #tpu.memory_space<vmem_shared>> -> memref<104x128xf32, #tpu.memory_space<vmem_shared>>
      tpu.enqueue_dma source(%dma_start3A_94 : memref<104x128xf32, #tpu.memory_space<vmem_shared>>) target(%dma_start3A_92 : memref<104x128xf32, #tpu.memory_space<vmem>>) target_semaphore(%run_scoped3A : memref<!tpu.dma_semaphore, #tpu.memory_space<semaphore_mem>>)
      %dma_wait3A = arith.constant 0 : i32
      %dma_wait3A_95 = arith.constant 0 : i32
      %dma_wait3A_96 = tpu.memref_slice %arg8[%dma_wait3A, %dma_wait3A_95] : memref<125x128xf32, #tpu.memory_space<vmem>> -> memref<104x128xf32, #tpu.memory_space<vmem>>
      %dma_wait3A_97 = arith.constant 0 : i32
      %dma_wait3A_98 = tpu.memref_slice %arg10[%add3A_67, %dma_wait3A_97] : memref<10000x128xf32, #tpu.memory_space<vmem_shared>> -> memref<104x128xf32, #tpu.memory_space<vmem_shared>>
      %dma_wait3A_99 = arith.constant 0 : i32
      %dma_wait3A_100 = arith.constant 0 : i32
      %dma_wait3A_101 = tpu.memref_slice %arg8[%dma_wait3A_99, %dma_wait3A_100] : memref<125x128xf32, #tpu.memory_space<vmem>> -> memref<104x128xf32, #tpu.memory_space<vmem>>
      %dma_wait3A_102 = arith.constant 0 : i32
      %dma_wait3A_103 = tpu.memref_slice %arg10[%add3A_67, %dma_wait3A_102] : memref<10000x128xf32, #tpu.memory_space<vmem_shared>> -> memref<104x128xf32, #tpu.memory_space<vmem_shared>>
      tpu.wait_dma2 semaphore(%run_scoped3A : memref<!tpu.dma_semaphore, #tpu.memory_space<semaphore_mem>>) src(%dma_wait3A_103 : memref<104x128xf32, #tpu.memory_space<vmem_shared>>) dst(%dma_wait3A_101 : memref<104x128xf32, #tpu.memory_space<vmem>>)
      tpu.yield
    }) : () -> ()
    "tpu.region"() ({
      %run_scoped3A = tpu.sem_alloc : memref<!tpu.dma_semaphore, #tpu.memory_space<semaphore_mem>>
      %dma_start3A_85 = arith.constant 0 : i32
      %dma_start3A_86 = arith.constant 0 : i32
      %dma_start3A_87 = tpu.memref_slice %arg8[%dma_start3A_85, %dma_start3A_86] : memref<125x128xf32, #tpu.memory_space<vmem>> -> memref<104x128xf32, #tpu.memory_space<vmem>>
      %dma_start3A_88 = arith.constant 0 : i32
      %dma_start3A_89 = arith.constant 0 : i32
      %dma_start3A_90 = tpu.memref_slice %arg5[%arg0, %dma_start3A_88, %dma_start3A_89] : memref<2x10000x128xf32, #tpu.memory_space<hbm>> -> memref<1x10000x128xf32, #tpu.memory_space<hbm>>
      %dma_start3A_91 = tpu.memref_squeeze %dma_start3A_90 : memref<1x10000x128xf32, #tpu.memory_space<hbm>> -> memref<10000x128xf32, #tpu.memory_space<hbm>>
      %dma_start3A_92 = arith.constant 0 : i32
      %dma_start3A_93 = tpu.memref_slice %dma_start3A_91[%add3A_67, %dma_start3A_92] : memref<10000x128xf32, #tpu.memory_space<hbm>> -> memref<104x128xf32, #tpu.memory_space<hbm>>
      %dma_start3A_94 = arith.constant 0 : i32
      %dma_start3A_95 = arith.constant 0 : i32
      %dma_start3A_96 = tpu.memref_slice %arg5[%arg0, %dma_start3A_94, %dma_start3A_95] : memref<2x10000x128xf32, #tpu.memory_space<hbm>> -> memref<1x10000x128xf32, #tpu.memory_space<hbm>>
      %dma_start3A_97 = tpu.memref_squeeze %dma_start3A_96 : memref<1x10000x128xf32, #tpu.memory_space<hbm>> -> memref<10000x128xf32, #tpu.memory_space<hbm>>
      %dma_start3A_98 = arith.constant 0 : i32
      %dma_start3A_99 = tpu.memref_slice %dma_start3A_97[%add3A_67, %dma_start3A_98] : memref<10000x128xf32, #tpu.memory_space<hbm>> -> memref<104x128xf32, #tpu.memory_space<hbm>>
      %dma_start3A_100 = arith.constant 0 : i32
      %dma_start3A_101 = arith.constant 0 : i32
      %dma_start3A_102 = tpu.memref_slice %arg8[%dma_start3A_100, %dma_start3A_101] : memref<125x128xf32, #tpu.memory_space<vmem>> -> memref<104x128xf32, #tpu.memory_space<vmem>>
      tpu.enqueue_dma source(%dma_start3A_102 : memref<104x128xf32, #tpu.memory_space<vmem>>) target(%dma_start3A_99 : memref<104x128xf32, #tpu.memory_space<hbm>>) target_semaphore(%run_scoped3A : memref<!tpu.dma_semaphore, #tpu.memory_space<semaphore_mem>>)
      %dma_wait3A = arith.constant 0 : i32
      %dma_wait3A_103 = arith.constant 0 : i32
      %dma_wait3A_104 = tpu.memref_slice %arg8[%dma_wait3A, %dma_wait3A_103] : memref<125x128xf32, #tpu.memory_space<vmem>> -> memref<104x128xf32, #tpu.memory_space<vmem>>
      %dma_wait3A_105 = arith.constant 0 : i32
      %dma_wait3A_106 = arith.constant 0 : i32
      %dma_wait3A_107 = tpu.memref_slice %arg5[%arg0, %dma_wait3A_105, %dma_wait3A_106] : memref<2x10000x128xf32, #tpu.memory_space<hbm>> -> memref<1x10000x128xf32, #tpu.memory_space<hbm>>
      %dma_wait3A_108 = tpu.memref_squeeze %dma_wait3A_107 : memref<1x10000x128xf32, #tpu.memory_space<hbm>> -> memref<10000x128xf32, #tpu.memory_space<hbm>>
      %dma_wait3A_109 = arith.constant 0 : i32
      %dma_wait3A_110 = tpu.memref_slice %dma_wait3A_108[%add3A_67, %dma_wait3A_109] : memref<10000x128xf32, #tpu.memory_space<hbm>> -> memref<104x128xf32, #tpu.memory_space<hbm>>
      %dma_wait3A_111 = arith.constant 0 : i32
      %dma_wait3A_112 = arith.constant 0 : i32
      %dma_wait3A_113 = tpu.memref_slice %arg5[%arg0, %dma_wait3A_111, %dma_wait3A_112] : memref<2x10000x128xf32, #tpu.memory_space<hbm>> -> memref<1x10000x128xf32, #tpu.memory_space<hbm>>
      %dma_wait3A_114 = tpu.memref_squeeze %dma_wait3A_113 : memref<1x10000x128xf32, #tpu.memory_space<hbm>> -> memref<10000x128xf32, #tpu.memory_space<hbm>>
      %dma_wait3A_115 = arith.constant 0 : i32
      %dma_wait3A_116 = tpu.memref_slice %dma_wait3A_114[%add3A_67, %dma_wait3A_115] : memref<10000x128xf32, #tpu.memory_space<hbm>> -> memref<104x128xf32, #tpu.memory_space<hbm>>
      %dma_wait3A_117 = arith.constant 0 : i32
      %dma_wait3A_118 = arith.constant 0 : i32
      %dma_wait3A_119 = tpu.memref_slice %arg8[%dma_wait3A_117, %dma_wait3A_118] : memref<125x128xf32, #tpu.memory_space<vmem>> -> memref<104x128xf32, #tpu.memory_space<vmem>>
      tpu.wait_dma2 semaphore(%run_scoped3A : memref<!tpu.dma_semaphore, #tpu.memory_space<semaphore_mem>>) src(%dma_wait3A_119 : memref<104x128xf32, #tpu.memory_space<vmem>>) dst(%dma_wait3A_116 : memref<104x128xf32, #tpu.memory_space<hbm>>)
      tpu.yield
    }) : () -> ()
    %mul3A_68 = arith.constant 624 : i32
    %mul3A_69 = arith.muli %arg1, %mul3A_68 : i32
    %add3A_70 = arith.constant 312 : i32
    %add3A_71 = arith.addi %mul3A_69, %add3A_70 : i32
    "tpu.region"() ({
      %run_scoped3A = tpu.sem_alloc : memref<!tpu.dma_semaphore, #tpu.memory_space<semaphore_mem>>
      %dma_start3A_85 = arith.constant 0 : i32
      %dma_start3A_86 = arith.constant 0 : i32
      %dma_start3A_87 = tpu.memref_slice %arg8[%dma_start3A_85, %dma_start3A_86] : memref<125x128xf32, #tpu.memory_space<vmem>> -> memref<104x128xf32, #tpu.memory_space<vmem>>
      %dma_start3A_88 = arith.constant 0 : i32
      %dma_start3A_89 = tpu.memref_slice %arg10[%add3A_71, %dma_start3A_88] : memref<10000x128xf32, #tpu.memory_space<vmem_shared>> -> memref<104x128xf32, #tpu.memory_space<vmem_shared>>
      %dma_start3A_90 = arith.constant 0 : i32
      %dma_start3A_91 = arith.constant 0 : i32
      %dma_start3A_92 = tpu.memref_slice %arg8[%dma_start3A_90, %dma_start3A_91] : memref<125x128xf32, #tpu.memory_space<vmem>> -> memref<104x128xf32, #tpu.memory_space<vmem>>
      %dma_start3A_93 = arith.constant 0 : i32
      %dma_start3A_94 = tpu.memref_slice %arg10[%add3A_71, %dma_start3A_93] : memref<10000x128xf32, #tpu.memory_space<vmem_shared>> -> memref<104x128xf32, #tpu.memory_space<vmem_shared>>
      tpu.enqueue_dma source(%dma_start3A_94 : memref<104x128xf32, #tpu.memory_space<vmem_shared>>) target(%dma_start3A_92 : memref<104x128xf32, #tpu.memory_space<vmem>>) target_semaphore(%run_scoped3A : memref<!tpu.dma_semaphore, #tpu.memory_space<semaphore_mem>>)
      %dma_wait3A = arith.constant 0 : i32
      %dma_wait3A_95 = arith.constant 0 : i32
      %dma_wait3A_96 = tpu.memref_slice %arg8[%dma_wait3A, %dma_wait3A_95] : memref<125x128xf32, #tpu.memory_space<vmem>> -> memref<104x128xf32, #tpu.memory_space<vmem>>
      %dma_wait3A_97 = arith.constant 0 : i32
      %dma_wait3A_98 = tpu.memref_slice %arg10[%add3A_71, %dma_wait3A_97] : memref<10000x128xf32, #tpu.memory_space<vmem_shared>> -> memref<104x128xf32, #tpu.memory_space<vmem_shared>>
      %dma_wait3A_99 = arith.constant 0 : i32
      %dma_wait3A_100 = arith.constant 0 : i32
      %dma_wait3A_101 = tpu.memref_slice %arg8[%dma_wait3A_99, %dma_wait3A_100] : memref<125x128xf32, #tpu.memory_space<vmem>> -> memref<104x128xf32, #tpu.memory_space<vmem>>
      %dma_wait3A_102 = arith.constant 0 : i32
      %dma_wait3A_103 = tpu.memref_slice %arg10[%add3A_71, %dma_wait3A_102] : memref<10000x128xf32, #tpu.memory_space<vmem_shared>> -> memref<104x128xf32, #tpu.memory_space<vmem_shared>>
      tpu.wait_dma2 semaphore(%run_scoped3A : memref<!tpu.dma_semaphore, #tpu.memory_space<semaphore_mem>>) src(%dma_wait3A_103 : memref<104x128xf32, #tpu.memory_space<vmem_shared>>) dst(%dma_wait3A_101 : memref<104x128xf32, #tpu.memory_space<vmem>>)
      tpu.yield
    }) : () -> ()
    "tpu.region"() ({
      %run_scoped3A = tpu.sem_alloc : memref<!tpu.dma_semaphore, #tpu.memory_space<semaphore_mem>>
      %dma_start3A_85 = arith.constant 0 : i32
      %dma_start3A_86 = arith.constant 0 : i32
      %dma_start3A_87 = tpu.memref_slice %arg8[%dma_start3A_85, %dma_start3A_86] : memref<125x128xf32, #tpu.memory_space<vmem>> -> memref<104x128xf32, #tpu.memory_space<vmem>>
      %dma_start3A_88 = arith.constant 0 : i32
      %dma_start3A_89 = arith.constant 0 : i32
      %dma_start3A_90 = tpu.memref_slice %arg5[%arg0, %dma_start3A_88, %dma_start3A_89] : memref<2x10000x128xf32, #tpu.memory_space<hbm>> -> memref<1x10000x128xf32, #tpu.memory_space<hbm>>
      %dma_start3A_91 = tpu.memref_squeeze %dma_start3A_90 : memref<1x10000x128xf32, #tpu.memory_space<hbm>> -> memref<10000x128xf32, #tpu.memory_space<hbm>>
      %dma_start3A_92 = arith.constant 0 : i32
      %dma_start3A_93 = tpu.memref_slice %dma_start3A_91[%add3A_71, %dma_start3A_92] : memref<10000x128xf32, #tpu.memory_space<hbm>> -> memref<104x128xf32, #tpu.memory_space<hbm>>
      %dma_start3A_94 = arith.constant 0 : i32
      %dma_start3A_95 = arith.constant 0 : i32
      %dma_start3A_96 = tpu.memref_slice %arg5[%arg0, %dma_start3A_94, %dma_start3A_95] : memref<2x10000x128xf32, #tpu.memory_space<hbm>> -> memref<1x10000x128xf32, #tpu.memory_space<hbm>>
      %dma_start3A_97 = tpu.memref_squeeze %dma_start3A_96 : memref<1x10000x128xf32, #tpu.memory_space<hbm>> -> memref<10000x128xf32, #tpu.memory_space<hbm>>
      %dma_start3A_98 = arith.constant 0 : i32
      %dma_start3A_99 = tpu.memref_slice %dma_start3A_97[%add3A_71, %dma_start3A_98] : memref<10000x128xf32, #tpu.memory_space<hbm>> -> memref<104x128xf32, #tpu.memory_space<hbm>>
      %dma_start3A_100 = arith.constant 0 : i32
      %dma_start3A_101 = arith.constant 0 : i32
      %dma_start3A_102 = tpu.memref_slice %arg8[%dma_start3A_100, %dma_start3A_101] : memref<125x128xf32, #tpu.memory_space<vmem>> -> memref<104x128xf32, #tpu.memory_space<vmem>>
      tpu.enqueue_dma source(%dma_start3A_102 : memref<104x128xf32, #tpu.memory_space<vmem>>) target(%dma_start3A_99 : memref<104x128xf32, #tpu.memory_space<hbm>>) target_semaphore(%run_scoped3A : memref<!tpu.dma_semaphore, #tpu.memory_space<semaphore_mem>>)
      %dma_wait3A = arith.constant 0 : i32
      %dma_wait3A_103 = arith.constant 0 : i32
      %dma_wait3A_104 = tpu.memref_slice %arg8[%dma_wait3A, %dma_wait3A_103] : memref<125x128xf32, #tpu.memory_space<vmem>> -> memref<104x128xf32, #tpu.memory_space<vmem>>
      %dma_wait3A_105 = arith.constant 0 : i32
      %dma_wait3A_106 = arith.constant 0 : i32
      %dma_wait3A_107 = tpu.memref_slice %arg5[%arg0, %dma_wait3A_105, %dma_wait3A_106] : memref<2x10000x128xf32, #tpu.memory_space<hbm>> -> memref<1x10000x128xf32, #tpu.memory_space<hbm>>
      %dma_wait3A_108 = tpu.memref_squeeze %dma_wait3A_107 : memref<1x10000x128xf32, #tpu.memory_space<hbm>> -> memref<10000x128xf32, #tpu.memory_space<hbm>>
      %dma_wait3A_109 = arith.constant 0 : i32
      %dma_wait3A_110 = tpu.memref_slice %dma_wait3A_108[%add3A_71, %dma_wait3A_109] : memref<10000x128xf32, #tpu.memory_space<hbm>> -> memref<104x128xf32, #tpu.memory_space<hbm>>
      %dma_wait3A_111 = arith.constant 0 : i32
      %dma_wait3A_112 = arith.constant 0 : i32
      %dma_wait3A_113 = tpu.memref_slice %arg5[%arg0, %dma_wait3A_111, %dma_wait3A_112] : memref<2x10000x128xf32, #tpu.memory_space<hbm>> -> memref<1x10000x128xf32, #tpu.memory_space<hbm>>
      %dma_wait3A_114 = tpu.memref_squeeze %dma_wait3A_113 : memref<1x10000x128xf32, #tpu.memory_space<hbm>> -> memref<10000x128xf32, #tpu.memory_space<hbm>>
      %dma_wait3A_115 = arith.constant 0 : i32
      %dma_wait3A_116 = tpu.memref_slice %dma_wait3A_114[%add3A_71, %dma_wait3A_115] : memref<10000x128xf32, #tpu.memory_space<hbm>> -> memref<104x128xf32, #tpu.memory_space<hbm>>
      %dma_wait3A_117 = arith.constant 0 : i32
      %dma_wait3A_118 = arith.constant 0 : i32
      %dma_wait3A_119 = tpu.memref_slice %arg8[%dma_wait3A_117, %dma_wait3A_118] : memref<125x128xf32, #tpu.memory_space<vmem>> -> memref<104x128xf32, #tpu.memory_space<vmem>>
      tpu.wait_dma2 semaphore(%run_scoped3A : memref<!tpu.dma_semaphore, #tpu.memory_space<semaphore_mem>>) src(%dma_wait3A_119 : memref<104x128xf32, #tpu.memory_space<vmem>>) dst(%dma_wait3A_116 : memref<104x128xf32, #tpu.memory_space<hbm>>)
      tpu.yield
    }) : () -> ()
    %mul3A_72 = arith.constant 624 : i32
    %mul3A_73 = arith.muli %arg1, %mul3A_72 : i32
    %add3A_74 = arith.constant 416 : i32
    %add3A_75 = arith.addi %mul3A_73, %add3A_74 : i32
    "tpu.region"() ({
      %run_scoped3A = tpu.sem_alloc : memref<!tpu.dma_semaphore, #tpu.memory_space<semaphore_mem>>
      %dma_start3A_85 = arith.constant 0 : i32
      %dma_start3A_86 = arith.constant 0 : i32
      %dma_start3A_87 = tpu.memref_slice %arg8[%dma_start3A_85, %dma_start3A_86] : memref<125x128xf32, #tpu.memory_space<vmem>> -> memref<104x128xf32, #tpu.memory_space<vmem>>
      %dma_start3A_88 = arith.constant 0 : i32
      %dma_start3A_89 = tpu.memref_slice %arg10[%add3A_75, %dma_start3A_88] : memref<10000x128xf32, #tpu.memory_space<vmem_shared>> -> memref<104x128xf32, #tpu.memory_space<vmem_shared>>
      %dma_start3A_90 = arith.constant 0 : i32
      %dma_start3A_91 = arith.constant 0 : i32
      %dma_start3A_92 = tpu.memref_slice %arg8[%dma_start3A_90, %dma_start3A_91] : memref<125x128xf32, #tpu.memory_space<vmem>> -> memref<104x128xf32, #tpu.memory_space<vmem>>
      %dma_start3A_93 = arith.constant 0 : i32
      %dma_start3A_94 = tpu.memref_slice %arg10[%add3A_75, %dma_start3A_93] : memref<10000x128xf32, #tpu.memory_space<vmem_shared>> -> memref<104x128xf32, #tpu.memory_space<vmem_shared>>
      tpu.enqueue_dma source(%dma_start3A_94 : memref<104x128xf32, #tpu.memory_space<vmem_shared>>) target(%dma_start3A_92 : memref<104x128xf32, #tpu.memory_space<vmem>>) target_semaphore(%run_scoped3A : memref<!tpu.dma_semaphore, #tpu.memory_space<semaphore_mem>>)
      %dma_wait3A = arith.constant 0 : i32
      %dma_wait3A_95 = arith.constant 0 : i32
      %dma_wait3A_96 = tpu.memref_slice %arg8[%dma_wait3A, %dma_wait3A_95] : memref<125x128xf32, #tpu.memory_space<vmem>> -> memref<104x128xf32, #tpu.memory_space<vmem>>
      %dma_wait3A_97 = arith.constant 0 : i32
      %dma_wait3A_98 = tpu.memref_slice %arg10[%add3A_75, %dma_wait3A_97] : memref<10000x128xf32, #tpu.memory_space<vmem_shared>> -> memref<104x128xf32, #tpu.memory_space<vmem_shared>>
      %dma_wait3A_99 = arith.constant 0 : i32
      %dma_wait3A_100 = arith.constant 0 : i32
      %dma_wait3A_101 = tpu.memref_slice %arg8[%dma_wait3A_99, %dma_wait3A_100] : memref<125x128xf32, #tpu.memory_space<vmem>> -> memref<104x128xf32, #tpu.memory_space<vmem>>
      %dma_wait3A_102 = arith.constant 0 : i32
      %dma_wait3A_103 = tpu.memref_slice %arg10[%add3A_75, %dma_wait3A_102] : memref<10000x128xf32, #tpu.memory_space<vmem_shared>> -> memref<104x128xf32, #tpu.memory_space<vmem_shared>>
      tpu.wait_dma2 semaphore(%run_scoped3A : memref<!tpu.dma_semaphore, #tpu.memory_space<semaphore_mem>>) src(%dma_wait3A_103 : memref<104x128xf32, #tpu.memory_space<vmem_shared>>) dst(%dma_wait3A_101 : memref<104x128xf32, #tpu.memory_space<vmem>>)
      tpu.yield
    }) : () -> ()
    "tpu.region"() ({
      %run_scoped3A = tpu.sem_alloc : memref<!tpu.dma_semaphore, #tpu.memory_space<semaphore_mem>>
      %dma_start3A_85 = arith.constant 0 : i32
      %dma_start3A_86 = arith.constant 0 : i32
      %dma_start3A_87 = tpu.memref_slice %arg8[%dma_start3A_85, %dma_start3A_86] : memref<125x128xf32, #tpu.memory_space<vmem>> -> memref<104x128xf32, #tpu.memory_space<vmem>>
      %dma_start3A_88 = arith.constant 0 : i32
      %dma_start3A_89 = arith.constant 0 : i32
      %dma_start3A_90 = tpu.memref_slice %arg5[%arg0, %dma_start3A_88, %dma_start3A_89] : memref<2x10000x128xf32, #tpu.memory_space<hbm>> -> memref<1x10000x128xf32, #tpu.memory_space<hbm>>
      %dma_start3A_91 = tpu.memref_squeeze %dma_start3A_90 : memref<1x10000x128xf32, #tpu.memory_space<hbm>> -> memref<10000x128xf32, #tpu.memory_space<hbm>>
      %dma_start3A_92 = arith.constant 0 : i32
      %dma_start3A_93 = tpu.memref_slice %dma_start3A_91[%add3A_75, %dma_start3A_92] : memref<10000x128xf32, #tpu.memory_space<hbm>> -> memref<104x128xf32, #tpu.memory_space<hbm>>
      %dma_start3A_94 = arith.constant 0 : i32
      %dma_start3A_95 = arith.constant 0 : i32
      %dma_start3A_96 = tpu.memref_slice %arg5[%arg0, %dma_start3A_94, %dma_start3A_95] : memref<2x10000x128xf32, #tpu.memory_space<hbm>> -> memref<1x10000x128xf32, #tpu.memory_space<hbm>>
      %dma_start3A_97 = tpu.memref_squeeze %dma_start3A_96 : memref<1x10000x128xf32, #tpu.memory_space<hbm>> -> memref<10000x128xf32, #tpu.memory_space<hbm>>
      %dma_start3A_98 = arith.constant 0 : i32
      %dma_start3A_99 = tpu.memref_slice %dma_start3A_97[%add3A_75, %dma_start3A_98] : memref<10000x128xf32, #tpu.memory_space<hbm>> -> memref<104x128xf32, #tpu.memory_space<hbm>>
      %dma_start3A_100 = arith.constant 0 : i32
      %dma_start3A_101 = arith.constant 0 : i32
      %dma_start3A_102 = tpu.memref_slice %arg8[%dma_start3A_100, %dma_start3A_101] : memref<125x128xf32, #tpu.memory_space<vmem>> -> memref<104x128xf32, #tpu.memory_space<vmem>>
      tpu.enqueue_dma source(%dma_start3A_102 : memref<104x128xf32, #tpu.memory_space<vmem>>) target(%dma_start3A_99 : memref<104x128xf32, #tpu.memory_space<hbm>>) target_semaphore(%run_scoped3A : memref<!tpu.dma_semaphore, #tpu.memory_space<semaphore_mem>>)
      %dma_wait3A = arith.constant 0 : i32
      %dma_wait3A_103 = arith.constant 0 : i32
      %dma_wait3A_104 = tpu.memref_slice %arg8[%dma_wait3A, %dma_wait3A_103] : memref<125x128xf32, #tpu.memory_space<vmem>> -> memref<104x128xf32, #tpu.memory_space<vmem>>
      %dma_wait3A_105 = arith.constant 0 : i32
      %dma_wait3A_106 = arith.constant 0 : i32
      %dma_wait3A_107 = tpu.memref_slice %arg5[%arg0, %dma_wait3A_105, %dma_wait3A_106] : memref<2x10000x128xf32, #tpu.memory_space<hbm>> -> memref<1x10000x128xf32, #tpu.memory_space<hbm>>
      %dma_wait3A_108 = tpu.memref_squeeze %dma_wait3A_107 : memref<1x10000x128xf32, #tpu.memory_space<hbm>> -> memref<10000x128xf32, #tpu.memory_space<hbm>>
      %dma_wait3A_109 = arith.constant 0 : i32
      %dma_wait3A_110 = tpu.memref_slice %dma_wait3A_108[%add3A_75, %dma_wait3A_109] : memref<10000x128xf32, #tpu.memory_space<hbm>> -> memref<104x128xf32, #tpu.memory_space<hbm>>
      %dma_wait3A_111 = arith.constant 0 : i32
      %dma_wait3A_112 = arith.constant 0 : i32
      %dma_wait3A_113 = tpu.memref_slice %arg5[%arg0, %dma_wait3A_111, %dma_wait3A_112] : memref<2x10000x128xf32, #tpu.memory_space<hbm>> -> memref<1x10000x128xf32, #tpu.memory_space<hbm>>
      %dma_wait3A_114 = tpu.memref_squeeze %dma_wait3A_113 : memref<1x10000x128xf32, #tpu.memory_space<hbm>> -> memref<10000x128xf32, #tpu.memory_space<hbm>>
      %dma_wait3A_115 = arith.constant 0 : i32
      %dma_wait3A_116 = tpu.memref_slice %dma_wait3A_114[%add3A_75, %dma_wait3A_115] : memref<10000x128xf32, #tpu.memory_space<hbm>> -> memref<104x128xf32, #tpu.memory_space<hbm>>
      %dma_wait3A_117 = arith.constant 0 : i32
      %dma_wait3A_118 = arith.constant 0 : i32
      %dma_wait3A_119 = tpu.memref_slice %arg8[%dma_wait3A_117, %dma_wait3A_118] : memref<125x128xf32, #tpu.memory_space<vmem>> -> memref<104x128xf32, #tpu.memory_space<vmem>>
      tpu.wait_dma2 semaphore(%run_scoped3A : memref<!tpu.dma_semaphore, #tpu.memory_space<semaphore_mem>>) src(%dma_wait3A_119 : memref<104x128xf32, #tpu.memory_space<vmem>>) dst(%dma_wait3A_116 : memref<104x128xf32, #tpu.memory_space<hbm>>)
      tpu.yield
    }) : () -> ()
    %mul3A_76 = arith.constant 624 : i32
    %mul3A_77 = arith.muli %arg1, %mul3A_76 : i32
    %add3A_78 = arith.constant 520 : i32
    %add3A_79 = arith.addi %mul3A_77, %add3A_78 : i32
    "tpu.region"() ({
      %run_scoped3A = tpu.sem_alloc : memref<!tpu.dma_semaphore, #tpu.memory_space<semaphore_mem>>
      %dma_start3A_85 = arith.constant 0 : i32
      %dma_start3A_86 = arith.constant 0 : i32
      %dma_start3A_87 = tpu.memref_slice %arg8[%dma_start3A_85, %dma_start3A_86] : memref<125x128xf32, #tpu.memory_space<vmem>> -> memref<104x128xf32, #tpu.memory_space<vmem>>
      %dma_start3A_88 = arith.constant 0 : i32
      %dma_start3A_89 = tpu.memref_slice %arg10[%add3A_79, %dma_start3A_88] : memref<10000x128xf32, #tpu.memory_space<vmem_shared>> -> memref<104x128xf32, #tpu.memory_space<vmem_shared>>
      %dma_start3A_90 = arith.constant 0 : i32
      %dma_start3A_91 = arith.constant 0 : i32
      %dma_start3A_92 = tpu.memref_slice %arg8[%dma_start3A_90, %dma_start3A_91] : memref<125x128xf32, #tpu.memory_space<vmem>> -> memref<104x128xf32, #tpu.memory_space<vmem>>
      %dma_start3A_93 = arith.constant 0 : i32
      %dma_start3A_94 = tpu.memref_slice %arg10[%add3A_79, %dma_start3A_93] : memref<10000x128xf32, #tpu.memory_space<vmem_shared>> -> memref<104x128xf32, #tpu.memory_space<vmem_shared>>
      tpu.enqueue_dma source(%dma_start3A_94 : memref<104x128xf32, #tpu.memory_space<vmem_shared>>) target(%dma_start3A_92 : memref<104x128xf32, #tpu.memory_space<vmem>>) target_semaphore(%run_scoped3A : memref<!tpu.dma_semaphore, #tpu.memory_space<semaphore_mem>>)
      %dma_wait3A = arith.constant 0 : i32
      %dma_wait3A_95 = arith.constant 0 : i32
      %dma_wait3A_96 = tpu.memref_slice %arg8[%dma_wait3A, %dma_wait3A_95] : memref<125x128xf32, #tpu.memory_space<vmem>> -> memref<104x128xf32, #tpu.memory_space<vmem>>
      %dma_wait3A_97 = arith.constant 0 : i32
      %dma_wait3A_98 = tpu.memref_slice %arg10[%add3A_79, %dma_wait3A_97] : memref<10000x128xf32, #tpu.memory_space<vmem_shared>> -> memref<104x128xf32, #tpu.memory_space<vmem_shared>>
      %dma_wait3A_99 = arith.constant 0 : i32
      %dma_wait3A_100 = arith.constant 0 : i32
      %dma_wait3A_101 = tpu.memref_slice %arg8[%dma_wait3A_99, %dma_wait3A_100] : memref<125x128xf32, #tpu.memory_space<vmem>> -> memref<104x128xf32, #tpu.memory_space<vmem>>
      %dma_wait3A_102 = arith.constant 0 : i32
      %dma_wait3A_103 = tpu.memref_slice %arg10[%add3A_79, %dma_wait3A_102] : memref<10000x128xf32, #tpu.memory_space<vmem_shared>> -> memref<104x128xf32, #tpu.memory_space<vmem_shared>>
      tpu.wait_dma2 semaphore(%run_scoped3A : memref<!tpu.dma_semaphore, #tpu.memory_space<semaphore_mem>>) src(%dma_wait3A_103 : memref<104x128xf32, #tpu.memory_space<vmem_shared>>) dst(%dma_wait3A_101 : memref<104x128xf32, #tpu.memory_space<vmem>>)
      tpu.yield
    }) : () -> ()
    "tpu.region"() ({
      %run_scoped3A = tpu.sem_alloc : memref<!tpu.dma_semaphore, #tpu.memory_space<semaphore_mem>>
      %dma_start3A_85 = arith.constant 0 : i32
      %dma_start3A_86 = arith.constant 0 : i32
      %dma_start3A_87 = tpu.memref_slice %arg8[%dma_start3A_85, %dma_start3A_86] : memref<125x128xf32, #tpu.memory_space<vmem>> -> memref<104x128xf32, #tpu.memory_space<vmem>>
      %dma_start3A_88 = arith.constant 0 : i32
      %dma_start3A_89 = arith.constant 0 : i32
      %dma_start3A_90 = tpu.memref_slice %arg5[%arg0, %dma_start3A_88, %dma_start3A_89] : memref<2x10000x128xf32, #tpu.memory_space<hbm>> -> memref<1x10000x128xf32, #tpu.memory_space<hbm>>
      %dma_start3A_91 = tpu.memref_squeeze %dma_start3A_90 : memref<1x10000x128xf32, #tpu.memory_space<hbm>> -> memref<10000x128xf32, #tpu.memory_space<hbm>>
      %dma_start3A_92 = arith.constant 0 : i32
      %dma_start3A_93 = tpu.memref_slice %dma_start3A_91[%add3A_79, %dma_start3A_92] : memref<10000x128xf32, #tpu.memory_space<hbm>> -> memref<104x128xf32, #tpu.memory_space<hbm>>
      %dma_start3A_94 = arith.constant 0 : i32
      %dma_start3A_95 = arith.constant 0 : i32
      %dma_start3A_96 = tpu.memref_slice %arg5[%arg0, %dma_start3A_94, %dma_start3A_95] : memref<2x10000x128xf32, #tpu.memory_space<hbm>> -> memref<1x10000x128xf32, #tpu.memory_space<hbm>>
      %dma_start3A_97 = tpu.memref_squeeze %dma_start3A_96 : memref<1x10000x128xf32, #tpu.memory_space<hbm>> -> memref<10000x128xf32, #tpu.memory_space<hbm>>
      %dma_start3A_98 = arith.constant 0 : i32
      %dma_start3A_99 = tpu.memref_slice %dma_start3A_97[%add3A_79, %dma_start3A_98] : memref<10000x128xf32, #tpu.memory_space<hbm>> -> memref<104x128xf32, #tpu.memory_space<hbm>>
      %dma_start3A_100 = arith.constant 0 : i32
      %dma_start3A_101 = arith.constant 0 : i32
      %dma_start3A_102 = tpu.memref_slice %arg8[%dma_start3A_100, %dma_start3A_101] : memref<125x128xf32, #tpu.memory_space<vmem>> -> memref<104x128xf32, #tpu.memory_space<vmem>>
      tpu.enqueue_dma source(%dma_start3A_102 : memref<104x128xf32, #tpu.memory_space<vmem>>) target(%dma_start3A_99 : memref<104x128xf32, #tpu.memory_space<hbm>>) target_semaphore(%run_scoped3A : memref<!tpu.dma_semaphore, #tpu.memory_space<semaphore_mem>>)
      %dma_wait3A = arith.constant 0 : i32
      %dma_wait3A_103 = arith.constant 0 : i32
      %dma_wait3A_104 = tpu.memref_slice %arg8[%dma_wait3A, %dma_wait3A_103] : memref<125x128xf32, #tpu.memory_space<vmem>> -> memref<104x128xf32, #tpu.memory_space<vmem>>
      %dma_wait3A_105 = arith.constant 0 : i32
      %dma_wait3A_106 = arith.constant 0 : i32
      %dma_wait3A_107 = tpu.memref_slice %arg5[%arg0, %dma_wait3A_105, %dma_wait3A_106] : memref<2x10000x128xf32, #tpu.memory_space<hbm>> -> memref<1x10000x128xf32, #tpu.memory_space<hbm>>
      %dma_wait3A_108 = tpu.memref_squeeze %dma_wait3A_107 : memref<1x10000x128xf32, #tpu.memory_space<hbm>> -> memref<10000x128xf32, #tpu.memory_space<hbm>>
      %dma_wait3A_109 = arith.constant 0 : i32
      %dma_wait3A_110 = tpu.memref_slice %dma_wait3A_108[%add3A_79, %dma_wait3A_109] : memref<10000x128xf32, #tpu.memory_space<hbm>> -> memref<104x128xf32, #tpu.memory_space<hbm>>
      %dma_wait3A_111 = arith.constant 0 : i32
      %dma_wait3A_112 = arith.constant 0 : i32
      %dma_wait3A_113 = tpu.memref_slice %arg5[%arg0, %dma_wait3A_111, %dma_wait3A_112] : memref<2x10000x128xf32, #tpu.memory_space<hbm>> -> memref<1x10000x128xf32, #tpu.memory_space<hbm>>
      %dma_wait3A_114 = tpu.memref_squeeze %dma_wait3A_113 : memref<1x10000x128xf32, #tpu.memory_space<hbm>> -> memref<10000x128xf32, #tpu.memory_space<hbm>>
      %dma_wait3A_115 = arith.constant 0 : i32
      %dma_wait3A_116 = tpu.memref_slice %dma_wait3A_114[%add3A_79, %dma_wait3A_115] : memref<10000x128xf32, #tpu.memory_space<hbm>> -> memref<104x128xf32, #tpu.memory_space<hbm>>
      %dma_wait3A_117 = arith.constant 0 : i32
      %dma_wait3A_118 = arith.constant 0 : i32
      %dma_wait3A_119 = tpu.memref_slice %arg8[%dma_wait3A_117, %dma_wait3A_118] : memref<125x128xf32, #tpu.memory_space<vmem>> -> memref<104x128xf32, #tpu.memory_space<vmem>>
      tpu.wait_dma2 semaphore(%run_scoped3A : memref<!tpu.dma_semaphore, #tpu.memory_space<semaphore_mem>>) src(%dma_wait3A_119 : memref<104x128xf32, #tpu.memory_space<vmem>>) dst(%dma_wait3A_116 : memref<104x128xf32, #tpu.memory_space<hbm>>)
      tpu.yield
    }) : () -> ()
    %eq3A_80 = arith.constant 0 : i32
    %eq3A_81 = arith.cmpi eq, %arg1, %eq3A_80 : i32
    %convert_element_type3A_82 = arith.extui %eq3A_81 : i1 to i32
    %cond3A_83 = arith.constant 0 : i32
    %cond3A_84 = arith.cmpi ne, %convert_element_type3A_82, %cond3A_83 : i32
    scf.if %cond3A_84 {
      "tpu.region"() ({
        %run_scoped3A = tpu.sem_alloc : memref<!tpu.dma_semaphore, #tpu.memory_space<semaphore_mem>>
        %dma_start3A_85 = arith.constant 0 : i32
        %dma_start3A_86 = arith.constant 0 : i32
        %dma_start3A_87 = tpu.memref_slice %arg8[%dma_start3A_85, %dma_start3A_86] : memref<125x128xf32, #tpu.memory_space<vmem>> -> memref<16x128xf32, #tpu.memory_space<vmem>>
        %dma_start3A_88 = arith.constant 9984 : i32
        %dma_start3A_89 = arith.constant 0 : i32
        %dma_start3A_90 = tpu.memref_slice %arg10[%dma_start3A_88, %dma_start3A_89] : memref<10000x128xf32, #tpu.memory_space<vmem_shared>> -> memref<16x128xf32, #tpu.memory_space<vmem_shared>>
        %dma_start3A_91 = arith.constant 0 : i32
        %dma_start3A_92 = arith.constant 0 : i32
        %dma_start3A_93 = tpu.memref_slice %arg8[%dma_start3A_91, %dma_start3A_92] : memref<125x128xf32, #tpu.memory_space<vmem>> -> memref<16x128xf32, #tpu.memory_space<vmem>>
        %dma_start3A_94 = arith.constant 9984 : i32
        %dma_start3A_95 = arith.constant 0 : i32
        %dma_start3A_96 = tpu.memref_slice %arg10[%dma_start3A_94, %dma_start3A_95] : memref<10000x128xf32, #tpu.memory_space<vmem_shared>> -> memref<16x128xf32, #tpu.memory_space<vmem_shared>>
        tpu.enqueue_dma source(%dma_start3A_96 : memref<16x128xf32, #tpu.memory_space<vmem_shared>>) target(%dma_start3A_93 : memref<16x128xf32, #tpu.memory_space<vmem>>) target_semaphore(%run_scoped3A : memref<!tpu.dma_semaphore, #tpu.memory_space<semaphore_mem>>)
        %dma_wait3A = arith.constant 0 : i32
        %dma_wait3A_97 = arith.constant 0 : i32
        %dma_wait3A_98 = tpu.memref_slice %arg8[%dma_wait3A, %dma_wait3A_97] : memref<125x128xf32, #tpu.memory_space<vmem>> -> memref<16x128xf32, #tpu.memory_space<vmem>>
        %dma_wait3A_99 = arith.constant 9984 : i32
        %dma_wait3A_100 = arith.constant 0 : i32
        %dma_wait3A_101 = tpu.memref_slice %arg10[%dma_wait3A_99, %dma_wait3A_100] : memref<10000x128xf32, #tpu.memory_space<vmem_shared>> -> memref<16x128xf32, #tpu.memory_space<vmem_shared>>
        %dma_wait3A_102 = arith.constant 0 : i32
        %dma_wait3A_103 = arith.constant 0 : i32
        %dma_wait3A_104 = tpu.memref_slice %arg8[%dma_wait3A_102, %dma_wait3A_103] : memref<125x128xf32, #tpu.memory_space<vmem>> -> memref<16x128xf32, #tpu.memory_space<vmem>>
        %dma_wait3A_105 = arith.constant 9984 : i32
        %dma_wait3A_106 = arith.constant 0 : i32
        %dma_wait3A_107 = tpu.memref_slice %arg10[%dma_wait3A_105, %dma_wait3A_106] : memref<10000x128xf32, #tpu.memory_space<vmem_shared>> -> memref<16x128xf32, #tpu.memory_space<vmem_shared>>
        tpu.wait_dma2 semaphore(%run_scoped3A : memref<!tpu.dma_semaphore, #tpu.memory_space<semaphore_mem>>) src(%dma_wait3A_107 : memref<16x128xf32, #tpu.memory_space<vmem_shared>>) dst(%dma_wait3A_104 : memref<16x128xf32, #tpu.memory_space<vmem>>)
        tpu.yield
      }) : () -> ()
      "tpu.region"() ({
        %run_scoped3A = tpu.sem_alloc : memref<!tpu.dma_semaphore, #tpu.memory_space<semaphore_mem>>
        %dma_start3A_85 = arith.constant 0 : i32
        %dma_start3A_86 = arith.constant 0 : i32
        %dma_start3A_87 = tpu.memref_slice %arg8[%dma_start3A_85, %dma_start3A_86] : memref<125x128xf32, #tpu.memory_space<vmem>> -> memref<16x128xf32, #tpu.memory_space<vmem>>
        %dma_start3A_88 = arith.constant 0 : i32
        %dma_start3A_89 = arith.constant 0 : i32
        %dma_start3A_90 = tpu.memref_slice %arg5[%arg0, %dma_start3A_88, %dma_start3A_89] : memref<2x10000x128xf32, #tpu.memory_space<hbm>> -> memref<1x10000x128xf32, #tpu.memory_space<hbm>>
        %dma_start3A_91 = tpu.memref_squeeze %dma_start3A_90 : memref<1x10000x128xf32, #tpu.memory_space<hbm>> -> memref<10000x128xf32, #tpu.memory_space<hbm>>
        %dma_start3A_92 = arith.constant 9984 : i32
        %dma_start3A_93 = arith.constant 0 : i32
        %dma_start3A_94 = tpu.memref_slice %dma_start3A_91[%dma_start3A_92, %dma_start3A_93] : memref<10000x128xf32, #tpu.memory_space<hbm>> -> memref<16x128xf32, #tpu.memory_space<hbm>>
        %dma_start3A_95 = arith.constant 0 : i32
        %dma_start3A_96 = arith.constant 0 : i32
        %dma_start3A_97 = tpu.memref_slice %arg5[%arg0, %dma_start3A_95, %dma_start3A_96] : memref<2x10000x128xf32, #tpu.memory_space<hbm>> -> memref<1x10000x128xf32, #tpu.memory_space<hbm>>
        %dma_start3A_98 = tpu.memref_squeeze %dma_start3A_97 : memref<1x10000x128xf32, #tpu.memory_space<hbm>> -> memref<10000x128xf32, #tpu.memory_space<hbm>>
        %dma_start3A_99 = arith.constant 9984 : i32
        %dma_start3A_100 = arith.constant 0 : i32
        %dma_start3A_101 = tpu.memref_slice %dma_start3A_98[%dma_start3A_99, %dma_start3A_100] : memref<10000x128xf32, #tpu.memory_space<hbm>> -> memref<16x128xf32, #tpu.memory_space<hbm>>
        %dma_start3A_102 = arith.constant 0 : i32
        %dma_start3A_103 = arith.constant 0 : i32
        %dma_start3A_104 = tpu.memref_slice %arg8[%dma_start3A_102, %dma_start3A_103] : memref<125x128xf32, #tpu.memory_space<vmem>> -> memref<16x128xf32, #tpu.memory_space<vmem>>
        tpu.enqueue_dma source(%dma_start3A_104 : memref<16x128xf32, #tpu.memory_space<vmem>>) target(%dma_start3A_101 : memref<16x128xf32, #tpu.memory_space<hbm>>) target_semaphore(%run_scoped3A : memref<!tpu.dma_semaphore, #tpu.memory_space<semaphore_mem>>)
        %dma_wait3A = arith.constant 0 : i32
        %dma_wait3A_105 = arith.constant 0 : i32
        %dma_wait3A_106 = tpu.memref_slice %arg8[%dma_wait3A, %dma_wait3A_105] : memref<125x128xf32, #tpu.memory_space<vmem>> -> memref<16x128xf32, #tpu.memory_space<vmem>>
        %dma_wait3A_107 = arith.constant 0 : i32
        %dma_wait3A_108 = arith.constant 0 : i32
        %dma_wait3A_109 = tpu.memref_slice %arg5[%arg0, %dma_wait3A_107, %dma_wait3A_108] : memref<2x10000x128xf32, #tpu.memory_space<hbm>> -> memref<1x10000x128xf32, #tpu.memory_space<hbm>>
        %dma_wait3A_110 = tpu.memref_squeeze %dma_wait3A_109 : memref<1x10000x128xf32, #tpu.memory_space<hbm>> -> memref<10000x128xf32, #tpu.memory_space<hbm>>
        %dma_wait3A_111 = arith.constant 9984 : i32
        %dma_wait3A_112 = arith.constant 0 : i32
        %dma_wait3A_113 = tpu.memref_slice %dma_wait3A_110[%dma_wait3A_111, %dma_wait3A_112] : memref<10000x128xf32, #tpu.memory_space<hbm>> -> memref<16x128xf32, #tpu.memory_space<hbm>>
        %dma_wait3A_114 = arith.constant 0 : i32
        %dma_wait3A_115 = arith.constant 0 : i32
        %dma_wait3A_116 = tpu.memref_slice %arg5[%arg0, %dma_wait3A_114, %dma_wait3A_115] : memref<2x10000x128xf32, #tpu.memory_space<hbm>> -> memref<1x10000x128xf32, #tpu.memory_space<hbm>>
        %dma_wait3A_117 = tpu.memref_squeeze %dma_wait3A_116 : memref<1x10000x128xf32, #tpu.memory_space<hbm>> -> memref<10000x128xf32, #tpu.memory_space<hbm>>
        %dma_wait3A_118 = arith.constant 9984 : i32
        %dma_wait3A_119 = arith.constant 0 : i32
        %dma_wait3A_120 = tpu.memref_slice %dma_wait3A_117[%dma_wait3A_118, %dma_wait3A_119] : memref<10000x128xf32, #tpu.memory_space<hbm>> -> memref<16x128xf32, #tpu.memory_space<hbm>>
        %dma_wait3A_121 = arith.constant 0 : i32
        %dma_wait3A_122 = arith.constant 0 : i32
        %dma_wait3A_123 = tpu.memref_slice %arg8[%dma_wait3A_121, %dma_wait3A_122] : memref<125x128xf32, #tpu.memory_space<vmem>> -> memref<16x128xf32, #tpu.memory_space<vmem>>
        tpu.wait_dma2 semaphore(%run_scoped3A : memref<!tpu.dma_semaphore, #tpu.memory_space<semaphore_mem>>) src(%dma_wait3A_123 : memref<16x128xf32, #tpu.memory_space<vmem>>) dst(%dma_wait3A_120 : memref<16x128xf32, #tpu.memory_space<hbm>>)
        tpu.yield
      }) : () -> ()
    } else {
    }
    return
  }
}

#map = affine_map<(d0, d1) -> (0, 0)>
module attributes {stable_mosaic.version = 14 : i64} {
  func.func @_deg_kernel(%arg0: i32, %arg1: i32, %arg2: memref<1280x125xi32, #tpu.memory_space<hbm>>, %arg3: memref<2x10000xf32, #tpu.memory_space<hbm>>, %arg4: memref<40x125xi32, #tpu.memory_space<vmem>>, %arg5: memref<640xf32, #tpu.memory_space<vmem>>, %arg6: memref<128xf32, #tpu.memory_space<vmem>>, %arg7: memref<10000xf32, #tpu.memory_space<vmem_shared>>) attributes {dimension_semantics = [#tpu.dimension_semantics<core_parallel>, #tpu.dimension_semantics<subcore_parallel>], iteration_bounds = array<i64: 2, 16>, scalar_prefetch = 0 : i64, scratch_operands = 4 : i64, tpu.core_type = #tpu.core_type<sc_vector_subcore>, window_params = [{transform_indices = #map}, {transform_indices = #map}]} {
    %scan3A = arith.constant 0 : i32
    %scan3A_0 = arith.constant 40 : i32
    %scan3A_1 = arith.addi %scan3A, %scan3A_0 : i32
    %scan3A_2 = arith.constant 1 : i32
    scf.for %scan3A_25 = %scan3A to %scan3A_1 step %scan3A_2  : i32 {
      %mul3A_26 = arith.constant 16 : i32
      %mul3A_27 = arith.muli %scan3A_25, %mul3A_26 : i32
      %add3A_28 = arith.constant 0 : i32
      %add3A_29 = arith.addi %add3A_28, %mul3A_27 : i32
      %broadcast_in_dim3A = arith.constant 0.000000e+00 : f32
      %broadcast_in_dim3A_30 = vector.broadcast %broadcast_in_dim3A : f32 to vector<16xf32>
      %swap3A = arith.index_cast %add3A_29 : i32 to index
      %swap3A_31 = tpu.vector_load %arg5[%swap3A] {strides = array<i32>} : memref<640xf32, #tpu.memory_space<vmem>>, vector<16xf32>,
      %swap3A_32 = vector.shape_cast %swap3A_31 : vector<16xf32> to vector<16xf32>
      %swap3A_33 = vector.shape_cast %broadcast_in_dim3A_30 : vector<16xf32> to vector<16xf32>
      tpu.vector_store %arg5[%swap3A], %swap3A_33 {strides = array<i32>} : memref<640xf32, #tpu.memory_space<vmem>>, vector<16xf32>,
    }
    %scan3A_3 = arith.constant 40 : i32
    %scan3A_4 = arith.constant 0 : i32
    %scan3A_5 = arith.constant 8 : i32
    %scan3A_6 = arith.addi %scan3A_4, %scan3A_5 : i32
    %scan3A_7 = arith.constant 1 : i32
    scf.for %scan3A_25 = %scan3A_4 to %scan3A_6 step %scan3A_7  : i32 {
      %mul3A_26 = arith.constant 16 : i32
      %mul3A_27 = arith.muli %scan3A_25, %mul3A_26 : i32
      %add3A_28 = arith.constant 0 : i32
      %add3A_29 = arith.addi %add3A_28, %mul3A_27 : i32
      %broadcast_in_dim3A = arith.constant 1.000000e+00 : f32
      %broadcast_in_dim3A_30 = vector.broadcast %broadcast_in_dim3A : f32 to vector<16xf32>
      %swap3A = arith.index_cast %add3A_29 : i32 to index
      %swap3A_31 = tpu.vector_load %arg6[%swap3A] {strides = array<i32>} : memref<128xf32, #tpu.memory_space<vmem>>, vector<16xf32>,
      %swap3A_32 = vector.shape_cast %swap3A_31 : vector<16xf32> to vector<16xf32>
      %swap3A_33 = vector.shape_cast %broadcast_in_dim3A_30 : vector<16xf32> to vector<16xf32>
      tpu.vector_store %arg6[%swap3A], %swap3A_33 {strides = array<i32>} : memref<128xf32, #tpu.memory_space<vmem>>, vector<16xf32>,
    }
    %scan3A_8 = arith.constant 8 : i32
    %eq3A = arith.constant 0 : i32
    %eq3A_9 = arith.cmpi eq, %arg1, %eq3A : i32
    %convert_element_type3A = arith.extui %eq3A_9 : i1 to i32
    %cond3A = arith.constant 0 : i32
    %cond3A_10 = arith.cmpi ne, %convert_element_type3A, %cond3A : i32
    scf.if %cond3A_10 {
      "tpu.region"() ({
        %run_scoped3A = tpu.sem_alloc : memref<!tpu.dma_semaphore, #tpu.memory_space<semaphore_mem>>
        %dma_start3A = arith.constant 0 : i32
        %dma_start3A_25 = tpu.memref_slice %arg7[%dma_start3A] : memref<10000xf32, #tpu.memory_space<vmem_shared>> -> memref<640xf32, #tpu.memory_space<vmem_shared>>
        %dma_start3A_26 = arith.constant 0 : i32
        %dma_start3A_27 = tpu.memref_slice %arg7[%dma_start3A_26] : memref<10000xf32, #tpu.memory_space<vmem_shared>> -> memref<640xf32, #tpu.memory_space<vmem_shared>>
        tpu.enqueue_dma source(%arg5 : memref<640xf32, #tpu.memory_space<vmem>>) target(%dma_start3A_27 : memref<640xf32, #tpu.memory_space<vmem_shared>>) target_semaphore(%run_scoped3A : memref<!tpu.dma_semaphore, #tpu.memory_space<semaphore_mem>>)
        %dma_wait3A = arith.constant 0 : i32
        %dma_wait3A_28 = tpu.memref_slice %arg7[%dma_wait3A] : memref<10000xf32, #tpu.memory_space<vmem_shared>> -> memref<640xf32, #tpu.memory_space<vmem_shared>>
        %dma_wait3A_29 = arith.constant 0 : i32
        %dma_wait3A_30 = tpu.memref_slice %arg7[%dma_wait3A_29] : memref<10000xf32, #tpu.memory_space<vmem_shared>> -> memref<640xf32, #tpu.memory_space<vmem_shared>>
        tpu.wait_dma2 semaphore(%run_scoped3A : memref<!tpu.dma_semaphore, #tpu.memory_space<semaphore_mem>>) src(%arg5 : memref<640xf32, #tpu.memory_space<vmem>>) dst(%dma_wait3A_30 : memref<640xf32, #tpu.memory_space<vmem_shared>>)
        tpu.yield
      }) : () -> ()
      "tpu.region"() ({
        %run_scoped3A = tpu.sem_alloc : memref<!tpu.dma_semaphore, #tpu.memory_space<semaphore_mem>>
        %dma_start3A = arith.constant 640 : i32
        %dma_start3A_25 = tpu.memref_slice %arg7[%dma_start3A] : memref<10000xf32, #tpu.memory_space<vmem_shared>> -> memref<640xf32, #tpu.memory_space<vmem_shared>>
        %dma_start3A_26 = arith.constant 640 : i32
        %dma_start3A_27 = tpu.memref_slice %arg7[%dma_start3A_26] : memref<10000xf32, #tpu.memory_space<vmem_shared>> -> memref<640xf32, #tpu.memory_space<vmem_shared>>
        tpu.enqueue_dma source(%arg5 : memref<640xf32, #tpu.memory_space<vmem>>) target(%dma_start3A_27 : memref<640xf32, #tpu.memory_space<vmem_shared>>) target_semaphore(%run_scoped3A : memref<!tpu.dma_semaphore, #tpu.memory_space<semaphore_mem>>)
        %dma_wait3A = arith.constant 640 : i32
        %dma_wait3A_28 = tpu.memref_slice %arg7[%dma_wait3A] : memref<10000xf32, #tpu.memory_space<vmem_shared>> -> memref<640xf32, #tpu.memory_space<vmem_shared>>
        %dma_wait3A_29 = arith.constant 640 : i32
        %dma_wait3A_30 = tpu.memref_slice %arg7[%dma_wait3A_29] : memref<10000xf32, #tpu.memory_space<vmem_shared>> -> memref<640xf32, #tpu.memory_space<vmem_shared>>
        tpu.wait_dma2 semaphore(%run_scoped3A : memref<!tpu.dma_semaphore, #tpu.memory_space<semaphore_mem>>) src(%arg5 : memref<640xf32, #tpu.memory_space<vmem>>) dst(%dma_wait3A_30 : memref<640xf32, #tpu.memory_space<vmem_shared>>)
        tpu.yield
      }) : () -> ()
      "tpu.region"() ({
        %run_scoped3A = tpu.sem_alloc : memref<!tpu.dma_semaphore, #tpu.memory_space<semaphore_mem>>
        %dma_start3A = arith.constant 1280 : i32
        %dma_start3A_25 = tpu.memref_slice %arg7[%dma_start3A] : memref<10000xf32, #tpu.memory_space<vmem_shared>> -> memref<640xf32, #tpu.memory_space<vmem_shared>>
        %dma_start3A_26 = arith.constant 1280 : i32
        %dma_start3A_27 = tpu.memref_slice %arg7[%dma_start3A_26] : memref<10000xf32, #tpu.memory_space<vmem_shared>> -> memref<640xf32, #tpu.memory_space<vmem_shared>>
        tpu.enqueue_dma source(%arg5 : memref<640xf32, #tpu.memory_space<vmem>>) target(%dma_start3A_27 : memref<640xf32, #tpu.memory_space<vmem_shared>>) target_semaphore(%run_scoped3A : memref<!tpu.dma_semaphore, #tpu.memory_space<semaphore_mem>>)
        %dma_wait3A = arith.constant 1280 : i32
        %dma_wait3A_28 = tpu.memref_slice %arg7[%dma_wait3A] : memref<10000xf32, #tpu.memory_space<vmem_shared>> -> memref<640xf32, #tpu.memory_space<vmem_shared>>
        %dma_wait3A_29 = arith.constant 1280 : i32
        %dma_wait3A_30 = tpu.memref_slice %arg7[%dma_wait3A_29] : memref<10000xf32, #tpu.memory_space<vmem_shared>> -> memref<640xf32, #tpu.memory_space<vmem_shared>>
        tpu.wait_dma2 semaphore(%run_scoped3A : memref<!tpu.dma_semaphore, #tpu.memory_space<semaphore_mem>>) src(%arg5 : memref<640xf32, #tpu.memory_space<vmem>>) dst(%dma_wait3A_30 : memref<640xf32, #tpu.memory_space<vmem_shared>>)
        tpu.yield
      }) : () -> ()
      "tpu.region"() ({
        %run_scoped3A = tpu.sem_alloc : memref<!tpu.dma_semaphore, #tpu.memory_space<semaphore_mem>>
        %dma_start3A = arith.constant 1920 : i32
        %dma_start3A_25 = tpu.memref_slice %arg7[%dma_start3A] : memref<10000xf32, #tpu.memory_space<vmem_shared>> -> memref<640xf32, #tpu.memory_space<vmem_shared>>
        %dma_start3A_26 = arith.constant 1920 : i32
        %dma_start3A_27 = tpu.memref_slice %arg7[%dma_start3A_26] : memref<10000xf32, #tpu.memory_space<vmem_shared>> -> memref<640xf32, #tpu.memory_space<vmem_shared>>
        tpu.enqueue_dma source(%arg5 : memref<640xf32, #tpu.memory_space<vmem>>) target(%dma_start3A_27 : memref<640xf32, #tpu.memory_space<vmem_shared>>) target_semaphore(%run_scoped3A : memref<!tpu.dma_semaphore, #tpu.memory_space<semaphore_mem>>)
        %dma_wait3A = arith.constant 1920 : i32
        %dma_wait3A_28 = tpu.memref_slice %arg7[%dma_wait3A] : memref<10000xf32, #tpu.memory_space<vmem_shared>> -> memref<640xf32, #tpu.memory_space<vmem_shared>>
        %dma_wait3A_29 = arith.constant 1920 : i32
        %dma_wait3A_30 = tpu.memref_slice %arg7[%dma_wait3A_29] : memref<10000xf32, #tpu.memory_space<vmem_shared>> -> memref<640xf32, #tpu.memory_space<vmem_shared>>
        tpu.wait_dma2 semaphore(%run_scoped3A : memref<!tpu.dma_semaphore, #tpu.memory_space<semaphore_mem>>) src(%arg5 : memref<640xf32, #tpu.memory_space<vmem>>) dst(%dma_wait3A_30 : memref<640xf32, #tpu.memory_space<vmem_shared>>)
        tpu.yield
      }) : () -> ()
      "tpu.region"() ({
        %run_scoped3A = tpu.sem_alloc : memref<!tpu.dma_semaphore, #tpu.memory_space<semaphore_mem>>
        %dma_start3A = arith.constant 2560 : i32
        %dma_start3A_25 = tpu.memref_slice %arg7[%dma_start3A] : memref<10000xf32, #tpu.memory_space<vmem_shared>> -> memref<640xf32, #tpu.memory_space<vmem_shared>>
        %dma_start3A_26 = arith.constant 2560 : i32
        %dma_start3A_27 = tpu.memref_slice %arg7[%dma_start3A_26] : memref<10000xf32, #tpu.memory_space<vmem_shared>> -> memref<640xf32, #tpu.memory_space<vmem_shared>>
        tpu.enqueue_dma source(%arg5 : memref<640xf32, #tpu.memory_space<vmem>>) target(%dma_start3A_27 : memref<640xf32, #tpu.memory_space<vmem_shared>>) target_semaphore(%run_scoped3A : memref<!tpu.dma_semaphore, #tpu.memory_space<semaphore_mem>>)
        %dma_wait3A = arith.constant 2560 : i32
        %dma_wait3A_28 = tpu.memref_slice %arg7[%dma_wait3A] : memref<10000xf32, #tpu.memory_space<vmem_shared>> -> memref<640xf32, #tpu.memory_space<vmem_shared>>
        %dma_wait3A_29 = arith.constant 2560 : i32
        %dma_wait3A_30 = tpu.memref_slice %arg7[%dma_wait3A_29] : memref<10000xf32, #tpu.memory_space<vmem_shared>> -> memref<640xf32, #tpu.memory_space<vmem_shared>>
        tpu.wait_dma2 semaphore(%run_scoped3A : memref<!tpu.dma_semaphore, #tpu.memory_space<semaphore_mem>>) src(%arg5 : memref<640xf32, #tpu.memory_space<vmem>>) dst(%dma_wait3A_30 : memref<640xf32, #tpu.memory_space<vmem_shared>>)
        tpu.yield
      }) : () -> ()
      "tpu.region"() ({
        %run_scoped3A = tpu.sem_alloc : memref<!tpu.dma_semaphore, #tpu.memory_space<semaphore_mem>>
        %dma_start3A = arith.constant 3200 : i32
        %dma_start3A_25 = tpu.memref_slice %arg7[%dma_start3A] : memref<10000xf32, #tpu.memory_space<vmem_shared>> -> memref<640xf32, #tpu.memory_space<vmem_shared>>
        %dma_start3A_26 = arith.constant 3200 : i32
        %dma_start3A_27 = tpu.memref_slice %arg7[%dma_start3A_26] : memref<10000xf32, #tpu.memory_space<vmem_shared>> -> memref<640xf32, #tpu.memory_space<vmem_shared>>
        tpu.enqueue_dma source(%arg5 : memref<640xf32, #tpu.memory_space<vmem>>) target(%dma_start3A_27 : memref<640xf32, #tpu.memory_space<vmem_shared>>) target_semaphore(%run_scoped3A : memref<!tpu.dma_semaphore, #tpu.memory_space<semaphore_mem>>)
        %dma_wait3A = arith.constant 3200 : i32
        %dma_wait3A_28 = tpu.memref_slice %arg7[%dma_wait3A] : memref<10000xf32, #tpu.memory_space<vmem_shared>> -> memref<640xf32, #tpu.memory_space<vmem_shared>>
        %dma_wait3A_29 = arith.constant 3200 : i32
        %dma_wait3A_30 = tpu.memref_slice %arg7[%dma_wait3A_29] : memref<10000xf32, #tpu.memory_space<vmem_shared>> -> memref<640xf32, #tpu.memory_space<vmem_shared>>
        tpu.wait_dma2 semaphore(%run_scoped3A : memref<!tpu.dma_semaphore, #tpu.memory_space<semaphore_mem>>) src(%arg5 : memref<640xf32, #tpu.memory_space<vmem>>) dst(%dma_wait3A_30 : memref<640xf32, #tpu.memory_space<vmem_shared>>)
        tpu.yield
      }) : () -> ()
      "tpu.region"() ({
        %run_scoped3A = tpu.sem_alloc : memref<!tpu.dma_semaphore, #tpu.memory_space<semaphore_mem>>
        %dma_start3A = arith.constant 3840 : i32
        %dma_start3A_25 = tpu.memref_slice %arg7[%dma_start3A] : memref<10000xf32, #tpu.memory_space<vmem_shared>> -> memref<640xf32, #tpu.memory_space<vmem_shared>>
        %dma_start3A_26 = arith.constant 3840 : i32
        %dma_start3A_27 = tpu.memref_slice %arg7[%dma_start3A_26] : memref<10000xf32, #tpu.memory_space<vmem_shared>> -> memref<640xf32, #tpu.memory_space<vmem_shared>>
        tpu.enqueue_dma source(%arg5 : memref<640xf32, #tpu.memory_space<vmem>>) target(%dma_start3A_27 : memref<640xf32, #tpu.memory_space<vmem_shared>>) target_semaphore(%run_scoped3A : memref<!tpu.dma_semaphore, #tpu.memory_space<semaphore_mem>>)
        %dma_wait3A = arith.constant 3840 : i32
        %dma_wait3A_28 = tpu.memref_slice %arg7[%dma_wait3A] : memref<10000xf32, #tpu.memory_space<vmem_shared>> -> memref<640xf32, #tpu.memory_space<vmem_shared>>
        %dma_wait3A_29 = arith.constant 3840 : i32
        %dma_wait3A_30 = tpu.memref_slice %arg7[%dma_wait3A_29] : memref<10000xf32, #tpu.memory_space<vmem_shared>> -> memref<640xf32, #tpu.memory_space<vmem_shared>>
        tpu.wait_dma2 semaphore(%run_scoped3A : memref<!tpu.dma_semaphore, #tpu.memory_space<semaphore_mem>>) src(%arg5 : memref<640xf32, #tpu.memory_space<vmem>>) dst(%dma_wait3A_30 : memref<640xf32, #tpu.memory_space<vmem_shared>>)
        tpu.yield
      }) : () -> ()
      "tpu.region"() ({
        %run_scoped3A = tpu.sem_alloc : memref<!tpu.dma_semaphore, #tpu.memory_space<semaphore_mem>>
        %dma_start3A = arith.constant 4480 : i32
        %dma_start3A_25 = tpu.memref_slice %arg7[%dma_start3A] : memref<10000xf32, #tpu.memory_space<vmem_shared>> -> memref<640xf32, #tpu.memory_space<vmem_shared>>
        %dma_start3A_26 = arith.constant 4480 : i32
        %dma_start3A_27 = tpu.memref_slice %arg7[%dma_start3A_26] : memref<10000xf32, #tpu.memory_space<vmem_shared>> -> memref<640xf32, #tpu.memory_space<vmem_shared>>
        tpu.enqueue_dma source(%arg5 : memref<640xf32, #tpu.memory_space<vmem>>) target(%dma_start3A_27 : memref<640xf32, #tpu.memory_space<vmem_shared>>) target_semaphore(%run_scoped3A : memref<!tpu.dma_semaphore, #tpu.memory_space<semaphore_mem>>)
        %dma_wait3A = arith.constant 4480 : i32
        %dma_wait3A_28 = tpu.memref_slice %arg7[%dma_wait3A] : memref<10000xf32, #tpu.memory_space<vmem_shared>> -> memref<640xf32, #tpu.memory_space<vmem_shared>>
        %dma_wait3A_29 = arith.constant 4480 : i32
        %dma_wait3A_30 = tpu.memref_slice %arg7[%dma_wait3A_29] : memref<10000xf32, #tpu.memory_space<vmem_shared>> -> memref<640xf32, #tpu.memory_space<vmem_shared>>
        tpu.wait_dma2 semaphore(%run_scoped3A : memref<!tpu.dma_semaphore, #tpu.memory_space<semaphore_mem>>) src(%arg5 : memref<640xf32, #tpu.memory_space<vmem>>) dst(%dma_wait3A_30 : memref<640xf32, #tpu.memory_space<vmem_shared>>)
        tpu.yield
      }) : () -> ()
      "tpu.region"() ({
        %run_scoped3A = tpu.sem_alloc : memref<!tpu.dma_semaphore, #tpu.memory_space<semaphore_mem>>
        %dma_start3A = arith.constant 5120 : i32
        %dma_start3A_25 = tpu.memref_slice %arg7[%dma_start3A] : memref<10000xf32, #tpu.memory_space<vmem_shared>> -> memref<640xf32, #tpu.memory_space<vmem_shared>>
        %dma_start3A_26 = arith.constant 5120 : i32
        %dma_start3A_27 = tpu.memref_slice %arg7[%dma_start3A_26] : memref<10000xf32, #tpu.memory_space<vmem_shared>> -> memref<640xf32, #tpu.memory_space<vmem_shared>>
        tpu.enqueue_dma source(%arg5 : memref<640xf32, #tpu.memory_space<vmem>>) target(%dma_start3A_27 : memref<640xf32, #tpu.memory_space<vmem_shared>>) target_semaphore(%run_scoped3A : memref<!tpu.dma_semaphore, #tpu.memory_space<semaphore_mem>>)
        %dma_wait3A = arith.constant 5120 : i32
        %dma_wait3A_28 = tpu.memref_slice %arg7[%dma_wait3A] : memref<10000xf32, #tpu.memory_space<vmem_shared>> -> memref<640xf32, #tpu.memory_space<vmem_shared>>
        %dma_wait3A_29 = arith.constant 5120 : i32
        %dma_wait3A_30 = tpu.memref_slice %arg7[%dma_wait3A_29] : memref<10000xf32, #tpu.memory_space<vmem_shared>> -> memref<640xf32, #tpu.memory_space<vmem_shared>>
        tpu.wait_dma2 semaphore(%run_scoped3A : memref<!tpu.dma_semaphore, #tpu.memory_space<semaphore_mem>>) src(%arg5 : memref<640xf32, #tpu.memory_space<vmem>>) dst(%dma_wait3A_30 : memref<640xf32, #tpu.memory_space<vmem_shared>>)
        tpu.yield
      }) : () -> ()
      "tpu.region"() ({
        %run_scoped3A = tpu.sem_alloc : memref<!tpu.dma_semaphore, #tpu.memory_space<semaphore_mem>>
        %dma_start3A = arith.constant 5760 : i32
        %dma_start3A_25 = tpu.memref_slice %arg7[%dma_start3A] : memref<10000xf32, #tpu.memory_space<vmem_shared>> -> memref<640xf32, #tpu.memory_space<vmem_shared>>
        %dma_start3A_26 = arith.constant 5760 : i32
        %dma_start3A_27 = tpu.memref_slice %arg7[%dma_start3A_26] : memref<10000xf32, #tpu.memory_space<vmem_shared>> -> memref<640xf32, #tpu.memory_space<vmem_shared>>
        tpu.enqueue_dma source(%arg5 : memref<640xf32, #tpu.memory_space<vmem>>) target(%dma_start3A_27 : memref<640xf32, #tpu.memory_space<vmem_shared>>) target_semaphore(%run_scoped3A : memref<!tpu.dma_semaphore, #tpu.memory_space<semaphore_mem>>)
        %dma_wait3A = arith.constant 5760 : i32
        %dma_wait3A_28 = tpu.memref_slice %arg7[%dma_wait3A] : memref<10000xf32, #tpu.memory_space<vmem_shared>> -> memref<640xf32, #tpu.memory_space<vmem_shared>>
        %dma_wait3A_29 = arith.constant 5760 : i32
        %dma_wait3A_30 = tpu.memref_slice %arg7[%dma_wait3A_29] : memref<10000xf32, #tpu.memory_space<vmem_shared>> -> memref<640xf32, #tpu.memory_space<vmem_shared>>
        tpu.wait_dma2 semaphore(%run_scoped3A : memref<!tpu.dma_semaphore, #tpu.memory_space<semaphore_mem>>) src(%arg5 : memref<640xf32, #tpu.memory_space<vmem>>) dst(%dma_wait3A_30 : memref<640xf32, #tpu.memory_space<vmem_shared>>)
        tpu.yield
      }) : () -> ()
      "tpu.region"() ({
        %run_scoped3A = tpu.sem_alloc : memref<!tpu.dma_semaphore, #tpu.memory_space<semaphore_mem>>
        %dma_start3A = arith.constant 6400 : i32
        %dma_start3A_25 = tpu.memref_slice %arg7[%dma_start3A] : memref<10000xf32, #tpu.memory_space<vmem_shared>> -> memref<640xf32, #tpu.memory_space<vmem_shared>>
        %dma_start3A_26 = arith.constant 6400 : i32
        %dma_start3A_27 = tpu.memref_slice %arg7[%dma_start3A_26] : memref<10000xf32, #tpu.memory_space<vmem_shared>> -> memref<640xf32, #tpu.memory_space<vmem_shared>>
        tpu.enqueue_dma source(%arg5 : memref<640xf32, #tpu.memory_space<vmem>>) target(%dma_start3A_27 : memref<640xf32, #tpu.memory_space<vmem_shared>>) target_semaphore(%run_scoped3A : memref<!tpu.dma_semaphore, #tpu.memory_space<semaphore_mem>>)
        %dma_wait3A = arith.constant 6400 : i32
        %dma_wait3A_28 = tpu.memref_slice %arg7[%dma_wait3A] : memref<10000xf32, #tpu.memory_space<vmem_shared>> -> memref<640xf32, #tpu.memory_space<vmem_shared>>
        %dma_wait3A_29 = arith.constant 6400 : i32
        %dma_wait3A_30 = tpu.memref_slice %arg7[%dma_wait3A_29] : memref<10000xf32, #tpu.memory_space<vmem_shared>> -> memref<640xf32, #tpu.memory_space<vmem_shared>>
        tpu.wait_dma2 semaphore(%run_scoped3A : memref<!tpu.dma_semaphore, #tpu.memory_space<semaphore_mem>>) src(%arg5 : memref<640xf32, #tpu.memory_space<vmem>>) dst(%dma_wait3A_30 : memref<640xf32, #tpu.memory_space<vmem_shared>>)
        tpu.yield
      }) : () -> ()
      "tpu.region"() ({
        %run_scoped3A = tpu.sem_alloc : memref<!tpu.dma_semaphore, #tpu.memory_space<semaphore_mem>>
        %dma_start3A = arith.constant 7040 : i32
        %dma_start3A_25 = tpu.memref_slice %arg7[%dma_start3A] : memref<10000xf32, #tpu.memory_space<vmem_shared>> -> memref<640xf32, #tpu.memory_space<vmem_shared>>
        %dma_start3A_26 = arith.constant 7040 : i32
        %dma_start3A_27 = tpu.memref_slice %arg7[%dma_start3A_26] : memref<10000xf32, #tpu.memory_space<vmem_shared>> -> memref<640xf32, #tpu.memory_space<vmem_shared>>
        tpu.enqueue_dma source(%arg5 : memref<640xf32, #tpu.memory_space<vmem>>) target(%dma_start3A_27 : memref<640xf32, #tpu.memory_space<vmem_shared>>) target_semaphore(%run_scoped3A : memref<!tpu.dma_semaphore, #tpu.memory_space<semaphore_mem>>)
        %dma_wait3A = arith.constant 7040 : i32
        %dma_wait3A_28 = tpu.memref_slice %arg7[%dma_wait3A] : memref<10000xf32, #tpu.memory_space<vmem_shared>> -> memref<640xf32, #tpu.memory_space<vmem_shared>>
        %dma_wait3A_29 = arith.constant 7040 : i32
        %dma_wait3A_30 = tpu.memref_slice %arg7[%dma_wait3A_29] : memref<10000xf32, #tpu.memory_space<vmem_shared>> -> memref<640xf32, #tpu.memory_space<vmem_shared>>
        tpu.wait_dma2 semaphore(%run_scoped3A : memref<!tpu.dma_semaphore, #tpu.memory_space<semaphore_mem>>) src(%arg5 : memref<640xf32, #tpu.memory_space<vmem>>) dst(%dma_wait3A_30 : memref<640xf32, #tpu.memory_space<vmem_shared>>)
        tpu.yield
      }) : () -> ()
      "tpu.region"() ({
        %run_scoped3A = tpu.sem_alloc : memref<!tpu.dma_semaphore, #tpu.memory_space<semaphore_mem>>
        %dma_start3A = arith.constant 7680 : i32
        %dma_start3A_25 = tpu.memref_slice %arg7[%dma_start3A] : memref<10000xf32, #tpu.memory_space<vmem_shared>> -> memref<640xf32, #tpu.memory_space<vmem_shared>>
        %dma_start3A_26 = arith.constant 7680 : i32
        %dma_start3A_27 = tpu.memref_slice %arg7[%dma_start3A_26] : memref<10000xf32, #tpu.memory_space<vmem_shared>> -> memref<640xf32, #tpu.memory_space<vmem_shared>>
        tpu.enqueue_dma source(%arg5 : memref<640xf32, #tpu.memory_space<vmem>>) target(%dma_start3A_27 : memref<640xf32, #tpu.memory_space<vmem_shared>>) target_semaphore(%run_scoped3A : memref<!tpu.dma_semaphore, #tpu.memory_space<semaphore_mem>>)
        %dma_wait3A = arith.constant 7680 : i32
        %dma_wait3A_28 = tpu.memref_slice %arg7[%dma_wait3A] : memref<10000xf32, #tpu.memory_space<vmem_shared>> -> memref<640xf32, #tpu.memory_space<vmem_shared>>
        %dma_wait3A_29 = arith.constant 7680 : i32
        %dma_wait3A_30 = tpu.memref_slice %arg7[%dma_wait3A_29] : memref<10000xf32, #tpu.memory_space<vmem_shared>> -> memref<640xf32, #tpu.memory_space<vmem_shared>>
        tpu.wait_dma2 semaphore(%run_scoped3A : memref<!tpu.dma_semaphore, #tpu.memory_space<semaphore_mem>>) src(%arg5 : memref<640xf32, #tpu.memory_space<vmem>>) dst(%dma_wait3A_30 : memref<640xf32, #tpu.memory_space<vmem_shared>>)
        tpu.yield
      }) : () -> ()
      "tpu.region"() ({
        %run_scoped3A = tpu.sem_alloc : memref<!tpu.dma_semaphore, #tpu.memory_space<semaphore_mem>>
        %dma_start3A = arith.constant 8320 : i32
        %dma_start3A_25 = tpu.memref_slice %arg7[%dma_start3A] : memref<10000xf32, #tpu.memory_space<vmem_shared>> -> memref<640xf32, #tpu.memory_space<vmem_shared>>
        %dma_start3A_26 = arith.constant 8320 : i32
        %dma_start3A_27 = tpu.memref_slice %arg7[%dma_start3A_26] : memref<10000xf32, #tpu.memory_space<vmem_shared>> -> memref<640xf32, #tpu.memory_space<vmem_shared>>
        tpu.enqueue_dma source(%arg5 : memref<640xf32, #tpu.memory_space<vmem>>) target(%dma_start3A_27 : memref<640xf32, #tpu.memory_space<vmem_shared>>) target_semaphore(%run_scoped3A : memref<!tpu.dma_semaphore, #tpu.memory_space<semaphore_mem>>)
        %dma_wait3A = arith.constant 8320 : i32
        %dma_wait3A_28 = tpu.memref_slice %arg7[%dma_wait3A] : memref<10000xf32, #tpu.memory_space<vmem_shared>> -> memref<640xf32, #tpu.memory_space<vmem_shared>>
        %dma_wait3A_29 = arith.constant 8320 : i32
        %dma_wait3A_30 = tpu.memref_slice %arg7[%dma_wait3A_29] : memref<10000xf32, #tpu.memory_space<vmem_shared>> -> memref<640xf32, #tpu.memory_space<vmem_shared>>
        tpu.wait_dma2 semaphore(%run_scoped3A : memref<!tpu.dma_semaphore, #tpu.memory_space<semaphore_mem>>) src(%arg5 : memref<640xf32, #tpu.memory_space<vmem>>) dst(%dma_wait3A_30 : memref<640xf32, #tpu.memory_space<vmem_shared>>)
        tpu.yield
      }) : () -> ()
      "tpu.region"() ({
        %run_scoped3A = tpu.sem_alloc : memref<!tpu.dma_semaphore, #tpu.memory_space<semaphore_mem>>
        %dma_start3A = arith.constant 8960 : i32
        %dma_start3A_25 = tpu.memref_slice %arg7[%dma_start3A] : memref<10000xf32, #tpu.memory_space<vmem_shared>> -> memref<640xf32, #tpu.memory_space<vmem_shared>>
        %dma_start3A_26 = arith.constant 8960 : i32
        %dma_start3A_27 = tpu.memref_slice %arg7[%dma_start3A_26] : memref<10000xf32, #tpu.memory_space<vmem_shared>> -> memref<640xf32, #tpu.memory_space<vmem_shared>>
        tpu.enqueue_dma source(%arg5 : memref<640xf32, #tpu.memory_space<vmem>>) target(%dma_start3A_27 : memref<640xf32, #tpu.memory_space<vmem_shared>>) target_semaphore(%run_scoped3A : memref<!tpu.dma_semaphore, #tpu.memory_space<semaphore_mem>>)
        %dma_wait3A = arith.constant 8960 : i32
        %dma_wait3A_28 = tpu.memref_slice %arg7[%dma_wait3A] : memref<10000xf32, #tpu.memory_space<vmem_shared>> -> memref<640xf32, #tpu.memory_space<vmem_shared>>
        %dma_wait3A_29 = arith.constant 8960 : i32
        %dma_wait3A_30 = tpu.memref_slice %arg7[%dma_wait3A_29] : memref<10000xf32, #tpu.memory_space<vmem_shared>> -> memref<640xf32, #tpu.memory_space<vmem_shared>>
        tpu.wait_dma2 semaphore(%run_scoped3A : memref<!tpu.dma_semaphore, #tpu.memory_space<semaphore_mem>>) src(%arg5 : memref<640xf32, #tpu.memory_space<vmem>>) dst(%dma_wait3A_30 : memref<640xf32, #tpu.memory_space<vmem_shared>>)
        tpu.yield
      }) : () -> ()
      "tpu.region"() ({
        %run_scoped3A = tpu.sem_alloc : memref<!tpu.dma_semaphore, #tpu.memory_space<semaphore_mem>>
        %dma_start3A = arith.constant 0 : i32
        %dma_start3A_25 = tpu.memref_slice %arg5[%dma_start3A] : memref<640xf32, #tpu.memory_space<vmem>> -> memref<400xf32, #tpu.memory_space<vmem>>
        %dma_start3A_26 = arith.constant 9600 : i32
        %dma_start3A_27 = tpu.memref_slice %arg7[%dma_start3A_26] : memref<10000xf32, #tpu.memory_space<vmem_shared>> -> memref<400xf32, #tpu.memory_space<vmem_shared>>
        %dma_start3A_28 = arith.constant 9600 : i32
        %dma_start3A_29 = tpu.memref_slice %arg7[%dma_start3A_28] : memref<10000xf32, #tpu.memory_space<vmem_shared>> -> memref<400xf32, #tpu.memory_space<vmem_shared>>
        %dma_start3A_30 = arith.constant 0 : i32
        %dma_start3A_31 = tpu.memref_slice %arg5[%dma_start3A_30] : memref<640xf32, #tpu.memory_space<vmem>> -> memref<400xf32, #tpu.memory_space<vmem>>
        tpu.enqueue_dma source(%dma_start3A_31 : memref<400xf32, #tpu.memory_space<vmem>>) target(%dma_start3A_29 : memref<400xf32, #tpu.memory_space<vmem_shared>>) target_semaphore(%run_scoped3A : memref<!tpu.dma_semaphore, #tpu.memory_space<semaphore_mem>>)
        %dma_wait3A = arith.constant 0 : i32
        %dma_wait3A_32 = tpu.memref_slice %arg5[%dma_wait3A] : memref<640xf32, #tpu.memory_space<vmem>> -> memref<400xf32, #tpu.memory_space<vmem>>
        %dma_wait3A_33 = arith.constant 9600 : i32
        %dma_wait3A_34 = tpu.memref_slice %arg7[%dma_wait3A_33] : memref<10000xf32, #tpu.memory_space<vmem_shared>> -> memref<400xf32, #tpu.memory_space<vmem_shared>>
        %dma_wait3A_35 = arith.constant 9600 : i32
        %dma_wait3A_36 = tpu.memref_slice %arg7[%dma_wait3A_35] : memref<10000xf32, #tpu.memory_space<vmem_shared>> -> memref<400xf32, #tpu.memory_space<vmem_shared>>
        %dma_wait3A_37 = arith.constant 0 : i32
        %dma_wait3A_38 = tpu.memref_slice %arg5[%dma_wait3A_37] : memref<640xf32, #tpu.memory_space<vmem>> -> memref<400xf32, #tpu.memory_space<vmem>>
        tpu.wait_dma2 semaphore(%run_scoped3A : memref<!tpu.dma_semaphore, #tpu.memory_space<semaphore_mem>>) src(%dma_wait3A_38 : memref<400xf32, #tpu.memory_space<vmem>>) dst(%dma_wait3A_36 : memref<400xf32, #tpu.memory_space<vmem_shared>>)
        tpu.yield
      }) : () -> ()
    } else {
    }
    %barrier3A = arith.constant 0 : index
    tpu.barrier barrier_id(%barrier3A)
    %mul3A = arith.constant 640 : i32
    %mul3A_11 = arith.muli %arg0, %mul3A : i32
    %mul3A_12 = arith.constant 40 : i32
    %mul3A_13 = arith.muli %arg1, %mul3A_12 : i32
    %add3A = arith.addi %mul3A_11, %mul3A_13 : i32
    "tpu.region"() ({
      %run_scoped3A = tpu.sem_alloc : memref<!tpu.dma_semaphore, #tpu.memory_space<semaphore_mem>>
      %dma_start3A = arith.constant 0 : i32
      %dma_start3A_25 = tpu.memref_slice %arg2[%add3A, %dma_start3A] : memref<1280x125xi32, #tpu.memory_space<hbm>> -> memref<40x125xi32, #tpu.memory_space<hbm>>
      %dma_start3A_26 = arith.constant 0 : i32
      %dma_start3A_27 = tpu.memref_slice %arg2[%add3A, %dma_start3A_26] : memref<1280x125xi32, #tpu.memory_space<hbm>> -> memref<40x125xi32, #tpu.memory_space<hbm>>
      tpu.enqueue_dma source(%dma_start3A_27 : memref<40x125xi32, #tpu.memory_space<hbm>>) target(%arg4 : memref<40x125xi32, #tpu.memory_space<vmem>>) target_semaphore(%run_scoped3A : memref<!tpu.dma_semaphore, #tpu.memory_space<semaphore_mem>>)
      %dma_wait3A = arith.constant 0 : i32
      %dma_wait3A_28 = tpu.memref_slice %arg2[%add3A, %dma_wait3A] : memref<1280x125xi32, #tpu.memory_space<hbm>> -> memref<40x125xi32, #tpu.memory_space<hbm>>
      %dma_wait3A_29 = arith.constant 0 : i32
      %dma_wait3A_30 = tpu.memref_slice %arg2[%add3A, %dma_wait3A_29] : memref<1280x125xi32, #tpu.memory_space<hbm>> -> memref<40x125xi32, #tpu.memory_space<hbm>>
      tpu.wait_dma2 semaphore(%run_scoped3A : memref<!tpu.dma_semaphore, #tpu.memory_space<semaphore_mem>>) src(%dma_wait3A_30 : memref<40x125xi32, #tpu.memory_space<hbm>>) dst(%arg4 : memref<40x125xi32, #tpu.memory_space<vmem>>)
      tpu.yield
    }) : () -> ()
    %scan3A_14 = arith.constant 0 : i32
    %scan3A_15 = arith.constant 40 : i32
    %scan3A_16 = arith.addi %scan3A_14, %scan3A_15 : i32
    %scan3A_17 = arith.constant 1 : i32
    scf.for %scan3A_25 = %scan3A_14 to %scan3A_16 step %scan3A_17  : i32 {
      %mul3A_26 = arith.constant 1 : i32
      %mul3A_27 = arith.muli %scan3A_25, %mul3A_26 : i32
      %add3A_28 = arith.constant 0 : i32
      %add3A_29 = arith.addi %add3A_28, %mul3A_27 : i32
      "tpu.region"() ({
        %run_scoped3A = tpu.sem_alloc : memref<!tpu.dma_semaphore, #tpu.memory_space<semaphore_mem>>
        %dma_start3A = arith.constant 0 : i32
        %dma_start3A_30 = tpu.memref_slice %arg6[%dma_start3A] : memref<128xf32, #tpu.memory_space<vmem>> -> memref<125xf32, #tpu.memory_space<vmem>>
        %dma_start3A_31 = arith.constant 0 : i32
        %dma_start3A_32 = tpu.memref_slice %arg4[%add3A_29, %dma_start3A_31] : memref<40x125xi32, #tpu.memory_space<vmem>> -> memref<1x125xi32, #tpu.memory_space<vmem>>
        %dma_start3A_33 = tpu.memref_squeeze %dma_start3A_32 : memref<1x125xi32, #tpu.memory_space<vmem>> -> memref<125xi32, #tpu.memory_space<vmem>>
        %dma_start3A_34 = arith.constant 0 : i32
        %dma_start3A_35 = tpu.memref_slice %arg7[%dma_start3A_34] : memref<10000xf32, #tpu.memory_space<vmem_shared>> -> memref<10000xf32, #tpu.memory_space<vmem_shared>>
        tpu.enqueue_indirect_dma source(%dma_start3A_30 : memref<125xf32, #tpu.memory_space<vmem>>) target(%dma_start3A_35 : memref<10000xf32, #tpu.memory_space<vmem_shared>>) offsets(%dma_start3A_33 : memref<125xi32, #tpu.memory_space<vmem>>) semaphore(%run_scoped3A : memref<!tpu.dma_semaphore, #tpu.memory_space<semaphore_mem>>) {add = true}
        %dma_wait3A = arith.constant 0 : i32
        %dma_wait3A_36 = tpu.memref_slice %arg6[%dma_wait3A] : memref<128xf32, #tpu.memory_space<vmem>> -> memref<125xf32, #tpu.memory_space<vmem>>
        %dma_wait3A_37 = arith.constant 0 : i32
        %dma_wait3A_38 = tpu.memref_slice %arg4[%add3A_29, %dma_wait3A_37] : memref<40x125xi32, #tpu.memory_space<vmem>> -> memref<1x125xi32, #tpu.memory_space<vmem>>
        %dma_wait3A_39 = tpu.memref_squeeze %dma_wait3A_38 : memref<1x125xi32, #tpu.memory_space<vmem>> -> memref<125xi32, #tpu.memory_space<vmem>>
        %dma_wait3A_40 = arith.constant 0 : i32
        %dma_wait3A_41 = tpu.memref_slice %arg7[%dma_wait3A_40] : memref<10000xf32, #tpu.memory_space<vmem_shared>> -> memref<10000xf32, #tpu.memory_space<vmem_shared>>
        tpu.wait_indirect_dma semaphore(%run_scoped3A : memref<!tpu.dma_semaphore, #tpu.memory_space<semaphore_mem>>) src(%dma_wait3A_36 : memref<125xf32, #tpu.memory_space<vmem>>) dst(%dma_wait3A_41 : memref<10000xf32, #tpu.memory_space<vmem_shared>>)
        tpu.yield
      }) : () -> ()
    }
    %scan3A_18 = arith.constant 40 : i32
    %barrier3A_19 = arith.constant 0 : index
    tpu.barrier barrier_id(%barrier3A_19)
    %eq3A_20 = arith.constant 0 : i32
    %eq3A_21 = arith.cmpi eq, %arg1, %eq3A_20 : i32
    %convert_element_type3A_22 = arith.extui %eq3A_21 : i1 to i32
    %cond3A_23 = arith.constant 0 : i32
    %cond3A_24 = arith.cmpi ne, %convert_element_type3A_22, %cond3A_23 : i32
    scf.if %cond3A_24 {
      "tpu.region"() ({
        %run_scoped3A = tpu.sem_alloc : memref<!tpu.dma_semaphore, #tpu.memory_space<semaphore_mem>>
        %dma_start3A = arith.constant 0 : i32
        %dma_start3A_25 = tpu.memref_slice %arg3[%arg0, %dma_start3A] : memref<2x10000xf32, #tpu.memory_space<hbm>> -> memref<1x10000xf32, #tpu.memory_space<hbm>>
        %dma_start3A_26 = tpu.memref_squeeze %dma_start3A_25 : memref<1x10000xf32, #tpu.memory_space<hbm>> -> memref<10000xf32, #tpu.memory_space<hbm>>
        tpu.enqueue_dma source(%arg7 : memref<10000xf32, #tpu.memory_space<vmem_shared>>) target(%dma_start3A_26 : memref<10000xf32, #tpu.memory_space<hbm>>) target_semaphore(%run_scoped3A : memref<!tpu.dma_semaphore, #tpu.memory_space<semaphore_mem>>)
        %dma_wait3A = arith.constant 0 : i32
        %dma_wait3A_27 = tpu.memref_slice %arg3[%arg0, %dma_wait3A] : memref<2x10000xf32, #tpu.memory_space<hbm>> -> memref<1x10000xf32, #tpu.memory_space<hbm>>
        %dma_wait3A_28 = tpu.memref_squeeze %dma_wait3A_27 : memref<1x10000xf32, #tpu.memory_space<hbm>> -> memref<10000xf32, #tpu.memory_space<hbm>>
        tpu.wait_dma2 semaphore(%run_scoped3A : memref<!tpu.dma_semaphore, #tpu.memory_space<semaphore_mem>>) src(%arg7 : memref<10000xf32, #tpu.memory_space<vmem_shared>>) dst(%dma_wait3A_28 : memref<10000xf32, #tpu.memory_space<hbm>>)
        tpu.yield
      }) : () -> ()
    } else {
    }
    return
  }
}

module attributes {stable_mosaic.version = 14 : i64} {
  func.func @_mm1_body(%arg0: i32, %arg1: i32, %arg2: memref<1000x256xf32, #tpu.memory_space<vmem>>, %arg3: memref<256x128xf32, #tpu.memory_space<vmem>>, %arg4: memref<2x1000x1xf32, #tpu.memory_space<vmem>>, %arg5: memref<1x1000x128xf32, #tpu.memory_space<vmem>>) attributes {dimension_semantics = [#tpu.dimension_semantics<arbitrary>, #tpu.dimension_semantics<arbitrary>], iteration_bounds = array<i64: 2, 10>, scalar_prefetch = 0 : i64, scratch_operands = 0 : i64, tpu.core_type = #tpu.core_type<tc>, window_params = [{transform_indices = @transform_0, window_bounds = array<i64: 1000, 256>}, {transform_indices = @transform_1, window_bounds = array<i64: 256, 128>}, {transform_indices = @transform_2, window_bounds = array<i64: 2, 1000, 1>}, {transform_indices = @transform_3, window_bounds = array<i64: 1, 1000, 128>}]} {
    %get3A = arith.constant 0 : index
    %get3A_0 = arith.constant 0 : index
    %get3A_1 = vector.load %arg2[%get3A, %get3A_0] : memref<1000x256xf32, #tpu.memory_space<vmem>>, vector<1000x256xf32>
    %get3A_2 = arith.constant 0 : index
    %get3A_3 = arith.constant 0 : index
    %get3A_4 = vector.load %arg3[%get3A_2, %get3A_3] : memref<256x128xf32, #tpu.memory_space<vmem>>, vector<256x128xf32>
    %dot_general3A = arith.constant dense<0.000000e+00> : vector<1000x128xf32>
    %dot_general3A_5 = tpu.matmul %get3A_1, %get3A_4, %dot_general3A {dimension_numbers = #tpu.dot_dimension_numbers<[1], [0], [0], [1], [0, 0, 1, 1], [], []>, transpose_lhs_hint = false} : vector<1000x256xf32>, vector<256x128xf32>, vector<1000x128xf32> -> vector<1000x128xf32>
    %get3A_6 = arith.constant 0 : index
    %get3A_7 = arith.constant 0 : index
    %get3A_8 = arith.constant 0 : index
    %get3A_9 = vector.load %arg4[%get3A_6, %get3A_7, %get3A_8] : memref<2x1000x1xf32, #tpu.memory_space<vmem>>, vector<1x1000x1xf32>
    %get3A_10 = vector.shape_cast %get3A_9 : vector<1x1000x1xf32> to vector<1000x1xf32>
    %get3A_11 = arith.constant 1 : index
    %get3A_12 = arith.constant 0 : index
    %get3A_13 = arith.constant 0 : index
    %get3A_14 = vector.load %arg4[%get3A_11, %get3A_12, %get3A_13] : memref<2x1000x1xf32, #tpu.memory_space<vmem>>, vector<1x1000x1xf32>
    %get3A_15 = vector.shape_cast %get3A_14 : vector<1x1000x1xf32> to vector<1000x1xf32>
    %add3A = arith.addf %get3A_10, %get3A_15 : vector<1000x1xf32>
    %add3A_16 = arith.constant 1.000000e+00 : f32
    %add3A_17 = vector.broadcast %add3A_16 : f32 to vector<1000x1xf32>
    %add3A_18 = arith.addf %add3A, %add3A_17 : vector<1000x1xf32>
    %rsqrt3A = math.rsqrt %add3A_18 : vector<1000x1xf32>
    %mul3A = vector.broadcast %rsqrt3A : vector<1000x1xf32> to vector<1000x128xf32>
    %mul3A_19 = arith.mulf %dot_general3A_5, %mul3A : vector<1000x128xf32>
    %swap3A = arith.constant 0 : index
    %swap3A_20 = arith.constant 0 : index
    %swap3A_21 = arith.constant 0 : index
    %swap3A_22 = vector.load %arg5[%swap3A, %swap3A_20, %swap3A_21] : memref<1x1000x128xf32, #tpu.memory_space<vmem>>, vector<1x1000x128xf32>
    %swap3A_23 = vector.shape_cast %swap3A_22 : vector<1x1000x128xf32> to vector<1000x128xf32>
    %swap3A_24 = vector.shape_cast %mul3A_19 : vector<1000x128xf32> to vector<1x1000x128xf32>
    tpu.vector_store %arg5[%swap3A, %swap3A_20, %swap3A_21], %swap3A_24 {strides = array<i32>} : memref<1x1000x128xf32, #tpu.memory_space<vmem>>, vector<1x1000x128xf32>,
    return
  }
  func.func @transform_0(%arg0: i32, %arg1: i32) -> (i32, i32) {
    %c0_i32 = arith.constant 0 : i32
    %c0_i32_0 = arith.constant 0 : i32
    return %arg1, %c0_i32 : i32, i32
  }
  func.func @transform_1(%arg0: i32, %arg1: i32) -> (i32, i32) {
    %c0_i32 = arith.constant 0 : i32
    %c0_i32_0 = arith.constant 0 : i32
    return %c0_i32, %arg0 : i32, i32
  }
  func.func @transform_2(%arg0: i32, %arg1: i32) -> (i32, i32, i32) {
    %c0_i32 = arith.constant 0 : i32
    %c0_i32_0 = arith.constant 0 : i32
    %c0_i32_1 = arith.constant 0 : i32
    return %c0_i32, %arg1, %c0_i32_0 : i32, i32, i32
  }
  func.func @transform_3(%arg0: i32, %arg1: i32) -> (i32, i32, i32) {
    %c0_i32 = arith.constant 0 : i32
    %c0_i32_0 = arith.constant 0 : i32
    return %arg0, %arg1, %c0_i32 : i32, i32, i32
  }
}

module attributes {stable_mosaic.version = 14 : i64} {
  func.func @_mid_body(%arg0: i32, %arg1: memref<2x1000x128xf32, #tpu.memory_space<vmem>>, %arg2: memref<2x1000x128xf32, #tpu.memory_space<vmem>>, %arg3: memref<2x1000x1xf32, #tpu.memory_space<vmem>>, %arg4: memref<2x128xf32, #tpu.memory_space<vmem>>, %arg5: memref<2x128x128xf32, #tpu.memory_space<vmem>>, %arg6: memref<1000x128xf32, #tpu.memory_space<vmem>>) attributes {dimension_semantics = [#tpu.dimension_semantics<arbitrary>], iteration_bounds = array<i64: 10>, scalar_prefetch = 0 : i64, scratch_operands = 0 : i64, tpu.core_type = #tpu.core_type<tc>, window_params = [{transform_indices = @transform_0, window_bounds = array<i64: 2, 1000, 128>}, {transform_indices = @transform_1, window_bounds = array<i64: 2, 1000, 128>}, {transform_indices = @transform_2, window_bounds = array<i64: 2, 1000, 1>}, {pipeline_mode = #tpu.pipeline_mode<synchronous>, transform_indices = @transform_3, window_bounds = array<i64: 2, 128>}, {pipeline_mode = #tpu.pipeline_mode<synchronous>, transform_indices = @transform_4, window_bounds = array<i64: 2, 128, 128>}, {transform_indices = @transform_5, window_bounds = array<i64: 1000, 128>}]} {
    %get3A = arith.constant 0 : index
    %get3A_0 = arith.constant 0 : index
    %get3A_1 = arith.constant 0 : index
    %get3A_2 = vector.load %arg3[%get3A, %get3A_0, %get3A_1] : memref<2x1000x1xf32, #tpu.memory_space<vmem>>, vector<1x1000x1xf32>
    %get3A_3 = vector.shape_cast %get3A_2 : vector<1x1000x1xf32> to vector<1000x1xf32>
    %get3A_4 = arith.constant 1 : index
    %get3A_5 = arith.constant 0 : index
    %get3A_6 = arith.constant 0 : index
    %get3A_7 = vector.load %arg3[%get3A_4, %get3A_5, %get3A_6] : memref<2x1000x1xf32, #tpu.memory_space<vmem>>, vector<1x1000x1xf32>
    %get3A_8 = vector.shape_cast %get3A_7 : vector<1x1000x1xf32> to vector<1000x1xf32>
    %add3A = arith.addf %get3A_3, %get3A_8 : vector<1000x1xf32>
    %add3A_9 = arith.constant 1.000000e+00 : f32
    %add3A_10 = vector.broadcast %add3A_9 : f32 to vector<1000x1xf32>
    %add3A_11 = arith.addf %add3A, %add3A_10 : vector<1000x1xf32>
    %rsqrt3A = math.rsqrt %add3A_11 : vector<1000x1xf32>
    %get3A_12 = arith.constant 0 : index
    %get3A_13 = arith.constant 0 : index
    %get3A_14 = arith.constant 0 : index
    %get3A_15 = vector.load %arg1[%get3A_12, %get3A_13, %get3A_14] : memref<2x1000x128xf32, #tpu.memory_space<vmem>>, vector<2x1000x128xf32>
    %get3A_16 = arith.constant 0 : index
    %get3A_17 = arith.constant 0 : index
    %get3A_18 = arith.constant 0 : index
    %get3A_19 = vector.load %arg2[%get3A_16, %get3A_17, %get3A_18] : memref<2x1000x128xf32, #tpu.memory_space<vmem>>, vector<2x1000x128xf32>
    %add3A_20 = arith.addf %get3A_15, %get3A_19 : vector<2x1000x128xf32>
    %broadcast_in_dim3A = vector.shape_cast %rsqrt3A : vector<1000x1xf32> to vector<1x1000x1xf32>
    %mul3A = vector.broadcast %broadcast_in_dim3A : vector<1x1000x1xf32> to vector<2x1000x128xf32>
    %mul3A_21 = arith.mulf %add3A_20, %mul3A : vector<2x1000x128xf32>
    %get3A_22 = arith.constant 0 : index
    %get3A_23 = arith.constant 0 : index
    %get3A_24 = vector.load %arg4[%get3A_22, %get3A_23] : memref<2x128xf32, #tpu.memory_space<vmem>>, vector<2x128xf32>
    %reshape3A = vector.shape_cast %get3A_24 : vector<2x128xf32> to vector<2x1x128xf32>
    %add3A_25 = vector.broadcast %reshape3A : vector<2x1x128xf32> to vector<2x1000x128xf32>
    %add3A_26 = arith.addf %mul3A_21, %add3A_25 : vector<2x1000x128xf32>
    %max3A = arith.constant 0.000000e+00 : f32
    %max3A_27 = vector.broadcast %max3A : f32 to vector<2x1000x128xf32>
    %max3A_28 = arith.maximumf %add3A_26, %max3A_27 : vector<2x1000x128xf32>
    %slice3A = vector.extract_strided_slice %max3A_28 {offsets = [0, 0, 0], sizes = [1, 1000, 128], strides = [1, 1, 1]} : vector<2x1000x128xf32> to vector<1x1000x128xf32>
    %squeeze3A = vector.shape_cast %slice3A : vector<1x1000x128xf32> to vector<1000x128xf32>
    %get3A_29 = arith.constant 0 : index
    %get3A_30 = arith.constant 0 : index
    %get3A_31 = arith.constant 0 : index
    %get3A_32 = vector.load %arg5[%get3A_29, %get3A_30, %get3A_31] : memref<2x128x128xf32, #tpu.memory_space<vmem>>, vector<1x128x128xf32>
    %get3A_33 = vector.shape_cast %get3A_32 : vector<1x128x128xf32> to vector<128x128xf32>
    %dot_general3A = arith.constant dense<0.000000e+00> : vector<1000x128xf32>
    %dot_general3A_34 = tpu.matmul %squeeze3A, %get3A_33, %dot_general3A {dimension_numbers = #tpu.dot_dimension_numbers<[1], [0], [0], [1], [0, 0, 1, 1], [], []>, transpose_lhs_hint = false} : vector<1000x128xf32>, vector<128x128xf32>, vector<1000x128xf32> -> vector<1000x128xf32>
    %slice3A_35 = vector.extract_strided_slice %max3A_28 {offsets = [1, 0, 0], sizes = [1, 1000, 128], strides = [1, 1, 1]} : vector<2x1000x128xf32> to vector<1x1000x128xf32>
    %squeeze3A_36 = vector.shape_cast %slice3A_35 : vector<1x1000x128xf32> to vector<1000x128xf32>
    %get3A_37 = arith.constant 1 : index
    %get3A_38 = arith.constant 0 : index
    %get3A_39 = arith.constant 0 : index
    %get3A_40 = vector.load %arg5[%get3A_37, %get3A_38, %get3A_39] : memref<2x128x128xf32, #tpu.memory_space<vmem>>, vector<1x128x128xf32>
    %get3A_41 = vector.shape_cast %get3A_40 : vector<1x128x128xf32> to vector<128x128xf32>
    %dot_general3A_42 = arith.constant dense<0.000000e+00> : vector<1000x128xf32>
    %dot_general3A_43 = tpu.matmul %squeeze3A_36, %get3A_41, %dot_general3A_42 {dimension_numbers = #tpu.dot_dimension_numbers<[1], [0], [0], [1], [0, 0, 1, 1], [], []>, transpose_lhs_hint = false} : vector<1000x128xf32>, vector<128x128xf32>, vector<1000x128xf32> -> vector<1000x128xf32>
    %add3A_44 = arith.addf %dot_general3A_34, %dot_general3A_43 : vector<1000x128xf32>
    %mul3A_45 = vector.broadcast %rsqrt3A : vector<1000x1xf32> to vector<1000x128xf32>
    %mul3A_46 = arith.mulf %add3A_44, %mul3A_45 : vector<1000x128xf32>
    %swap3A = arith.constant 0 : index
    %swap3A_47 = arith.constant 0 : index
    %swap3A_48 = vector.load %arg6[%swap3A, %swap3A_47] : memref<1000x128xf32, #tpu.memory_space<vmem>>, vector<1000x128xf32>
    tpu.vector_store %arg6[%swap3A, %swap3A_47], %mul3A_46 {strides = array<i32>} : memref<1000x128xf32, #tpu.memory_space<vmem>>, vector<1000x128xf32>,
    return
  }
  func.func @transform_0(%arg0: i32) -> (i32, i32, i32) {
    %c0_i32 = arith.constant 0 : i32
    %c0_i32_0 = arith.constant 0 : i32
    %c0_i32_1 = arith.constant 0 : i32
    return %c0_i32, %arg0, %c0_i32_0 : i32, i32, i32
  }
  func.func @transform_1(%arg0: i32) -> (i32, i32, i32) {
    %c0_i32 = arith.constant 0 : i32
    %c0_i32_0 = arith.constant 0 : i32
    %c0_i32_1 = arith.constant 0 : i32
    return %c0_i32, %arg0, %c0_i32_0 : i32, i32, i32
  }
  func.func @transform_2(%arg0: i32) -> (i32, i32, i32) {
    %c0_i32 = arith.constant 0 : i32
    %c0_i32_0 = arith.constant 0 : i32
    %c0_i32_1 = arith.constant 0 : i32
    return %c0_i32, %arg0, %c0_i32_0 : i32, i32, i32
  }
  func.func @transform_3(%arg0: i32) -> (i32, i32) {
    %c0_i32 = arith.constant 0 : i32
    %c0_i32_0 = arith.constant 0 : i32
    %c0_i32_1 = arith.constant 0 : i32
    return %c0_i32, %c0_i32_0 : i32, i32
  }
  func.func @transform_4(%arg0: i32) -> (i32, i32, i32) {
    %c0_i32 = arith.constant 0 : i32
    %c0_i32_0 = arith.constant 0 : i32
    %c0_i32_1 = arith.constant 0 : i32
    %c0_i32_2 = arith.constant 0 : i32
    return %c0_i32, %c0_i32_0, %c0_i32_1 : i32, i32, i32
  }
  func.func @transform_5(%arg0: i32) -> (i32, i32) {
    %c0_i32 = arith.constant 0 : i32
    %c0_i32_0 = arith.constant 0 : i32
    return %arg0, %c0_i32 : i32, i32
  }
}

module attributes {stable_mosaic.version = 14 : i64} {
  func.func @_out_body(%arg0: i32, %arg1: memref<2x1000x128xf32, #tpu.memory_space<vmem>>, %arg2: memref<1000x128xf32, #tpu.memory_space<vmem>>, %arg3: memref<2x1000x1xf32, #tpu.memory_space<vmem>>, %arg4: memref<1x128xf32, #tpu.memory_space<vmem>>, %arg5: memref<1000x128xf32, #tpu.memory_space<vmem>>) attributes {dimension_semantics = [#tpu.dimension_semantics<arbitrary>], iteration_bounds = array<i64: 10>, scalar_prefetch = 0 : i64, scratch_operands = 0 : i64, tpu.core_type = #tpu.core_type<tc>, window_params = [{transform_indices = @transform_0, window_bounds = array<i64: 2, 1000, 128>}, {transform_indices = @transform_1, window_bounds = array<i64: 1000, 128>}, {transform_indices = @transform_2, window_bounds = array<i64: 2, 1000, 1>}, {pipeline_mode = #tpu.pipeline_mode<synchronous>, transform_indices = @transform_3, window_bounds = array<i64: 1, 128>}, {transform_indices = @transform_4, window_bounds = array<i64: 1000, 128>}]} {
    %get3A = arith.constant 0 : index
    %get3A_0 = arith.constant 0 : index
    %get3A_1 = arith.constant 0 : index
    %get3A_2 = vector.load %arg3[%get3A, %get3A_0, %get3A_1] : memref<2x1000x1xf32, #tpu.memory_space<vmem>>, vector<1x1000x1xf32>
    %get3A_3 = vector.shape_cast %get3A_2 : vector<1x1000x1xf32> to vector<1000x1xf32>
    %get3A_4 = arith.constant 1 : index
    %get3A_5 = arith.constant 0 : index
    %get3A_6 = arith.constant 0 : index
    %get3A_7 = vector.load %arg3[%get3A_4, %get3A_5, %get3A_6] : memref<2x1000x1xf32, #tpu.memory_space<vmem>>, vector<1x1000x1xf32>
    %get3A_8 = vector.shape_cast %get3A_7 : vector<1x1000x1xf32> to vector<1000x1xf32>
    %add3A = arith.addf %get3A_3, %get3A_8 : vector<1000x1xf32>
    %add3A_9 = arith.constant 1.000000e+00 : f32
    %add3A_10 = vector.broadcast %add3A_9 : f32 to vector<1000x1xf32>
    %add3A_11 = arith.addf %add3A, %add3A_10 : vector<1000x1xf32>
    %rsqrt3A = math.rsqrt %add3A_11 : vector<1000x1xf32>
    %get3A_12 = arith.constant 0 : index
    %get3A_13 = arith.constant 0 : index
    %get3A_14 = arith.constant 0 : index
    %get3A_15 = vector.load %arg1[%get3A_12, %get3A_13, %get3A_14] : memref<2x1000x128xf32, #tpu.memory_space<vmem>>, vector<1x1000x128xf32>
    %get3A_16 = vector.shape_cast %get3A_15 : vector<1x1000x128xf32> to vector<1000x128xf32>
    %get3A_17 = arith.constant 1 : index
    %get3A_18 = arith.constant 0 : index
    %get3A_19 = arith.constant 0 : index
    %get3A_20 = vector.load %arg1[%get3A_17, %get3A_18, %get3A_19] : memref<2x1000x128xf32, #tpu.memory_space<vmem>>, vector<1x1000x128xf32>
    %get3A_21 = vector.shape_cast %get3A_20 : vector<1x1000x128xf32> to vector<1000x128xf32>
    %add3A_22 = arith.addf %get3A_16, %get3A_21 : vector<1000x128xf32>
    %get3A_23 = arith.constant 0 : index
    %get3A_24 = arith.constant 0 : index
    %get3A_25 = vector.load %arg2[%get3A_23, %get3A_24] : memref<1000x128xf32, #tpu.memory_space<vmem>>, vector<1000x128xf32>
    %add3A_26 = arith.addf %add3A_22, %get3A_25 : vector<1000x128xf32>
    %mul3A = vector.broadcast %rsqrt3A : vector<1000x1xf32> to vector<1000x128xf32>
    %mul3A_27 = arith.mulf %add3A_26, %mul3A : vector<1000x128xf32>
    %get3A_28 = arith.constant 0 : index
    %get3A_29 = arith.constant 0 : index
    %get3A_30 = vector.load %arg4[%get3A_28, %get3A_29] : memref<1x128xf32, #tpu.memory_space<vmem>>, vector<1x128xf32>
    %add3A_31 = vector.broadcast %get3A_30 : vector<1x128xf32> to vector<1000x128xf32>
    %add3A_32 = arith.addf %mul3A_27, %add3A_31 : vector<1000x128xf32>
    %reduce_max3A = arith.constant dense<0xFF800000> : vector<1000xf32>
    %reduce_max3A_33 = vector.multi_reduction <maximumf>, %add3A_32, %reduce_max3A [1] : vector<1000x128xf32> to vector<1000xf32>
    %broadcast_in_dim3A = vector.shape_cast %reduce_max3A_33 : vector<1000xf32> to vector<1000x1xf32>
    %sub3A = vector.broadcast %broadcast_in_dim3A : vector<1000x1xf32> to vector<1000x128xf32>
    %sub3A_34 = arith.subf %add3A_32, %sub3A : vector<1000x128xf32>
    %exp3A = math.exp %sub3A_34 : vector<1000x128xf32>
    %reduce_sum3A = arith.constant dense<0.000000e+00> : vector<1000xf32>
    %reduce_sum3A_35 = vector.multi_reduction <add>, %exp3A, %reduce_sum3A [1] : vector<1000x128xf32> to vector<1000xf32>
    %broadcast_in_dim3A_36 = vector.shape_cast %reduce_sum3A_35 : vector<1000xf32> to vector<1000x1xf32>
    %log3A = math.log %broadcast_in_dim3A_36 : vector<1000x1xf32>
    %add3A_37 = arith.addf %log3A, %broadcast_in_dim3A : vector<1000x1xf32>
    %sub3A_38 = vector.broadcast %add3A_37 : vector<1000x1xf32> to vector<1000x128xf32>
    %sub3A_39 = arith.subf %add3A_32, %sub3A_38 : vector<1000x128xf32>
    %swap3A = arith.constant 0 : index
    %swap3A_40 = arith.constant 0 : index
    %swap3A_41 = vector.load %arg5[%swap3A, %swap3A_40] : memref<1000x128xf32, #tpu.memory_space<vmem>>, vector<1000x128xf32>
    tpu.vector_store %arg5[%swap3A, %swap3A_40], %sub3A_39 {strides = array<i32>} : memref<1000x128xf32, #tpu.memory_space<vmem>>, vector<1000x128xf32>,
    return
  }
  func.func @transform_0(%arg0: i32) -> (i32, i32, i32) {
    %c0_i32 = arith.constant 0 : i32
    %c0_i32_0 = arith.constant 0 : i32
    %c0_i32_1 = arith.constant 0 : i32
    return %c0_i32, %arg0, %c0_i32_0 : i32, i32, i32
  }
  func.func @transform_1(%arg0: i32) -> (i32, i32) {
    %c0_i32 = arith.constant 0 : i32
    %c0_i32_0 = arith.constant 0 : i32
    return %arg0, %c0_i32 : i32, i32
  }
  func.func @transform_2(%arg0: i32) -> (i32, i32, i32) {
    %c0_i32 = arith.constant 0 : i32
    %c0_i32_0 = arith.constant 0 : i32
    %c0_i32_1 = arith.constant 0 : i32
    return %c0_i32, %arg0, %c0_i32_0 : i32, i32, i32
  }
  func.func @transform_3(%arg0: i32) -> (i32, i32) {
    %c0_i32 = arith.constant 0 : i32
    %c0_i32_0 = arith.constant 0 : i32
    %c0_i32_1 = arith.constant 0 : i32
    return %c0_i32, %c0_i32_0 : i32, i32
  }
  func.func @transform_4(%arg0: i32) -> (i32, i32) {
    %c0_i32 = arith.constant 0 : i32
    %c0_i32_0 = arith.constant 0 : i32
    return %arg0, %c0_i32 : i32, i32
  }
}

</mosaic_0001>

<sc_bundles>
// kernel: kernel.11.cloned.1.call-start
scs
__scs_entry_jumppad:
0x0: {  	(pc) =	sbr.rel $0x88, $3  }
0x1: {  	(tag) =	ssettag $0x0;
	lr =	simm.s32 $0x1  }
0x2: {  	[smem:$0x3F9B] =	sst lr;
	_ =	strace $0xD0000000  }
0x3: {  	_ = 	snop  }
0x4: {  	_ = 	snop  }
0x5: {  	_ = 	snop  }
0x6: {  	_ = 	snop  }
0x7: {  	_ = 	snop  }
__scs_overlays_trampoline_lowered:
0x8: {  	[smem:$0x3FAA] =	sst s0  }
0x9: {  	[smem:$0x3FAB] =	sst s1  }
0xa: {  	[smem:$0x3FAC] =	sst s2  }
0xb: {  	[smem:$0x3FAD] =	sst s3  }
0xc: {  	[smem:$0x3FAE] =	sst s4  }
0xd: {  	[smem:$0x3FAF] =	sst s5  }
0xe: {  	[smem:$0x3FB0] =	sst s6  }
0xf: {  	[smem:$0x3FB1] =	sst s7  }
0x10: {  	[smem:$0x3FB2] =	sst s8  }
0x11: {  	[smem:$0x3FB3] =	sst s9;
	s0 =	simm.s32 @!p0 $0x0  }
0x12: {  	s1 =	sld [smem:$0x3F99];
	s0 =	simm.s32 @p0 $0x1  }
0x13: {  	[smem:$0x3FB4] =	sst s0;
	s0 =	simm.s32 @!p1 $0x0  }
0x14: {  	s2 =	sld [smem:$0x3F98];
	s0 =	simm.s32 @p1 $0x1  }
0x15: {  	[smem:$0x3FB5] =	sst s0;
	s0 =	simm.s32 @!p2 $0x0  }
0x16: {  	s3 =	sld [smem:$0x3FDB];
	s0 =	simm.s32 @p2 $0x1  }
0x17: {  	s4 =	simm.s32 $0x1BF5;
	[smem:$0x3FB7] =	sst s0  }
0x18: {  	s0 =	sld [smem:$0x3F9A];
	_ =	swait.ge [sflag:s4], $0x0  }
0x19: {  	s7 =	sld [smem:$0x3F9B]  }
0x1a: {  	s8 =	sadd.s32 $0xFFFFE003, lr  }
0x1b: {  	s9 =	sadd.s32 $0xFFFFFEF7, lr;
	s5 =	simm.s32 $0xFFFFFFFF;
	p2 =	slt.u32 s8, $0xFFFFF086  }
0x1c: {  	p1 =	slt.u32 s9, $0xF7A;
	s5 =	simm.s32 @!p2 $0x0  }
0x1d: {  	s5 =	simm.s32 @p1 $0x1;
	p0 =	seq.s32 s7, s2  }
0x1e: {  	s7 =	smul.u32 @!p0 $0xF7A, s2;
	p2 =	seq.s32 @!p0 s5, $0x0  }
0x1f: {  	s9 =	smul.u32 $0xF7A, s1;
	s8 =	simm.s32 @!p0 $0x1BF5;
	p2 =	por !p2, p0  }
0x20: {  	[sflag:s8] =	ssyncset.s32 @!p0 $0xFFFFF086;
	s6 =	sadd.s32 @!p0 s3, s7;
	s7 =	simm.s32 @!p0 $0x108  }
0x21: {  	s3 =	sadd.s32 s3, s9;
	s6 =	sadd.s32 @!p0 $0x88, s6;
	s7 =	simm.s32 @p2 $0x1082  }
0x22: {  	[simem:s7], [sflag:s8] =	dma.local @!p0 [hbm:s6], $0xF7A  }
0x23: {  	s9 =	sor.u32 $0xD0000000, s2;
	s6 =	simm.s32 $0x108;
	_ =	swait.ge @!p0 [sflag:s8], $0x0  }
0x24: {  	s3 =	sadd.s32 $0x88, s3;
	s6 =	simm.s32 @!p1 $0x1082;
	[sflag:s4] =	ssyncset.s32 $0xFFFFF086  }
0x25: {  	[simem:s6], [sflag:s4] =	dma.local [hbm:s3], $0xF7A  }
0x26: {  	[smem:$0x3F9B] =	sst s1;
	(tag) =	ssettag s2;
	_ =	strace s9  }
0x27: {  	s1 =	sld [smem:$0x3FAB]  }
0x28: {  	s2 =	sld [smem:$0x3FAC]  }
0x29: {  	s4 =	sld [smem:$0x3FAE]  }
0x2a: {  	p0 =	seq.s32 s5, $0x0;
	s5 =	sld [smem:$0x3FAF]  }
0x2b: {  	s6 =	sld [smem:$0x3FB0]  }
0x2c: {  	s7 =	sld [smem:$0x3FB1]  }
0x2d: {  	s3 =	simm.s32 $0x108;
	s8 =	sld [smem:$0x3FB2]  }
0x2e: {  	s3 =	simm.s32 @!p0 $0x1082;
	s9 =	sld [smem:$0x3FB3]  }
0x2f: {  	lr =	sadd.s32 s0, s3;
	s0 =	sld [smem:$0x3FAA]  }
0x30: {  	s3 =	sld [smem:$0x3FAD]  }
0x31: {  	[smem:$0x3FB6] =	sst s10  }
0x32: {  	s10 =	sld [smem:$0x3FB4];
	_ =	sdelay $0x3  }
0x33: {  	p0 =	seq.s32 s10, $0x1;
	s10 =	sld [smem:$0x3FB6];
	_ =	sdelay $0x3  }
0x34: {  	[smem:$0x3FB6] =	sst s10  }
0x35: {  	s10 =	sld [smem:$0x3FB5];
	_ =	sdelay $0x3  }
0x36: {  	p1 =	seq.s32 s10, $0x1;
	s10 =	sld [smem:$0x3FB6];
	_ =	sdelay $0x3  }
0x37: {  	[smem:$0x3FB6] =	sst s10  }
0x38: {  	s10 =	sld [smem:$0x3FB7]  }
0x39: {  	_ = 	snop;
	(pc) =	sbr.ind lr, $3  }
0x3a: {  	_ = 	snop  }
0x3b: {  	_ = 	snop  }
0x3c: {  	p2 =	seq.s32 s10, $0x1;
	s10 =	sld [smem:$0x3FB6]  }
0x3d: {  	_ =	shalt  }
0x3e: {  	_ =	shalt  }
0x3f: {  	_ =	shalt  }
0x40: {  	_ =	shalt  }
0x41: {  	_ =	shalt  }
0x42: {  	_ =	shalt  }
0x43: {  	_ =	shalt  }
0x44: {  	_ =	shalt  }
0x45: {  	_ =	shalt  }
0x46: {  	_ =	shalt  }
0x47: {  	_ =	shalt  }
0x48: {  	_ =	shalt  }
0x49: {  	_ =	shalt  }
0x4a: {  	_ =	shalt  }
0x4b: {  	_ =	shalt  }
0x4c: {  	_ =	shalt  }
0x4d: {  	_ =	shalt  }
0x4e: {  	_ =	shalt  }
0x4f: {  	_ =	shalt  }
0x50: {  	_ =	shalt  }
0x51: {  	_ =	shalt  }
0x52: {  	_ =	shalt  }
0x53: {  	_ =	shalt  }
0x54: {  	_ =	shalt  }
0x55: {  	_ =	shalt  }
0x56: {  	_ =	shalt  }
0x57: {  	_ =	shalt  }
0x58: {  	_ =	shalt  }
0x59: {  	_ =	shalt  }
0x5a: {  	_ =	shalt  }
0x5b: {  	_ =	shalt  }
0x5c: {  	_ =	shalt  }
0x5d: {  	_ =	shalt  }
0x5e: {  	_ =	shalt  }
0x5f: {  	_ =	shalt  }
0x60: {  	_ =	shalt  }
0x61: {  	_ =	shalt  }
0x62: {  	_ =	shalt  }
0x63: {  	_ =	shalt  }
0x64: {  	_ =	shalt  }
0x65: {  	_ =	shalt  }
0x66: {  	_ =	shalt  }
0x67: {  	_ =	shalt  }
0x68: {  	_ =	shalt  }
0x69: {  	_ =	shalt  }
0x6a: {  	_ =	shalt  }
0x6b: {  	_ =	shalt  }
0x6c: {  	_ =	shalt  }
0x6d: {  	_ =	shalt  }
0x6e: {  	_ =	shalt  }
0x6f: {  	_ =	shalt  }
0x70: {  	_ =	shalt  }
0x71: {  	_ =	shalt  }
0x72: {  	_ =	shalt  }
0x73: {  	_ =	shalt  }
0x74: {  	_ =	shalt  }
0x75: {  	_ =	shalt  }
0x76: {  	_ =	shalt  }
0x77: {  	_ =	shalt  }
0x78: {  	_ =	shalt  }
0x79: {  	_ =	shalt  }
0x7a: {  	_ =	shalt  }
0x7b: {  	_ =	shalt  }
0x7c: {  	_ =	shalt  }
0x7d: {  	_ =	shalt  }
0x7e: {  	_ =	shalt  }
0x7f: {  	_ =	shalt  }
0x80: {  	_ =	shalt  }
0x81: {  	_ =	shalt  }
0x82: {  	_ =	shalt  }
0x83: {  	_ =	shalt  }
0x84: {  	_ =	shalt  }
0x85: {  	_ =	shalt  }
0x86: {  	_ =	shalt  }
0x87: {  	_ =	shalt  }
.Lfunc_end0:
.L_simem_size_0:
called_computation.1_lowered:
.L_overlay_start_0:
0x88: {  	s2 =	sld [smem:$0x3FD9]  }
0x89: {  	s3 =	sld [smem:$0x3FFE];
	_ =	sdelay $0x1  }
0x8a: {  	s1 =	srdreg.scid  }
0x8b: {  	s0 =	sand.u32 $0x1, s1  }
0x8c: {  	s16 =	sshll.u32 s0, $0xA;
	s2 =	sadd.s32 s3, s2  }
0x8d: {  	s2 =	sadd.s32 s2, s16  }
0x8e: {  	[smem:$0x3FC2] =	sst s2  }
0x8f: {  	_ = 	snop  }
0x90: {  	(tm) =	ssettm $0x1  }
0x91: {  	s17 =	sld [smem:$0x3FFB];
	_ =	sdelay $0x3  }
0x92: {  	_ =	strace s17  }
0x93: {  	s2 =	sld [smem:$0x3FFC];
	_ =	sdelay $0x3  }
0x94: {  	_ =	strace s2  }
0x95: {  	s2 =	sld [smem:$0x3FFD];
	_ =	sdelay $0x3  }
0x96: {  	_ =	strace s2  }
0x97: {  	_ =	strace $0x8FFFFFFF  }
0x98: {  	s18 =	sld [smem:$0x3FDB];
	_ =	sdelay $0x1  }
0x99: {  	s19 =	simm.s32 $_scs_section_size  }
0x9a: {  	s4 =	simm.s32 $_size__tile_overlayer_lowered;
	s5 =	simm.s32 $_tile_overlayer_lowered  }
0x9b: {  	s22 =	simm.s32 $0x1BFF;
	s21 =	sshll.u32 s5, $0x1;
	s2 =	sadd.s32 s19, s18  }
0x9c: {  	s6 =	simm.s32 $0x0;
	s20 =	sshll.u32 s4, $0x1;
	s4 =	sadd.s32 s21, s2  }
0x9d: {  	[timem:s6], [sflag:s22] =	dma.local [hbm:s4], s20  }
0x9e: {  	_ =	swait.ge [sflag:s22], s20  }
0x9f: {  	s3 =	ssub.s32 $0x0, s20;
	[sflag:s22] =	ssyncset.done $0x0  }
0xa0: {  	[sflag:s22] =	ssyncadd.s32 s3;
	_ =	sdelay $0x1  }
0xa1: {  	s23 =	simm.s32 $0x1B8B  }
0xa2: {  	_ =	swait.ge [sflag:s23], $0x1  }
0xa3: {  	[sflag:s23] =	ssyncset.done $0x0  }
0xa4: {  	s25 =	simm.s32 $0x1B8E;
	s24 =	sld [smem:$0x3FFE];
	[sflag:s23] =	ssyncadd.s32 $0xFFFFFFFF  }
0xa5: {  	s26 =	simm.s32 $execute0_lowered;
	[smem:$0x3FD2] =	sst s25  }
0xa6: {  	s4 =	sshll.u32 s26, $0x1;
	_ =	strace $0x80000049;
	[dreg:$0x1] =	wrdreg $0xFFFFFFFF  }
0xa7: {  	s28 =	simm.s32 $_size_execute0_lowered;
	s2 =	sadd.s32 s2, s4;
	[dreg:$0x0] =	wrdreg $0x0  }
0xa8: {  	s4 =	sshll.u32 s28, $0x1;
	[dreg:$0x2] =	wrdreg s2  }
0xa9: {  	[dreg:$0x3] =	wrdreg s4  }
0xaa: {  	[dreg:$0x4] =	wrdreg $0xC0  }
0xab: {  	_ =	task [dreg:s6], $0x5FFFF  }
0xac: {  	[dreg:$0x1] =	wrdreg $0xFFFFFFFF  }
0xad: {  	[dreg:$0x0] =	wrdreg $0x60  }
0xae: {  	[dreg:$0x2] =	wrdreg s24  }
0xaf: {  	[dreg:$0x3] =	wrdreg $0xA8000  }
0xb0: {  	[dreg:$0x4] =	wrdreg $0x9  }
0xb1: {  	_ =	task.clear_ibuf [dreg:s6], $0x5FFFF;
	_ =	strace $0x90000049  }
0xb2: {  	s29 =	simm.s32 $0x9;
	_ =	strace $0x8000004B  }
0xb3: {  	_ =	swait.ge [sflag:s29], $0x1  }
0xb4: {  	[sflag:s29] =	ssyncadd.s32 $0xFFFFFFFF  }
0xb5: {  	_ =	strace $0x9000004B  }
0xb6: {  	_ =	sfence  }
0xb7: {  	s30 =	sld [smem:$0x0];
	_ =	sdelay $0x2  }
0xb8: {  	s31 =	sshll.u32 s1, $0xD;
	s1 =	sshrl.u32 s1, $0x2  }
0xb9: {  	s3 =	sand.u32 $0x4000, s31;
	s1 =	sadd.s32 s1, s30  }
0xba: {  	s0 =	sor.u32 s3, s0;
	s1 =	sshll.u32 s1, $0x11  }
0xbb: {  	s0 =	sor.u32 s1, s0  }
0xbc: {  	s0 =	sadd.s32 $0x8F2B, s0  }
0xbd: {  	[sflag:s0] =	ssyncadd.remote.s32 $0x1  }
0xbe: {  	_ =	sfence.sel $0xFFFF  }
0xbf: {  	[dreg:$0x0] =	wrdreg $0xFFFFFFFF;
	(pc) =	sbr.abs _section_cstart, $3  }
0xc0: {  	[dreg:$0x1] =	wrdreg $0xFFFFFFFF  }
0xc1: {  	_ =	task.clear_ibuf [dreg:s6], $0x2FFFF;
	_ =	strace $0x9FFFFFFF  }
0xc2: {  	(tm) =	ssettm $0x7FFFFFFF  }
0xc3: {  	_ =	shalt  }
tec
execute0_lowered:
.L_overlay_start_1:
0x0: {  	(tag) =	ssettag $0x1  }
0x1: {  	s0 =	rddreg [dreg:$0x0]  }
0x2: {  	s1 =	rddreg [dreg:$0x1];
	s2 =	simm.s32 $0x0  }
0x3: {  	s3 =	srdreg.scid;
	s10 =	stileid.u32;
	s28 =	simm.s32 $0x80  }
0x4: {  	s29 =	simm.s32 $0x6800;
	s30 =	simm.s32 $0x1;
	s4 =	smul.u32 $0x4E000, s10  }
0x5: {  	s31 =	simm.s32 $0x2;
	[smem:$0x7FF] =	sst s2;
	s7 =	smul.u32 $0x270, s10  }
0x6: {  	s11 =	sadd.s32 $0x6800, s0;
	s3 =	sand.u32 $0x1, s3;
	s9 =	smul.u32 $0x2800, s10  }
0x7: {  	s13 =	sadd.s32 $0x1800, s0;
	s12 =	smul.u32 $0x500, s10;
	p0 =	sne.s32 s10, $0x0  }
0x8: {  	_ =	strace $0x8000004A;
	s5 =	smul.u32 $0x27100, s3;
	s3 =	ssub.s32 $0x2, s3  }
0x9: {  	s6 =	sshrl.u32 s3, $0x1;
	s4 =	sshrl.u32 s4, $0x2;
	s16 =	sadd.s32 $0x68, s7  }
0xa: {  	s17 =	sadd.s32 $0xD0, s7;
	s18 =	sadd.s32 $0x138, s7;
	s19 =	sadd.s32 $0x1A0, s7  }
0xb: {  	s20 =	sadd.s32 $0x208, s7;
	s15 =	sshrl.u32 s9, $0x3;
	s9 =	sadd.s32 $0x138000, s1  }
0xc: {  	s21 =	sadd.s32 s11, s12;
	s12 =	sadd.s32 s13, s12;
	s0 =	sadd.s32 s5, s0  }
0xd: {  	s14 =	ssub.s32 s3, s6;
	s3 =	sadd.s32 s4, s1;
	s23 =	sshll.u32 s16, $0x7  }
0xe: {  	s24 =	sshll.u32 s17, $0x7;
	s25 =	sshll.u32 s18, $0x7;
	s26 =	sshll.u32 s19, $0x7  }
0xf: {  	s8 =	sshll.u32 s20, $0x7;
	[dreg:$0x3] =	wrdreg s21;
	s15 =	sadd.s32 $0x280, s15  }
0x10: {  	[dreg:$0x4] =	wrdreg s12;
	s21 =	smul.u32 $0x2700, s10;
	s22 =	sshll.u32 s16, $0x4  }
0x11: {  	s16 =	simm.s32 $0x1400;
	s10 =	simm.s32 $0x2780;
	s4 =	sadd.s32 s23, s1  }
0x12: {  	s5 =	sadd.s32 s24, s1;
	s6 =	sadd.s32 s25, s1;
	s7 =	sadd.s32 s26, s1  }
0x13: {  	s8 =	sadd.s32 s8, s1;
	s12 =	sadd.s32 $0x59A00, s0;
	s11 =	sadd.s32 s11, s15  }
0x14: {  	s15 =	sadd.s32 s13, s15;
	s26 =	sshll.u32 s17, $0x4;
	s23 =	sshll.u32 s18, $0x4  }
0x15: {  	s24 =	sshll.u32 s19, $0x4;
	s25 =	sshll.u32 s20, $0x4;
	[dreg:$0x5] =	wrdreg s11  }
0x16: {  	s14 =	smax.u32 s14, $0x1;
	s17 =	simm.s32 $0x2800;
	[dreg:$0x6] =	wrdreg s15  }
0x17: {  	s18 =	simm.s32 $0x3;
	s15 =	sadd.s32 $0xA7C00, s0;
	[dreg:$0x7] =	wrdreg s14  }
0x18: {  	s0 =	simm.s32 $0x2700;
	s11 =	simm.s32 $0x0;
	s20 =	sadd.s32 s21, s15  }
0x19: {  	s21 =	sadd.s32 s22, s15;
	s22 =	sadd.s32 s26, s15;
	s23 =	sadd.s32 s23, s15  }
0x1a: {  	v0 =	vimm.f32 $0.0e+00;
	s24 =	sadd.s32 s24, s15;
	s25 =	sadd.s32 s25, s15;
	s26 =	simm.s32 $0x7D  }
.LBB2_1:
0x1b: {  	s13 =	simm.s32 $0x70;
	s14 =	simm.s32 $0x3C0  }
.LBB2_2:
0x1c: {  	p1 =	sne.s32 s14, $0xF9C0;
	[tilespmem:s13+$0x2800] =	vst v0  }
0x1d: {  	[tilespmem:s13+$0x2790] =	vst v0  }
0x1e: {  	[tilespmem:s13+$0x27A0] =	vst v0  }
.Ltmp0:
0x1f: {  	[tilespmem:s13+$0x27B0] =	vst v0;
	(pc) =	sbr.rel @p1 .LBB2_2-.Ltmp0, $4  }
0x20: {  	[tilespmem:s13+$0x27C0] =	vst v0  }
0x21: {  	[tilespmem:s13+$0x27D0] =	vst v0  }
0x22: {  	[tilespmem:s13+$0x27E0] =	vst v0  }
0x23: {  	[tilespmem:s13+$0x27F0] =	vst v0;
	s13 =	sshra.s32 s14, $0x2;
	s14 =	sadd.s32 $0x200, s14  }
0x24: {  	[tilespmem:s13+$0x2800] =	vst v0  }
0x25: {  	[tilespmem:s13+$0x2790] =	vst v0  }
0x26: {  	[tilespmem:s13+$0x27A0] =	vst v0  }
0x27: {  	[tilespmem:s13+$0x27B0] =	vst v0  }
0x28: {  	[tilespmem:s13+$0x27C0] =	vst v0  }
0x29: {  	[tilespmem:s13+$0x27D0] =	vst v0  }
0x2a: {  	[tilespmem:s13+$0x27E0] =	vst v0  }
0x2b: {  	[tilespmem:s13+$0x27F0] =	vst v0  }
0x2c: {  	[spmem:s3] =	stream.linear.scatter [tilespmem:s17], [sflag:$0x3], $0x3400, $0x38;
	[tilespmem:$0x1E080] =	vst v63  }
0x2d: {  	_ =	swait.ge [sflag:s18], $0x3400  }
0x2e: {  	[sflag:s18] =	ssyncset.done $0x0  }
0x2f: {  	[sflag:s18] =	ssyncadd.s32 $0xFFFFCC00  }
0x30: {  	[spmem:s4] =	stream.linear.scatter [tilespmem:s17], [sflag:$0x3], $0x3400, $0x38;
	[tilespmem:$0x1E080] =	vst v63  }
0x31: {  	_ =	swait.ge [sflag:s18], $0x3400  }
0x32: {  	[sflag:s18] =	ssyncset.done $0x0  }
0x33: {  	[sflag:s18] =	ssyncadd.s32 $0xFFFFCC00  }
0x34: {  	[spmem:s5] =	stream.linear.scatter [tilespmem:s17], [sflag:$0x3], $0x3400, $0x38;
	[tilespmem:$0x1E080] =	vst v63  }
0x35: {  	_ =	swait.ge [sflag:s18], $0x3400  }
0x36: {  	[sflag:s18] =	ssyncset.done $0x0  }
0x37: {  	[sflag:s18] =	ssyncadd.s32 $0xFFFFCC00  }
0x38: {  	[spmem:s6] =	stream.linear.scatter [tilespmem:s17], [sflag:$0x3], $0x3400, $0x38;
	[tilespmem:$0x1E080] =	vst v63  }
0x39: {  	_ =	swait.ge [sflag:s18], $0x3400  }
0x3a: {  	[sflag:s18] =	ssyncset.done $0x0  }
0x3b: {  	[sflag:s18] =	ssyncadd.s32 $0xFFFFCC00  }
0x3c: {  	[spmem:s7] =	stream.linear.scatter [tilespmem:s17], [sflag:$0x3], $0x3400, $0x38;
	[tilespmem:$0x1E080] =	vst v63  }
0x3d: {  	_ =	swait.ge [sflag:s18], $0x3400  }
0x3e: {  	[sflag:s18] =	ssyncset.done $0x0  }
0x3f: {  	[sflag:s18] =	ssyncadd.s32 $0xFFFFCC00  }
0x40: {  	[spmem:s8] =	stream.linear.scatter [tilespmem:s17], [sflag:$0x3], $0x3400, $0x38;
	[tilespmem:$0x1E080] =	vst v63  }
0x41: {  	_ =	swait.ge [sflag:s18], $0x3400  }
0x42: {  	[sflag:s18] =	ssyncset.done $0x0  }
0x43: {  	s13 =	simm.s32 @!p0 $0x2800;
	[sflag:s18] =	ssyncadd.s32 $0xFFFFCC00  }
0x44: {  	[spmem:s9] =	stream.linear.scatter @!p0 [tilespmem:s13], [sflag:$0x3], $0x800, $0x38;
	[tilespmem:$0x1E080] =	vst v63  }
0x45: {  	s13 =	simm.s32 @!p0 $0x3  }
0x46: {  	_ =	swait.ge @!p0 [sflag:s13], $0x800  }
0x47: {  	[sflag:s13] =	ssyncset.done @!p0 $0x0  }
0x48: {  	[sflag:s13] =	ssyncadd.s32 @!p0 $0xFFFFF800  }
0x49: {  	[bflag:$0x0] =	sbarrier.arrive $0xFFFF  }
0x4a: {  	s13 =	simm.s32 $0x0;
	s14 =	rddreg [dreg:$0x3]  }
0x4b: {  	[tilespmem:s13], [sflag:$0x3] =	stream.linear.gather [hbm4b:s14+s13], $0x1400, $0x38;
	[tilespmem:$0x1E080] =	vst v63  }
0x4c: {  	_ =	swait.ge [sflag:s18], $0x1400  }
0x4d: {  	[sflag:s18] =	ssyncset.done $0x0  }
0x4e: {  	s19 =	rddreg [dreg:$0x4];
	[sflag:s18] =	ssyncadd.s32 $0xFFFFEC00  }
0x4f: {  	[tilespmem:s16], [sflag:$0x3] =	stream.linear.gather [hbm4b:s19+s13], $0x1400, $0x38;
	[tilespmem:$0x1E080] =	vst v63  }
0x50: {  	_ =	swait.ge [sflag:s18], $0x1400  }
0x51: {  	[sflag:s18] =	ssyncset.done $0x0  }
0x52: {  	[sflag:s18] =	ssyncadd.s32 $0xFFFFEC00  }
0x53: {  	[tilespmem:s17], [sflag:$0x1] =	stream.indirect.gather [hbm4b:s12+s26], $0x80, s13, s26, $0xb8;
	[tilespmem:$0x1E080] =	vst v63  }
0x54: {  	_ = 	snop  }
0x55: {  	[tilespmem:s29], [sflag:$0x2] =	stream.indirect.gather [hbm4b:s12+s26], $0x80, s28, s26, $0xb8;
	[tilespmem:$0x1E080] =	vst v63  }
0x56: {  	_ =	swait.ge [sflag:s30], $0x3E80  }
0x57: {  	[sflag:s30] =	ssyncset.done $0x0  }
0x58: {  	s19 =	simm.s32 $0x1400;
	[sflag:s30] =	ssyncadd.s32 $0xFFFFC180  }
0x59: {  	[spmem:s1] =	stream.indirect.scatter.add.f32 [tilespmem:s17], [sflag:$0x3], $0x80, s19, s26, $0xb8;
	[tilespmem:$0x1E080] =	vst v63  }
0x5a: {  	_ =	swait.ge [sflag:s18], $0x3E80  }
0x5b: {  	[sflag:s18] =	ssyncset.done $0x0  }
0x5c: {  	s14 =	simm.s32 $0x100;
	[sflag:s18] =	ssyncadd.s32 $0xFFFFC180  }
0x5d: {  	[tilespmem:s17], [sflag:$0x1] =	stream.indirect.gather [hbm4b:s12+s26], $0x80, s14, s26, $0xb8;
	[tilespmem:$0x1E080] =	vst v63  }
0x5e: {  	_ =	swait.ge [sflag:s31], $0x3E80  }
0x5f: {  	[sflag:s31] =	ssyncset.done $0x0  }
0x60: {  	s19 =	simm.s32 $0x1480;
	[sflag:s31] =	ssyncadd.s32 $0xFFFFC180  }
0x61: {  	[spmem:s1] =	stream.indirect.scatter.add.f32 [tilespmem:s29], [sflag:$0x3], $0x80, s19, s26, $0xb8;
	[tilespmem:$0x1E080] =	vst v63  }
0x62: {  	_ =	swait.ge [sflag:s18], $0x3E80  }
0x63: {  	[sflag:s18] =	ssyncset.done $0x0  }
0x64: {  	s13 =	simm.s32 $0x400;
	s14 =	simm.s32 $0x180;
	[sflag:s18] =	ssyncadd.s32 $0xFFFFC180  }
.LBB2_4:
0x65: {  	[tilespmem:s29], [sflag:$0x2] =	stream.indirect.gather [hbm4b:s12+s26], $0x80, s14, s26, $0xb8;
	[tilespmem:$0x1E080] =	vst v63  }
0x66: {  	s14 =	smov.u32 s13  }
0x67: {  	p1 =	sne.s32 s13, $0x4800;
	s13 =	sadd.s32 $0x400, s13;
	_ =	swait.ge [sflag:s30], $0x3E80  }
0x68: {  	s14 =	sshra.s32 s14, $0x2;
	[sflag:s30] =	ssyncset.done $0x0  }
0x69: {  	s19 =	sadd.s32 $0x1400, s14;
	[sflag:s30] =	ssyncadd.s32 $0xFFFFC180  }
0x6a: {  	[spmem:s1] =	stream.indirect.scatter.add.f32 [tilespmem:s17], [sflag:$0x3], $0x80, s19, s26, $0xb8;
	[tilespmem:$0x1E080] =	vst v63  }
0x6b: {  	_ =	swait.ge [sflag:s18], $0x3E80  }
0x6c: {  	[sflag:s18] =	ssyncset.done $0x0  }
0x6d: {  	s19 =	sadd.s32 $0x100, s14;
	[sflag:s18] =	ssyncadd.s32 $0xFFFFC180  }
0x6e: {  	[tilespmem:s17], [sflag:$0x1] =	stream.indirect.gather [hbm4b:s12+s26], $0x80, s19, s26, $0xb8;
	[tilespmem:$0x1E080] =	vst v63  }
0x6f: {  	_ =	swait.ge [sflag:s31], $0x3E80  }
0x70: {  	[sflag:s31] =	ssyncset.done $0x0  }
.Ltmp1:
0x71: {  	s19 =	sadd.s32 $0x1480, s14;
	[sflag:s31] =	ssyncadd.s32 $0xFFFFC180;
	(pc) =	sbr.rel @p1 .LBB2_4-.Ltmp1, $4  }
0x72: {  	[spmem:s1] =	stream.indirect.scatter.add.f32 [tilespmem:s29], [sflag:$0x3], $0x80, s19, s26, $0xb8;
	[tilespmem:$0x1E080] =	vst v63  }
0x73: {  	_ =	swait.ge [sflag:s18], $0x3E80  }
0x74: {  	[sflag:s18] =	ssyncset.done $0x0  }
0x75: {  	s14 =	sadd.s32 $0x180, s14;
	[sflag:s18] =	ssyncadd.s32 $0xFFFFC180  }
0x76: {  	[tilespmem:s29], [sflag:$0x2] =	stream.indirect.gather [hbm4b:s12+s26], $0x80, s14, s26, $0xb8;
	[tilespmem:$0x1E080] =	vst v63  }
0x77: {  	_ =	swait.ge [sflag:s30], $0x3E80  }
0x78: {  	[sflag:s30] =	ssyncset.done $0x0  }
0x79: {  	[sflag:s30] =	ssyncadd.s32 $0xFFFFC180  }
0x7a: {  	[spmem:s1] =	stream.indirect.scatter.add.f32 [tilespmem:s17], [sflag:$0x3], $0x80, s0, s26, $0xb8;
	[tilespmem:$0x1E080] =	vst v63  }
0x7b: {  	_ =	swait.ge [sflag:s18], $0x3E80  }
0x7c: {  	[sflag:s18] =	ssyncset.done $0x0  }
0x7d: {  	[sflag:s18] =	ssyncadd.s32 $0xFFFFC180  }
0x7e: {  	_ =	swait.ge [sflag:s31], $0x3E80  }
0x7f: {  	[sflag:s31] =	ssyncset.done $0x0  }
0x80: {  	[sflag:s31] =	ssyncadd.s32 $0xFFFFC180  }
0x81: {  	[spmem:s1] =	stream.indirect.scatter.add.f32 [tilespmem:s29], [sflag:$0x3], $0x80, s10, s26, $0xb8;
	[tilespmem:$0x1E080] =	vst v63  }
0x82: {  	_ =	swait.ge [sflag:s18], $0x3E80  }
0x83: {  	[sflag:s18] =	ssyncset.done $0x0  }
0x84: {  	s13 =	simm.s32 $0x0;
	s19 =	rddreg [dreg:$0x5];
	[sflag:s18] =	ssyncadd.s32 $0xFFFFC180  }
0x85: {  	[tilespmem:s13], [sflag:$0x3] =	stream.linear.gather [hbm4b:s19+s13], $0x1400, $0x38;
	[tilespmem:$0x1E080] =	vst v63  }
0x86: {  	_ =	swait.ge [sflag:s18], $0x1400  }
0x87: {  	[sflag:s18] =	ssyncset.done $0x0  }
0x88: {  	s19 =	rddreg [dreg:$0x6];
	[sflag:s18] =	ssyncadd.s32 $0xFFFFEC00  }
0x89: {  	[tilespmem:s16], [sflag:$0x3] =	stream.linear.gather [hbm4b:s19+s13], $0x1400, $0x38;
	[tilespmem:$0x1E080] =	vst v63  }
0x8a: {  	_ =	swait.ge [sflag:s18], $0x1400  }
0x8b: {  	[sflag:s18] =	ssyncset.done $0x0  }
0x8c: {  	[sflag:s18] =	ssyncadd.s32 $0xFFFFEC00  }
0x8d: {  	[tilespmem:s17], [sflag:$0x1] =	stream.indirect.gather [hbm4b:s12+s26], $0x80, s13, s26, $0xb8;
	[tilespmem:$0x1E080] =	vst v63  }
0x8e: {  	_ = 	snop  }
0x8f: {  	[tilespmem:s29], [sflag:$0x2] =	stream.indirect.gather [hbm4b:s12+s26], $0x80, s28, s26, $0xb8;
	[tilespmem:$0x1E080] =	vst v63  }
0x90: {  	_ =	swait.ge [sflag:s30], $0x3E80  }
0x91: {  	[sflag:s30] =	ssyncset.done $0x0  }
0x92: {  	s14 =	simm.s32 $0x1400;
	[sflag:s30] =	ssyncadd.s32 $0xFFFFC180  }
0x93: {  	[spmem:s1] =	stream.indirect.scatter.add.f32 [tilespmem:s17], [sflag:$0x3], $0x80, s14, s26, $0xb8;
	[tilespmem:$0x1E080] =	vst v63  }
0x94: {  	_ =	swait.ge [sflag:s18], $0x3E80  }
0x95: {  	[sflag:s18] =	ssyncset.done $0x0  }
0x96: {  	s16 =	simm.s32 $0x100;
	[sflag:s18] =	ssyncadd.s32 $0xFFFFC180  }
0x97: {  	[tilespmem:s17], [sflag:$0x1] =	stream.indirect.gather [hbm4b:s12+s26], $0x80, s16, s26, $0xb8;
	[tilespmem:$0x1E080] =	vst v63  }
0x98: {  	_ =	swait.ge [sflag:s31], $0x3E80  }
0x99: {  	[sflag:s31] =	ssyncset.done $0x0  }
0x9a: {  	s19 =	simm.s32 $0x1480;
	[sflag:s31] =	ssyncadd.s32 $0xFFFFC180  }
0x9b: {  	[spmem:s1] =	stream.indirect.scatter.add.f32 [tilespmem:s29], [sflag:$0x3], $0x80, s19, s26, $0xb8;
	[tilespmem:$0x1E080] =	vst v63  }
0x9c: {  	_ =	swait.ge [sflag:s18], $0x3E80  }
0x9d: {  	[sflag:s18] =	ssyncset.done $0x0  }
0x9e: {  	s13 =	simm.s32 $0x400;
	s14 =	simm.s32 $0x180;
	[sflag:s18] =	ssyncadd.s32 $0xFFFFC180  }
.LBB2_6:
0x9f: {  	[tilespmem:s29], [sflag:$0x2] =	stream.indirect.gather [hbm4b:s12+s26], $0x80, s14, s26, $0xb8;
	[tilespmem:$0x1E080] =	vst v63  }
0xa0: {  	s14 =	smov.u32 s13  }
0xa1: {  	p1 =	sne.s32 s13, $0x4800;
	s13 =	sadd.s32 $0x400, s13;
	_ =	swait.ge [sflag:s30], $0x3E80  }
0xa2: {  	s14 =	sshra.s32 s14, $0x2;
	[sflag:s30] =	ssyncset.done $0x0  }
0xa3: {  	s19 =	sadd.s32 $0x1400, s14;
	[sflag:s30] =	ssyncadd.s32 $0xFFFFC180  }
0xa4: {  	[spmem:s1] =	stream.indirect.scatter.add.f32 [tilespmem:s17], [sflag:$0x3], $0x80, s19, s26, $0xb8;
	[tilespmem:$0x1E080] =	vst v63  }
0xa5: {  	_ =	swait.ge [sflag:s18], $0x3E80  }
0xa6: {  	[sflag:s18] =	ssyncset.done $0x0  }
0xa7: {  	s19 =	sadd.s32 $0x100, s14;
	[sflag:s18] =	ssyncadd.s32 $0xFFFFC180  }
0xa8: {  	[tilespmem:s17], [sflag:$0x1] =	stream.indirect.gather [hbm4b:s12+s26], $0x80, s19, s26, $0xb8;
	[tilespmem:$0x1E080] =	vst v63  }
0xa9: {  	_ =	swait.ge [sflag:s31], $0x3E80  }
0xaa: {  	[sflag:s31] =	ssyncset.done $0x0  }
.Ltmp2:
0xab: {  	s19 =	sadd.s32 $0x1480, s14;
	[sflag:s31] =	ssyncadd.s32 $0xFFFFC180;
	(pc) =	sbr.rel @p1 .LBB2_6-.Ltmp2, $4  }
0xac: {  	[spmem:s1] =	stream.indirect.scatter.add.f32 [tilespmem:s29], [sflag:$0x3], $0x80, s19, s26, $0xb8;
	[tilespmem:$0x1E080] =	vst v63  }
0xad: {  	_ =	swait.ge [sflag:s18], $0x3E80  }
0xae: {  	[sflag:s18] =	ssyncset.done $0x0  }
0xaf: {  	s14 =	sadd.s32 $0x180, s14;
	[sflag:s18] =	ssyncadd.s32 $0xFFFFC180  }
0xb0: {  	[tilespmem:s29], [sflag:$0x2] =	stream.indirect.gather [hbm4b:s12+s26], $0x80, s14, s26, $0xb8;
	[tilespmem:$0x1E080] =	vst v63  }
0xb1: {  	_ =	swait.ge [sflag:s30], $0x3E80  }
0xb2: {  	[sflag:s30] =	ssyncset.done $0x0  }
0xb3: {  	[sflag:s30] =	ssyncadd.s32 $0xFFFFC180  }
0xb4: {  	[spmem:s1] =	stream.indirect.scatter.add.f32 [tilespmem:s17], [sflag:$0x3], $0x80, s0, s26, $0xb8;
	[tilespmem:$0x1E080] =	vst v63  }
0xb5: {  	_ =	swait.ge [sflag:s18], $0x3E80  }
0xb6: {  	[sflag:s18] =	ssyncset.done $0x0  }
0xb7: {  	[sflag:s18] =	ssyncadd.s32 $0xFFFFC180  }
0xb8: {  	_ =	swait.ge [sflag:s31], $0x3E80  }
0xb9: {  	[sflag:s31] =	ssyncset.done $0x0  }
0xba: {  	[sflag:s31] =	ssyncadd.s32 $0xFFFFC180  }
0xbb: {  	[spmem:s1] =	stream.indirect.scatter.add.f32 [tilespmem:s29], [sflag:$0x3], $0x80, s10, s26, $0xb8;
	[tilespmem:$0x1E080] =	vst v63  }
0xbc: {  	_ =	swait.ge [sflag:s18], $0x3E80  }
0xbd: {  	[sflag:s18] =	ssyncset.done $0x0  }
0xbe: {  	[sflag:s18] =	ssyncadd.s32 $0xFFFFC180  }
0xbf: {  	[bflag:$0x0] =	sbarrier.arrive $0xFFFF  }
0xc0: {  	[tilespmem:s17], [sflag:$0x3] =	stream.linear.gather [spmem:s3], $0x3400, $0x38;
	[tilespmem:$0x1E080] =	vst v63  }
0xc1: {  	_ =	swait.ge [sflag:s18], $0x3400  }
0xc2: {  	[sflag:s18] =	ssyncset.done $0x0  }
0xc3: {  	[sflag:s18] =	ssyncadd.s32 $0xFFFFCC00  }
0xc4: {  	[hbm4b:s20+s2] =	stream.linear.scatter [tilespmem:s17], [sflag:$0x3], $0x3400, $0x38;
	[tilespmem:$0x1E080] =	vst v63  }
0xc5: {  	_ =	swait.ge [sflag:s18], $0x3400  }
0xc6: {  	[sflag:s18] =	ssyncset.done $0x0  }
0xc7: {  	[sflag:s18] =	ssyncadd.s32 $0xFFFFCC00  }
0xc8: {  	[tilespmem:s17], [sflag:$0x3] =	stream.linear.gather [spmem:s4], $0x3400, $0x38;
	[tilespmem:$0x1E080] =	vst v63  }
0xc9: {  	_ =	swait.ge [sflag:s18], $0x3400  }
0xca: {  	[sflag:s18] =	ssyncset.done $0x0  }
0xcb: {  	[sflag:s18] =	ssyncadd.s32 $0xFFFFCC00  }
0xcc: {  	[hbm4b:s21+s2] =	stream.linear.scatter [tilespmem:s17], [sflag:$0x3], $0x3400, $0x38;
	[tilespmem:$0x1E080] =	vst v63  }
0xcd: {  	_ =	swait.ge [sflag:s18], $0x3400  }
0xce: {  	[sflag:s18] =	ssyncset.done $0x0  }
0xcf: {  	[sflag:s18] =	ssyncadd.s32 $0xFFFFCC00  }
0xd0: {  	[tilespmem:s17], [sflag:$0x3] =	stream.linear.gather [spmem:s5], $0x3400, $0x38;
	[tilespmem:$0x1E080] =	vst v63  }
0xd1: {  	_ =	swait.ge [sflag:s18], $0x3400  }
0xd2: {  	[sflag:s18] =	ssyncset.done $0x0  }
0xd3: {  	[sflag:s18] =	ssyncadd.s32 $0xFFFFCC00  }
0xd4: {  	[hbm4b:s22+s2] =	stream.linear.scatter [tilespmem:s17], [sflag:$0x3], $0x3400, $0x38;
	[tilespmem:$0x1E080] =	vst v63  }
0xd5: {  	_ =	swait.ge [sflag:s18], $0x3400  }
0xd6: {  	[sflag:s18] =	ssyncset.done $0x0  }
0xd7: {  	[sflag:s18] =	ssyncadd.s32 $0xFFFFCC00  }
0xd8: {  	[tilespmem:s17], [sflag:$0x3] =	stream.linear.gather [spmem:s6], $0x3400, $0x38;
	[tilespmem:$0x1E080] =	vst v63  }
0xd9: {  	_ =	swait.ge [sflag:s18], $0x3400  }
0xda: {  	[sflag:s18] =	ssyncset.done $0x0  }
0xdb: {  	[sflag:s18] =	ssyncadd.s32 $0xFFFFCC00  }
0xdc: {  	[hbm4b:s23+s2] =	stream.linear.scatter [tilespmem:s17], [sflag:$0x3], $0x3400, $0x38;
	[tilespmem:$0x1E080] =	vst v63  }
0xdd: {  	_ =	swait.ge [sflag:s18], $0x3400  }
0xde: {  	[sflag:s18] =	ssyncset.done $0x0  }
0xdf: {  	[sflag:s18] =	ssyncadd.s32 $0xFFFFCC00  }
0xe0: {  	[tilespmem:s17], [sflag:$0x3] =	stream.linear.gather [spmem:s7], $0x3400, $0x38;
	[tilespmem:$0x1E080] =	vst v63  }
0xe1: {  	_ =	swait.ge [sflag:s18], $0x3400  }
0xe2: {  	[sflag:s18] =	ssyncset.done $0x0  }
0xe3: {  	[sflag:s18] =	ssyncadd.s32 $0xFFFFCC00  }
0xe4: {  	[hbm4b:s24+s2] =	stream.linear.scatter [tilespmem:s17], [sflag:$0x3], $0x3400, $0x38;
	[tilespmem:$0x1E080] =	vst v63  }
0xe5: {  	_ =	swait.ge [sflag:s18], $0x3400  }
0xe6: {  	[sflag:s18] =	ssyncset.done $0x0  }
0xe7: {  	[sflag:s18] =	ssyncadd.s32 $0xFFFFCC00  }
0xe8: {  	[tilespmem:s17], [sflag:$0x3] =	stream.linear.gather [spmem:s8], $0x3400, $0x38;
	[tilespmem:$0x1E080] =	vst v63  }
0xe9: {  	_ =	swait.ge [sflag:s18], $0x3400  }
0xea: {  	[sflag:s18] =	ssyncset.done $0x0  }
0xeb: {  	[sflag:s18] =	ssyncadd.s32 $0xFFFFCC00  }
0xec: {  	[hbm4b:s25+s2] =	stream.linear.scatter [tilespmem:s17], [sflag:$0x3], $0x3400, $0x38;
	[tilespmem:$0x1E080] =	vst v63  }
0xed: {  	_ =	swait.ge [sflag:s18], $0x3400  }
0xee: {  	[sflag:s18] =	ssyncset.done $0x0  }
0xef: {  	s13 =	simm.s32 @!p0 $0x2800;
	s14 =	simm.s32 @!p0 $0x3;
	[sflag:s18] =	ssyncadd.s32 $0xFFFFCC00  }
0xf0: {  	[tilespmem:s13], [sflag:$0x3] =	stream.linear.gather @!p0 [spmem:s9], $0x800, $0x38;
	[tilespmem:$0x1E080] =	vst v63  }
0xf1: {  	_ =	swait.ge @!p0 [sflag:s14], $0x800  }
0xf2: {  	[sflag:s14] =	ssyncset.done @!p0 $0x0  }
0xf3: {  	s19 =	sadd.s32 @!p0 $0x27000, s15;
	s16 =	simm.s32 @!p0 $0x0;
	[sflag:s14] =	ssyncadd.s32 @!p0 $0xFFFFF800  }
0xf4: {  	[hbm4b:s19+s16] =	stream.linear.scatter @!p0 [tilespmem:s13], [sflag:$0x3], $0x800, $0x38;
	[tilespmem:$0x1E080] =	vst v63  }
0xf5: {  	_ =	swait.ge @!p0 [sflag:s14], $0x800  }
0xf6: {  	s11 =	sadd.s32 $0x1, s11;
	s19 =	rddreg [dreg:$0x7]  }
0xf7: {  	p1 =	sne.s32 s11, s19  }
.Ltmp3:
0xf8: {  	_ = 	snop;
	(pc) =	sbr.rel @p1 .LBB2_1-.Ltmp3, $3  }
0xf9: {  	_ =	sdelay $0x1  }
0xfa: {  	[sflag:s14] =	ssyncset.done @!p0 $0x0  }
0xfb: {  	s16 =	simm.s32 $0x1400;
	[sflag:s14] =	ssyncadd.s32 @!p0 $0xFFFFF800  }
0xfc: {  	_ =	sfence.sel $0x180000  }
0xfd: {  	[bflag:$0x0] =	sbarrier.arrive $0xFFFF  }
0xfe: {  	_ =	strace $0x9000004A  }
0xff: {  	[bflag:$0x2] =	sbarrier.arrive $0xFFFF  }
0x100: {  	s0 =	rddreg [dreg:$0x2]  }
0x101: {  	s0 =	sadd.s32 @!p0 $0x100000, s0  }
0x102: {  	[sflag:s0] =	ssyncadd.tile.s32 @!p0 $0x1;
	_ =	shalt  }
.Lfunc_end2:
_tile_overlayer_lowered:
.L_overlay_start_2:
0x103: {  	(tag) =	ssettag $0x2  }
0x104: {  	s0 =	rddreg [dreg:$0x0];
	s2 =	stileid.u32  }
0x105: {  	s1 =	rddreg [dreg:$0x1];
	p0 =	sne.s32 s2, $0x0  }
0x106: {  	s3 =	rddreg [dreg:$0x2];
	[bflag:$0x3] =	sbarrier.arrive $0xFFFF;
	s2 =	simm.s32 @!p0 $0x1C03  }
0x107: {  	[timem:s3], [sflag:s2] =	dma.local @!p0 [hbm:s0], s1  }
0x108: {  	s0 =	simm.s32 @!p0 $0x3  }
0x109: {  	_ =	swait.ge @!p0 [sflag:s0], s1  }
0x10a: {  	s1 =	ssub.s32 @!p0 $0x0, s1;
	[sflag:s0] =	ssyncset.done @!p0 $0x0  }
0x10b: {  	[sflag:s0] =	ssyncadd.s32 @!p0 s1  }
0x10c: {  	[bflag:$0x3] =	sbarrier.arrive $0xFFFF  }
0x10d: {  	_ =	shalt  }

// kernel: kernel.14.cloned.1.call-start
scs
__scs_entry_jumppad:
0x0: {  	(pc) =	sbr.rel $0x88, $3  }
0x1: {  	(tag) =	ssettag $0x0;
	lr =	simm.s32 $0x1  }
0x2: {  	[smem:$0x3F9B] =	sst lr;
	_ =	strace $0xD0000000  }
0x3: {  	_ = 	snop  }
0x4: {  	_ = 	snop  }
0x5: {  	_ = 	snop  }
0x6: {  	_ = 	snop  }
0x7: {  	_ = 	snop  }
__scs_overlays_trampoline_lowered:
0x8: {  	[smem:$0x3FAA] =	sst s0  }
0x9: {  	[smem:$0x3FAB] =	sst s1  }
0xa: {  	[smem:$0x3FAC] =	sst s2  }
0xb: {  	[smem:$0x3FAD] =	sst s3  }
0xc: {  	[smem:$0x3FAE] =	sst s4  }
0xd: {  	[smem:$0x3FAF] =	sst s5  }
0xe: {  	[smem:$0x3FB0] =	sst s6  }
0xf: {  	[smem:$0x3FB1] =	sst s7  }
0x10: {  	[smem:$0x3FB2] =	sst s8  }
0x11: {  	[smem:$0x3FB3] =	sst s9;
	s0 =	simm.s32 @!p0 $0x0  }
0x12: {  	s1 =	sld [smem:$0x3F99];
	s0 =	simm.s32 @p0 $0x1  }
0x13: {  	[smem:$0x3FB4] =	sst s0;
	s0 =	simm.s32 @!p1 $0x0  }
0x14: {  	s2 =	sld [smem:$0x3F98];
	s0 =	simm.s32 @p1 $0x1  }
0x15: {  	[smem:$0x3FB5] =	sst s0;
	s0 =	simm.s32 @!p2 $0x0  }
0x16: {  	s3 =	sld [smem:$0x3FDB];
	s0 =	simm.s32 @p2 $0x1  }
0x17: {  	s4 =	simm.s32 $0x1BF5;
	[smem:$0x3FB7] =	sst s0  }
0x18: {  	s0 =	sld [smem:$0x3F9A];
	_ =	swait.ge [sflag:s4], $0x0  }
0x19: {  	s7 =	sld [smem:$0x3F9B]  }
0x1a: {  	s8 =	sadd.s32 $0xFFFFE003, lr  }
0x1b: {  	s9 =	sadd.s32 $0xFFFFFEF7, lr;
	s5 =	simm.s32 $0xFFFFFFFF;
	p2 =	slt.u32 s8, $0xFFFFF086  }
0x1c: {  	p1 =	slt.u32 s9, $0xF7A;
	s5 =	simm.s32 @!p2 $0x0  }
0x1d: {  	s5 =	simm.s32 @p1 $0x1;
	p0 =	seq.s32 s7, s2  }
0x1e: {  	s7 =	smul.u32 @!p0 $0xF7A, s2;
	p2 =	seq.s32 @!p0 s5, $0x0  }
0x1f: {  	s9 =	smul.u32 $0xF7A, s1;
	s8 =	simm.s32 @!p0 $0x1BF5;
	p2 =	por !p2, p0  }
0x20: {  	[sflag:s8] =	ssyncset.s32 @!p0 $0xFFFFF086;
	s6 =	sadd.s32 @!p0 s3, s7;
	s7 =	simm.s32 @!p0 $0x108  }
0x21: {  	s3 =	sadd.s32 s3, s9;
	s6 =	sadd.s32 @!p0 $0x88, s6;
	s7 =	simm.s32 @p2 $0x1082  }
0x22: {  	[simem:s7], [sflag:s8] =	dma.local @!p0 [hbm:s6], $0xF7A  }
0x23: {  	s9 =	sor.u32 $0xD0000000, s2;
	s6 =	simm.s32 $0x108;
	_ =	swait.ge @!p0 [sflag:s8], $0x0  }
0x24: {  	s3 =	sadd.s32 $0x88, s3;
	s6 =	simm.s32 @!p1 $0x1082;
	[sflag:s4] =	ssyncset.s32 $0xFFFFF086  }
0x25: {  	[simem:s6], [sflag:s4] =	dma.local [hbm:s3], $0xF7A  }
0x26: {  	[smem:$0x3F9B] =	sst s1;
	(tag) =	ssettag s2;
	_ =	strace s9  }
0x27: {  	s1 =	sld [smem:$0x3FAB]  }
0x28: {  	s2 =	sld [smem:$0x3FAC]  }
0x29: {  	s4 =	sld [smem:$0x3FAE]  }
0x2a: {  	p0 =	seq.s32 s5, $0x0;
	s5 =	sld [smem:$0x3FAF]  }
0x2b: {  	s6 =	sld [smem:$0x3FB0]  }
0x2c: {  	s7 =	sld [smem:$0x3FB1]  }
0x2d: {  	s3 =	simm.s32 $0x108;
	s8 =	sld [smem:$0x3FB2]  }
0x2e: {  	s3 =	simm.s32 @!p0 $0x1082;
	s9 =	sld [smem:$0x3FB3]  }
0x2f: {  	lr =	sadd.s32 s0, s3;
	s0 =	sld [smem:$0x3FAA]  }
0x30: {  	s3 =	sld [smem:$0x3FAD]  }
0x31: {  	[smem:$0x3FB6] =	sst s10  }
0x32: {  	s10 =	sld [smem:$0x3FB4];
	_ =	sdelay $0x3  }
0x33: {  	p0 =	seq.s32 s10, $0x1;
	s10 =	sld [smem:$0x3FB6];
	_ =	sdelay $0x3  }
0x34: {  	[smem:$0x3FB6] =	sst s10  }
0x35: {  	s10 =	sld [smem:$0x3FB5];
	_ =	sdelay $0x3  }
0x36: {  	p1 =	seq.s32 s10, $0x1;
	s10 =	sld [smem:$0x3FB6];
	_ =	sdelay $0x3  }
0x37: {  	[smem:$0x3FB6] =	sst s10  }
0x38: {  	s10 =	sld [smem:$0x3FB7]  }
0x39: {  	_ = 	snop;
	(pc) =	sbr.ind lr, $3  }
0x3a: {  	_ = 	snop  }
0x3b: {  	_ = 	snop  }
0x3c: {  	p2 =	seq.s32 s10, $0x1;
	s10 =	sld [smem:$0x3FB6]  }
0x3d: {  	_ =	shalt  }
0x3e: {  	_ =	shalt  }
0x3f: {  	_ =	shalt  }
0x40: {  	_ =	shalt  }
0x41: {  	_ =	shalt  }
0x42: {  	_ =	shalt  }
0x43: {  	_ =	shalt  }
0x44: {  	_ =	shalt  }
0x45: {  	_ =	shalt  }
0x46: {  	_ =	shalt  }
0x47: {  	_ =	shalt  }
0x48: {  	_ =	shalt  }
0x49: {  	_ =	shalt  }
0x4a: {  	_ =	shalt  }
0x4b: {  	_ =	shalt  }
0x4c: {  	_ =	shalt  }
0x4d: {  	_ =	shalt  }
0x4e: {  	_ =	shalt  }
0x4f: {  	_ =	shalt  }
0x50: {  	_ =	shalt  }
0x51: {  	_ =	shalt  }
0x52: {  	_ =	shalt  }
0x53: {  	_ =	shalt  }
0x54: {  	_ =	shalt  }
0x55: {  	_ =	shalt  }
0x56: {  	_ =	shalt  }
0x57: {  	_ =	shalt  }
0x58: {  	_ =	shalt  }
0x59: {  	_ =	shalt  }
0x5a: {  	_ =	shalt  }
0x5b: {  	_ =	shalt  }
0x5c: {  	_ =	shalt  }
0x5d: {  	_ =	shalt  }
0x5e: {  	_ =	shalt  }
0x5f: {  	_ =	shalt  }
0x60: {  	_ =	shalt  }
0x61: {  	_ =	shalt  }
0x62: {  	_ =	shalt  }
0x63: {  	_ =	shalt  }
0x64: {  	_ =	shalt  }
0x65: {  	_ =	shalt  }
0x66: {  	_ =	shalt  }
0x67: {  	_ =	shalt  }
0x68: {  	_ =	shalt  }
0x69: {  	_ =	shalt  }
0x6a: {  	_ =	shalt  }
0x6b: {  	_ =	shalt  }
0x6c: {  	_ =	shalt  }
0x6d: {  	_ =	shalt  }
0x6e: {  	_ =	shalt  }
0x6f: {  	_ =	shalt  }
0x70: {  	_ =	shalt  }
0x71: {  	_ =	shalt  }
0x72: {  	_ =	shalt  }
0x73: {  	_ =	shalt  }
0x74: {  	_ =	shalt  }
0x75: {  	_ =	shalt  }
0x76: {  	_ =	shalt  }
0x77: {  	_ =	shalt  }
0x78: {  	_ =	shalt  }
0x79: {  	_ =	shalt  }
0x7a: {  	_ =	shalt  }
0x7b: {  	_ =	shalt  }
0x7c: {  	_ =	shalt  }
0x7d: {  	_ =	shalt  }
0x7e: {  	_ =	shalt  }
0x7f: {  	_ =	shalt  }
0x80: {  	_ =	shalt  }
0x81: {  	_ =	shalt  }
0x82: {  	_ =	shalt  }
0x83: {  	_ =	shalt  }
0x84: {  	_ =	shalt  }
0x85: {  	_ =	shalt  }
0x86: {  	_ =	shalt  }
0x87: {  	_ =	shalt  }
.Lfunc_end0:
.L_simem_size_0:
called_computation.2_lowered:
.L_overlay_start_0:
0x88: {  	s2 =	sld [smem:$0x3FD9]  }
0x89: {  	s3 =	sld [smem:$0x3FFE];
	_ =	sdelay $0x1  }
0x8a: {  	s1 =	srdreg.scid  }
0x8b: {  	s0 =	sand.u32 $0x1, s1  }
0x8c: {  	s17 =	sshll.u32 s0, $0xA;
	s2 =	sadd.s32 s3, s2  }
0x8d: {  	s2 =	sadd.s32 s2, s17  }
0x8e: {  	[smem:$0x3FC2] =	sst s2  }
0x8f: {  	_ = 	snop  }
0x90: {  	s2 =	sld [smem:$0x3FD0];
	(tm) =	ssettm $0x1  }
0x91: {  	s18 =	sld [smem:$0x3FFB];
	_ =	sdelay $0x3  }
0x92: {  	_ =	strace s18  }
0x93: {  	s3 =	sld [smem:$0x3FFC];
	_ =	sdelay $0x3  }
0x94: {  	_ =	strace s3  }
0x95: {  	s3 =	sld [smem:$0x3FFD];
	_ =	sdelay $0x3  }
0x96: {  	_ =	strace s3  }
0x97: {  	_ =	strace $0x8FFFFFFF  }
0x98: {  	s19 =	sld [smem:$0x3FDB];
	_ =	sdelay $0x1  }
0x99: {  	s4 =	simm.s32 $_scs_section_size  }
0x9a: {  	s5 =	simm.s32 $_size__tile_overlayer_lowered;
	s6 =	simm.s32 $_tile_overlayer_lowered  }
0x9b: {  	s22 =	simm.s32 $0x1BFF;
	s21 =	sshll.u32 s6, $0x1;
	s3 =	sadd.s32 s4, s19  }
0x9c: {  	s7 =	simm.s32 $0x0;
	s20 =	sshll.u32 s5, $0x1;
	s5 =	sadd.s32 s21, s3  }
0x9d: {  	[timem:s7], [sflag:s22] =	dma.local [hbm:s5], s20  }
0x9e: {  	_ =	swait.ge [sflag:s22], s20  }
0x9f: {  	s4 =	ssub.s32 $0x0, s20;
	[sflag:s22] =	ssyncset.done $0x0  }
0xa0: {  	[sflag:s22] =	ssyncadd.s32 s4;
	_ =	sdelay $0x1  }
0xa1: {  	s23 =	simm.s32 $0x1B8B  }
0xa2: {  	_ =	swait.ge [sflag:s23], $0x1  }
0xa3: {  	[sflag:s23] =	ssyncset.done $0x0  }
0xa4: {  	s25 =	simm.s32 $0x1B8E;
	s24 =	sld [smem:$0x3FFE];
	[sflag:s23] =	ssyncadd.s32 $0xFFFFFFFF  }
0xa5: {  	s26 =	simm.s32 $execute0_lowered;
	[smem:$0x3FD2] =	sst s25  }
0xa6: {  	s5 =	sshll.u32 s26, $0x1;
	_ =	strace $0x8000004C;
	[dreg:$0x1] =	wrdreg $0xFFFFFFFF  }
0xa7: {  	s28 =	simm.s32 $_size_execute0_lowered;
	s3 =	sadd.s32 s3, s5;
	[dreg:$0x0] =	wrdreg $0x0  }
0xa8: {  	s5 =	sshll.u32 s28, $0x1;
	[dreg:$0x2] =	wrdreg s3  }
0xa9: {  	[dreg:$0x3] =	wrdreg s5  }
0xaa: {  	[dreg:$0x4] =	wrdreg $0xC0  }
0xab: {  	_ =	task [dreg:s7], $0x5FFFF  }
0xac: {  	[dreg:$0x1] =	wrdreg $0xFFFFFFFF  }
0xad: {  	[dreg:$0x0] =	wrdreg $0x60  }
0xae: {  	[dreg:$0x2] =	wrdreg s2  }
0xaf: {  	[dreg:$0x3] =	wrdreg s24  }
0xb0: {  	[dreg:$0x4] =	wrdreg $0xA8000  }
0xb1: {  	[dreg:$0x5] =	wrdreg $0x9  }
0xb2: {  	_ =	task.clear_ibuf [dreg:s7], $0x6FFFF;
	_ =	strace $0x9000004C  }
0xb3: {  	s29 =	simm.s32 $0x9;
	_ =	strace $0x8000004E  }
0xb4: {  	_ =	swait.ge [sflag:s29], $0x1  }
0xb5: {  	[sflag:s29] =	ssyncadd.s32 $0xFFFFFFFF  }
0xb6: {  	_ =	strace $0x9000004E  }
0xb7: {  	_ =	sfence  }
0xb8: {  	s30 =	sld [smem:$0x0];
	_ =	sdelay $0x2  }
0xb9: {  	s31 =	sshll.u32 s1, $0xD;
	s1 =	sshrl.u32 s1, $0x2  }
0xba: {  	s3 =	sand.u32 $0x4000, s31;
	s1 =	sadd.s32 s1, s30  }
0xbb: {  	s0 =	sor.u32 s3, s0;
	s1 =	sshll.u32 s1, $0x11  }
0xbc: {  	s0 =	sor.u32 s1, s0  }
0xbd: {  	s0 =	sadd.s32 $0x8F2B, s0  }
0xbe: {  	[sflag:s0] =	ssyncadd.remote.s32 $0x1  }
0xbf: {  	_ =	sfence.sel $0xFFFF  }
0xc0: {  	[dreg:$0x0] =	wrdreg $0xFFFFFFFF;
	(pc) =	sbr.abs _section_cstart, $3  }
0xc1: {  	[dreg:$0x1] =	wrdreg $0xFFFFFFFF  }
0xc2: {  	_ =	task.clear_ibuf [dreg:s7], $0x2FFFF;
	_ =	strace $0x9FFFFFFF  }
0xc3: {  	(tm) =	ssettm $0x7FFFFFFF  }
tec
execute0_lowered:
.L_overlay_start_1:
0x0: {  	(tag) =	ssettag $0x1  }
0x1: {  	s0 =	rddreg [dreg:$0x0]  }
0x2: {  	s1 =	rddreg [dreg:$0x1]  }
0x3: {  	s3 =	srdreg.scid;
	s15 =	stileid.u32  }
0x4: {  	s2 =	rddreg [dreg:$0x2];
	s6 =	smul.u32 $0x28, s15  }
0x5: {  	s28 =	simm.s32 $0x1;
	s29 =	simm.s32 $0x2;
	s7 =	smul.u32 $0x270, s15  }
0x6: {  	s4 =	sand.u32 $0x1, s3;
	s3 =	simm.s32 $0x0;
	s8 =	smul.u32 $0x4E000, s15  }
0x7: {  	s10 =	sadd.s32 $0x138000, s2;
	s31 =	smul.u32 $0x2700, s15;
	p0 =	sne.s32 s15, $0x0  }
0x8: {  	s15 =	simm.s32 $0x2800;
	s5 =	smul.u32 $0x280, s4;
	[smem:$0x7FF] =	sst s3  }
0x9: {  	s21 =	smul.u32 $0x27100, s4;
	s4 =	ssub.s32 $0x2, s4;
	_ =	strace $0x8000004D  }
0xa: {  	s22 =	sshrl.u32 s4, $0x1;
	s16 =	sadd.s32 $0x68, s7;
	s23 =	sshrl.u32 s8, $0x2  }
0xb: {  	s17 =	sadd.s32 $0xD0, s7;
	s18 =	sadd.s32 $0x138, s7;
	s19 =	sadd.s32 $0x1A0, s7  }
0xc: {  	s20 =	sadd.s32 $0x208, s7;
	s5 =	sadd.s32 s6, s5;
	s14 =	ssub.s32 s4, s22  }
0xd: {  	s24 =	sshll.u32 s16, $0x7;
	s4 =	sadd.s32 s23, s2;
	s25 =	sshll.u32 s17, $0x7  }
0xe: {  	s26 =	sshll.u32 s18, $0x7;
	s9 =	sshll.u32 s19, $0x7;
	s30 =	sshll.u32 s20, $0x7  }
0xf: {  	s17 =	sshll.u32 s17, $0x4;
	s23 =	sshll.u32 s18, $0x4;
	s19 =	sshll.u32 s19, $0x4  }
0x10: {  	s18 =	simm.s32 $0x7D;
	s5 =	sshll.u32 s5, $0x4;
	s6 =	sadd.s32 s25, s2  }
0x11: {  	s7 =	sadd.s32 s26, s2;
	s8 =	sadd.s32 s9, s2;
	s9 =	sadd.s32 s30, s2  }
0x12: {  	s25 =	sshll.u32 s20, $0x4;
	s14 =	smax.u32 s14, $0x1;
	s26 =	simm.s32 $0x6800  }
0x13: {  	s12 =	sadd.s32 s5, s1;
	s1 =	sadd.s32 s21, s1;
	s5 =	sadd.s32 s24, s2  }
0x14: {  	s21 =	sshll.u32 s16, $0x4;
	s16 =	simm.s32 $0x3;
	s11 =	sadd.s32 $0x6800, s12  }
0x15: {  	s12 =	sadd.s32 $0x1800, s12;
	s13 =	sadd.s32 $0x59A00, s1;
	s1 =	simm.s32 $0x0  }
0x16: {  	s20 =	sadd.s32 s31, s13;
	s21 =	sadd.s32 s21, s13;
	s22 =	sadd.s32 s17, s13  }
0x17: {  	v0 =	vimm.f32 $0.0e+00;
	s23 =	sadd.s32 s23, s13;
	s24 =	sadd.s32 s19, s13;
	s25 =	sadd.s32 s25, s13  }
.LBB2_1:
0x18: {  	s17 =	simm.s32 $0x70;
	s19 =	simm.s32 $0x3C0  }
.LBB2_2:
0x19: {  	p1 =	sne.s32 s19, $0xF9C0;
	[tilespmem:s17+$0x2800] =	vst v0  }
0x1a: {  	[tilespmem:s17+$0x2790] =	vst v0  }
0x1b: {  	[tilespmem:s17+$0x27A0] =	vst v0  }
.Ltmp0:
0x1c: {  	[tilespmem:s17+$0x27B0] =	vst v0;
	(pc) =	sbr.rel @p1 .LBB2_2-.Ltmp0, $4  }
0x1d: {  	[tilespmem:s17+$0x27C0] =	vst v0  }
0x1e: {  	[tilespmem:s17+$0x27D0] =	vst v0  }
0x1f: {  	[tilespmem:s17+$0x27E0] =	vst v0  }
0x20: {  	[tilespmem:s17+$0x27F0] =	vst v0;
	s17 =	sshra.s32 s19, $0x2;
	s19 =	sadd.s32 $0x200, s19  }
0x21: {  	[tilespmem:s17+$0x2800] =	vst v0  }
0x22: {  	[tilespmem:s17+$0x2790] =	vst v0  }
0x23: {  	[tilespmem:s17+$0x27A0] =	vst v0  }
0x24: {  	[tilespmem:s17+$0x27B0] =	vst v0  }
0x25: {  	[tilespmem:s17+$0x27C0] =	vst v0  }
0x26: {  	[tilespmem:s17+$0x27D0] =	vst v0  }
0x27: {  	[tilespmem:s17+$0x27E0] =	vst v0  }
0x28: {  	[tilespmem:s17+$0x27F0] =	vst v0  }
0x29: {  	[spmem:s4] =	stream.linear.scatter [tilespmem:s15], [sflag:$0x3], $0x3400, $0x38;
	[tilespmem:$0x1E080] =	vst v63  }
0x2a: {  	_ =	swait.ge [sflag:s16], $0x3400  }
0x2b: {  	[sflag:s16] =	ssyncset.done $0x0  }
0x2c: {  	[sflag:s16] =	ssyncadd.s32 $0xFFFFCC00  }
0x2d: {  	[spmem:s5] =	stream.linear.scatter [tilespmem:s15], [sflag:$0x3], $0x3400, $0x38;
	[tilespmem:$0x1E080] =	vst v63  }
0x2e: {  	_ =	swait.ge [sflag:s16], $0x3400  }
0x2f: {  	[sflag:s16] =	ssyncset.done $0x0  }
0x30: {  	[sflag:s16] =	ssyncadd.s32 $0xFFFFCC00  }
0x31: {  	[spmem:s6] =	stream.linear.scatter [tilespmem:s15], [sflag:$0x3], $0x3400, $0x38;
	[tilespmem:$0x1E080] =	vst v63  }
0x32: {  	_ =	swait.ge [sflag:s16], $0x3400  }
0x33: {  	[sflag:s16] =	ssyncset.done $0x0  }
0x34: {  	[sflag:s16] =	ssyncadd.s32 $0xFFFFCC00  }
0x35: {  	[spmem:s7] =	stream.linear.scatter [tilespmem:s15], [sflag:$0x3], $0x3400, $0x38;
	[tilespmem:$0x1E080] =	vst v63  }
0x36: {  	_ =	swait.ge [sflag:s16], $0x3400  }
0x37: {  	[sflag:s16] =	ssyncset.done $0x0  }
0x38: {  	[sflag:s16] =	ssyncadd.s32 $0xFFFFCC00  }
0x39: {  	[spmem:s8] =	stream.linear.scatter [tilespmem:s15], [sflag:$0x3], $0x3400, $0x38;
	[tilespmem:$0x1E080] =	vst v63  }
0x3a: {  	_ =	swait.ge [sflag:s16], $0x3400  }
0x3b: {  	[sflag:s16] =	ssyncset.done $0x0  }
0x3c: {  	[sflag:s16] =	ssyncadd.s32 $0xFFFFCC00  }
0x3d: {  	[spmem:s9] =	stream.linear.scatter [tilespmem:s15], [sflag:$0x3], $0x3400, $0x38;
	[tilespmem:$0x1E080] =	vst v63  }
0x3e: {  	_ =	swait.ge [sflag:s16], $0x3400  }
0x3f: {  	[sflag:s16] =	ssyncset.done $0x0  }
0x40: {  	s17 =	simm.s32 @!p0 $0x2800;
	[sflag:s16] =	ssyncadd.s32 $0xFFFFCC00  }
0x41: {  	[spmem:s10] =	stream.linear.scatter @!p0 [tilespmem:s17], [sflag:$0x3], $0x800, $0x38;
	[tilespmem:$0x1E080] =	vst v63  }
0x42: {  	s17 =	simm.s32 @!p0 $0x3  }
0x43: {  	_ =	swait.ge @!p0 [sflag:s17], $0x800  }
0x44: {  	[sflag:s17] =	ssyncset.done @!p0 $0x0  }
0x45: {  	[sflag:s17] =	ssyncadd.s32 @!p0 $0xFFFFF800  }
0x46: {  	s30 =	simm.s32 $0x0;
	[bflag:$0x0] =	sbarrier.arrive $0xFFFF  }
0x47: {  	[tilespmem:s30], [sflag:$0x3] =	stream.linear.gather [hbm4b:s11+s30], $0x1400, $0x38;
	[tilespmem:$0x1E080] =	vst v63  }
0x48: {  	_ =	swait.ge [sflag:s16], $0x1400  }
0x49: {  	[sflag:s16] =	ssyncset.done $0x0  }
0x4a: {  	s19 =	simm.s32 $0x1400;
	[sflag:s16] =	ssyncadd.s32 $0xFFFFEC00  }
0x4b: {  	[tilespmem:s19], [sflag:$0x3] =	stream.linear.gather [hbm4b:s12+s30], $0x1400, $0x38;
	[tilespmem:$0x1E080] =	vst v63  }
0x4c: {  	_ =	swait.ge [sflag:s16], $0x1400  }
0x4d: {  	[sflag:s16] =	ssyncset.done $0x0  }
0x4e: {  	[sflag:s16] =	ssyncadd.s32 $0xFFFFEC00  }
0x4f: {  	[tilespmem:s15], [sflag:$0x1] =	stream.indirect.gather [hbm4b:s0+s18], $0x80, s30, s18, $0xb8;
	[tilespmem:$0x1E080] =	vst v63  }
0x50: {  	s31 =	simm.s32 $0x80  }
0x51: {  	[tilespmem:s26], [sflag:$0x2] =	stream.indirect.gather [hbm4b:s0+s18], $0x80, s31, s18, $0xb8;
	[tilespmem:$0x1E080] =	vst v63  }
0x52: {  	_ =	swait.ge [sflag:s28], $0x3E80  }
0x53: {  	[sflag:s28] =	ssyncset.done $0x0  }
0x54: {  	s19 =	simm.s32 $0x1400;
	[sflag:s28] =	ssyncadd.s32 $0xFFFFC180  }
0x55: {  	[spmem:s2] =	stream.indirect.scatter.add.f32 [tilespmem:s15], [sflag:$0x3], $0x80, s19, s18, $0xb8;
	[tilespmem:$0x1E080] =	vst v63  }
0x56: {  	_ =	swait.ge [sflag:s16], $0x3E80  }
0x57: {  	[sflag:s16] =	ssyncset.done $0x0  }
0x58: {  	s30 =	simm.s32 $0x100;
	[sflag:s16] =	ssyncadd.s32 $0xFFFFC180  }
0x59: {  	[tilespmem:s15], [sflag:$0x1] =	stream.indirect.gather [hbm4b:s0+s18], $0x80, s30, s18, $0xb8;
	[tilespmem:$0x1E080] =	vst v63  }
0x5a: {  	_ =	swait.ge [sflag:s29], $0x3E80  }
0x5b: {  	[sflag:s29] =	ssyncset.done $0x0  }
0x5c: {  	s31 =	simm.s32 $0x1480;
	[sflag:s29] =	ssyncadd.s32 $0xFFFFC180  }
0x5d: {  	[spmem:s2] =	stream.indirect.scatter.add.f32 [tilespmem:s26], [sflag:$0x3], $0x80, s31, s18, $0xb8;
	[tilespmem:$0x1E080] =	vst v63  }
0x5e: {  	_ =	swait.ge [sflag:s16], $0x3E80  }
0x5f: {  	[sflag:s16] =	ssyncset.done $0x0  }
0x60: {  	s17 =	simm.s32 $0x400;
	s19 =	simm.s32 $0x180;
	[sflag:s16] =	ssyncadd.s32 $0xFFFFC180  }
.LBB2_4:
0x61: {  	[tilespmem:s26], [sflag:$0x2] =	stream.indirect.gather [hbm4b:s0+s18], $0x80, s19, s18, $0xb8;
	[tilespmem:$0x1E080] =	vst v63  }
0x62: {  	s19 =	smov.u32 s17  }
0x63: {  	p1 =	sne.s32 s17, $0x4800;
	s17 =	sadd.s32 $0x400, s17;
	_ =	swait.ge [sflag:s28], $0x3E80  }
0x64: {  	s19 =	sshra.s32 s19, $0x2;
	[sflag:s28] =	ssyncset.done $0x0  }
0x65: {  	s30 =	sadd.s32 $0x1400, s19;
	[sflag:s28] =	ssyncadd.s32 $0xFFFFC180  }
0x66: {  	[spmem:s2] =	stream.indirect.scatter.add.f32 [tilespmem:s15], [sflag:$0x3], $0x80, s30, s18, $0xb8;
	[tilespmem:$0x1E080] =	vst v63  }
0x67: {  	_ =	swait.ge [sflag:s16], $0x3E80  }
0x68: {  	[sflag:s16] =	ssyncset.done $0x0  }
0x69: {  	s30 =	sadd.s32 $0x100, s19;
	[sflag:s16] =	ssyncadd.s32 $0xFFFFC180  }
0x6a: {  	[tilespmem:s15], [sflag:$0x1] =	stream.indirect.gather [hbm4b:s0+s18], $0x80, s30, s18, $0xb8;
	[tilespmem:$0x1E080] =	vst v63  }
0x6b: {  	_ =	swait.ge [sflag:s29], $0x3E80  }
0x6c: {  	[sflag:s29] =	ssyncset.done $0x0  }
.Ltmp1:
0x6d: {  	s30 =	sadd.s32 $0x1480, s19;
	[sflag:s29] =	ssyncadd.s32 $0xFFFFC180;
	(pc) =	sbr.rel @p1 .LBB2_4-.Ltmp1, $4  }
0x6e: {  	[spmem:s2] =	stream.indirect.scatter.add.f32 [tilespmem:s26], [sflag:$0x3], $0x80, s30, s18, $0xb8;
	[tilespmem:$0x1E080] =	vst v63  }
0x6f: {  	_ =	swait.ge [sflag:s16], $0x3E80  }
0x70: {  	[sflag:s16] =	ssyncset.done $0x0  }
0x71: {  	s19 =	sadd.s32 $0x180, s19;
	[sflag:s16] =	ssyncadd.s32 $0xFFFFC180  }
0x72: {  	[tilespmem:s26], [sflag:$0x2] =	stream.indirect.gather [hbm4b:s0+s18], $0x80, s19, s18, $0xb8;
	[tilespmem:$0x1E080] =	vst v63  }
0x73: {  	_ =	swait.ge [sflag:s28], $0x3E80  }
0x74: {  	[sflag:s28] =	ssyncset.done $0x0  }
0x75: {  	s17 =	simm.s32 $0x2700;
	[sflag:s28] =	ssyncadd.s32 $0xFFFFC180  }
0x76: {  	[spmem:s2] =	stream.indirect.scatter.add.f32 [tilespmem:s15], [sflag:$0x3], $0x80, s17, s18, $0xb8;
	[tilespmem:$0x1E080] =	vst v63  }
0x77: {  	_ =	swait.ge [sflag:s16], $0x3E80  }
0x78: {  	[sflag:s16] =	ssyncset.done $0x0  }
0x79: {  	[sflag:s16] =	ssyncadd.s32 $0xFFFFC180  }
0x7a: {  	_ =	swait.ge [sflag:s29], $0x3E80  }
0x7b: {  	[sflag:s29] =	ssyncset.done $0x0  }
0x7c: {  	s31 =	simm.s32 $0x2780;
	[sflag:s29] =	ssyncadd.s32 $0xFFFFC180  }
0x7d: {  	[spmem:s2] =	stream.indirect.scatter.add.f32 [tilespmem:s26], [sflag:$0x3], $0x80, s31, s18, $0xb8;
	[tilespmem:$0x1E080] =	vst v63  }
0x7e: {  	_ =	swait.ge [sflag:s16], $0x3E80  }
0x7f: {  	[sflag:s16] =	ssyncset.done $0x0  }
0x80: {  	[sflag:s16] =	ssyncadd.s32 $0xFFFFC180  }
0x81: {  	[bflag:$0x0] =	sbarrier.arrive $0xFFFF  }
0x82: {  	[tilespmem:s15], [sflag:$0x3] =	stream.linear.gather [spmem:s4], $0x3400, $0x38;
	[tilespmem:$0x1E080] =	vst v63  }
0x83: {  	_ =	swait.ge [sflag:s16], $0x3400  }
0x84: {  	[sflag:s16] =	ssyncset.done $0x0  }
0x85: {  	[sflag:s16] =	ssyncadd.s32 $0xFFFFCC00  }
0x86: {  	[hbm4b:s20+s3] =	stream.linear.scatter [tilespmem:s15], [sflag:$0x3], $0x3400, $0x38;
	[tilespmem:$0x1E080] =	vst v63  }
0x87: {  	_ =	swait.ge [sflag:s16], $0x3400  }
0x88: {  	[sflag:s16] =	ssyncset.done $0x0  }
0x89: {  	[sflag:s16] =	ssyncadd.s32 $0xFFFFCC00  }
0x8a: {  	[tilespmem:s15], [sflag:$0x3] =	stream.linear.gather [spmem:s5], $0x3400, $0x38;
	[tilespmem:$0x1E080] =	vst v63  }
0x8b: {  	_ =	swait.ge [sflag:s16], $0x3400  }
0x8c: {  	[sflag:s16] =	ssyncset.done $0x0  }
0x8d: {  	[sflag:s16] =	ssyncadd.s32 $0xFFFFCC00  }
0x8e: {  	[hbm4b:s21+s3] =	stream.linear.scatter [tilespmem:s15], [sflag:$0x3], $0x3400, $0x38;
	[tilespmem:$0x1E080] =	vst v63  }
0x8f: {  	_ =	swait.ge [sflag:s16], $0x3400  }
0x90: {  	[sflag:s16] =	ssyncset.done $0x0  }
0x91: {  	[sflag:s16] =	ssyncadd.s32 $0xFFFFCC00  }
0x92: {  	[tilespmem:s15], [sflag:$0x3] =	stream.linear.gather [spmem:s6], $0x3400, $0x38;
	[tilespmem:$0x1E080] =	vst v63  }
0x93: {  	_ =	swait.ge [sflag:s16], $0x3400  }
0x94: {  	[sflag:s16] =	ssyncset.done $0x0  }
0x95: {  	[sflag:s16] =	ssyncadd.s32 $0xFFFFCC00  }
0x96: {  	[hbm4b:s22+s3] =	stream.linear.scatter [tilespmem:s15], [sflag:$0x3], $0x3400, $0x38;
	[tilespmem:$0x1E080] =	vst v63  }
0x97: {  	_ =	swait.ge [sflag:s16], $0x3400  }
0x98: {  	[sflag:s16] =	ssyncset.done $0x0  }
0x99: {  	[sflag:s16] =	ssyncadd.s32 $0xFFFFCC00  }
0x9a: {  	[tilespmem:s15], [sflag:$0x3] =	stream.linear.gather [spmem:s7], $0x3400, $0x38;
	[tilespmem:$0x1E080] =	vst v63  }
0x9b: {  	_ =	swait.ge [sflag:s16], $0x3400  }
0x9c: {  	[sflag:s16] =	ssyncset.done $0x0  }
0x9d: {  	[sflag:s16] =	ssyncadd.s32 $0xFFFFCC00  }
0x9e: {  	[hbm4b:s23+s3] =	stream.linear.scatter [tilespmem:s15], [sflag:$0x3], $0x3400, $0x38;
	[tilespmem:$0x1E080] =	vst v63  }
0x9f: {  	_ =	swait.ge [sflag:s16], $0x3400  }
0xa0: {  	[sflag:s16] =	ssyncset.done $0x0  }
0xa1: {  	[sflag:s16] =	ssyncadd.s32 $0xFFFFCC00  }
0xa2: {  	[tilespmem:s15], [sflag:$0x3] =	stream.linear.gather [spmem:s8], $0x3400, $0x38;
	[tilespmem:$0x1E080] =	vst v63  }
0xa3: {  	_ =	swait.ge [sflag:s16], $0x3400  }
0xa4: {  	[sflag:s16] =	ssyncset.done $0x0  }
0xa5: {  	[sflag:s16] =	ssyncadd.s32 $0xFFFFCC00  }
0xa6: {  	[hbm4b:s24+s3] =	stream.linear.scatter [tilespmem:s15], [sflag:$0x3], $0x3400, $0x38;
	[tilespmem:$0x1E080] =	vst v63  }
0xa7: {  	_ =	swait.ge [sflag:s16], $0x3400  }
0xa8: {  	[sflag:s16] =	ssyncset.done $0x0  }
0xa9: {  	[sflag:s16] =	ssyncadd.s32 $0xFFFFCC00  }
0xaa: {  	[tilespmem:s15], [sflag:$0x3] =	stream.linear.gather [spmem:s9], $0x3400, $0x38;
	[tilespmem:$0x1E080] =	vst v63  }
0xab: {  	_ =	swait.ge [sflag:s16], $0x3400  }
0xac: {  	[sflag:s16] =	ssyncset.done $0x0  }
0xad: {  	[sflag:s16] =	ssyncadd.s32 $0xFFFFCC00  }
0xae: {  	[hbm4b:s25+s3] =	stream.linear.scatter [tilespmem:s15], [sflag:$0x3], $0x3400, $0x38;
	[tilespmem:$0x1E080] =	vst v63  }
0xaf: {  	_ =	swait.ge [sflag:s16], $0x3400  }
0xb0: {  	[sflag:s16] =	ssyncset.done $0x0  }
0xb1: {  	s19 =	simm.s32 @!p0 $0x3;
	s17 =	simm.s32 @!p0 $0x2800;
	[sflag:s16] =	ssyncadd.s32 $0xFFFFCC00  }
0xb2: {  	[tilespmem:s17], [sflag:$0x3] =	stream.linear.gather @!p0 [spmem:s10], $0x800, $0x38;
	[tilespmem:$0x1E080] =	vst v63  }
0xb3: {  	s1 =	sadd.s32 $0x1, s1;
	_ =	swait.ge @!p0 [sflag:s19], $0x800  }
0xb4: {  	s30 =	sadd.s32 @!p0 $0x27000, s13;
	p1 =	sne.s32 s1, s14;
	[sflag:s19] =	ssyncset.done @!p0 $0x0  }
.Ltmp2:
0xb5: {  	s31 =	simm.s32 @!p0 $0x0;
	[sflag:s19] =	ssyncadd.s32 @!p0 $0xFFFFF800;
	(pc) =	sbr.rel @p1 .LBB2_1-.Ltmp2, $4  }
0xb6: {  	[hbm4b:s30+s31] =	stream.linear.scatter @!p0 [tilespmem:s17], [sflag:$0x3], $0x800, $0x38;
	[tilespmem:$0x1E080] =	vst v63  }
0xb7: {  	_ =	swait.ge @!p0 [sflag:s19], $0x800  }
0xb8: {  	[sflag:s19] =	ssyncset.done @!p0 $0x0  }
0xb9: {  	[sflag:s19] =	ssyncadd.s32 @!p0 $0xFFFFF800  }
0xba: {  	_ =	sfence.sel $0x180000  }
0xbb: {  	[bflag:$0x0] =	sbarrier.arrive $0xFFFF  }
0xbc: {  	_ =	strace $0x9000004D  }
0xbd: {  	[bflag:$0x2] =	sbarrier.arrive $0xFFFF  }
0xbe: {  	s0 =	rddreg [dreg:$0x3]  }
0xbf: {  	s0 =	sadd.s32 @!p0 $0x100000, s0  }
0xc0: {  	[sflag:s0] =	ssyncadd.tile.s32 @!p0 $0x1;
	_ =	shalt  }
.Lfunc_end2:
_tile_overlayer_lowered:
.L_overlay_start_2:
0xc1: {  	(tag) =	ssettag $0x2  }
0xc2: {  	s0 =	rddreg [dreg:$0x0];
	s2 =	stileid.u32  }
0xc3: {  	s1 =	rddreg [dreg:$0x1];
	p0 =	sne.s32 s2, $0x0  }
0xc4: {  	s3 =	rddreg [dreg:$0x2];
	[bflag:$0x3] =	sbarrier.arrive $0xFFFF;
	s2 =	simm.s32 @!p0 $0x1C03  }
0xc5: {  	[timem:s3], [sflag:s2] =	dma.local @!p0 [hbm:s0], s1  }
0xc6: {  	s0 =	simm.s32 @!p0 $0x3  }
0xc7: {  	_ =	swait.ge @!p0 [sflag:s0], s1  }
0xc8: {  	s1 =	ssub.s32 @!p0 $0x0, s1;
	[sflag:s0] =	ssyncset.done @!p0 $0x0  }
0xc9: {  	[sflag:s0] =	ssyncadd.s32 @!p0 s1  }
0xca: {  	[bflag:$0x3] =	sbarrier.arrive $0xFFFF  }
0xcb: {  	_ =	shalt  }

// kernel: kernel.8.cloned.1.call-start
scs
__scs_entry_jumppad:
0x0: {  	(pc) =	sbr.rel $0x88, $3  }
0x1: {  	(tag) =	ssettag $0x0;
	lr =	simm.s32 $0x1  }
0x2: {  	[smem:$0x3F9B] =	sst lr;
	_ =	strace $0xD0000000  }
0x3: {  	_ = 	snop  }
0x4: {  	_ = 	snop  }
0x5: {  	_ = 	snop  }
0x6: {  	_ = 	snop  }
0x7: {  	_ = 	snop  }
__scs_overlays_trampoline_lowered:
0x8: {  	[smem:$0x3FAA] =	sst s0  }
0x9: {  	[smem:$0x3FAB] =	sst s1  }
0xa: {  	[smem:$0x3FAC] =	sst s2  }
0xb: {  	[smem:$0x3FAD] =	sst s3  }
0xc: {  	[smem:$0x3FAE] =	sst s4  }
0xd: {  	[smem:$0x3FAF] =	sst s5  }
0xe: {  	[smem:$0x3FB0] =	sst s6  }
0xf: {  	[smem:$0x3FB1] =	sst s7  }
0x10: {  	[smem:$0x3FB2] =	sst s8  }
0x11: {  	[smem:$0x3FB3] =	sst s9;
	s0 =	simm.s32 @!p0 $0x0  }
0x12: {  	s1 =	sld [smem:$0x3F99];
	s0 =	simm.s32 @p0 $0x1  }
0x13: {  	[smem:$0x3FB4] =	sst s0;
	s0 =	simm.s32 @!p1 $0x0  }
0x14: {  	s2 =	sld [smem:$0x3F98];
	s0 =	simm.s32 @p1 $0x1  }
0x15: {  	[smem:$0x3FB5] =	sst s0;
	s0 =	simm.s32 @!p2 $0x0  }
0x16: {  	s3 =	sld [smem:$0x3FDB];
	s0 =	simm.s32 @p2 $0x1  }
0x17: {  	s4 =	simm.s32 $0x1BF5;
	[smem:$0x3FB7] =	sst s0  }
0x18: {  	s0 =	sld [smem:$0x3F9A];
	_ =	swait.ge [sflag:s4], $0x0  }
0x19: {  	s7 =	sld [smem:$0x3F9B]  }
0x1a: {  	s8 =	sadd.s32 $0xFFFFE003, lr  }
0x1b: {  	s9 =	sadd.s32 $0xFFFFFEF7, lr;
	s5 =	simm.s32 $0xFFFFFFFF;
	p2 =	slt.u32 s8, $0xFFFFF086  }
0x1c: {  	p1 =	slt.u32 s9, $0xF7A;
	s5 =	simm.s32 @!p2 $0x0  }
0x1d: {  	s5 =	simm.s32 @p1 $0x1;
	p0 =	seq.s32 s7, s2  }
0x1e: {  	s7 =	smul.u32 @!p0 $0xF7A, s2;
	p2 =	seq.s32 @!p0 s5, $0x0  }
0x1f: {  	s9 =	smul.u32 $0xF7A, s1;
	s8 =	simm.s32 @!p0 $0x1BF5;
	p2 =	por !p2, p0  }
0x20: {  	[sflag:s8] =	ssyncset.s32 @!p0 $0xFFFFF086;
	s6 =	sadd.s32 @!p0 s3, s7;
	s7 =	simm.s32 @!p0 $0x108  }
0x21: {  	s3 =	sadd.s32 s3, s9;
	s6 =	sadd.s32 @!p0 $0x88, s6;
	s7 =	simm.s32 @p2 $0x1082  }
0x22: {  	[simem:s7], [sflag:s8] =	dma.local @!p0 [hbm:s6], $0xF7A  }
0x23: {  	s9 =	sor.u32 $0xD0000000, s2;
	s6 =	simm.s32 $0x108;
	_ =	swait.ge @!p0 [sflag:s8], $0x0  }
0x24: {  	s3 =	sadd.s32 $0x88, s3;
	s6 =	simm.s32 @!p1 $0x1082;
	[sflag:s4] =	ssyncset.s32 $0xFFFFF086  }
0x25: {  	[simem:s6], [sflag:s4] =	dma.local [hbm:s3], $0xF7A  }
0x26: {  	[smem:$0x3F9B] =	sst s1;
	(tag) =	ssettag s2;
	_ =	strace s9  }
0x27: {  	s1 =	sld [smem:$0x3FAB]  }
0x28: {  	s2 =	sld [smem:$0x3FAC]  }
0x29: {  	s4 =	sld [smem:$0x3FAE]  }
0x2a: {  	p0 =	seq.s32 s5, $0x0;
	s5 =	sld [smem:$0x3FAF]  }
0x2b: {  	s6 =	sld [smem:$0x3FB0]  }
0x2c: {  	s7 =	sld [smem:$0x3FB1]  }
0x2d: {  	s3 =	simm.s32 $0x108;
	s8 =	sld [smem:$0x3FB2]  }
0x2e: {  	s3 =	simm.s32 @!p0 $0x1082;
	s9 =	sld [smem:$0x3FB3]  }
0x2f: {  	lr =	sadd.s32 s0, s3;
	s0 =	sld [smem:$0x3FAA]  }
0x30: {  	s3 =	sld [smem:$0x3FAD]  }
0x31: {  	[smem:$0x3FB6] =	sst s10  }
0x32: {  	s10 =	sld [smem:$0x3FB4];
	_ =	sdelay $0x3  }
0x33: {  	p0 =	seq.s32 s10, $0x1;
	s10 =	sld [smem:$0x3FB6];
	_ =	sdelay $0x3  }
0x34: {  	[smem:$0x3FB6] =	sst s10  }
0x35: {  	s10 =	sld [smem:$0x3FB5];
	_ =	sdelay $0x3  }
0x36: {  	p1 =	seq.s32 s10, $0x1;
	s10 =	sld [smem:$0x3FB6];
	_ =	sdelay $0x3  }
0x37: {  	[smem:$0x3FB6] =	sst s10  }
0x38: {  	s10 =	sld [smem:$0x3FB7]  }
0x39: {  	_ = 	snop;
	(pc) =	sbr.ind lr, $3  }
0x3a: {  	_ = 	snop  }
0x3b: {  	_ = 	snop  }
0x3c: {  	p2 =	seq.s32 s10, $0x1;
	s10 =	sld [smem:$0x3FB6]  }
0x3d: {  	_ =	shalt  }
0x3e: {  	_ =	shalt  }
0x3f: {  	_ =	shalt  }
0x40: {  	_ =	shalt  }
0x41: {  	_ =	shalt  }
0x42: {  	_ =	shalt  }
0x43: {  	_ =	shalt  }
0x44: {  	_ =	shalt  }
0x45: {  	_ =	shalt  }
0x46: {  	_ =	shalt  }
0x47: {  	_ =	shalt  }
0x48: {  	_ =	shalt  }
0x49: {  	_ =	shalt  }
0x4a: {  	_ =	shalt  }
0x4b: {  	_ =	shalt  }
0x4c: {  	_ =	shalt  }
0x4d: {  	_ =	shalt  }
0x4e: {  	_ =	shalt  }
0x4f: {  	_ =	shalt  }
0x50: {  	_ =	shalt  }
0x51: {  	_ =	shalt  }
0x52: {  	_ =	shalt  }
0x53: {  	_ =	shalt  }
0x54: {  	_ =	shalt  }
0x55: {  	_ =	shalt  }
0x56: {  	_ =	shalt  }
0x57: {  	_ =	shalt  }
0x58: {  	_ =	shalt  }
0x59: {  	_ =	shalt  }
0x5a: {  	_ =	shalt  }
0x5b: {  	_ =	shalt  }
0x5c: {  	_ =	shalt  }
0x5d: {  	_ =	shalt  }
0x5e: {  	_ =	shalt  }
0x5f: {  	_ =	shalt  }
0x60: {  	_ =	shalt  }
0x61: {  	_ =	shalt  }
0x62: {  	_ =	shalt  }
0x63: {  	_ =	shalt  }
0x64: {  	_ =	shalt  }
0x65: {  	_ =	shalt  }
0x66: {  	_ =	shalt  }
0x67: {  	_ =	shalt  }
0x68: {  	_ =	shalt  }
0x69: {  	_ =	shalt  }
0x6a: {  	_ =	shalt  }
0x6b: {  	_ =	shalt  }
0x6c: {  	_ =	shalt  }
0x6d: {  	_ =	shalt  }
0x6e: {  	_ =	shalt  }
0x6f: {  	_ =	shalt  }
0x70: {  	_ =	shalt  }
0x71: {  	_ =	shalt  }
0x72: {  	_ =	shalt  }
0x73: {  	_ =	shalt  }
0x74: {  	_ =	shalt  }
0x75: {  	_ =	shalt  }
0x76: {  	_ =	shalt  }
0x77: {  	_ =	shalt  }
0x78: {  	_ =	shalt  }
0x79: {  	_ =	shalt  }
0x7a: {  	_ =	shalt  }
0x7b: {  	_ =	shalt  }
0x7c: {  	_ =	shalt  }
0x7d: {  	_ =	shalt  }
0x7e: {  	_ =	shalt  }
0x7f: {  	_ =	shalt  }
0x80: {  	_ =	shalt  }
0x81: {  	_ =	shalt  }
0x82: {  	_ =	shalt  }
0x83: {  	_ =	shalt  }
0x84: {  	_ =	shalt  }
0x85: {  	_ =	shalt  }
0x86: {  	_ =	shalt  }
0x87: {  	_ =	shalt  }
.Lfunc_end0:
.L_simem_size_0:
called_computation_lowered:
.L_overlay_start_0:
0x88: {  	s2 =	sld [smem:$0x3FD9]  }
0x89: {  	s3 =	sld [smem:$0x3FFE];
	_ =	sdelay $0x1  }
0x8a: {  	s1 =	srdreg.scid  }
0x8b: {  	s0 =	sand.u32 $0x1, s1  }
0x8c: {  	s17 =	sshll.u32 s0, $0xA;
	s2 =	sadd.s32 s3, s2  }
0x8d: {  	s2 =	sadd.s32 s2, s17  }
0x8e: {  	[smem:$0x3FC2] =	sst s2  }
0x8f: {  	_ = 	snop  }
0x90: {  	s2 =	sld [smem:$0x3FD0];
	(tm) =	ssettm $0x1  }
0x91: {  	s18 =	sld [smem:$0x3FFB];
	_ =	sdelay $0x3  }
0x92: {  	_ =	strace s18  }
0x93: {  	s3 =	sld [smem:$0x3FFC];
	_ =	sdelay $0x3  }
0x94: {  	_ =	strace s3  }
0x95: {  	s3 =	sld [smem:$0x3FFD];
	_ =	sdelay $0x3  }
0x96: {  	_ =	strace s3  }
0x97: {  	_ =	strace $0x8FFFFFFF  }
0x98: {  	s19 =	sld [smem:$0x3FDB];
	_ =	sdelay $0x1  }
0x99: {  	s4 =	simm.s32 $_scs_section_size  }
0x9a: {  	s5 =	simm.s32 $_size__tile_overlayer_lowered;
	s6 =	simm.s32 $_tile_overlayer_lowered  }
0x9b: {  	s22 =	simm.s32 $0x1BFF;
	s21 =	sshll.u32 s6, $0x1;
	s3 =	sadd.s32 s4, s19  }
0x9c: {  	s7 =	simm.s32 $0x0;
	s20 =	sshll.u32 s5, $0x1;
	s5 =	sadd.s32 s21, s3  }
0x9d: {  	[timem:s7], [sflag:s22] =	dma.local [hbm:s5], s20  }
0x9e: {  	_ =	swait.ge [sflag:s22], s20  }
0x9f: {  	s4 =	ssub.s32 $0x0, s20;
	[sflag:s22] =	ssyncset.done $0x0  }
0xa0: {  	[sflag:s22] =	ssyncadd.s32 s4;
	_ =	sdelay $0x1  }
0xa1: {  	s23 =	simm.s32 $0x1B8B  }
0xa2: {  	_ =	swait.ge [sflag:s23], $0x1  }
0xa3: {  	[sflag:s23] =	ssyncset.done $0x0  }
0xa4: {  	s25 =	simm.s32 $0x1B8E;
	s24 =	sld [smem:$0x3FFE];
	[sflag:s23] =	ssyncadd.s32 $0xFFFFFFFF  }
0xa5: {  	s26 =	simm.s32 $execute0_lowered;
	[smem:$0x3FD2] =	sst s25  }
0xa6: {  	s5 =	sshll.u32 s26, $0x1;
	_ =	strace $0x80000046;
	[dreg:$0x1] =	wrdreg $0xFFFFFFFF  }
0xa7: {  	s28 =	simm.s32 $_size_execute0_lowered;
	s3 =	sadd.s32 s3, s5;
	[dreg:$0x0] =	wrdreg $0x0  }
0xa8: {  	s5 =	sshll.u32 s28, $0x1;
	[dreg:$0x2] =	wrdreg s3  }
0xa9: {  	[dreg:$0x3] =	wrdreg s5  }
0xaa: {  	[dreg:$0x4] =	wrdreg $0xC0  }
0xab: {  	_ =	task [dreg:s7], $0x5FFFF  }
0xac: {  	[dreg:$0x1] =	wrdreg $0xFFFFFFFF  }
0xad: {  	[dreg:$0x0] =	wrdreg $0x60  }
0xae: {  	[dreg:$0x2] =	wrdreg s24  }
0xaf: {  	[dreg:$0x3] =	wrdreg s2  }
0xb0: {  	[dreg:$0x4] =	wrdreg $0x17000  }
0xb1: {  	[dreg:$0x5] =	wrdreg $0x9  }
0xb2: {  	_ =	task.clear_ibuf [dreg:s7], $0x6FFFF;
	_ =	strace $0x90000046  }
0xb3: {  	s29 =	simm.s32 $0x9;
	_ =	strace $0x80000048  }
0xb4: {  	_ =	swait.ge [sflag:s29], $0x1  }
0xb5: {  	[sflag:s29] =	ssyncadd.s32 $0xFFFFFFFF  }
0xb6: {  	_ =	strace $0x90000048  }
0xb7: {  	_ =	sfence  }
0xb8: {  	s30 =	sld [smem:$0x0];
	_ =	sdelay $0x2  }
0xb9: {  	s31 =	sshll.u32 s1, $0xD;
	s1 =	sshrl.u32 s1, $0x2  }
0xba: {  	s3 =	sand.u32 $0x4000, s31;
	s1 =	sadd.s32 s1, s30  }
0xbb: {  	s0 =	sor.u32 s3, s0;
	s1 =	sshll.u32 s1, $0x11  }
0xbc: {  	s0 =	sor.u32 s1, s0  }
0xbd: {  	s0 =	sadd.s32 $0x8F2B, s0  }
0xbe: {  	[sflag:s0] =	ssyncadd.remote.s32 $0x1  }
0xbf: {  	_ =	sfence.sel $0xFFFF  }
0xc0: {  	[dreg:$0x0] =	wrdreg $0xFFFFFFFF;
	(pc) =	sbr.abs _section_cstart, $3  }
0xc1: {  	[dreg:$0x1] =	wrdreg $0xFFFFFFFF  }
0xc2: {  	_ =	task.clear_ibuf [dreg:s7], $0x2FFFF;
	_ =	strace $0x9FFFFFFF  }
0xc3: {  	(tm) =	ssettm $0x7FFFFFFF  }
tec
execute0_lowered:
.L_overlay_start_1:
0x0: {  	(tag) =	ssettag $0x1  }
0x1: {  	s3 =	rddreg [dreg:$0x0]  }
0x2: {  	s19 =	rddreg [dreg:$0x1];
	s0 =	srdreg.scid  }
0x3: {  	s1 =	rddreg [dreg:$0x2];
	s21 =	stileid.u32;
	s2 =	simm.s32 $0x0  }
0x4: {  	s24 =	simm.s32 $0x1680;
	s18 =	sand.u32 $0x1, s0;
	s0 =	rddreg [dreg:$0x3]  }
0x5: {  	s5 =	smul.u32 $0x280, s21;
	[smem:$0x7FF] =	sst s2;
	s7 =	sadd.s32 $0xC80, s1  }
0x6: {  	s8 =	sadd.s32 $0xF00, s1;
	s9 =	sadd.s32 $0x1180, s1;
	s10 =	sadd.s32 $0x1400, s1  }
0x7: {  	s11 =	sadd.s32 $0x1680, s1;
	s12 =	sadd.s32 $0x1900, s1;
	s13 =	sadd.s32 $0x1B80, s1  }
0x8: {  	s14 =	sadd.s32 $0x1E00, s1;
	s15 =	sadd.s32 $0x2080, s1;
	s16 =	sadd.s32 $0x2300, s1  }
0x9: {  	s17 =	sadd.s32 $0x2580, s1;
	p0 =	sne.s32 s21, $0x0;
	s21 =	simm.s32 $0x1400  }
0xa: {  	s4 =	smul.u32 $0x2800, s18;
	s6 =	ssub.s32 $0x2, s18;
	_ =	strace $0x80000047  }
0xb: {  	s23 =	sshll.u32 s18, $0x4;
	s25 =	sshrl.u32 @!p0 s1, $0x3;
	s31 =	sshrl.u32 s6, $0x1  }
0xc: {  	s19 =	sadd.s32 s19, s23;
	s23 =	simm.s32 $0x7D;
	s4 =	sadd.s32 s5, s4  }
0xd: {  	s22 =	ssub.s32 s6, s31;
	s5 =	sadd.s32 $0x780, s1;
	s6 =	sadd.s32 $0xA00, s1  }
0xe: {  	s20 =	sadd.s32 s4, s3;
	s3 =	sadd.s32 $0x280, s1;
	s4 =	sadd.s32 $0x500, s1  }
0xf: {  	v0 =	vimm.f32 $0.0e+00;
	v1 =	vimm.f32 $1.000000000e+00;
	s18 =	sadd.s32 $0x1800, s20;
	s20 =	smax.u32 s22, $0x1;
	s22 =	simm.s32 $0x1  }
.LBB2_1:
0x10: {  	[tilespmem:$0x1400] =	vst v0  }
0x11: {  	[tilespmem:$0x1410] =	vst v0  }
0x12: {  	[tilespmem:$0x1420] =	vst v0  }
0x13: {  	[tilespmem:$0x1430] =	vst v0  }
0x14: {  	[tilespmem:$0x1440] =	vst v0  }
0x15: {  	[tilespmem:$0x1450] =	vst v0  }
0x16: {  	[tilespmem:$0x1460] =	vst v0  }
0x17: {  	[tilespmem:$0x1470] =	vst v0  }
0x18: {  	[tilespmem:$0x1480] =	vst v0  }
0x19: {  	[tilespmem:$0x1490] =	vst v0  }
0x1a: {  	[tilespmem:$0x14A0] =	vst v0  }
0x1b: {  	[tilespmem:$0x14B0] =	vst v0  }
0x1c: {  	[tilespmem:$0x14C0] =	vst v0  }
0x1d: {  	[tilespmem:$0x14D0] =	vst v0  }
0x1e: {  	[tilespmem:$0x14E0] =	vst v0  }
0x1f: {  	[tilespmem:$0x14F0] =	vst v0  }
0x20: {  	[tilespmem:$0x1500] =	vst v0  }
0x21: {  	[tilespmem:$0x1510] =	vst v0  }
0x22: {  	[tilespmem:$0x1520] =	vst v0  }
0x23: {  	[tilespmem:$0x1530] =	vst v0  }
0x24: {  	[tilespmem:$0x1540] =	vst v0  }
0x25: {  	[tilespmem:$0x1550] =	vst v0  }
0x26: {  	[tilespmem:$0x1560] =	vst v0  }
0x27: {  	[tilespmem:$0x1570] =	vst v0  }
0x28: {  	[tilespmem:$0x1580] =	vst v0  }
0x29: {  	[tilespmem:$0x1590] =	vst v0  }
0x2a: {  	[tilespmem:$0x15A0] =	vst v0  }
0x2b: {  	[tilespmem:$0x15B0] =	vst v0  }
0x2c: {  	[tilespmem:$0x15C0] =	vst v0  }
0x2d: {  	[tilespmem:$0x15D0] =	vst v0  }
0x2e: {  	[tilespmem:$0x15E0] =	vst v0  }
0x2f: {  	[tilespmem:$0x15F0] =	vst v0  }
0x30: {  	[tilespmem:$0x1600] =	vst v0  }
0x31: {  	[tilespmem:$0x1610] =	vst v0  }
0x32: {  	[tilespmem:$0x1620] =	vst v0  }
0x33: {  	[tilespmem:$0x1630] =	vst v0  }
0x34: {  	[tilespmem:$0x1640] =	vst v0  }
0x35: {  	[tilespmem:$0x1650] =	vst v0  }
0x36: {  	[tilespmem:$0x1660] =	vst v0  }
0x37: {  	[tilespmem:$0x1670] =	vst v0  }
0x38: {  	[tilespmem:$0x1680] =	vst v1  }
0x39: {  	[tilespmem:$0x1690] =	vst v1  }
0x3a: {  	[tilespmem:$0x16A0] =	vst v1  }
.Ltmp0:
0x3b: {  	[tilespmem:$0x16B0] =	vst v1;
	(pc) =	sbr.rel @p0 .LBB2_3-.Ltmp0, $4  }
0x3c: {  	[tilespmem:$0x16C0] =	vst v1  }
0x3d: {  	[tilespmem:$0x16D0] =	vst v1  }
0x3e: {  	[tilespmem:$0x16E0] =	vst v1  }
0x3f: {  	[tilespmem:$0x16F0] =	vst v1  }
0x40: {  	[spmem:s1] =	stream.linear.scatter [tilespmem:s21], [sflag:$0x1], $0x280, $0x38;
	[tilespmem:$0x1978] =	vst v63  }
0x41: {  	_ =	swait.ge [sflag:s22], $0x280  }
0x42: {  	[sflag:s22] =	ssyncset.done $0x0  }
0x43: {  	[sflag:s22] =	ssyncadd.s32 $0xFFFFFD80  }
0x44: {  	[spmem:s3] =	stream.linear.scatter [tilespmem:s21], [sflag:$0x1], $0x280, $0x38;
	[tilespmem:$0x1978] =	vst v63  }
0x45: {  	_ =	swait.ge [sflag:s22], $0x280  }
0x46: {  	[sflag:s22] =	ssyncset.done $0x0  }
0x47: {  	[sflag:s22] =	ssyncadd.s32 $0xFFFFFD80  }
0x48: {  	[spmem:s4] =	stream.linear.scatter [tilespmem:s21], [sflag:$0x1], $0x280, $0x38;
	[tilespmem:$0x1978] =	vst v63  }
0x49: {  	_ =	swait.ge [sflag:s22], $0x280  }
0x4a: {  	[sflag:s22] =	ssyncset.done $0x0  }
0x4b: {  	[sflag:s22] =	ssyncadd.s32 $0xFFFFFD80  }
0x4c: {  	[spmem:s5] =	stream.linear.scatter [tilespmem:s21], [sflag:$0x1], $0x280, $0x38;
	[tilespmem:$0x1978] =	vst v63  }
0x4d: {  	_ =	swait.ge [sflag:s22], $0x280  }
0x4e: {  	[sflag:s22] =	ssyncset.done $0x0  }
0x4f: {  	[sflag:s22] =	ssyncadd.s32 $0xFFFFFD80  }
0x50: {  	[spmem:s6] =	stream.linear.scatter [tilespmem:s21], [sflag:$0x1], $0x280, $0x38;
	[tilespmem:$0x1978] =	vst v63  }
0x51: {  	_ =	swait.ge [sflag:s22], $0x280  }
0x52: {  	[sflag:s22] =	ssyncset.done $0x0  }
0x53: {  	[sflag:s22] =	ssyncadd.s32 $0xFFFFFD80  }
0x54: {  	[spmem:s7] =	stream.linear.scatter [tilespmem:s21], [sflag:$0x1], $0x280, $0x38;
	[tilespmem:$0x1978] =	vst v63  }
0x55: {  	_ =	swait.ge [sflag:s22], $0x280  }
0x56: {  	[sflag:s22] =	ssyncset.done $0x0  }
0x57: {  	[sflag:s22] =	ssyncadd.s32 $0xFFFFFD80  }
0x58: {  	[spmem:s8] =	stream.linear.scatter [tilespmem:s21], [sflag:$0x1], $0x280, $0x38;
	[tilespmem:$0x1978] =	vst v63  }
0x59: {  	_ =	swait.ge [sflag:s22], $0x280  }
0x5a: {  	[sflag:s22] =	ssyncset.done $0x0  }
0x5b: {  	[sflag:s22] =	ssyncadd.s32 $0xFFFFFD80  }
0x5c: {  	[spmem:s9] =	stream.linear.scatter [tilespmem:s21], [sflag:$0x1], $0x280, $0x38;
	[tilespmem:$0x1978] =	vst v63  }
0x5d: {  	_ =	swait.ge [sflag:s22], $0x280  }
0x5e: {  	[sflag:s22] =	ssyncset.done $0x0  }
0x5f: {  	[sflag:s22] =	ssyncadd.s32 $0xFFFFFD80  }
0x60: {  	[spmem:s10] =	stream.linear.scatter [tilespmem:s21], [sflag:$0x1], $0x280, $0x38;
	[tilespmem:$0x1978] =	vst v63  }
0x61: {  	_ =	swait.ge [sflag:s22], $0x280  }
0x62: {  	[sflag:s22] =	ssyncset.done $0x0  }
0x63: {  	[sflag:s22] =	ssyncadd.s32 $0xFFFFFD80  }
0x64: {  	[spmem:s11] =	stream.linear.scatter [tilespmem:s21], [sflag:$0x1], $0x280, $0x38;
	[tilespmem:$0x1978] =	vst v63  }
0x65: {  	_ =	swait.ge [sflag:s22], $0x280  }
0x66: {  	[sflag:s22] =	ssyncset.done $0x0  }
0x67: {  	[sflag:s22] =	ssyncadd.s32 $0xFFFFFD80  }
0x68: {  	[spmem:s12] =	stream.linear.scatter [tilespmem:s21], [sflag:$0x1], $0x280, $0x38;
	[tilespmem:$0x1978] =	vst v63  }
0x69: {  	_ =	swait.ge [sflag:s22], $0x280  }
0x6a: {  	[sflag:s22] =	ssyncset.done $0x0  }
0x6b: {  	[sflag:s22] =	ssyncadd.s32 $0xFFFFFD80  }
0x6c: {  	[spmem:s13] =	stream.linear.scatter [tilespmem:s21], [sflag:$0x1], $0x280, $0x38;
	[tilespmem:$0x1978] =	vst v63  }
0x6d: {  	_ =	swait.ge [sflag:s22], $0x280  }
0x6e: {  	[sflag:s22] =	ssyncset.done $0x0  }
0x6f: {  	[sflag:s22] =	ssyncadd.s32 $0xFFFFFD80  }
0x70: {  	[spmem:s14] =	stream.linear.scatter [tilespmem:s21], [sflag:$0x1], $0x280, $0x38;
	[tilespmem:$0x1978] =	vst v63  }
0x71: {  	_ =	swait.ge [sflag:s22], $0x280  }
0x72: {  	[sflag:s22] =	ssyncset.done $0x0  }
0x73: {  	[sflag:s22] =	ssyncadd.s32 $0xFFFFFD80  }
0x74: {  	[spmem:s15] =	stream.linear.scatter [tilespmem:s21], [sflag:$0x1], $0x280, $0x38;
	[tilespmem:$0x1978] =	vst v63  }
0x75: {  	_ =	swait.ge [sflag:s22], $0x280  }
0x76: {  	[sflag:s22] =	ssyncset.done $0x0  }
0x77: {  	[sflag:s22] =	ssyncadd.s32 $0xFFFFFD80  }
0x78: {  	[spmem:s16] =	stream.linear.scatter [tilespmem:s21], [sflag:$0x1], $0x280, $0x38;
	[tilespmem:$0x1978] =	vst v63  }
0x79: {  	_ =	swait.ge [sflag:s22], $0x280  }
0x7a: {  	[sflag:s22] =	ssyncset.done $0x0  }
0x7b: {  	[sflag:s22] =	ssyncadd.s32 $0xFFFFFD80  }
0x7c: {  	[spmem:s17] =	stream.linear.scatter [tilespmem:s21], [sflag:$0x1], $0x190, $0x38;
	[tilespmem:$0x1978] =	vst v63  }
0x7d: {  	_ =	swait.ge [sflag:s22], $0x190  }
0x7e: {  	[sflag:s22] =	ssyncset.done $0x0  }
0x7f: {  	[sflag:s22] =	ssyncadd.s32 $0xFFFFFE70  }
.LBB2_3:
0x80: {  	[bflag:$0x0] =	sbarrier.arrive $0xFFFF;
	s26 =	simm.s32 $0x0  }
0x81: {  	[tilespmem:s26], [sflag:$0x1] =	stream.linear.gather [hbm4b:s18+s26], $0x1400, $0x38;
	[tilespmem:$0x1978] =	vst v63  }
0x82: {  	_ =	swait.ge [sflag:s22], $0x1400  }
0x83: {  	[sflag:s22] =	ssyncset.done $0x0  }
0x84: {  	s31 =	simm.s32 $0x0;
	[sflag:s22] =	ssyncadd.s32 $0xFFFFEC00  }
0x85: {  	[spmem:s1] =	stream.indirect.scatter.add.f32 [tilespmem:s24], [sflag:$0x1], $0x1, s31, s23, $0xb8;
	[tilespmem:$0x1978] =	vst v63  }
0x86: {  	_ =	swait.ge [sflag:s22], $0x7D  }
0x87: {  	s26 =	simm.s32 $0x200;
	[sflag:s22] =	ssyncset.done $0x0  }
.LBB2_4:
0x88: {  	s28 =	sshra.s32 s26, $0x2;
	[sflag:s22] =	ssyncadd.s32 $0xFFFFFF83;
	p1 =	sne.s32 s26, $0x4E00  }
0x89: {  	[spmem:s1] =	stream.indirect.scatter.add.f32 [tilespmem:s24], [sflag:$0x1], $0x1, s28, s23, $0xb8;
	[tilespmem:$0x1978] =	vst v63  }
.Ltmp1:
0x8a: {  	_ = 	snop;
	(pc) =	sbr.rel @p1 .LBB2_4-.Ltmp1, $4  }
0x8b: {  	_ = 	snop  }
0x8c: {  	s26 =	sadd.s32 $0x200, s26  }
0x8d: {  	_ =	swait.ge [sflag:s22], $0x7D  }
0x8e: {  	[sflag:s22] =	ssyncset.done $0x0  }
0x8f: {  	[sflag:s22] =	ssyncadd.s32 $0xFFFFFF83;
	s26 =	simm.s32 @!p0 $0x1;
	s2 =	sadd.s32 $0x1, s2  }
0x90: {  	s28 =	simm.s32 @!p0 $0x20;
	s29 =	simm.s32 @!p0 $0x10;
	p1 =	sne.s32 s2, s20  }
.Ltmp2:
0x91: {  	s30 =	simm.s32 @!p0 $0x1C01;
	[bflag:$0x0] =	sbarrier.arrive $0xFFFF;
	(pc) =	sbr.rel @p1 .LBB2_1-.Ltmp2, $4  }
0x92: {  	[hbm:s19@s28], [sflag:s30] =	dma.strided @!p0 [spmem:s25@s29], $0x4F0, s26, $0x10   }
0x93: {  	_ =	swait.ge @!p0 [sflag:s26], $0x4F0  }
0x94: {  	[sflag:s26] =	ssyncset.done @!p0 $0x0  }
0x95: {  	[sflag:s26] =	ssyncadd.s32 @!p0 $0xFFFFFB10  }
0x96: {  	_ =	sfence.sel $0x180000  }
0x97: {  	[bflag:$0x0] =	sbarrier.arrive $0xFFFF  }
0x98: {  	_ =	strace $0x90000047  }
0x99: {  	s0 =	sadd.s32 @!p0 $0x100000, s0;
	[bflag:$0x2] =	sbarrier.arrive $0xFFFF  }
0x9a: {  	[sflag:s0] =	ssyncadd.tile.s32 @!p0 $0x1;
	_ =	shalt  }
.Lfunc_end2:
_tile_overlayer_lowered:
.L_overlay_start_2:
0x9b: {  	(tag) =	ssettag $0x2  }
0x9c: {  	s0 =	rddreg [dreg:$0x0];
	s2 =	stileid.u32  }
0x9d: {  	s1 =	rddreg [dreg:$0x1];
	p0 =	sne.s32 s2, $0x0  }
0x9e: {  	s3 =	rddreg [dreg:$0x2];
	[bflag:$0x3] =	sbarrier.arrive $0xFFFF;
	s2 =	simm.s32 @!p0 $0x1C01  }
0x9f: {  	[timem:s3], [sflag:s2] =	dma.local @!p0 [hbm:s0], s1  }
0xa0: {  	s0 =	simm.s32 @!p0 $0x1  }
0xa1: {  	_ =	swait.ge @!p0 [sflag:s0], s1  }
0xa2: {  	s1 =	ssub.s32 @!p0 $0x0, s1;
	[sflag:s0] =	ssyncset.done @!p0 $0x0  }
0xa3: {  	[sflag:s0] =	ssyncadd.s32 @!p0 s1  }
0xa4: {  	[bflag:$0x3] =	sbarrier.arrive $0xFFFF  }
0xa5: {  	_ =	shalt  }

</sc_bundles>
